<compile_context>
chip_gen: v7x
topology: tpu7x:2x2x1
jax: 0.10.2.dev20260603
libtpu: 0.0.44.dev20260713+nightly
codegen_flags: <defaults>
</compile_context>

<pallas_src>
import jax
import jax.numpy as jnp
from jax import lax
from jax.experimental import pallas as pl
from jax.experimental.pallas import tpu as pltpu
from jax.experimental.pallas import tpu_sc as plsc

B, N, D, M = 4, 4096, 1024, 1024
DTC = 896
DSC = D - DTC
CK = 512
NK = N // CK
NC, NS = 2, 16
NW = NC * NS
RW = M // NW
T = 64
DC = DSC // 16


def _tc_body(ids_ref, e_ref, o_ref, cnt_ref):
    k = pl.program_id(1)

    @pl.when(k == 0)
    def _():
        o_ref[...] = jnp.zeros_like(o_ref)
        cnt_ref[...] = jnp.zeros_like(cnt_ref)

    ids = ids_ref[0, :, pl.ds(k * CK, CK)]
    mask = (jax.lax.broadcasted_iota(jnp.int32, (M, CK), 0) == ids).astype(
        jnp.float32
    )
    o_ref[0, :, :DTC] += jnp.dot(
        mask, e_ref[0], preferred_element_type=jnp.float32)
    cnt_ref[...] += jnp.broadcast_to(
        jnp.sum(mask, axis=1, keepdims=True), (M, 128)
    )

    @pl.when(k == NK - 1)
    def _():
        o_ref[0, :, :DTC] = o_ref[0, :, :DTC] / (cnt_ref[:, 0:1] + 1.0)


def _sc_body(emb_hbm, ids_hbm, out_hbm,
             ids_v, acc_v, rba, rbb, bnd_v, scale_v, sema, semb, semo):
    ZV = jnp.zeros((16,), jnp.float32)
    c = lax.axis_index("c")
    s = lax.axis_index("s")
    w = s * NC + c
    m0 = w * RW

    def zr(r, _):
        for jc in range(DC):
            acc_v[r, pl.ds(jc * 16, 16)] = ZV
        return 0

    lax.fori_loop(0, RW, zr, 0)

    for b in range(B):
        pltpu.sync_copy(ids_hbm.at[b], ids_v.at[pl.ds(0, N)])
        if b > 0:
            pltpu.make_async_copy(
                rba.at[pl.ds(0, RW)],
                out_hbm.at[b - 1, pl.ds(pl.multiple_of(m0, 8), RW)],
                semo).wait()

        for g in range(3):
            tgt = jax.lax.broadcasted_iota(jnp.int32, (16,), 0) + (
                m0 + g * 16)
            lo0 = jnp.zeros((16,), jnp.int32)
            hi0 = jnp.full((16,), N, jnp.int32)

            def sbody(it, carry):
                lo, hi = carry
                mid = (lo + hi) >> 1
                midc = jnp.minimum(mid, N - 1)
                v = plsc.load_gather(ids_v, [midc])
                less = jnp.logical_and(v < tgt, mid < N)
                return (jnp.where(less, mid + 1, lo),
                        jnp.where(less, hi, mid))

            lo, _hi = lax.fori_loop(0, 13, sbody, (lo0, hi0))
            bnd_v[pl.ds(g * 16, 16)] = lo

        for g in range(2):
            cnt = (bnd_v[pl.ds(g * 16 + 1, 16)] -
                   bnd_v[pl.ds(g * 16, 16)]).astype(jnp.float32)
            scale_v[pl.ds(g * 16, 16)] = 1.0 / (cnt + 1.0)

        tst = bnd_v[pl.ds(0, 16)][0]
        ten = bnd_v[pl.ds(RW, 16)][0]
        abase = (tst // 8) * 8
        nch = (ten - abase + T - 1) // T
        npair = (nch + 1) // 2

        def chunk_base(j):
            return pl.multiple_of(
                jnp.minimum(abase + j * T, N - T), 8)

        def issue(j, buf, sem):
            return pltpu.async_copy(
                emb_hbm.at[b, pl.ds(chunk_base(j), T), pl.ds(DTC, DSC)],
                buf, sem)

        def process(j, buf):
            base0 = abase + j * T
            base = chunk_base(j)
            lo_t = jnp.maximum(base0, tst)

            def row_body(rp, _):
                r0 = 2 * rp
                r1 = r0 + 1
                t0 = base + r0
                t1 = base + r1
                iv = ids_v[pl.ds(t0, 16)]
                mt0 = jnp.where(
                    jnp.logical_and(t0 >= lo_t, t0 < ten), iv[0] - m0, RW)
                mt1 = jnp.where(
                    jnp.logical_and(t1 >= lo_t, t1 < ten), iv[1] - m0, RW)

                @plsc.parallel_loop(0, DC, unroll=8)
                def _cols(jc):
                    sl = pl.ds(jc * 16, 16)
                    plsc.addupdate(acc_v.at[mt0, sl], buf[r0, sl])
                    plsc.addupdate(acc_v.at[mt1, sl], buf[r1, sl])

                return 0

            lax.fori_loop(0, T // 2, row_body, 0)

        issue(0, rba, sema)

        def pair(ci2, _):
            j0 = 2 * ci2
            issue(j0 + 1, rbb, semb)
            pltpu.make_async_copy(
                emb_hbm.at[b, pl.ds(0, T), pl.ds(DTC, DSC)], rba,
                sema).wait()
            process(j0, rba)
            issue(j0 + 2, rba, sema)
            pltpu.make_async_copy(
                emb_hbm.at[b, pl.ds(0, T), pl.ds(DTC, DSC)], rbb,
                semb).wait()
            process(j0 + 1, rbb)
            return 0

        lax.fori_loop(0, npair, pair, 0)
        pltpu.make_async_copy(
            emb_hbm.at[b, pl.ds(0, T), pl.ds(DTC, DSC)], rba, sema).wait()

        def fr(r, _):
            sc = plsc.load_gather(scale_v, [jnp.full((16,), r, jnp.int32)])

            @plsc.parallel_loop(0, DC, unroll=8)
            def _fcols(jc):
                sl = pl.ds(jc * 16, 16)
                rba[r, sl] = acc_v[r, sl] * sc
                acc_v[r, sl] = ZV

            return 0

        lax.fori_loop(0, RW, fr, 0)
        pltpu.async_copy(
            rba.at[pl.ds(0, RW)],
            out_hbm.at[b, pl.ds(pl.multiple_of(m0, 8), RW)], semo)

    pltpu.make_async_copy(
        rba.at[pl.ds(0, RW)],
        out_hbm.at[B - 1, pl.ds(pl.multiple_of(m0, 8), RW)],
        semo).wait()


@jax.jit
def _pool(embeddings, position_ids):
    mesh = plsc.VectorSubcoreMesh(
        core_axis_name="c", subcore_axis_name="s",
        num_cores=NC, num_subcores=NS)
    sc_out = pl.kernel(
        _sc_body,
        out_type=jax.ShapeDtypeStruct((B, M, DSC), jnp.float32),
        mesh=mesh,
        compiler_params=pltpu.CompilerParams(needs_layout_passes=False),
        scratch_types=[
            pltpu.VMEM((N + 16,), jnp.int32),
            pltpu.VMEM((RW + 1, DSC), jnp.float32),
            pltpu.VMEM((T, DSC), jnp.float32),
            pltpu.VMEM((T, DSC), jnp.float32),
            pltpu.VMEM((48,), jnp.int32),
            pltpu.VMEM((RW,), jnp.float32),
            pltpu.SemaphoreType.DMA,
            pltpu.SemaphoreType.DMA,
            pltpu.SemaphoreType.DMA,
        ],
    )(embeddings, position_ids)

    ids3 = position_ids.reshape(B, 1, N)
    tc_out = pl.pallas_call(
        _tc_body,
        grid=(B, NK),
        in_specs=[
            pl.BlockSpec((1, 1, N), lambda b, k: (b, 0, 0)),
            pl.BlockSpec((1, CK, DTC), lambda b, k: (b, k, 0)),
        ],
        out_specs=pl.BlockSpec((1, M, D), lambda b, k: (b, 0, 0)),
        out_shape=jax.ShapeDtypeStruct((B, M, D), jnp.float32),
        scratch_shapes=[pltpu.VMEM((M, 128), jnp.float32)],
    )(ids3, embeddings)

    return lax.dynamic_update_slice(tc_out, sc_out, (0, 0, DTC))


def kernel(embeddings, position_ids):
    return _pool(embeddings, position_ids)

# --- scband reference (transcript-rebuilt; emitter-appended) ---
"""Pipeline reference for scband-model-47983374631316 (READ-ONLY COPY).

The authoritative reference and input builder live on the scoring server;
editing this copy changes nothing except your own understanding.
"""

import jax, jax.numpy as jnp
import numpy as np


def setup_inputs(seed: int = 0) -> dict:
    key = jax.random.key(seed)
    k1, k2 = jax.random.split(key)
    B, N, D, M = 4, 4096, 1024, 1024
    embeddings = jax.random.normal(k1, (B, N, D), dtype=jnp.float32)
    position_ids = jnp.sort(jax.random.randint(k2, (B, N), 0, M, dtype=jnp.int32), axis=-1)
    # guarantee global max == M-1 so output shape is deterministic
    position_ids = position_ids.at[:, -1].set(M - 1)
    return {"embeddings": embeddings, "position_ids": position_ids}


def reference(embeddings, position_ids):
    # Faithful translation of Model.pool_embeddings (B > 1 / seq_lens=None branch):
    #   pooled = zeros(B, max_pos+1, D).scatter_reduce(1, position_ids[...,None].expand, embeddings, reduce='mean')
    # torch scatter_reduce with reduce='mean' and default include_self=True counts the
    # initial self value (zero) as one element, so mean = sum(src) / (count + 1).
    B, N, D = embeddings.shape
    M = 1024
    offsets = (jnp.arange(B, dtype=position_ids.dtype) * M)[:, None]
    flat_ids = (position_ids + offsets).reshape(-1)
    flat_emb = embeddings.reshape(B * N, D)
    sums = jax.ops.segment_sum(flat_emb, flat_ids, num_segments=B * M)
    counts = jax.ops.segment_sum(jnp.ones((B * N,), dtype=jnp.float32), flat_ids, num_segments=B * M)
    pooled = sums / (counts + 1.0)[:, None]
    return pooled.reshape(B, M, D)

if __name__ == "__main__":
    import jax
    _d = setup_inputs()
    print(jax.jit(kernel)(*tuple(_d.values())))

</pallas_src>

<mosaic_0001>
#map = affine_map<(d0, d1) -> (0, 0, 0)>
#map1 = affine_map<(d0, d1) -> (0, 0)>
module attributes {stable_mosaic.version = 14 : i64} {
  func.func @_sc_body(%arg0: i32, %arg1: i32, %arg2: memref<4x4096x1024xf32, #tpu.memory_space<hbm>>, %arg3: memref<4x4096xi32, #tpu.memory_space<hbm>>, %arg4: memref<4x1024x128xf32, #tpu.memory_space<hbm>>, %arg5: memref<4112xi32, #tpu.memory_space<vmem>>, %arg6: memref<33x128xf32, #tpu.memory_space<vmem>>, %arg7: memref<64x128xf32, #tpu.memory_space<vmem>>, %arg8: memref<64x128xf32, #tpu.memory_space<vmem>>, %arg9: memref<48xi32, #tpu.memory_space<vmem>>, %arg10: memref<32xf32, #tpu.memory_space<vmem>>, %arg11: memref<!tpu.dma_semaphore, #tpu.memory_space<semaphore_mem>>, %arg12: memref<!tpu.dma_semaphore, #tpu.memory_space<semaphore_mem>>, %arg13: memref<!tpu.dma_semaphore, #tpu.memory_space<semaphore_mem>>) attributes {dimension_semantics = [#tpu.dimension_semantics<core_parallel>, #tpu.dimension_semantics<subcore_parallel>], iteration_bounds = array<i64: 2, 16>, scalar_prefetch = 0 : i64, scratch_operands = 9 : i64, tpu.core_type = #tpu.core_type<sc_vector_subcore>, window_params = [{transform_indices = #map}, {transform_indices = #map1}, {transform_indices = #map}]} {
    %broadcast_in_dim3A = arith.constant 0.000000e+00 : f32
    %broadcast_in_dim3A_0 = vector.broadcast %broadcast_in_dim3A : f32 to vector<16xf32>
    %mul3A = arith.constant 2 : i32
    %mul3A_1 = arith.muli %arg1, %mul3A : i32
    %add3A = arith.addi %mul3A_1, %arg0 : i32
    %mul3A_2 = arith.constant 32 : i32
    %mul3A_3 = arith.muli %add3A, %mul3A_2 : i32
    %scan3A = arith.constant 0 : i32
    %scan3A_4 = arith.constant 0 : i32
    %scan3A_5 = arith.constant 32 : i32
    %scan3A_6 = arith.addi %scan3A_4, %scan3A_5 : i32
    %scan3A_7 = arith.constant 1 : i32
    %scan3A_8 = scf.for %scan3A_938 = %scan3A_4 to %scan3A_6 step %scan3A_7 iter_args(%scan3A_939 = %scan3A) -> (i32)  : i32 {
      %swap3A_940 = arith.index_cast %scan3A_938 : i32 to index
      %swap3A_941 = arith.constant 0 : index
      %swap3A_942 = tpu.vector_load %arg6[%swap3A_940, %swap3A_941] {strides = array<i32>} : memref<33x128xf32, #tpu.memory_space<vmem>>, vector<16xf32>,
      tpu.vector_store %arg6[%swap3A_940, %swap3A_941], %broadcast_in_dim3A_0 {strides = array<i32>} : memref<33x128xf32, #tpu.memory_space<vmem>>, vector<16xf32>,
      %swap3A_943 = arith.index_cast %scan3A_938 : i32 to index
      %swap3A_944 = arith.constant 16 : index
      %swap3A_945 = tpu.vector_load %arg6[%swap3A_943, %swap3A_944] {strides = array<i32>} : memref<33x128xf32, #tpu.memory_space<vmem>>, vector<16xf32>,
      tpu.vector_store %arg6[%swap3A_943, %swap3A_944], %broadcast_in_dim3A_0 {strides = array<i32>} : memref<33x128xf32, #tpu.memory_space<vmem>>, vector<16xf32>,
      %swap3A_946 = arith.index_cast %scan3A_938 : i32 to index
      %swap3A_947 = arith.constant 32 : index
      %swap3A_948 = tpu.vector_load %arg6[%swap3A_946, %swap3A_947] {strides = array<i32>} : memref<33x128xf32, #tpu.memory_space<vmem>>, vector<16xf32>,
      tpu.vector_store %arg6[%swap3A_946, %swap3A_947], %broadcast_in_dim3A_0 {strides = array<i32>} : memref<33x128xf32, #tpu.memory_space<vmem>>, vector<16xf32>,
      %swap3A_949 = arith.index_cast %scan3A_938 : i32 to index
      %swap3A_950 = arith.constant 48 : index
      %swap3A_951 = tpu.vector_load %arg6[%swap3A_949, %swap3A_950] {strides = array<i32>} : memref<33x128xf32, #tpu.memory_space<vmem>>, vector<16xf32>,
      tpu.vector_store %arg6[%swap3A_949, %swap3A_950], %broadcast_in_dim3A_0 {strides = array<i32>} : memref<33x128xf32, #tpu.memory_space<vmem>>, vector<16xf32>,
      %swap3A_952 = arith.index_cast %scan3A_938 : i32 to index
      %swap3A_953 = arith.constant 64 : index
      %swap3A_954 = tpu.vector_load %arg6[%swap3A_952, %swap3A_953] {strides = array<i32>} : memref<33x128xf32, #tpu.memory_space<vmem>>, vector<16xf32>,
      tpu.vector_store %arg6[%swap3A_952, %swap3A_953], %broadcast_in_dim3A_0 {strides = array<i32>} : memref<33x128xf32, #tpu.memory_space<vmem>>, vector<16xf32>,
      %swap3A_955 = arith.index_cast %scan3A_938 : i32 to index
      %swap3A_956 = arith.constant 80 : index
      %swap3A_957 = tpu.vector_load %arg6[%swap3A_955, %swap3A_956] {strides = array<i32>} : memref<33x128xf32, #tpu.memory_space<vmem>>, vector<16xf32>,
      tpu.vector_store %arg6[%swap3A_955, %swap3A_956], %broadcast_in_dim3A_0 {strides = array<i32>} : memref<33x128xf32, #tpu.memory_space<vmem>>, vector<16xf32>,
      %swap3A_958 = arith.index_cast %scan3A_938 : i32 to index
      %swap3A_959 = arith.constant 96 : index
      %swap3A_960 = tpu.vector_load %arg6[%swap3A_958, %swap3A_959] {strides = array<i32>} : memref<33x128xf32, #tpu.memory_space<vmem>>, vector<16xf32>,
      tpu.vector_store %arg6[%swap3A_958, %swap3A_959], %broadcast_in_dim3A_0 {strides = array<i32>} : memref<33x128xf32, #tpu.memory_space<vmem>>, vector<16xf32>,
      %swap3A_961 = arith.index_cast %scan3A_938 : i32 to index
      %swap3A_962 = arith.constant 112 : index
      %swap3A_963 = tpu.vector_load %arg6[%swap3A_961, %swap3A_962] {strides = array<i32>} : memref<33x128xf32, #tpu.memory_space<vmem>>, vector<16xf32>,
      tpu.vector_store %arg6[%swap3A_961, %swap3A_962], %broadcast_in_dim3A_0 {strides = array<i32>} : memref<33x128xf32, #tpu.memory_space<vmem>>, vector<16xf32>,
      %scan3A_964 = arith.constant 0 : i32
      scf.yield %scan3A_964 : i32
    }
    %scan3A_9 = arith.constant 32 : i32
    %run_scoped3A = arith.constant 0 : i32
    "tpu.region"() ({
      %run_scoped3A_938 = tpu.sem_alloc : memref<!tpu.dma_semaphore, #tpu.memory_space<semaphore_mem>>
      %dma_start3A_939 = arith.constant 0 : i32
      %dma_start3A_940 = tpu.memref_slice %arg5[%dma_start3A_939] : memref<4112xi32, #tpu.memory_space<vmem>> -> memref<4096xi32, #tpu.memory_space<vmem>>
      %dma_start3A_941 = arith.constant 0 : i32
      %dma_start3A_942 = tpu.memref_slice %arg3[%run_scoped3A, %dma_start3A_941] : memref<4x4096xi32, #tpu.memory_space<hbm>> -> memref<1x4096xi32, #tpu.memory_space<hbm>>
      %dma_start3A_943 = tpu.memref_squeeze %dma_start3A_942 : memref<1x4096xi32, #tpu.memory_space<hbm>> -> memref<4096xi32, #tpu.memory_space<hbm>>
      %dma_start3A_944 = arith.constant 0 : i32
      %dma_start3A_945 = tpu.memref_slice %arg5[%dma_start3A_944] : memref<4112xi32, #tpu.memory_space<vmem>> -> memref<4096xi32, #tpu.memory_space<vmem>>
      %dma_start3A_946 = arith.constant 0 : i32
      %dma_start3A_947 = tpu.memref_slice %arg3[%run_scoped3A, %dma_start3A_946] : memref<4x4096xi32, #tpu.memory_space<hbm>> -> memref<1x4096xi32, #tpu.memory_space<hbm>>
      %dma_start3A_948 = tpu.memref_squeeze %dma_start3A_947 : memref<1x4096xi32, #tpu.memory_space<hbm>> -> memref<4096xi32, #tpu.memory_space<hbm>>
      tpu.enqueue_dma source(%dma_start3A_948 : memref<4096xi32, #tpu.memory_space<hbm>>) target(%dma_start3A_945 : memref<4096xi32, #tpu.memory_space<vmem>>) target_semaphore(%run_scoped3A_938 : memref<!tpu.dma_semaphore, #tpu.memory_space<semaphore_mem>>)
      %dma_wait3A_949 = arith.constant 0 : i32
      %dma_wait3A_950 = tpu.memref_slice %arg5[%dma_wait3A_949] : memref<4112xi32, #tpu.memory_space<vmem>> -> memref<4096xi32, #tpu.memory_space<vmem>>
      %dma_wait3A_951 = arith.constant 0 : i32
      %dma_wait3A_952 = tpu.memref_slice %arg3[%run_scoped3A, %dma_wait3A_951] : memref<4x4096xi32, #tpu.memory_space<hbm>> -> memref<1x4096xi32, #tpu.memory_space<hbm>>
      %dma_wait3A_953 = tpu.memref_squeeze %dma_wait3A_952 : memref<1x4096xi32, #tpu.memory_space<hbm>> -> memref<4096xi32, #tpu.memory_space<hbm>>
      %dma_wait3A_954 = arith.constant 0 : i32
      %dma_wait3A_955 = tpu.memref_slice %arg5[%dma_wait3A_954] : memref<4112xi32, #tpu.memory_space<vmem>> -> memref<4096xi32, #tpu.memory_space<vmem>>
      %dma_wait3A_956 = arith.constant 0 : i32
      %dma_wait3A_957 = tpu.memref_slice %arg3[%run_scoped3A, %dma_wait3A_956] : memref<4x4096xi32, #tpu.memory_space<hbm>> -> memref<1x4096xi32, #tpu.memory_space<hbm>>
      %dma_wait3A_958 = tpu.memref_squeeze %dma_wait3A_957 : memref<1x4096xi32, #tpu.memory_space<hbm>> -> memref<4096xi32, #tpu.memory_space<hbm>>
      tpu.wait_dma2 semaphore(%run_scoped3A_938 : memref<!tpu.dma_semaphore, #tpu.memory_space<semaphore_mem>>) src(%dma_wait3A_958 : memref<4096xi32, #tpu.memory_space<hbm>>) dst(%dma_wait3A_955 : memref<4096xi32, #tpu.memory_space<vmem>>)
      tpu.yield
    }) : () -> ()
    %iota3A = tpu.iota {dimensions = array<i32: 0>} : vector<16xi32>
    %add3A_10 = arith.constant 0 : i32
    %add3A_11 = arith.addi %mul3A_3, %add3A_10 : i32
    %add3A_12 = vector.broadcast %add3A_11 : i32 to vector<16xi32>
    %add3A_13 = arith.addi %iota3A, %add3A_12 : vector<16xi32>
    %broadcast_in_dim3A_14 = arith.constant 0 : i32
    %broadcast_in_dim3A_15 = vector.broadcast %broadcast_in_dim3A_14 : i32 to vector<16xi32>
    %broadcast_in_dim3A_16 = arith.constant 4096 : i32
    %broadcast_in_dim3A_17 = vector.broadcast %broadcast_in_dim3A_16 : i32 to vector<16xi32>
    %scan3A_18 = arith.constant 0 : i32
    %scan3A_19 = arith.constant 13 : i32
    %scan3A_20 = arith.addi %scan3A_18, %scan3A_19 : i32
    %scan3A_21 = arith.constant 1 : i32
    %scan3A_22:2 = scf.for %scan3A_938 = %scan3A_18 to %scan3A_20 step %scan3A_21 iter_args(%scan3A_939 = %broadcast_in_dim3A_15, %scan3A_940 = %broadcast_in_dim3A_17) -> (vector<16xi32>, vector<16xi32>)  : i32 {
      %add3A_941 = arith.addi %scan3A_939, %scan3A_940 : vector<16xi32>
      %shift_right_arithmetic3A = arith.constant 1 : i32
      %shift_right_arithmetic3A_942 = vector.broadcast %shift_right_arithmetic3A : i32 to vector<16xi32>
      %shift_right_arithmetic3A_943 = arith.shrsi %add3A_941, %shift_right_arithmetic3A_942 : vector<16xi32>
      %min3A_944 = arith.constant 4095 : i32
      %min3A_945 = vector.broadcast %min3A_944 : i32 to vector<16xi32>
      %min3A_946 = arith.minsi %shift_right_arithmetic3A_943, %min3A_945 : vector<16xi32>
      %gather3A = tpu.vector_load_idx %arg5[%min3A_946] : memref<4112xi32, #tpu.memory_space<vmem>>[vector<16xi32>], vector<16xi32>,
      %lt3A = arith.cmpi slt, %gather3A, %add3A_13 : vector<16xi32>
      %lt3A_947 = arith.constant 4096 : i32
      %lt3A_948 = vector.broadcast %lt3A_947 : i32 to vector<16xi32>
      %lt3A_949 = arith.cmpi slt, %shift_right_arithmetic3A_943, %lt3A_948 : vector<16xi32>
      %and3A_950 = arith.andi %lt3A, %lt3A_949 : vector<16xi1>
      %add3A_951 = arith.constant 1 : i32
      %add3A_952 = vector.broadcast %add3A_951 : i32 to vector<16xi32>
      %add3A_953 = arith.addi %shift_right_arithmetic3A_943, %add3A_952 : vector<16xi32>
      %select_n3A_954 = arith.select %and3A_950, %add3A_953, %scan3A_939 : vector<16xi1>, vector<16xi32>
      %select_n3A_955 = arith.select %and3A_950, %scan3A_940, %shift_right_arithmetic3A_943 : vector<16xi1>, vector<16xi32>
      scf.yield %select_n3A_954, %select_n3A_955 : vector<16xi32>, vector<16xi32>
    }
    %scan3A_23 = arith.constant 13 : i32
    %swap3A = arith.constant 0 : index
    %swap3A_24 = tpu.vector_load %arg9[%swap3A] {strides = array<i32>} : memref<48xi32, #tpu.memory_space<vmem>>, vector<16xi32>,
    tpu.vector_store %arg9[%swap3A], %scan3A_22#0 {strides = array<i32>} : memref<48xi32, #tpu.memory_space<vmem>>, vector<16xi32>,
    %iota3A_25 = tpu.iota {dimensions = array<i32: 0>} : vector<16xi32>
    %add3A_26 = arith.constant 16 : i32
    %add3A_27 = arith.addi %mul3A_3, %add3A_26 : i32
    %add3A_28 = vector.broadcast %add3A_27 : i32 to vector<16xi32>
    %add3A_29 = arith.addi %iota3A_25, %add3A_28 : vector<16xi32>
    %broadcast_in_dim3A_30 = arith.constant 0 : i32
    %broadcast_in_dim3A_31 = vector.broadcast %broadcast_in_dim3A_30 : i32 to vector<16xi32>
    %broadcast_in_dim3A_32 = arith.constant 4096 : i32
    %broadcast_in_dim3A_33 = vector.broadcast %broadcast_in_dim3A_32 : i32 to vector<16xi32>
    %scan3A_34 = arith.constant 0 : i32
    %scan3A_35 = arith.constant 13 : i32
    %scan3A_36 = arith.addi %scan3A_34, %scan3A_35 : i32
    %scan3A_37 = arith.constant 1 : i32
    %scan3A_38:2 = scf.for %scan3A_938 = %scan3A_34 to %scan3A_36 step %scan3A_37 iter_args(%scan3A_939 = %broadcast_in_dim3A_31, %scan3A_940 = %broadcast_in_dim3A_33) -> (vector<16xi32>, vector<16xi32>)  : i32 {
      %add3A_941 = arith.addi %scan3A_939, %scan3A_940 : vector<16xi32>
      %shift_right_arithmetic3A = arith.constant 1 : i32
      %shift_right_arithmetic3A_942 = vector.broadcast %shift_right_arithmetic3A : i32 to vector<16xi32>
      %shift_right_arithmetic3A_943 = arith.shrsi %add3A_941, %shift_right_arithmetic3A_942 : vector<16xi32>
      %min3A_944 = arith.constant 4095 : i32
      %min3A_945 = vector.broadcast %min3A_944 : i32 to vector<16xi32>
      %min3A_946 = arith.minsi %shift_right_arithmetic3A_943, %min3A_945 : vector<16xi32>
      %gather3A = tpu.vector_load_idx %arg5[%min3A_946] : memref<4112xi32, #tpu.memory_space<vmem>>[vector<16xi32>], vector<16xi32>,
      %lt3A = arith.cmpi slt, %gather3A, %add3A_29 : vector<16xi32>
      %lt3A_947 = arith.constant 4096 : i32
      %lt3A_948 = vector.broadcast %lt3A_947 : i32 to vector<16xi32>
      %lt3A_949 = arith.cmpi slt, %shift_right_arithmetic3A_943, %lt3A_948 : vector<16xi32>
      %and3A_950 = arith.andi %lt3A, %lt3A_949 : vector<16xi1>
      %add3A_951 = arith.constant 1 : i32
      %add3A_952 = vector.broadcast %add3A_951 : i32 to vector<16xi32>
      %add3A_953 = arith.addi %shift_right_arithmetic3A_943, %add3A_952 : vector<16xi32>
      %select_n3A_954 = arith.select %and3A_950, %add3A_953, %scan3A_939 : vector<16xi1>, vector<16xi32>
      %select_n3A_955 = arith.select %and3A_950, %scan3A_940, %shift_right_arithmetic3A_943 : vector<16xi1>, vector<16xi32>
      scf.yield %select_n3A_954, %select_n3A_955 : vector<16xi32>, vector<16xi32>
    }
    %scan3A_39 = arith.constant 13 : i32
    %swap3A_40 = arith.constant 16 : index
    %swap3A_41 = tpu.vector_load %arg9[%swap3A_40] {strides = array<i32>} : memref<48xi32, #tpu.memory_space<vmem>>, vector<16xi32>,
    tpu.vector_store %arg9[%swap3A_40], %scan3A_38#0 {strides = array<i32>} : memref<48xi32, #tpu.memory_space<vmem>>, vector<16xi32>,
    %iota3A_42 = tpu.iota {dimensions = array<i32: 0>} : vector<16xi32>
    %add3A_43 = arith.constant 32 : i32
    %add3A_44 = arith.addi %mul3A_3, %add3A_43 : i32
    %add3A_45 = vector.broadcast %add3A_44 : i32 to vector<16xi32>
    %add3A_46 = arith.addi %iota3A_42, %add3A_45 : vector<16xi32>
    %broadcast_in_dim3A_47 = arith.constant 0 : i32
    %broadcast_in_dim3A_48 = vector.broadcast %broadcast_in_dim3A_47 : i32 to vector<16xi32>
    %broadcast_in_dim3A_49 = arith.constant 4096 : i32
    %broadcast_in_dim3A_50 = vector.broadcast %broadcast_in_dim3A_49 : i32 to vector<16xi32>
    %scan3A_51 = arith.constant 0 : i32
    %scan3A_52 = arith.constant 13 : i32
    %scan3A_53 = arith.addi %scan3A_51, %scan3A_52 : i32
    %scan3A_54 = arith.constant 1 : i32
    %scan3A_55:2 = scf.for %scan3A_938 = %scan3A_51 to %scan3A_53 step %scan3A_54 iter_args(%scan3A_939 = %broadcast_in_dim3A_48, %scan3A_940 = %broadcast_in_dim3A_50) -> (vector<16xi32>, vector<16xi32>)  : i32 {
      %add3A_941 = arith.addi %scan3A_939, %scan3A_940 : vector<16xi32>
      %shift_right_arithmetic3A = arith.constant 1 : i32
      %shift_right_arithmetic3A_942 = vector.broadcast %shift_right_arithmetic3A : i32 to vector<16xi32>
      %shift_right_arithmetic3A_943 = arith.shrsi %add3A_941, %shift_right_arithmetic3A_942 : vector<16xi32>
      %min3A_944 = arith.constant 4095 : i32
      %min3A_945 = vector.broadcast %min3A_944 : i32 to vector<16xi32>
      %min3A_946 = arith.minsi %shift_right_arithmetic3A_943, %min3A_945 : vector<16xi32>
      %gather3A = tpu.vector_load_idx %arg5[%min3A_946] : memref<4112xi32, #tpu.memory_space<vmem>>[vector<16xi32>], vector<16xi32>,
      %lt3A = arith.cmpi slt, %gather3A, %add3A_46 : vector<16xi32>
      %lt3A_947 = arith.constant 4096 : i32
      %lt3A_948 = vector.broadcast %lt3A_947 : i32 to vector<16xi32>
      %lt3A_949 = arith.cmpi slt, %shift_right_arithmetic3A_943, %lt3A_948 : vector<16xi32>
      %and3A_950 = arith.andi %lt3A, %lt3A_949 : vector<16xi1>
      %add3A_951 = arith.constant 1 : i32
      %add3A_952 = vector.broadcast %add3A_951 : i32 to vector<16xi32>
      %add3A_953 = arith.addi %shift_right_arithmetic3A_943, %add3A_952 : vector<16xi32>
      %select_n3A_954 = arith.select %and3A_950, %add3A_953, %scan3A_939 : vector<16xi1>, vector<16xi32>
      %select_n3A_955 = arith.select %and3A_950, %scan3A_940, %shift_right_arithmetic3A_943 : vector<16xi1>, vector<16xi32>
      scf.yield %select_n3A_954, %select_n3A_955 : vector<16xi32>, vector<16xi32>
    }
    %scan3A_56 = arith.constant 13 : i32
    %swap3A_57 = arith.constant 32 : index
    %swap3A_58 = tpu.vector_load %arg9[%swap3A_57] {strides = array<i32>} : memref<48xi32, #tpu.memory_space<vmem>>, vector<16xi32>,
    tpu.vector_store %arg9[%swap3A_57], %scan3A_55#0 {strides = array<i32>} : memref<48xi32, #tpu.memory_space<vmem>>, vector<16xi32>,
    %get3A = arith.constant 1 : index
    %get3A_59 = tpu.vector_load %arg9[%get3A] {strides = array<i32>} : memref<48xi32, #tpu.memory_space<vmem>>, vector<16xi32>,
    %get3A_60 = arith.constant 0 : index
    %get3A_61 = tpu.vector_load %arg9[%get3A_60] {strides = array<i32>} : memref<48xi32, #tpu.memory_space<vmem>>, vector<16xi32>,
    %sub3A = arith.subi %get3A_59, %get3A_61 : vector<16xi32>
    %convert_element_type3A = arith.sitofp %sub3A : vector<16xi32> to vector<16xf32>
    %add3A_62 = arith.constant 1.000000e+00 : f32
    %add3A_63 = vector.broadcast %add3A_62 : f32 to vector<16xf32>
    %add3A_64 = arith.addf %convert_element_type3A, %add3A_63 : vector<16xf32>
    %div3A = arith.constant 1.000000e+00 : f32
    %div3A_65 = vector.broadcast %div3A : f32 to vector<16xf32>
    %div3A_66 = arith.divf %div3A_65, %add3A_64 : vector<16xf32>
    %swap3A_67 = arith.constant 0 : index
    %swap3A_68 = tpu.vector_load %arg10[%swap3A_67] {strides = array<i32>} : memref<32xf32, #tpu.memory_space<vmem>>, vector<16xf32>,
    tpu.vector_store %arg10[%swap3A_67], %div3A_66 {strides = array<i32>} : memref<32xf32, #tpu.memory_space<vmem>>, vector<16xf32>,
    %get3A_69 = arith.constant 17 : index
    %get3A_70 = tpu.vector_load %arg9[%get3A_69] {strides = array<i32>} : memref<48xi32, #tpu.memory_space<vmem>>, vector<16xi32>,
    %get3A_71 = arith.constant 16 : index
    %get3A_72 = tpu.vector_load %arg9[%get3A_71] {strides = array<i32>} : memref<48xi32, #tpu.memory_space<vmem>>, vector<16xi32>,
    %sub3A_73 = arith.subi %get3A_70, %get3A_72 : vector<16xi32>
    %convert_element_type3A_74 = arith.sitofp %sub3A_73 : vector<16xi32> to vector<16xf32>
    %add3A_75 = arith.constant 1.000000e+00 : f32
    %add3A_76 = vector.broadcast %add3A_75 : f32 to vector<16xf32>
    %add3A_77 = arith.addf %convert_element_type3A_74, %add3A_76 : vector<16xf32>
    %div3A_78 = arith.constant 1.000000e+00 : f32
    %div3A_79 = vector.broadcast %div3A_78 : f32 to vector<16xf32>
    %div3A_80 = arith.divf %div3A_79, %add3A_77 : vector<16xf32>
    %swap3A_81 = arith.constant 16 : index
    %swap3A_82 = tpu.vector_load %arg10[%swap3A_81] {strides = array<i32>} : memref<32xf32, #tpu.memory_space<vmem>>, vector<16xf32>,
    tpu.vector_store %arg10[%swap3A_81], %div3A_80 {strides = array<i32>} : memref<32xf32, #tpu.memory_space<vmem>>, vector<16xf32>,
    %get3A_83 = arith.constant 0 : index
    %get3A_84 = tpu.vector_load %arg9[%get3A_83] {strides = array<i32>} : memref<48xi32, #tpu.memory_space<vmem>>, vector<16xi32>,
    %slice3A = vector.extract_strided_slice %get3A_84 {offsets = [0], sizes = [1], strides = [1]} : vector<16xi32> to vector<1xi32>
    %squeeze3A = vector.extract %slice3A[0] : i32 from vector<1xi32>
    %get3A_85 = arith.constant 32 : index
    %get3A_86 = tpu.vector_load %arg9[%get3A_85] {strides = array<i32>} : memref<48xi32, #tpu.memory_space<vmem>>, vector<16xi32>,
    %slice3A_87 = vector.extract_strided_slice %get3A_86 {offsets = [0], sizes = [1], strides = [1]} : vector<16xi32> to vector<1xi32>
    %squeeze3A_88 = vector.extract %slice3A_87[0] : i32 from vector<1xi32>
    %jit3A = arith.constant 8 : i32
    %div3A_89 = arith.divsi %squeeze3A, %jit3A : i32
    %sign3A = arith.constant 0 : i32
    %sign3A_90 = arith.cmpi sgt, %squeeze3A, %sign3A : i32
    %sign3A_91 = arith.extui %sign3A_90 : i1 to i32
    %sign3A_92 = arith.constant 0 : i32
    %sign3A_93 = arith.cmpi slt, %squeeze3A, %sign3A_92 : i32
    %sign3A_94 = arith.extui %sign3A_93 : i1 to i32
    %sign3A_95 = arith.subi %sign3A_91, %sign3A_94 : i32
    %sign3A_96 = arith.constant 0 : i32
    %sign3A_97 = arith.cmpi sgt, %jit3A, %sign3A_96 : i32
    %sign3A_98 = arith.extui %sign3A_97 : i1 to i32
    %sign3A_99 = arith.constant 0 : i32
    %sign3A_100 = arith.cmpi slt, %jit3A, %sign3A_99 : i32
    %sign3A_101 = arith.extui %sign3A_100 : i1 to i32
    %sign3A_102 = arith.subi %sign3A_98, %sign3A_101 : i32
    %ne3A = arith.cmpi ne, %sign3A_95, %sign3A_102 : i32
    %rem3A = arith.remsi %squeeze3A, %jit3A : i32
    %ne3A_103 = arith.constant 0 : i32
    %ne3A_104 = arith.cmpi ne, %rem3A, %ne3A_103 : i32
    %and3A = arith.andi %ne3A, %ne3A_104 : i1
    %sub3A_105 = arith.constant 1 : i32
    %sub3A_106 = arith.subi %div3A_89, %sub3A_105 : i32
    %select_n3A = arith.select %and3A, %sub3A_106, %div3A_89 : i32
    %mul3A_107 = arith.constant 8 : i32
    %mul3A_108 = arith.muli %select_n3A, %mul3A_107 : i32
    %sub3A_109 = arith.subi %squeeze3A_88, %mul3A_108 : i32
    %add3A_110 = arith.constant 64 : i32
    %add3A_111 = arith.addi %sub3A_109, %add3A_110 : i32
    %sub3A_112 = arith.constant 1 : i32
    %sub3A_113 = arith.subi %add3A_111, %sub3A_112 : i32
    %jit3A_114 = arith.constant 64 : i32
    %div3A_115 = arith.divsi %sub3A_113, %jit3A_114 : i32
    %sign3A_116 = arith.constant 0 : i32
    %sign3A_117 = arith.cmpi sgt, %sub3A_113, %sign3A_116 : i32
    %sign3A_118 = arith.extui %sign3A_117 : i1 to i32
    %sign3A_119 = arith.constant 0 : i32
    %sign3A_120 = arith.cmpi slt, %sub3A_113, %sign3A_119 : i32
    %sign3A_121 = arith.extui %sign3A_120 : i1 to i32
    %sign3A_122 = arith.subi %sign3A_118, %sign3A_121 : i32
    %sign3A_123 = arith.constant 0 : i32
    %sign3A_124 = arith.cmpi sgt, %jit3A_114, %sign3A_123 : i32
    %sign3A_125 = arith.extui %sign3A_124 : i1 to i32
    %sign3A_126 = arith.constant 0 : i32
    %sign3A_127 = arith.cmpi slt, %jit3A_114, %sign3A_126 : i32
    %sign3A_128 = arith.extui %sign3A_127 : i1 to i32
    %sign3A_129 = arith.subi %sign3A_125, %sign3A_128 : i32
    %ne3A_130 = arith.cmpi ne, %sign3A_122, %sign3A_129 : i32
    %rem3A_131 = arith.remsi %sub3A_113, %jit3A_114 : i32
    %ne3A_132 = arith.constant 0 : i32
    %ne3A_133 = arith.cmpi ne, %rem3A_131, %ne3A_132 : i32
    %and3A_134 = arith.andi %ne3A_130, %ne3A_133 : i1
    %sub3A_135 = arith.constant 1 : i32
    %sub3A_136 = arith.subi %div3A_115, %sub3A_135 : i32
    %select_n3A_137 = arith.select %and3A_134, %sub3A_136, %div3A_115 : i32
    %add3A_138 = arith.constant 1 : i32
    %add3A_139 = arith.addi %select_n3A_137, %add3A_138 : i32
    %jit3A_140 = arith.constant 2 : i32
    %div3A_141 = arith.divsi %add3A_139, %jit3A_140 : i32
    %sign3A_142 = arith.constant 0 : i32
    %sign3A_143 = arith.cmpi sgt, %add3A_139, %sign3A_142 : i32
    %sign3A_144 = arith.extui %sign3A_143 : i1 to i32
    %sign3A_145 = arith.constant 0 : i32
    %sign3A_146 = arith.cmpi slt, %add3A_139, %sign3A_145 : i32
    %sign3A_147 = arith.extui %sign3A_146 : i1 to i32
    %sign3A_148 = arith.subi %sign3A_144, %sign3A_147 : i32
    %sign3A_149 = arith.constant 0 : i32
    %sign3A_150 = arith.cmpi sgt, %jit3A_140, %sign3A_149 : i32
    %sign3A_151 = arith.extui %sign3A_150 : i1 to i32
    %sign3A_152 = arith.constant 0 : i32
    %sign3A_153 = arith.cmpi slt, %jit3A_140, %sign3A_152 : i32
    %sign3A_154 = arith.extui %sign3A_153 : i1 to i32
    %sign3A_155 = arith.subi %sign3A_151, %sign3A_154 : i32
    %ne3A_156 = arith.cmpi ne, %sign3A_148, %sign3A_155 : i32
    %rem3A_157 = arith.remsi %add3A_139, %jit3A_140 : i32
    %ne3A_158 = arith.constant 0 : i32
    %ne3A_159 = arith.cmpi ne, %rem3A_157, %ne3A_158 : i32
    %and3A_160 = arith.andi %ne3A_156, %ne3A_159 : i1
    %sub3A_161 = arith.constant 1 : i32
    %sub3A_162 = arith.subi %div3A_141, %sub3A_161 : i32
    %select_n3A_163 = arith.select %and3A_160, %sub3A_162, %div3A_141 : i32
    %add3A_164 = arith.constant 0 : i32
    %add3A_165 = arith.addi %mul3A_108, %add3A_164 : i32
    %min3A = arith.constant 4032 : i32
    %min3A_166 = arith.minsi %add3A_165, %min3A : i32
    %multiple_of3A = tpu.assume_multiple %min3A_166, 8 : i32
    %dma_start3A = arith.constant 0 : i32
    %dma_start3A_167 = arith.constant 896 : i32
    %dma_start3A_168 = tpu.memref_slice %arg2[%dma_start3A, %multiple_of3A, %dma_start3A_167] : memref<4x4096x1024xf32, #tpu.memory_space<hbm>> -> memref<1x64x128xf32, #tpu.memory_space<hbm>>
    %dma_start3A_169 = tpu.memref_squeeze %dma_start3A_168 : memref<1x64x128xf32, #tpu.memory_space<hbm>> -> memref<64x128xf32, #tpu.memory_space<hbm>>
    %dma_start3A_170 = arith.constant 896 : i32
    %dma_start3A_171 = tpu.memref_slice %arg2[%dma_start3A, %multiple_of3A, %dma_start3A_170] : memref<4x4096x1024xf32, #tpu.memory_space<hbm>> -> memref<1x64x128xf32, #tpu.memory_space<hbm>>
    %dma_start3A_172 = tpu.memref_squeeze %dma_start3A_171 : memref<1x64x128xf32, #tpu.memory_space<hbm>> -> memref<64x128xf32, #tpu.memory_space<hbm>>
    tpu.enqueue_dma source(%dma_start3A_172 : memref<64x128xf32, #tpu.memory_space<hbm>>) target(%arg7 : memref<64x128xf32, #tpu.memory_space<vmem>>) target_semaphore(%arg11 : memref<!tpu.dma_semaphore, #tpu.memory_space<semaphore_mem>>)
    %while3A = arith.constant 0 : i32
    %while3A_173 = arith.constant 0 : i32
    %while3A_174 = arith.subi %select_n3A_163, %while3A : i32
    %while3A_175 = arith.addi %while3A, %while3A_174 : i32
    %while3A_176 = arith.constant 1 : i32
    %while3A_177 = arith.divsi %while3A_174, %while3A_176 : i32
    %while3A_178 = arith.muli %while3A_177, %while3A_176 : i32
    %while3A_179 = arith.addi %while3A, %while3A_178 : i32
    %while3A_180 = arith.constant 1 : i32
    %while3A_181 = scf.for %while3A_938 = %while3A to %while3A_179 step %while3A_180 iter_args(%while3A_939 = %while3A_173) -> (i32)  : i32 {
      %mul3A_940 = arith.constant 2 : i32
      %mul3A_941 = arith.muli %mul3A_940, %while3A_938 : i32
      %add3A_942 = arith.constant 1 : i32
      %add3A_943 = arith.addi %mul3A_941, %add3A_942 : i32
      %mul3A_944 = arith.constant 64 : i32
      %mul3A_945 = arith.muli %add3A_943, %mul3A_944 : i32
      %add3A_946 = arith.addi %mul3A_108, %mul3A_945 : i32
      %min3A_947 = arith.constant 4032 : i32
      %min3A_948 = arith.minsi %add3A_946, %min3A_947 : i32
      %multiple_of3A_949 = tpu.assume_multiple %min3A_948, 8 : i32
      %dma_start3A_950 = arith.constant 0 : i32
      %dma_start3A_951 = arith.constant 896 : i32
      %dma_start3A_952 = tpu.memref_slice %arg2[%dma_start3A_950, %multiple_of3A_949, %dma_start3A_951] : memref<4x4096x1024xf32, #tpu.memory_space<hbm>> -> memref<1x64x128xf32, #tpu.memory_space<hbm>>
      %dma_start3A_953 = tpu.memref_squeeze %dma_start3A_952 : memref<1x64x128xf32, #tpu.memory_space<hbm>> -> memref<64x128xf32, #tpu.memory_space<hbm>>
      %dma_start3A_954 = arith.constant 896 : i32
      %dma_start3A_955 = tpu.memref_slice %arg2[%dma_start3A_950, %multiple_of3A_949, %dma_start3A_954] : memref<4x4096x1024xf32, #tpu.memory_space<hbm>> -> memref<1x64x128xf32, #tpu.memory_space<hbm>>
      %dma_start3A_956 = tpu.memref_squeeze %dma_start3A_955 : memref<1x64x128xf32, #tpu.memory_space<hbm>> -> memref<64x128xf32, #tpu.memory_space<hbm>>
      tpu.enqueue_dma source(%dma_start3A_956 : memref<64x128xf32, #tpu.memory_space<hbm>>) target(%arg8 : memref<64x128xf32, #tpu.memory_space<vmem>>) target_semaphore(%arg12 : memref<!tpu.dma_semaphore, #tpu.memory_space<semaphore_mem>>)
      %dma_wait3A_957 = arith.constant 0 : i32
      %dma_wait3A_958 = arith.constant 0 : i32
      %dma_wait3A_959 = arith.constant 896 : i32
      %dma_wait3A_960 = tpu.memref_slice %arg2[%dma_wait3A_957, %dma_wait3A_958, %dma_wait3A_959] : memref<4x4096x1024xf32, #tpu.memory_space<hbm>> -> memref<1x64x128xf32, #tpu.memory_space<hbm>>
      %dma_wait3A_961 = tpu.memref_squeeze %dma_wait3A_960 : memref<1x64x128xf32, #tpu.memory_space<hbm>> -> memref<64x128xf32, #tpu.memory_space<hbm>>
      %dma_wait3A_962 = arith.constant 0 : i32
      %dma_wait3A_963 = arith.constant 896 : i32
      %dma_wait3A_964 = tpu.memref_slice %arg2[%dma_wait3A_957, %dma_wait3A_962, %dma_wait3A_963] : memref<4x4096x1024xf32, #tpu.memory_space<hbm>> -> memref<1x64x128xf32, #tpu.memory_space<hbm>>
      %dma_wait3A_965 = tpu.memref_squeeze %dma_wait3A_964 : memref<1x64x128xf32, #tpu.memory_space<hbm>> -> memref<64x128xf32, #tpu.memory_space<hbm>>
      tpu.wait_dma2 semaphore(%arg11 : memref<!tpu.dma_semaphore, #tpu.memory_space<semaphore_mem>>) src(%dma_wait3A_965 : memref<64x128xf32, #tpu.memory_space<hbm>>) dst(%arg7 : memref<64x128xf32, #tpu.memory_space<vmem>>)
      %mul3A_966 = arith.constant 64 : i32
      %mul3A_967 = arith.muli %mul3A_941, %mul3A_966 : i32
      %add3A_968 = arith.addi %mul3A_108, %mul3A_967 : i32
      %mul3A_969 = arith.constant 64 : i32
      %mul3A_970 = arith.muli %mul3A_941, %mul3A_969 : i32
      %add3A_971 = arith.addi %mul3A_108, %mul3A_970 : i32
      %min3A_972 = arith.constant 4032 : i32
      %min3A_973 = arith.minsi %add3A_971, %min3A_972 : i32
      %multiple_of3A_974 = tpu.assume_multiple %min3A_973, 8 : i32
      %max3A = arith.maxsi %add3A_968, %squeeze3A : i32
      %scan3A_975 = arith.constant 0 : i32
      %scan3A_976 = arith.constant 0 : i32
      %scan3A_977 = arith.constant 32 : i32
      %scan3A_978 = arith.addi %scan3A_976, %scan3A_977 : i32
      %scan3A_979 = arith.constant 1 : i32
      %scan3A_980 = scf.for %scan3A_1026 = %scan3A_976 to %scan3A_978 step %scan3A_979 iter_args(%scan3A_1027 = %scan3A_975) -> (i32)  : i32 {
        %mul3A_1028 = arith.constant 2 : i32
        %mul3A_1029 = arith.muli %mul3A_1028, %scan3A_1026 : i32
        %add3A_1030 = arith.constant 1 : i32
        %add3A_1031 = arith.addi %mul3A_1029, %add3A_1030 : i32
        %add3A_1032 = arith.addi %multiple_of3A_974, %mul3A_1029 : i32
        %add3A_1033 = arith.addi %multiple_of3A_974, %add3A_1031 : i32
        %get3A_1034 = arith.index_cast %add3A_1032 : i32 to index
        %get3A_1035 = tpu.vector_load %arg5[%get3A_1034] {strides = array<i32>} : memref<4112xi32, #tpu.memory_space<vmem>>, vector<16xi32>,
        %ge3A = arith.cmpi sge, %add3A_1032, %max3A : i32
        %lt3A = arith.cmpi slt, %add3A_1032, %squeeze3A_88 : i32
        %and3A_1036 = arith.andi %ge3A, %lt3A : i1
        %slice3A_1037 = vector.extract_strided_slice %get3A_1035 {offsets = [0], sizes = [1], strides = [1]} : vector<16xi32> to vector<1xi32>
        %squeeze3A_1038 = vector.extract %slice3A_1037[0] : i32 from vector<1xi32>
        %sub3A_1039 = arith.subi %squeeze3A_1038, %mul3A_3 : i32
        %jit3A_1040 = arith.constant 32 : i32
        %select_n3A_1041 = arith.select %and3A_1036, %sub3A_1039, %jit3A_1040 : i32
        %ge3A_1042 = arith.cmpi sge, %add3A_1033, %max3A : i32
        %lt3A_1043 = arith.cmpi slt, %add3A_1033, %squeeze3A_88 : i32
        %and3A_1044 = arith.andi %ge3A_1042, %lt3A_1043 : i1
        %slice3A_1045 = vector.extract_strided_slice %get3A_1035 {offsets = [1], sizes = [1], strides = [1]} : vector<16xi32> to vector<1xi32>
        %squeeze3A_1046 = vector.extract %slice3A_1045[0] : i32 from vector<1xi32>
        %sub3A_1047 = arith.subi %squeeze3A_1046, %mul3A_3 : i32
        %jit3A_1048 = arith.constant 32 : i32
        %select_n3A_1049 = arith.select %and3A_1044, %sub3A_1047, %jit3A_1048 : i32
        %parallel_loop3A = arith.constant 0 : i32
        %parallel_loop3A_1050 = arith.constant 8 : i32
        %parallel_loop3A_1051 = arith.constant 1 : i32
        scf.for %parallel_loop3A_1053 = %parallel_loop3A to %parallel_loop3A_1050 step %parallel_loop3A_1051  : i32 {
          %parallel_loop3A_1054 = arith.constant 16 : i32
          %parallel_loop3A_1055 = arith.muli %parallel_loop3A_1053, %parallel_loop3A_1054 : i32
          %parallel_loop3A_1056 = arith.index_cast %mul3A_1029 : i32 to index
          %parallel_loop3A_1057 = arith.index_cast %parallel_loop3A_1055 : i32 to index
          %parallel_loop3A_1058 = tpu.vector_load %arg7[%parallel_loop3A_1056, %parallel_loop3A_1057] {strides = array<i32>} : memref<64x128xf32, #tpu.memory_space<vmem>>, vector<16xf32>,
          %parallel_loop3A_1059 = arith.index_cast %select_n3A_1041 : i32 to index
          %parallel_loop3A_1060 = arith.index_cast %parallel_loop3A_1055 : i32 to index
          %parallel_loop3A_1061 = tpu.vector_load %arg6[%parallel_loop3A_1059, %parallel_loop3A_1060] {strides = array<i32>} : memref<33x128xf32, #tpu.memory_space<vmem>>, vector<16xf32>,
          tpu.vector_store %arg6[%parallel_loop3A_1059, %parallel_loop3A_1060], %parallel_loop3A_1058 {add = true, strides = array<i32>} : memref<33x128xf32, #tpu.memory_space<vmem>>, vector<16xf32>,
          %parallel_loop3A_1062 = arith.index_cast %add3A_1031 : i32 to index
          %parallel_loop3A_1063 = arith.index_cast %parallel_loop3A_1055 : i32 to index
          %parallel_loop3A_1064 = tpu.vector_load %arg7[%parallel_loop3A_1062, %parallel_loop3A_1063] {strides = array<i32>} : memref<64x128xf32, #tpu.memory_space<vmem>>, vector<16xf32>,
          %parallel_loop3A_1065 = arith.index_cast %select_n3A_1049 : i32 to index
          %parallel_loop3A_1066 = arith.index_cast %parallel_loop3A_1055 : i32 to index
          %parallel_loop3A_1067 = tpu.vector_load %arg6[%parallel_loop3A_1065, %parallel_loop3A_1066] {strides = array<i32>} : memref<33x128xf32, #tpu.memory_space<vmem>>, vector<16xf32>,
          tpu.vector_store %arg6[%parallel_loop3A_1065, %parallel_loop3A_1066], %parallel_loop3A_1064 {add = true, strides = array<i32>} : memref<33x128xf32, #tpu.memory_space<vmem>>, vector<16xf32>,
        } {sc.loop_unroll_factor = 8 : i64, sc.parallel_access}
        %scan3A_1052 = arith.constant 0 : i32
        scf.yield %scan3A_1052 : i32
      }
      %scan3A_981 = arith.constant 32 : i32
      %add3A_982 = arith.constant 2 : i32
      %add3A_983 = arith.addi %mul3A_941, %add3A_982 : i32
      %mul3A_984 = arith.constant 64 : i32
      %mul3A_985 = arith.muli %add3A_983, %mul3A_984 : i32
      %add3A_986 = arith.addi %mul3A_108, %mul3A_985 : i32
      %min3A_987 = arith.constant 4032 : i32
      %min3A_988 = arith.minsi %add3A_986, %min3A_987 : i32
      %multiple_of3A_989 = tpu.assume_multiple %min3A_988, 8 : i32
      %dma_start3A_990 = arith.constant 0 : i32
      %dma_start3A_991 = arith.constant 896 : i32
      %dma_start3A_992 = tpu.memref_slice %arg2[%dma_start3A_990, %multiple_of3A_989, %dma_start3A_991] : memref<4x4096x1024xf32, #tpu.memory_space<hbm>> -> memref<1x64x128xf32, #tpu.memory_space<hbm>>
      %dma_start3A_993 = tpu.memref_squeeze %dma_start3A_992 : memref<1x64x128xf32, #tpu.memory_space<hbm>> -> memref<64x128xf32, #tpu.memory_space<hbm>>
      %dma_start3A_994 = arith.constant 896 : i32
      %dma_start3A_995 = tpu.memref_slice %arg2[%dma_start3A_990, %multiple_of3A_989, %dma_start3A_994] : memref<4x4096x1024xf32, #tpu.memory_space<hbm>> -> memref<1x64x128xf32, #tpu.memory_space<hbm>>
      %dma_start3A_996 = tpu.memref_squeeze %dma_start3A_995 : memref<1x64x128xf32, #tpu.memory_space<hbm>> -> memref<64x128xf32, #tpu.memory_space<hbm>>
      tpu.enqueue_dma source(%dma_start3A_996 : memref<64x128xf32, #tpu.memory_space<hbm>>) target(%arg7 : memref<64x128xf32, #tpu.memory_space<vmem>>) target_semaphore(%arg11 : memref<!tpu.dma_semaphore, #tpu.memory_space<semaphore_mem>>)
      %dma_wait3A_997 = arith.constant 0 : i32
      %dma_wait3A_998 = arith.constant 0 : i32
      %dma_wait3A_999 = arith.constant 896 : i32
      %dma_wait3A_1000 = tpu.memref_slice %arg2[%dma_wait3A_997, %dma_wait3A_998, %dma_wait3A_999] : memref<4x4096x1024xf32, #tpu.memory_space<hbm>> -> memref<1x64x128xf32, #tpu.memory_space<hbm>>
      %dma_wait3A_1001 = tpu.memref_squeeze %dma_wait3A_1000 : memref<1x64x128xf32, #tpu.memory_space<hbm>> -> memref<64x128xf32, #tpu.memory_space<hbm>>
      %dma_wait3A_1002 = arith.constant 0 : i32
      %dma_wait3A_1003 = arith.constant 896 : i32
      %dma_wait3A_1004 = tpu.memref_slice %arg2[%dma_wait3A_997, %dma_wait3A_1002, %dma_wait3A_1003] : memref<4x4096x1024xf32, #tpu.memory_space<hbm>> -> memref<1x64x128xf32, #tpu.memory_space<hbm>>
      %dma_wait3A_1005 = tpu.memref_squeeze %dma_wait3A_1004 : memref<1x64x128xf32, #tpu.memory_space<hbm>> -> memref<64x128xf32, #tpu.memory_space<hbm>>
      tpu.wait_dma2 semaphore(%arg12 : memref<!tpu.dma_semaphore, #tpu.memory_space<semaphore_mem>>) src(%dma_wait3A_1005 : memref<64x128xf32, #tpu.memory_space<hbm>>) dst(%arg8 : memref<64x128xf32, #tpu.memory_space<vmem>>)
      %add3A_1006 = arith.constant 1 : i32
      %add3A_1007 = arith.addi %mul3A_941, %add3A_1006 : i32
      %mul3A_1008 = arith.constant 64 : i32
      %mul3A_1009 = arith.muli %add3A_1007, %mul3A_1008 : i32
      %add3A_1010 = arith.addi %mul3A_108, %mul3A_1009 : i32
      %mul3A_1011 = arith.constant 64 : i32
      %mul3A_1012 = arith.muli %add3A_1007, %mul3A_1011 : i32
      %add3A_1013 = arith.addi %mul3A_108, %mul3A_1012 : i32
      %min3A_1014 = arith.constant 4032 : i32
      %min3A_1015 = arith.minsi %add3A_1013, %min3A_1014 : i32
      %multiple_of3A_1016 = tpu.assume_multiple %min3A_1015, 8 : i32
      %max3A_1017 = arith.maxsi %add3A_1010, %squeeze3A : i32
      %scan3A_1018 = arith.constant 0 : i32
      %scan3A_1019 = arith.constant 0 : i32
      %scan3A_1020 = arith.constant 32 : i32
      %scan3A_1021 = arith.addi %scan3A_1019, %scan3A_1020 : i32
      %scan3A_1022 = arith.constant 1 : i32
      %scan3A_1023 = scf.for %scan3A_1026 = %scan3A_1019 to %scan3A_1021 step %scan3A_1022 iter_args(%scan3A_1027 = %scan3A_1018) -> (i32)  : i32 {
        %mul3A_1028 = arith.constant 2 : i32
        %mul3A_1029 = arith.muli %mul3A_1028, %scan3A_1026 : i32
        %add3A_1030 = arith.constant 1 : i32
        %add3A_1031 = arith.addi %mul3A_1029, %add3A_1030 : i32
        %add3A_1032 = arith.addi %multiple_of3A_1016, %mul3A_1029 : i32
        %add3A_1033 = arith.addi %multiple_of3A_1016, %add3A_1031 : i32
        %get3A_1034 = arith.index_cast %add3A_1032 : i32 to index
        %get3A_1035 = tpu.vector_load %arg5[%get3A_1034] {strides = array<i32>} : memref<4112xi32, #tpu.memory_space<vmem>>, vector<16xi32>,
        %ge3A = arith.cmpi sge, %add3A_1032, %max3A_1017 : i32
        %lt3A = arith.cmpi slt, %add3A_1032, %squeeze3A_88 : i32
        %and3A_1036 = arith.andi %ge3A, %lt3A : i1
        %slice3A_1037 = vector.extract_strided_slice %get3A_1035 {offsets = [0], sizes = [1], strides = [1]} : vector<16xi32> to vector<1xi32>
        %squeeze3A_1038 = vector.extract %slice3A_1037[0] : i32 from vector<1xi32>
        %sub3A_1039 = arith.subi %squeeze3A_1038, %mul3A_3 : i32
        %jit3A_1040 = arith.constant 32 : i32
        %select_n3A_1041 = arith.select %and3A_1036, %sub3A_1039, %jit3A_1040 : i32
        %ge3A_1042 = arith.cmpi sge, %add3A_1033, %max3A_1017 : i32
        %lt3A_1043 = arith.cmpi slt, %add3A_1033, %squeeze3A_88 : i32
        %and3A_1044 = arith.andi %ge3A_1042, %lt3A_1043 : i1
        %slice3A_1045 = vector.extract_strided_slice %get3A_1035 {offsets = [1], sizes = [1], strides = [1]} : vector<16xi32> to vector<1xi32>
        %squeeze3A_1046 = vector.extract %slice3A_1045[0] : i32 from vector<1xi32>
        %sub3A_1047 = arith.subi %squeeze3A_1046, %mul3A_3 : i32
        %jit3A_1048 = arith.constant 32 : i32
        %select_n3A_1049 = arith.select %and3A_1044, %sub3A_1047, %jit3A_1048 : i32
        %parallel_loop3A = arith.constant 0 : i32
        %parallel_loop3A_1050 = arith.constant 8 : i32
        %parallel_loop3A_1051 = arith.constant 1 : i32
        scf.for %parallel_loop3A_1053 = %parallel_loop3A to %parallel_loop3A_1050 step %parallel_loop3A_1051  : i32 {
          %parallel_loop3A_1054 = arith.constant 16 : i32
          %parallel_loop3A_1055 = arith.muli %parallel_loop3A_1053, %parallel_loop3A_1054 : i32
          %parallel_loop3A_1056 = arith.index_cast %mul3A_1029 : i32 to index
          %parallel_loop3A_1057 = arith.index_cast %parallel_loop3A_1055 : i32 to index
          %parallel_loop3A_1058 = tpu.vector_load %arg8[%parallel_loop3A_1056, %parallel_loop3A_1057] {strides = array<i32>} : memref<64x128xf32, #tpu.memory_space<vmem>>, vector<16xf32>,
          %parallel_loop3A_1059 = arith.index_cast %select_n3A_1041 : i32 to index
          %parallel_loop3A_1060 = arith.index_cast %parallel_loop3A_1055 : i32 to index
          %parallel_loop3A_1061 = tpu.vector_load %arg6[%parallel_loop3A_1059, %parallel_loop3A_1060] {strides = array<i32>} : memref<33x128xf32, #tpu.memory_space<vmem>>, vector<16xf32>,
          tpu.vector_store %arg6[%parallel_loop3A_1059, %parallel_loop3A_1060], %parallel_loop3A_1058 {add = true, strides = array<i32>} : memref<33x128xf32, #tpu.memory_space<vmem>>, vector<16xf32>,
          %parallel_loop3A_1062 = arith.index_cast %add3A_1031 : i32 to index
          %parallel_loop3A_1063 = arith.index_cast %parallel_loop3A_1055 : i32 to index
          %parallel_loop3A_1064 = tpu.vector_load %arg8[%parallel_loop3A_1062, %parallel_loop3A_1063] {strides = array<i32>} : memref<64x128xf32, #tpu.memory_space<vmem>>, vector<16xf32>,
          %parallel_loop3A_1065 = arith.index_cast %select_n3A_1049 : i32 to index
          %parallel_loop3A_1066 = arith.index_cast %parallel_loop3A_1055 : i32 to index
          %parallel_loop3A_1067 = tpu.vector_load %arg6[%parallel_loop3A_1065, %parallel_loop3A_1066] {strides = array<i32>} : memref<33x128xf32, #tpu.memory_space<vmem>>, vector<16xf32>,
          tpu.vector_store %arg6[%parallel_loop3A_1065, %parallel_loop3A_1066], %parallel_loop3A_1064 {add = true, strides = array<i32>} : memref<33x128xf32, #tpu.memory_space<vmem>>, vector<16xf32>,
        } {sc.loop_unroll_factor = 8 : i64, sc.parallel_access}
        %scan3A_1052 = arith.constant 0 : i32
        scf.yield %scan3A_1052 : i32
      }
      %scan3A_1024 = arith.constant 32 : i32
      %while3A_1025 = arith.constant 0 : i32
      scf.yield %while3A_1025 : i32
    }
    %while3A_182 = arith.constant 1 : i32
    %while3A_183 = scf.for %while3A_938 = %while3A_179 to %while3A_175 step %while3A_182 iter_args(%while3A_939 = %while3A_181) -> (i32)  : i32 {
      %mul3A_940 = arith.constant 2 : i32
      %mul3A_941 = arith.muli %mul3A_940, %while3A_938 : i32
      %add3A_942 = arith.constant 1 : i32
      %add3A_943 = arith.addi %mul3A_941, %add3A_942 : i32
      %mul3A_944 = arith.constant 64 : i32
      %mul3A_945 = arith.muli %add3A_943, %mul3A_944 : i32
      %add3A_946 = arith.addi %mul3A_108, %mul3A_945 : i32
      %min3A_947 = arith.constant 4032 : i32
      %min3A_948 = arith.minsi %add3A_946, %min3A_947 : i32
      %multiple_of3A_949 = tpu.assume_multiple %min3A_948, 8 : i32
      %dma_start3A_950 = arith.constant 0 : i32
      %dma_start3A_951 = arith.constant 896 : i32
      %dma_start3A_952 = tpu.memref_slice %arg2[%dma_start3A_950, %multiple_of3A_949, %dma_start3A_951] : memref<4x4096x1024xf32, #tpu.memory_space<hbm>> -> memref<1x64x128xf32, #tpu.memory_space<hbm>>
      %dma_start3A_953 = tpu.memref_squeeze %dma_start3A_952 : memref<1x64x128xf32, #tpu.memory_space<hbm>> -> memref<64x128xf32, #tpu.memory_space<hbm>>
      %dma_start3A_954 = arith.constant 896 : i32
      %dma_start3A_955 = tpu.memref_slice %arg2[%dma_start3A_950, %multiple_of3A_949, %dma_start3A_954] : memref<4x4096x1024xf32, #tpu.memory_space<hbm>> -> memref<1x64x128xf32, #tpu.memory_space<hbm>>
      %dma_start3A_956 = tpu.memref_squeeze %dma_start3A_955 : memref<1x64x128xf32, #tpu.memory_space<hbm>> -> memref<64x128xf32, #tpu.memory_space<hbm>>
      tpu.enqueue_dma source(%dma_start3A_956 : memref<64x128xf32, #tpu.memory_space<hbm>>) target(%arg8 : memref<64x128xf32, #tpu.memory_space<vmem>>) target_semaphore(%arg12 : memref<!tpu.dma_semaphore, #tpu.memory_space<semaphore_mem>>)
      %dma_wait3A_957 = arith.constant 0 : i32
      %dma_wait3A_958 = arith.constant 0 : i32
      %dma_wait3A_959 = arith.constant 896 : i32
      %dma_wait3A_960 = tpu.memref_slice %arg2[%dma_wait3A_957, %dma_wait3A_958, %dma_wait3A_959] : memref<4x4096x1024xf32, #tpu.memory_space<hbm>> -> memref<1x64x128xf32, #tpu.memory_space<hbm>>
      %dma_wait3A_961 = tpu.memref_squeeze %dma_wait3A_960 : memref<1x64x128xf32, #tpu.memory_space<hbm>> -> memref<64x128xf32, #tpu.memory_space<hbm>>
      %dma_wait3A_962 = arith.constant 0 : i32
      %dma_wait3A_963 = arith.constant 896 : i32
      %dma_wait3A_964 = tpu.memref_slice %arg2[%dma_wait3A_957, %dma_wait3A_962, %dma_wait3A_963] : memref<4x4096x1024xf32, #tpu.memory_space<hbm>> -> memref<1x64x128xf32, #tpu.memory_space<hbm>>
      %dma_wait3A_965 = tpu.memref_squeeze %dma_wait3A_964 : memref<1x64x128xf32, #tpu.memory_space<hbm>> -> memref<64x128xf32, #tpu.memory_space<hbm>>
      tpu.wait_dma2 semaphore(%arg11 : memref<!tpu.dma_semaphore, #tpu.memory_space<semaphore_mem>>) src(%dma_wait3A_965 : memref<64x128xf32, #tpu.memory_space<hbm>>) dst(%arg7 : memref<64x128xf32, #tpu.memory_space<vmem>>)
      %mul3A_966 = arith.constant 64 : i32
      %mul3A_967 = arith.muli %mul3A_941, %mul3A_966 : i32
      %add3A_968 = arith.addi %mul3A_108, %mul3A_967 : i32
      %mul3A_969 = arith.constant 64 : i32
      %mul3A_970 = arith.muli %mul3A_941, %mul3A_969 : i32
      %add3A_971 = arith.addi %mul3A_108, %mul3A_970 : i32
      %min3A_972 = arith.constant 4032 : i32
      %min3A_973 = arith.minsi %add3A_971, %min3A_972 : i32
      %multiple_of3A_974 = tpu.assume_multiple %min3A_973, 8 : i32
      %max3A = arith.maxsi %add3A_968, %squeeze3A : i32
      %scan3A_975 = arith.constant 0 : i32
      %scan3A_976 = arith.constant 0 : i32
      %scan3A_977 = arith.constant 32 : i32
      %scan3A_978 = arith.addi %scan3A_976, %scan3A_977 : i32
      %scan3A_979 = arith.constant 1 : i32
      %scan3A_980 = scf.for %scan3A_1026 = %scan3A_976 to %scan3A_978 step %scan3A_979 iter_args(%scan3A_1027 = %scan3A_975) -> (i32)  : i32 {
        %mul3A_1028 = arith.constant 2 : i32
        %mul3A_1029 = arith.muli %mul3A_1028, %scan3A_1026 : i32
        %add3A_1030 = arith.constant 1 : i32
        %add3A_1031 = arith.addi %mul3A_1029, %add3A_1030 : i32
        %add3A_1032 = arith.addi %multiple_of3A_974, %mul3A_1029 : i32
        %add3A_1033 = arith.addi %multiple_of3A_974, %add3A_1031 : i32
        %get3A_1034 = arith.index_cast %add3A_1032 : i32 to index
        %get3A_1035 = tpu.vector_load %arg5[%get3A_1034] {strides = array<i32>} : memref<4112xi32, #tpu.memory_space<vmem>>, vector<16xi32>,
        %ge3A = arith.cmpi sge, %add3A_1032, %max3A : i32
        %lt3A = arith.cmpi slt, %add3A_1032, %squeeze3A_88 : i32
        %and3A_1036 = arith.andi %ge3A, %lt3A : i1
        %slice3A_1037 = vector.extract_strided_slice %get3A_1035 {offsets = [0], sizes = [1], strides = [1]} : vector<16xi32> to vector<1xi32>
        %squeeze3A_1038 = vector.extract %slice3A_1037[0] : i32 from vector<1xi32>
        %sub3A_1039 = arith.subi %squeeze3A_1038, %mul3A_3 : i32
        %jit3A_1040 = arith.constant 32 : i32
        %select_n3A_1041 = arith.select %and3A_1036, %sub3A_1039, %jit3A_1040 : i32
        %ge3A_1042 = arith.cmpi sge, %add3A_1033, %max3A : i32
        %lt3A_1043 = arith.cmpi slt, %add3A_1033, %squeeze3A_88 : i32
        %and3A_1044 = arith.andi %ge3A_1042, %lt3A_1043 : i1
        %slice3A_1045 = vector.extract_strided_slice %get3A_1035 {offsets = [1], sizes = [1], strides = [1]} : vector<16xi32> to vector<1xi32>
        %squeeze3A_1046 = vector.extract %slice3A_1045[0] : i32 from vector<1xi32>
        %sub3A_1047 = arith.subi %squeeze3A_1046, %mul3A_3 : i32
        %jit3A_1048 = arith.constant 32 : i32
        %select_n3A_1049 = arith.select %and3A_1044, %sub3A_1047, %jit3A_1048 : i32
        %parallel_loop3A = arith.constant 0 : i32
        %parallel_loop3A_1050 = arith.constant 8 : i32
        %parallel_loop3A_1051 = arith.constant 1 : i32
        scf.for %parallel_loop3A_1053 = %parallel_loop3A to %parallel_loop3A_1050 step %parallel_loop3A_1051  : i32 {
          %parallel_loop3A_1054 = arith.constant 16 : i32
          %parallel_loop3A_1055 = arith.muli %parallel_loop3A_1053, %parallel_loop3A_1054 : i32
          %parallel_loop3A_1056 = arith.index_cast %mul3A_1029 : i32 to index
          %parallel_loop3A_1057 = arith.index_cast %parallel_loop3A_1055 : i32 to index
          %parallel_loop3A_1058 = tpu.vector_load %arg7[%parallel_loop3A_1056, %parallel_loop3A_1057] {strides = array<i32>} : memref<64x128xf32, #tpu.memory_space<vmem>>, vector<16xf32>,
          %parallel_loop3A_1059 = arith.index_cast %select_n3A_1041 : i32 to index
          %parallel_loop3A_1060 = arith.index_cast %parallel_loop3A_1055 : i32 to index
          %parallel_loop3A_1061 = tpu.vector_load %arg6[%parallel_loop3A_1059, %parallel_loop3A_1060] {strides = array<i32>} : memref<33x128xf32, #tpu.memory_space<vmem>>, vector<16xf32>,
          tpu.vector_store %arg6[%parallel_loop3A_1059, %parallel_loop3A_1060], %parallel_loop3A_1058 {add = true, strides = array<i32>} : memref<33x128xf32, #tpu.memory_space<vmem>>, vector<16xf32>,
          %parallel_loop3A_1062 = arith.index_cast %add3A_1031 : i32 to index
          %parallel_loop3A_1063 = arith.index_cast %parallel_loop3A_1055 : i32 to index
          %parallel_loop3A_1064 = tpu.vector_load %arg7[%parallel_loop3A_1062, %parallel_loop3A_1063] {strides = array<i32>} : memref<64x128xf32, #tpu.memory_space<vmem>>, vector<16xf32>,
          %parallel_loop3A_1065 = arith.index_cast %select_n3A_1049 : i32 to index
          %parallel_loop3A_1066 = arith.index_cast %parallel_loop3A_1055 : i32 to index
          %parallel_loop3A_1067 = tpu.vector_load %arg6[%parallel_loop3A_1065, %parallel_loop3A_1066] {strides = array<i32>} : memref<33x128xf32, #tpu.memory_space<vmem>>, vector<16xf32>,
          tpu.vector_store %arg6[%parallel_loop3A_1065, %parallel_loop3A_1066], %parallel_loop3A_1064 {add = true, strides = array<i32>} : memref<33x128xf32, #tpu.memory_space<vmem>>, vector<16xf32>,
        } {sc.loop_unroll_factor = 8 : i64, sc.parallel_access}
        %scan3A_1052 = arith.constant 0 : i32
        scf.yield %scan3A_1052 : i32
      }
      %scan3A_981 = arith.constant 32 : i32
      %add3A_982 = arith.constant 2 : i32
      %add3A_983 = arith.addi %mul3A_941, %add3A_982 : i32
      %mul3A_984 = arith.constant 64 : i32
      %mul3A_985 = arith.muli %add3A_983, %mul3A_984 : i32
      %add3A_986 = arith.addi %mul3A_108, %mul3A_985 : i32
      %min3A_987 = arith.constant 4032 : i32
      %min3A_988 = arith.minsi %add3A_986, %min3A_987 : i32
      %multiple_of3A_989 = tpu.assume_multiple %min3A_988, 8 : i32
      %dma_start3A_990 = arith.constant 0 : i32
      %dma_start3A_991 = arith.constant 896 : i32
      %dma_start3A_992 = tpu.memref_slice %arg2[%dma_start3A_990, %multiple_of3A_989, %dma_start3A_991] : memref<4x4096x1024xf32, #tpu.memory_space<hbm>> -> memref<1x64x128xf32, #tpu.memory_space<hbm>>
      %dma_start3A_993 = tpu.memref_squeeze %dma_start3A_992 : memref<1x64x128xf32, #tpu.memory_space<hbm>> -> memref<64x128xf32, #tpu.memory_space<hbm>>
      %dma_start3A_994 = arith.constant 896 : i32
      %dma_start3A_995 = tpu.memref_slice %arg2[%dma_start3A_990, %multiple_of3A_989, %dma_start3A_994] : memref<4x4096x1024xf32, #tpu.memory_space<hbm>> -> memref<1x64x128xf32, #tpu.memory_space<hbm>>
      %dma_start3A_996 = tpu.memref_squeeze %dma_start3A_995 : memref<1x64x128xf32, #tpu.memory_space<hbm>> -> memref<64x128xf32, #tpu.memory_space<hbm>>
      tpu.enqueue_dma source(%dma_start3A_996 : memref<64x128xf32, #tpu.memory_space<hbm>>) target(%arg7 : memref<64x128xf32, #tpu.memory_space<vmem>>) target_semaphore(%arg11 : memref<!tpu.dma_semaphore, #tpu.memory_space<semaphore_mem>>)
      %dma_wait3A_997 = arith.constant 0 : i32
      %dma_wait3A_998 = arith.constant 0 : i32
      %dma_wait3A_999 = arith.constant 896 : i32
      %dma_wait3A_1000 = tpu.memref_slice %arg2[%dma_wait3A_997, %dma_wait3A_998, %dma_wait3A_999] : memref<4x4096x1024xf32, #tpu.memory_space<hbm>> -> memref<1x64x128xf32, #tpu.memory_space<hbm>>
      %dma_wait3A_1001 = tpu.memref_squeeze %dma_wait3A_1000 : memref<1x64x128xf32, #tpu.memory_space<hbm>> -> memref<64x128xf32, #tpu.memory_space<hbm>>
      %dma_wait3A_1002 = arith.constant 0 : i32
      %dma_wait3A_1003 = arith.constant 896 : i32
      %dma_wait3A_1004 = tpu.memref_slice %arg2[%dma_wait3A_997, %dma_wait3A_1002, %dma_wait3A_1003] : memref<4x4096x1024xf32, #tpu.memory_space<hbm>> -> memref<1x64x128xf32, #tpu.memory_space<hbm>>
      %dma_wait3A_1005 = tpu.memref_squeeze %dma_wait3A_1004 : memref<1x64x128xf32, #tpu.memory_space<hbm>> -> memref<64x128xf32, #tpu.memory_space<hbm>>
      tpu.wait_dma2 semaphore(%arg12 : memref<!tpu.dma_semaphore, #tpu.memory_space<semaphore_mem>>) src(%dma_wait3A_1005 : memref<64x128xf32, #tpu.memory_space<hbm>>) dst(%arg8 : memref<64x128xf32, #tpu.memory_space<vmem>>)
      %add3A_1006 = arith.constant 1 : i32
      %add3A_1007 = arith.addi %mul3A_941, %add3A_1006 : i32
      %mul3A_1008 = arith.constant 64 : i32
      %mul3A_1009 = arith.muli %add3A_1007, %mul3A_1008 : i32
      %add3A_1010 = arith.addi %mul3A_108, %mul3A_1009 : i32
      %mul3A_1011 = arith.constant 64 : i32
      %mul3A_1012 = arith.muli %add3A_1007, %mul3A_1011 : i32
      %add3A_1013 = arith.addi %mul3A_108, %mul3A_1012 : i32
      %min3A_1014 = arith.constant 4032 : i32
      %min3A_1015 = arith.minsi %add3A_1013, %min3A_1014 : i32
      %multiple_of3A_1016 = tpu.assume_multiple %min3A_1015, 8 : i32
      %max3A_1017 = arith.maxsi %add3A_1010, %squeeze3A : i32
      %scan3A_1018 = arith.constant 0 : i32
      %scan3A_1019 = arith.constant 0 : i32
      %scan3A_1020 = arith.constant 32 : i32
      %scan3A_1021 = arith.addi %scan3A_1019, %scan3A_1020 : i32
      %scan3A_1022 = arith.constant 1 : i32
      %scan3A_1023 = scf.for %scan3A_1026 = %scan3A_1019 to %scan3A_1021 step %scan3A_1022 iter_args(%scan3A_1027 = %scan3A_1018) -> (i32)  : i32 {
        %mul3A_1028 = arith.constant 2 : i32
        %mul3A_1029 = arith.muli %mul3A_1028, %scan3A_1026 : i32
        %add3A_1030 = arith.constant 1 : i32
        %add3A_1031 = arith.addi %mul3A_1029, %add3A_1030 : i32
        %add3A_1032 = arith.addi %multiple_of3A_1016, %mul3A_1029 : i32
        %add3A_1033 = arith.addi %multiple_of3A_1016, %add3A_1031 : i32
        %get3A_1034 = arith.index_cast %add3A_1032 : i32 to index
        %get3A_1035 = tpu.vector_load %arg5[%get3A_1034] {strides = array<i32>} : memref<4112xi32, #tpu.memory_space<vmem>>, vector<16xi32>,
        %ge3A = arith.cmpi sge, %add3A_1032, %max3A_1017 : i32
        %lt3A = arith.cmpi slt, %add3A_1032, %squeeze3A_88 : i32
        %and3A_1036 = arith.andi %ge3A, %lt3A : i1
        %slice3A_1037 = vector.extract_strided_slice %get3A_1035 {offsets = [0], sizes = [1], strides = [1]} : vector<16xi32> to vector<1xi32>
        %squeeze3A_1038 = vector.extract %slice3A_1037[0] : i32 from vector<1xi32>
        %sub3A_1039 = arith.subi %squeeze3A_1038, %mul3A_3 : i32
        %jit3A_1040 = arith.constant 32 : i32
        %select_n3A_1041 = arith.select %and3A_1036, %sub3A_1039, %jit3A_1040 : i32
        %ge3A_1042 = arith.cmpi sge, %add3A_1033, %max3A_1017 : i32
        %lt3A_1043 = arith.cmpi slt, %add3A_1033, %squeeze3A_88 : i32
        %and3A_1044 = arith.andi %ge3A_1042, %lt3A_1043 : i1
        %slice3A_1045 = vector.extract_strided_slice %get3A_1035 {offsets = [1], sizes = [1], strides = [1]} : vector<16xi32> to vector<1xi32>
        %squeeze3A_1046 = vector.extract %slice3A_1045[0] : i32 from vector<1xi32>
        %sub3A_1047 = arith.subi %squeeze3A_1046, %mul3A_3 : i32
        %jit3A_1048 = arith.constant 32 : i32
        %select_n3A_1049 = arith.select %and3A_1044, %sub3A_1047, %jit3A_1048 : i32
        %parallel_loop3A = arith.constant 0 : i32
        %parallel_loop3A_1050 = arith.constant 8 : i32
        %parallel_loop3A_1051 = arith.constant 1 : i32
        scf.for %parallel_loop3A_1053 = %parallel_loop3A to %parallel_loop3A_1050 step %parallel_loop3A_1051  : i32 {
          %parallel_loop3A_1054 = arith.constant 16 : i32
          %parallel_loop3A_1055 = arith.muli %parallel_loop3A_1053, %parallel_loop3A_1054 : i32
          %parallel_loop3A_1056 = arith.index_cast %mul3A_1029 : i32 to index
          %parallel_loop3A_1057 = arith.index_cast %parallel_loop3A_1055 : i32 to index
          %parallel_loop3A_1058 = tpu.vector_load %arg8[%parallel_loop3A_1056, %parallel_loop3A_1057] {strides = array<i32>} : memref<64x128xf32, #tpu.memory_space<vmem>>, vector<16xf32>,
          %parallel_loop3A_1059 = arith.index_cast %select_n3A_1041 : i32 to index
          %parallel_loop3A_1060 = arith.index_cast %parallel_loop3A_1055 : i32 to index
          %parallel_loop3A_1061 = tpu.vector_load %arg6[%parallel_loop3A_1059, %parallel_loop3A_1060] {strides = array<i32>} : memref<33x128xf32, #tpu.memory_space<vmem>>, vector<16xf32>,
          tpu.vector_store %arg6[%parallel_loop3A_1059, %parallel_loop3A_1060], %parallel_loop3A_1058 {add = true, strides = array<i32>} : memref<33x128xf32, #tpu.memory_space<vmem>>, vector<16xf32>,
          %parallel_loop3A_1062 = arith.index_cast %add3A_1031 : i32 to index
          %parallel_loop3A_1063 = arith.index_cast %parallel_loop3A_1055 : i32 to index
          %parallel_loop3A_1064 = tpu.vector_load %arg8[%parallel_loop3A_1062, %parallel_loop3A_1063] {strides = array<i32>} : memref<64x128xf32, #tpu.memory_space<vmem>>, vector<16xf32>,
          %parallel_loop3A_1065 = arith.index_cast %select_n3A_1049 : i32 to index
          %parallel_loop3A_1066 = arith.index_cast %parallel_loop3A_1055 : i32 to index
          %parallel_loop3A_1067 = tpu.vector_load %arg6[%parallel_loop3A_1065, %parallel_loop3A_1066] {strides = array<i32>} : memref<33x128xf32, #tpu.memory_space<vmem>>, vector<16xf32>,
          tpu.vector_store %arg6[%parallel_loop3A_1065, %parallel_loop3A_1066], %parallel_loop3A_1064 {add = true, strides = array<i32>} : memref<33x128xf32, #tpu.memory_space<vmem>>, vector<16xf32>,
        } {sc.loop_unroll_factor = 8 : i64, sc.parallel_access}
        %scan3A_1052 = arith.constant 0 : i32
        scf.yield %scan3A_1052 : i32
      }
      %scan3A_1024 = arith.constant 32 : i32
      %while3A_1025 = arith.constant 0 : i32
      scf.yield %while3A_1025 : i32
    }
    %dma_wait3A = arith.constant 0 : i32
    %dma_wait3A_184 = arith.constant 0 : i32
    %dma_wait3A_185 = arith.constant 896 : i32
    %dma_wait3A_186 = tpu.memref_slice %arg2[%dma_wait3A, %dma_wait3A_184, %dma_wait3A_185] : memref<4x4096x1024xf32, #tpu.memory_space<hbm>> -> memref<1x64x128xf32, #tpu.memory_space<hbm>>
    %dma_wait3A_187 = tpu.memref_squeeze %dma_wait3A_186 : memref<1x64x128xf32, #tpu.memory_space<hbm>> -> memref<64x128xf32, #tpu.memory_space<hbm>>
    %dma_wait3A_188 = arith.constant 0 : i32
    %dma_wait3A_189 = arith.constant 896 : i32
    %dma_wait3A_190 = tpu.memref_slice %arg2[%dma_wait3A, %dma_wait3A_188, %dma_wait3A_189] : memref<4x4096x1024xf32, #tpu.memory_space<hbm>> -> memref<1x64x128xf32, #tpu.memory_space<hbm>>
    %dma_wait3A_191 = tpu.memref_squeeze %dma_wait3A_190 : memref<1x64x128xf32, #tpu.memory_space<hbm>> -> memref<64x128xf32, #tpu.memory_space<hbm>>
    tpu.wait_dma2 semaphore(%arg11 : memref<!tpu.dma_semaphore, #tpu.memory_space<semaphore_mem>>) src(%dma_wait3A_191 : memref<64x128xf32, #tpu.memory_space<hbm>>) dst(%arg7 : memref<64x128xf32, #tpu.memory_space<vmem>>)
    %scan3A_192 = arith.constant 0 : i32
    %scan3A_193 = arith.constant 0 : i32
    %scan3A_194 = arith.constant 32 : i32
    %scan3A_195 = arith.addi %scan3A_193, %scan3A_194 : i32
    %scan3A_196 = arith.constant 1 : i32
    %scan3A_197 = scf.for %scan3A_938 = %scan3A_193 to %scan3A_195 step %scan3A_196 iter_args(%scan3A_939 = %scan3A_192) -> (i32)  : i32 {
      %broadcast_in_dim3A_940 = vector.broadcast %scan3A_938 : i32 to vector<16xi32>
      %gather3A = tpu.vector_load_idx %arg10[%broadcast_in_dim3A_940] : memref<32xf32, #tpu.memory_space<vmem>>[vector<16xi32>], vector<16xf32>,
      %parallel_loop3A = arith.constant 0 : i32
      %parallel_loop3A_941 = arith.constant 8 : i32
      %parallel_loop3A_942 = arith.constant 1 : i32
      scf.for %parallel_loop3A_944 = %parallel_loop3A to %parallel_loop3A_941 step %parallel_loop3A_942  : i32 {
        %parallel_loop3A_945 = arith.constant 16 : i32
        %parallel_loop3A_946 = arith.muli %parallel_loop3A_944, %parallel_loop3A_945 : i32
        %parallel_loop3A_947 = arith.index_cast %scan3A_938 : i32 to index
        %parallel_loop3A_948 = arith.index_cast %parallel_loop3A_946 : i32 to index
        %parallel_loop3A_949 = tpu.vector_load %arg6[%parallel_loop3A_947, %parallel_loop3A_948] {strides = array<i32>} : memref<33x128xf32, #tpu.memory_space<vmem>>, vector<16xf32>,
        %parallel_loop3A_950 = arith.mulf %parallel_loop3A_949, %gather3A : vector<16xf32>
        %parallel_loop3A_951 = arith.index_cast %scan3A_938 : i32 to index
        %parallel_loop3A_952 = arith.index_cast %parallel_loop3A_946 : i32 to index
        %parallel_loop3A_953 = tpu.vector_load %arg7[%parallel_loop3A_951, %parallel_loop3A_952] {strides = array<i32>} : memref<64x128xf32, #tpu.memory_space<vmem>>, vector<16xf32>,
        tpu.vector_store %arg7[%parallel_loop3A_951, %parallel_loop3A_952], %parallel_loop3A_950 {strides = array<i32>} : memref<64x128xf32, #tpu.memory_space<vmem>>, vector<16xf32>,
        %parallel_loop3A_954 = arith.index_cast %scan3A_938 : i32 to index
        %parallel_loop3A_955 = arith.index_cast %parallel_loop3A_946 : i32 to index
        %parallel_loop3A_956 = tpu.vector_load %arg6[%parallel_loop3A_954, %parallel_loop3A_955] {strides = array<i32>} : memref<33x128xf32, #tpu.memory_space<vmem>>, vector<16xf32>,
        tpu.vector_store %arg6[%parallel_loop3A_954, %parallel_loop3A_955], %broadcast_in_dim3A_0 {strides = array<i32>} : memref<33x128xf32, #tpu.memory_space<vmem>>, vector<16xf32>,
      } {sc.loop_unroll_factor = 8 : i64, sc.parallel_access}
      %scan3A_943 = arith.constant 0 : i32
      scf.yield %scan3A_943 : i32
    }
    %scan3A_198 = arith.constant 32 : i32
    %multiple_of3A_199 = tpu.assume_multiple %mul3A_3, 8 : i32
    %dma_start3A_200 = arith.constant 0 : i32
    %dma_start3A_201 = arith.constant 0 : i32
    %dma_start3A_202 = arith.constant 0 : i32
    %dma_start3A_203 = tpu.memref_slice %arg7[%dma_start3A_201, %dma_start3A_202] : memref<64x128xf32, #tpu.memory_space<vmem>> -> memref<32x128xf32, #tpu.memory_space<vmem>>
    %dma_start3A_204 = arith.constant 0 : i32
    %dma_start3A_205 = tpu.memref_slice %arg4[%dma_start3A_200, %multiple_of3A_199, %dma_start3A_204] : memref<4x1024x128xf32, #tpu.memory_space<hbm>> -> memref<1x32x128xf32, #tpu.memory_space<hbm>>
    %dma_start3A_206 = tpu.memref_squeeze %dma_start3A_205 : memref<1x32x128xf32, #tpu.memory_space<hbm>> -> memref<32x128xf32, #tpu.memory_space<hbm>>
    %dma_start3A_207 = arith.constant 0 : i32
    %dma_start3A_208 = tpu.memref_slice %arg4[%dma_start3A_200, %multiple_of3A_199, %dma_start3A_207] : memref<4x1024x128xf32, #tpu.memory_space<hbm>> -> memref<1x32x128xf32, #tpu.memory_space<hbm>>
    %dma_start3A_209 = tpu.memref_squeeze %dma_start3A_208 : memref<1x32x128xf32, #tpu.memory_space<hbm>> -> memref<32x128xf32, #tpu.memory_space<hbm>>
    %dma_start3A_210 = arith.constant 0 : i32
    %dma_start3A_211 = arith.constant 0 : i32
    %dma_start3A_212 = tpu.memref_slice %arg7[%dma_start3A_210, %dma_start3A_211] : memref<64x128xf32, #tpu.memory_space<vmem>> -> memref<32x128xf32, #tpu.memory_space<vmem>>
    tpu.enqueue_dma source(%dma_start3A_212 : memref<32x128xf32, #tpu.memory_space<vmem>>) target(%dma_start3A_209 : memref<32x128xf32, #tpu.memory_space<hbm>>) target_semaphore(%arg13 : memref<!tpu.dma_semaphore, #tpu.memory_space<semaphore_mem>>)
    %run_scoped3A_213 = arith.constant 1 : i32
    "tpu.region"() ({
      %run_scoped3A_938 = tpu.sem_alloc : memref<!tpu.dma_semaphore, #tpu.memory_space<semaphore_mem>>
      %dma_start3A_939 = arith.constant 0 : i32
      %dma_start3A_940 = tpu.memref_slice %arg5[%dma_start3A_939] : memref<4112xi32, #tpu.memory_space<vmem>> -> memref<4096xi32, #tpu.memory_space<vmem>>
      %dma_start3A_941 = arith.constant 0 : i32
      %dma_start3A_942 = tpu.memref_slice %arg3[%run_scoped3A_213, %dma_start3A_941] : memref<4x4096xi32, #tpu.memory_space<hbm>> -> memref<1x4096xi32, #tpu.memory_space<hbm>>
      %dma_start3A_943 = tpu.memref_squeeze %dma_start3A_942 : memref<1x4096xi32, #tpu.memory_space<hbm>> -> memref<4096xi32, #tpu.memory_space<hbm>>
      %dma_start3A_944 = arith.constant 0 : i32
      %dma_start3A_945 = tpu.memref_slice %arg5[%dma_start3A_944] : memref<4112xi32, #tpu.memory_space<vmem>> -> memref<4096xi32, #tpu.memory_space<vmem>>
      %dma_start3A_946 = arith.constant 0 : i32
      %dma_start3A_947 = tpu.memref_slice %arg3[%run_scoped3A_213, %dma_start3A_946] : memref<4x4096xi32, #tpu.memory_space<hbm>> -> memref<1x4096xi32, #tpu.memory_space<hbm>>
      %dma_start3A_948 = tpu.memref_squeeze %dma_start3A_947 : memref<1x4096xi32, #tpu.memory_space<hbm>> -> memref<4096xi32, #tpu.memory_space<hbm>>
      tpu.enqueue_dma source(%dma_start3A_948 : memref<4096xi32, #tpu.memory_space<hbm>>) target(%dma_start3A_945 : memref<4096xi32, #tpu.memory_space<vmem>>) target_semaphore(%run_scoped3A_938 : memref<!tpu.dma_semaphore, #tpu.memory_space<semaphore_mem>>)
      %dma_wait3A_949 = arith.constant 0 : i32
      %dma_wait3A_950 = tpu.memref_slice %arg5[%dma_wait3A_949] : memref<4112xi32, #tpu.memory_space<vmem>> -> memref<4096xi32, #tpu.memory_space<vmem>>
      %dma_wait3A_951 = arith.constant 0 : i32
      %dma_wait3A_952 = tpu.memref_slice %arg3[%run_scoped3A_213, %dma_wait3A_951] : memref<4x4096xi32, #tpu.memory_space<hbm>> -> memref<1x4096xi32, #tpu.memory_space<hbm>>
      %dma_wait3A_953 = tpu.memref_squeeze %dma_wait3A_952 : memref<1x4096xi32, #tpu.memory_space<hbm>> -> memref<4096xi32, #tpu.memory_space<hbm>>
      %dma_wait3A_954 = arith.constant 0 : i32
      %dma_wait3A_955 = tpu.memref_slice %arg5[%dma_wait3A_954] : memref<4112xi32, #tpu.memory_space<vmem>> -> memref<4096xi32, #tpu.memory_space<vmem>>
      %dma_wait3A_956 = arith.constant 0 : i32
      %dma_wait3A_957 = tpu.memref_slice %arg3[%run_scoped3A_213, %dma_wait3A_956] : memref<4x4096xi32, #tpu.memory_space<hbm>> -> memref<1x4096xi32, #tpu.memory_space<hbm>>
      %dma_wait3A_958 = tpu.memref_squeeze %dma_wait3A_957 : memref<1x4096xi32, #tpu.memory_space<hbm>> -> memref<4096xi32, #tpu.memory_space<hbm>>
      tpu.wait_dma2 semaphore(%run_scoped3A_938 : memref<!tpu.dma_semaphore, #tpu.memory_space<semaphore_mem>>) src(%dma_wait3A_958 : memref<4096xi32, #tpu.memory_space<hbm>>) dst(%dma_wait3A_955 : memref<4096xi32, #tpu.memory_space<vmem>>)
      tpu.yield
    }) : () -> ()
    %multiple_of3A_214 = tpu.assume_multiple %mul3A_3, 8 : i32
    %dma_wait3A_215 = arith.constant 0 : i32
    %dma_wait3A_216 = arith.constant 0 : i32
    %dma_wait3A_217 = arith.constant 0 : i32
    %dma_wait3A_218 = tpu.memref_slice %arg7[%dma_wait3A_216, %dma_wait3A_217] : memref<64x128xf32, #tpu.memory_space<vmem>> -> memref<32x128xf32, #tpu.memory_space<vmem>>
    %dma_wait3A_219 = arith.constant 0 : i32
    %dma_wait3A_220 = tpu.memref_slice %arg4[%dma_wait3A_215, %multiple_of3A_214, %dma_wait3A_219] : memref<4x1024x128xf32, #tpu.memory_space<hbm>> -> memref<1x32x128xf32, #tpu.memory_space<hbm>>
    %dma_wait3A_221 = tpu.memref_squeeze %dma_wait3A_220 : memref<1x32x128xf32, #tpu.memory_space<hbm>> -> memref<32x128xf32, #tpu.memory_space<hbm>>
    %dma_wait3A_222 = arith.constant 0 : i32
    %dma_wait3A_223 = tpu.memref_slice %arg4[%dma_wait3A_215, %multiple_of3A_214, %dma_wait3A_222] : memref<4x1024x128xf32, #tpu.memory_space<hbm>> -> memref<1x32x128xf32, #tpu.memory_space<hbm>>
    %dma_wait3A_224 = tpu.memref_squeeze %dma_wait3A_223 : memref<1x32x128xf32, #tpu.memory_space<hbm>> -> memref<32x128xf32, #tpu.memory_space<hbm>>
    %dma_wait3A_225 = arith.constant 0 : i32
    %dma_wait3A_226 = arith.constant 0 : i32
    %dma_wait3A_227 = tpu.memref_slice %arg7[%dma_wait3A_225, %dma_wait3A_226] : memref<64x128xf32, #tpu.memory_space<vmem>> -> memref<32x128xf32, #tpu.memory_space<vmem>>
    tpu.wait_dma2 semaphore(%arg13 : memref<!tpu.dma_semaphore, #tpu.memory_space<semaphore_mem>>) src(%dma_wait3A_227 : memref<32x128xf32, #tpu.memory_space<vmem>>) dst(%dma_wait3A_224 : memref<32x128xf32, #tpu.memory_space<hbm>>)
    %iota3A_228 = tpu.iota {dimensions = array<i32: 0>} : vector<16xi32>
    %add3A_229 = arith.constant 0 : i32
    %add3A_230 = arith.addi %mul3A_3, %add3A_229 : i32
    %add3A_231 = vector.broadcast %add3A_230 : i32 to vector<16xi32>
    %add3A_232 = arith.addi %iota3A_228, %add3A_231 : vector<16xi32>
    %broadcast_in_dim3A_233 = arith.constant 0 : i32
    %broadcast_in_dim3A_234 = vector.broadcast %broadcast_in_dim3A_233 : i32 to vector<16xi32>
    %broadcast_in_dim3A_235 = arith.constant 4096 : i32
    %broadcast_in_dim3A_236 = vector.broadcast %broadcast_in_dim3A_235 : i32 to vector<16xi32>
    %scan3A_237 = arith.constant 0 : i32
    %scan3A_238 = arith.constant 13 : i32
    %scan3A_239 = arith.addi %scan3A_237, %scan3A_238 : i32
    %scan3A_240 = arith.constant 1 : i32
    %scan3A_241:2 = scf.for %scan3A_938 = %scan3A_237 to %scan3A_239 step %scan3A_240 iter_args(%scan3A_939 = %broadcast_in_dim3A_234, %scan3A_940 = %broadcast_in_dim3A_236) -> (vector<16xi32>, vector<16xi32>)  : i32 {
      %add3A_941 = arith.addi %scan3A_939, %scan3A_940 : vector<16xi32>
      %shift_right_arithmetic3A = arith.constant 1 : i32
      %shift_right_arithmetic3A_942 = vector.broadcast %shift_right_arithmetic3A : i32 to vector<16xi32>
      %shift_right_arithmetic3A_943 = arith.shrsi %add3A_941, %shift_right_arithmetic3A_942 : vector<16xi32>
      %min3A_944 = arith.constant 4095 : i32
      %min3A_945 = vector.broadcast %min3A_944 : i32 to vector<16xi32>
      %min3A_946 = arith.minsi %shift_right_arithmetic3A_943, %min3A_945 : vector<16xi32>
      %gather3A = tpu.vector_load_idx %arg5[%min3A_946] : memref<4112xi32, #tpu.memory_space<vmem>>[vector<16xi32>], vector<16xi32>,
      %lt3A = arith.cmpi slt, %gather3A, %add3A_232 : vector<16xi32>
      %lt3A_947 = arith.constant 4096 : i32
      %lt3A_948 = vector.broadcast %lt3A_947 : i32 to vector<16xi32>
      %lt3A_949 = arith.cmpi slt, %shift_right_arithmetic3A_943, %lt3A_948 : vector<16xi32>
      %and3A_950 = arith.andi %lt3A, %lt3A_949 : vector<16xi1>
      %add3A_951 = arith.constant 1 : i32
      %add3A_952 = vector.broadcast %add3A_951 : i32 to vector<16xi32>
      %add3A_953 = arith.addi %shift_right_arithmetic3A_943, %add3A_952 : vector<16xi32>
      %select_n3A_954 = arith.select %and3A_950, %add3A_953, %scan3A_939 : vector<16xi1>, vector<16xi32>
      %select_n3A_955 = arith.select %and3A_950, %scan3A_940, %shift_right_arithmetic3A_943 : vector<16xi1>, vector<16xi32>
      scf.yield %select_n3A_954, %select_n3A_955 : vector<16xi32>, vector<16xi32>
    }
    %scan3A_242 = arith.constant 13 : i32
    %swap3A_243 = arith.constant 0 : index
    %swap3A_244 = tpu.vector_load %arg9[%swap3A_243] {strides = array<i32>} : memref<48xi32, #tpu.memory_space<vmem>>, vector<16xi32>,
    tpu.vector_store %arg9[%swap3A_243], %scan3A_241#0 {strides = array<i32>} : memref<48xi32, #tpu.memory_space<vmem>>, vector<16xi32>,
    %iota3A_245 = tpu.iota {dimensions = array<i32: 0>} : vector<16xi32>
    %add3A_246 = arith.constant 16 : i32
    %add3A_247 = arith.addi %mul3A_3, %add3A_246 : i32
    %add3A_248 = vector.broadcast %add3A_247 : i32 to vector<16xi32>
    %add3A_249 = arith.addi %iota3A_245, %add3A_248 : vector<16xi32>
    %broadcast_in_dim3A_250 = arith.constant 0 : i32
    %broadcast_in_dim3A_251 = vector.broadcast %broadcast_in_dim3A_250 : i32 to vector<16xi32>
    %broadcast_in_dim3A_252 = arith.constant 4096 : i32
    %broadcast_in_dim3A_253 = vector.broadcast %broadcast_in_dim3A_252 : i32 to vector<16xi32>
    %scan3A_254 = arith.constant 0 : i32
    %scan3A_255 = arith.constant 13 : i32
    %scan3A_256 = arith.addi %scan3A_254, %scan3A_255 : i32
    %scan3A_257 = arith.constant 1 : i32
    %scan3A_258:2 = scf.for %scan3A_938 = %scan3A_254 to %scan3A_256 step %scan3A_257 iter_args(%scan3A_939 = %broadcast_in_dim3A_251, %scan3A_940 = %broadcast_in_dim3A_253) -> (vector<16xi32>, vector<16xi32>)  : i32 {
      %add3A_941 = arith.addi %scan3A_939, %scan3A_940 : vector<16xi32>
      %shift_right_arithmetic3A = arith.constant 1 : i32
      %shift_right_arithmetic3A_942 = vector.broadcast %shift_right_arithmetic3A : i32 to vector<16xi32>
      %shift_right_arithmetic3A_943 = arith.shrsi %add3A_941, %shift_right_arithmetic3A_942 : vector<16xi32>
      %min3A_944 = arith.constant 4095 : i32
      %min3A_945 = vector.broadcast %min3A_944 : i32 to vector<16xi32>
      %min3A_946 = arith.minsi %shift_right_arithmetic3A_943, %min3A_945 : vector<16xi32>
      %gather3A = tpu.vector_load_idx %arg5[%min3A_946] : memref<4112xi32, #tpu.memory_space<vmem>>[vector<16xi32>], vector<16xi32>,
      %lt3A = arith.cmpi slt, %gather3A, %add3A_249 : vector<16xi32>
      %lt3A_947 = arith.constant 4096 : i32
      %lt3A_948 = vector.broadcast %lt3A_947 : i32 to vector<16xi32>
      %lt3A_949 = arith.cmpi slt, %shift_right_arithmetic3A_943, %lt3A_948 : vector<16xi32>
      %and3A_950 = arith.andi %lt3A, %lt3A_949 : vector<16xi1>
      %add3A_951 = arith.constant 1 : i32
      %add3A_952 = vector.broadcast %add3A_951 : i32 to vector<16xi32>
      %add3A_953 = arith.addi %shift_right_arithmetic3A_943, %add3A_952 : vector<16xi32>
      %select_n3A_954 = arith.select %and3A_950, %add3A_953, %scan3A_939 : vector<16xi1>, vector<16xi32>
      %select_n3A_955 = arith.select %and3A_950, %scan3A_940, %shift_right_arithmetic3A_943 : vector<16xi1>, vector<16xi32>
      scf.yield %select_n3A_954, %select_n3A_955 : vector<16xi32>, vector<16xi32>
    }
    %scan3A_259 = arith.constant 13 : i32
    %swap3A_260 = arith.constant 16 : index
    %swap3A_261 = tpu.vector_load %arg9[%swap3A_260] {strides = array<i32>} : memref<48xi32, #tpu.memory_space<vmem>>, vector<16xi32>,
    tpu.vector_store %arg9[%swap3A_260], %scan3A_258#0 {strides = array<i32>} : memref<48xi32, #tpu.memory_space<vmem>>, vector<16xi32>,
    %iota3A_262 = tpu.iota {dimensions = array<i32: 0>} : vector<16xi32>
    %add3A_263 = arith.constant 32 : i32
    %add3A_264 = arith.addi %mul3A_3, %add3A_263 : i32
    %add3A_265 = vector.broadcast %add3A_264 : i32 to vector<16xi32>
    %add3A_266 = arith.addi %iota3A_262, %add3A_265 : vector<16xi32>
    %broadcast_in_dim3A_267 = arith.constant 0 : i32
    %broadcast_in_dim3A_268 = vector.broadcast %broadcast_in_dim3A_267 : i32 to vector<16xi32>
    %broadcast_in_dim3A_269 = arith.constant 4096 : i32
    %broadcast_in_dim3A_270 = vector.broadcast %broadcast_in_dim3A_269 : i32 to vector<16xi32>
    %scan3A_271 = arith.constant 0 : i32
    %scan3A_272 = arith.constant 13 : i32
    %scan3A_273 = arith.addi %scan3A_271, %scan3A_272 : i32
    %scan3A_274 = arith.constant 1 : i32
    %scan3A_275:2 = scf.for %scan3A_938 = %scan3A_271 to %scan3A_273 step %scan3A_274 iter_args(%scan3A_939 = %broadcast_in_dim3A_268, %scan3A_940 = %broadcast_in_dim3A_270) -> (vector<16xi32>, vector<16xi32>)  : i32 {
      %add3A_941 = arith.addi %scan3A_939, %scan3A_940 : vector<16xi32>
      %shift_right_arithmetic3A = arith.constant 1 : i32
      %shift_right_arithmetic3A_942 = vector.broadcast %shift_right_arithmetic3A : i32 to vector<16xi32>
      %shift_right_arithmetic3A_943 = arith.shrsi %add3A_941, %shift_right_arithmetic3A_942 : vector<16xi32>
      %min3A_944 = arith.constant 4095 : i32
      %min3A_945 = vector.broadcast %min3A_944 : i32 to vector<16xi32>
      %min3A_946 = arith.minsi %shift_right_arithmetic3A_943, %min3A_945 : vector<16xi32>
      %gather3A = tpu.vector_load_idx %arg5[%min3A_946] : memref<4112xi32, #tpu.memory_space<vmem>>[vector<16xi32>], vector<16xi32>,
      %lt3A = arith.cmpi slt, %gather3A, %add3A_266 : vector<16xi32>
      %lt3A_947 = arith.constant 4096 : i32
      %lt3A_948 = vector.broadcast %lt3A_947 : i32 to vector<16xi32>
      %lt3A_949 = arith.cmpi slt, %shift_right_arithmetic3A_943, %lt3A_948 : vector<16xi32>
      %and3A_950 = arith.andi %lt3A, %lt3A_949 : vector<16xi1>
      %add3A_951 = arith.constant 1 : i32
      %add3A_952 = vector.broadcast %add3A_951 : i32 to vector<16xi32>
      %add3A_953 = arith.addi %shift_right_arithmetic3A_943, %add3A_952 : vector<16xi32>
      %select_n3A_954 = arith.select %and3A_950, %add3A_953, %scan3A_939 : vector<16xi1>, vector<16xi32>
      %select_n3A_955 = arith.select %and3A_950, %scan3A_940, %shift_right_arithmetic3A_943 : vector<16xi1>, vector<16xi32>
      scf.yield %select_n3A_954, %select_n3A_955 : vector<16xi32>, vector<16xi32>
    }
    %scan3A_276 = arith.constant 13 : i32
    %swap3A_277 = arith.constant 32 : index
    %swap3A_278 = tpu.vector_load %arg9[%swap3A_277] {strides = array<i32>} : memref<48xi32, #tpu.memory_space<vmem>>, vector<16xi32>,
    tpu.vector_store %arg9[%swap3A_277], %scan3A_275#0 {strides = array<i32>} : memref<48xi32, #tpu.memory_space<vmem>>, vector<16xi32>,
    %get3A_279 = arith.constant 1 : index
    %get3A_280 = tpu.vector_load %arg9[%get3A_279] {strides = array<i32>} : memref<48xi32, #tpu.memory_space<vmem>>, vector<16xi32>,
    %get3A_281 = arith.constant 0 : index
    %get3A_282 = tpu.vector_load %arg9[%get3A_281] {strides = array<i32>} : memref<48xi32, #tpu.memory_space<vmem>>, vector<16xi32>,
    %sub3A_283 = arith.subi %get3A_280, %get3A_282 : vector<16xi32>
    %convert_element_type3A_284 = arith.sitofp %sub3A_283 : vector<16xi32> to vector<16xf32>
    %add3A_285 = arith.constant 1.000000e+00 : f32
    %add3A_286 = vector.broadcast %add3A_285 : f32 to vector<16xf32>
    %add3A_287 = arith.addf %convert_element_type3A_284, %add3A_286 : vector<16xf32>
    %div3A_288 = arith.constant 1.000000e+00 : f32
    %div3A_289 = vector.broadcast %div3A_288 : f32 to vector<16xf32>
    %div3A_290 = arith.divf %div3A_289, %add3A_287 : vector<16xf32>
    %swap3A_291 = arith.constant 0 : index
    %swap3A_292 = tpu.vector_load %arg10[%swap3A_291] {strides = array<i32>} : memref<32xf32, #tpu.memory_space<vmem>>, vector<16xf32>,
    tpu.vector_store %arg10[%swap3A_291], %div3A_290 {strides = array<i32>} : memref<32xf32, #tpu.memory_space<vmem>>, vector<16xf32>,
    %get3A_293 = arith.constant 17 : index
    %get3A_294 = tpu.vector_load %arg9[%get3A_293] {strides = array<i32>} : memref<48xi32, #tpu.memory_space<vmem>>, vector<16xi32>,
    %get3A_295 = arith.constant 16 : index
    %get3A_296 = tpu.vector_load %arg9[%get3A_295] {strides = array<i32>} : memref<48xi32, #tpu.memory_space<vmem>>, vector<16xi32>,
    %sub3A_297 = arith.subi %get3A_294, %get3A_296 : vector<16xi32>
    %convert_element_type3A_298 = arith.sitofp %sub3A_297 : vector<16xi32> to vector<16xf32>
    %add3A_299 = arith.constant 1.000000e+00 : f32
    %add3A_300 = vector.broadcast %add3A_299 : f32 to vector<16xf32>
    %add3A_301 = arith.addf %convert_element_type3A_298, %add3A_300 : vector<16xf32>
    %div3A_302 = arith.constant 1.000000e+00 : f32
    %div3A_303 = vector.broadcast %div3A_302 : f32 to vector<16xf32>
    %div3A_304 = arith.divf %div3A_303, %add3A_301 : vector<16xf32>
    %swap3A_305 = arith.constant 16 : index
    %swap3A_306 = tpu.vector_load %arg10[%swap3A_305] {strides = array<i32>} : memref<32xf32, #tpu.memory_space<vmem>>, vector<16xf32>,
    tpu.vector_store %arg10[%swap3A_305], %div3A_304 {strides = array<i32>} : memref<32xf32, #tpu.memory_space<vmem>>, vector<16xf32>,
    %get3A_307 = arith.constant 0 : index
    %get3A_308 = tpu.vector_load %arg9[%get3A_307] {strides = array<i32>} : memref<48xi32, #tpu.memory_space<vmem>>, vector<16xi32>,
    %slice3A_309 = vector.extract_strided_slice %get3A_308 {offsets = [0], sizes = [1], strides = [1]} : vector<16xi32> to vector<1xi32>
    %squeeze3A_310 = vector.extract %slice3A_309[0] : i32 from vector<1xi32>
    %get3A_311 = arith.constant 32 : index
    %get3A_312 = tpu.vector_load %arg9[%get3A_311] {strides = array<i32>} : memref<48xi32, #tpu.memory_space<vmem>>, vector<16xi32>,
    %slice3A_313 = vector.extract_strided_slice %get3A_312 {offsets = [0], sizes = [1], strides = [1]} : vector<16xi32> to vector<1xi32>
    %squeeze3A_314 = vector.extract %slice3A_313[0] : i32 from vector<1xi32>
    %jit3A_315 = arith.constant 8 : i32
    %div3A_316 = arith.divsi %squeeze3A_310, %jit3A_315 : i32
    %sign3A_317 = arith.constant 0 : i32
    %sign3A_318 = arith.cmpi sgt, %squeeze3A_310, %sign3A_317 : i32
    %sign3A_319 = arith.extui %sign3A_318 : i1 to i32
    %sign3A_320 = arith.constant 0 : i32
    %sign3A_321 = arith.cmpi slt, %squeeze3A_310, %sign3A_320 : i32
    %sign3A_322 = arith.extui %sign3A_321 : i1 to i32
    %sign3A_323 = arith.subi %sign3A_319, %sign3A_322 : i32
    %sign3A_324 = arith.constant 0 : i32
    %sign3A_325 = arith.cmpi sgt, %jit3A_315, %sign3A_324 : i32
    %sign3A_326 = arith.extui %sign3A_325 : i1 to i32
    %sign3A_327 = arith.constant 0 : i32
    %sign3A_328 = arith.cmpi slt, %jit3A_315, %sign3A_327 : i32
    %sign3A_329 = arith.extui %sign3A_328 : i1 to i32
    %sign3A_330 = arith.subi %sign3A_326, %sign3A_329 : i32
    %ne3A_331 = arith.cmpi ne, %sign3A_323, %sign3A_330 : i32
    %rem3A_332 = arith.remsi %squeeze3A_310, %jit3A_315 : i32
    %ne3A_333 = arith.constant 0 : i32
    %ne3A_334 = arith.cmpi ne, %rem3A_332, %ne3A_333 : i32
    %and3A_335 = arith.andi %ne3A_331, %ne3A_334 : i1
    %sub3A_336 = arith.constant 1 : i32
    %sub3A_337 = arith.subi %div3A_316, %sub3A_336 : i32
    %select_n3A_338 = arith.select %and3A_335, %sub3A_337, %div3A_316 : i32
    %mul3A_339 = arith.constant 8 : i32
    %mul3A_340 = arith.muli %select_n3A_338, %mul3A_339 : i32
    %sub3A_341 = arith.subi %squeeze3A_314, %mul3A_340 : i32
    %add3A_342 = arith.constant 64 : i32
    %add3A_343 = arith.addi %sub3A_341, %add3A_342 : i32
    %sub3A_344 = arith.constant 1 : i32
    %sub3A_345 = arith.subi %add3A_343, %sub3A_344 : i32
    %jit3A_346 = arith.constant 64 : i32
    %div3A_347 = arith.divsi %sub3A_345, %jit3A_346 : i32
    %sign3A_348 = arith.constant 0 : i32
    %sign3A_349 = arith.cmpi sgt, %sub3A_345, %sign3A_348 : i32
    %sign3A_350 = arith.extui %sign3A_349 : i1 to i32
    %sign3A_351 = arith.constant 0 : i32
    %sign3A_352 = arith.cmpi slt, %sub3A_345, %sign3A_351 : i32
    %sign3A_353 = arith.extui %sign3A_352 : i1 to i32
    %sign3A_354 = arith.subi %sign3A_350, %sign3A_353 : i32
    %sign3A_355 = arith.constant 0 : i32
    %sign3A_356 = arith.cmpi sgt, %jit3A_346, %sign3A_355 : i32
    %sign3A_357 = arith.extui %sign3A_356 : i1 to i32
    %sign3A_358 = arith.constant 0 : i32
    %sign3A_359 = arith.cmpi slt, %jit3A_346, %sign3A_358 : i32
    %sign3A_360 = arith.extui %sign3A_359 : i1 to i32
    %sign3A_361 = arith.subi %sign3A_357, %sign3A_360 : i32
    %ne3A_362 = arith.cmpi ne, %sign3A_354, %sign3A_361 : i32
    %rem3A_363 = arith.remsi %sub3A_345, %jit3A_346 : i32
    %ne3A_364 = arith.constant 0 : i32
    %ne3A_365 = arith.cmpi ne, %rem3A_363, %ne3A_364 : i32
    %and3A_366 = arith.andi %ne3A_362, %ne3A_365 : i1
    %sub3A_367 = arith.constant 1 : i32
    %sub3A_368 = arith.subi %div3A_347, %sub3A_367 : i32
    %select_n3A_369 = arith.select %and3A_366, %sub3A_368, %div3A_347 : i32
    %add3A_370 = arith.constant 1 : i32
    %add3A_371 = arith.addi %select_n3A_369, %add3A_370 : i32
    %jit3A_372 = arith.constant 2 : i32
    %div3A_373 = arith.divsi %add3A_371, %jit3A_372 : i32
    %sign3A_374 = arith.constant 0 : i32
    %sign3A_375 = arith.cmpi sgt, %add3A_371, %sign3A_374 : i32
    %sign3A_376 = arith.extui %sign3A_375 : i1 to i32
    %sign3A_377 = arith.constant 0 : i32
    %sign3A_378 = arith.cmpi slt, %add3A_371, %sign3A_377 : i32
    %sign3A_379 = arith.extui %sign3A_378 : i1 to i32
    %sign3A_380 = arith.subi %sign3A_376, %sign3A_379 : i32
    %sign3A_381 = arith.constant 0 : i32
    %sign3A_382 = arith.cmpi sgt, %jit3A_372, %sign3A_381 : i32
    %sign3A_383 = arith.extui %sign3A_382 : i1 to i32
    %sign3A_384 = arith.constant 0 : i32
    %sign3A_385 = arith.cmpi slt, %jit3A_372, %sign3A_384 : i32
    %sign3A_386 = arith.extui %sign3A_385 : i1 to i32
    %sign3A_387 = arith.subi %sign3A_383, %sign3A_386 : i32
    %ne3A_388 = arith.cmpi ne, %sign3A_380, %sign3A_387 : i32
    %rem3A_389 = arith.remsi %add3A_371, %jit3A_372 : i32
    %ne3A_390 = arith.constant 0 : i32
    %ne3A_391 = arith.cmpi ne, %rem3A_389, %ne3A_390 : i32
    %and3A_392 = arith.andi %ne3A_388, %ne3A_391 : i1
    %sub3A_393 = arith.constant 1 : i32
    %sub3A_394 = arith.subi %div3A_373, %sub3A_393 : i32
    %select_n3A_395 = arith.select %and3A_392, %sub3A_394, %div3A_373 : i32
    %add3A_396 = arith.constant 0 : i32
    %add3A_397 = arith.addi %mul3A_340, %add3A_396 : i32
    %min3A_398 = arith.constant 4032 : i32
    %min3A_399 = arith.minsi %add3A_397, %min3A_398 : i32
    %multiple_of3A_400 = tpu.assume_multiple %min3A_399, 8 : i32
    %dma_start3A_401 = arith.constant 1 : i32
    %dma_start3A_402 = arith.constant 896 : i32
    %dma_start3A_403 = tpu.memref_slice %arg2[%dma_start3A_401, %multiple_of3A_400, %dma_start3A_402] : memref<4x4096x1024xf32, #tpu.memory_space<hbm>> -> memref<1x64x128xf32, #tpu.memory_space<hbm>>
    %dma_start3A_404 = tpu.memref_squeeze %dma_start3A_403 : memref<1x64x128xf32, #tpu.memory_space<hbm>> -> memref<64x128xf32, #tpu.memory_space<hbm>>
    %dma_start3A_405 = arith.constant 896 : i32
    %dma_start3A_406 = tpu.memref_slice %arg2[%dma_start3A_401, %multiple_of3A_400, %dma_start3A_405] : memref<4x4096x1024xf32, #tpu.memory_space<hbm>> -> memref<1x64x128xf32, #tpu.memory_space<hbm>>
    %dma_start3A_407 = tpu.memref_squeeze %dma_start3A_406 : memref<1x64x128xf32, #tpu.memory_space<hbm>> -> memref<64x128xf32, #tpu.memory_space<hbm>>
    tpu.enqueue_dma source(%dma_start3A_407 : memref<64x128xf32, #tpu.memory_space<hbm>>) target(%arg7 : memref<64x128xf32, #tpu.memory_space<vmem>>) target_semaphore(%arg11 : memref<!tpu.dma_semaphore, #tpu.memory_space<semaphore_mem>>)
    %while3A_408 = arith.constant 0 : i32
    %while3A_409 = arith.constant 0 : i32
    %while3A_410 = arith.subi %select_n3A_395, %while3A_408 : i32
    %while3A_411 = arith.addi %while3A_408, %while3A_410 : i32
    %while3A_412 = arith.constant 1 : i32
    %while3A_413 = arith.divsi %while3A_410, %while3A_412 : i32
    %while3A_414 = arith.muli %while3A_413, %while3A_412 : i32
    %while3A_415 = arith.addi %while3A_408, %while3A_414 : i32
    %while3A_416 = arith.constant 1 : i32
    %while3A_417 = scf.for %while3A_938 = %while3A_408 to %while3A_415 step %while3A_416 iter_args(%while3A_939 = %while3A_409) -> (i32)  : i32 {
      %mul3A_940 = arith.constant 2 : i32
      %mul3A_941 = arith.muli %mul3A_940, %while3A_938 : i32
      %add3A_942 = arith.constant 1 : i32
      %add3A_943 = arith.addi %mul3A_941, %add3A_942 : i32
      %mul3A_944 = arith.constant 64 : i32
      %mul3A_945 = arith.muli %add3A_943, %mul3A_944 : i32
      %add3A_946 = arith.addi %mul3A_340, %mul3A_945 : i32
      %min3A_947 = arith.constant 4032 : i32
      %min3A_948 = arith.minsi %add3A_946, %min3A_947 : i32
      %multiple_of3A_949 = tpu.assume_multiple %min3A_948, 8 : i32
      %dma_start3A_950 = arith.constant 1 : i32
      %dma_start3A_951 = arith.constant 896 : i32
      %dma_start3A_952 = tpu.memref_slice %arg2[%dma_start3A_950, %multiple_of3A_949, %dma_start3A_951] : memref<4x4096x1024xf32, #tpu.memory_space<hbm>> -> memref<1x64x128xf32, #tpu.memory_space<hbm>>
      %dma_start3A_953 = tpu.memref_squeeze %dma_start3A_952 : memref<1x64x128xf32, #tpu.memory_space<hbm>> -> memref<64x128xf32, #tpu.memory_space<hbm>>
      %dma_start3A_954 = arith.constant 896 : i32
      %dma_start3A_955 = tpu.memref_slice %arg2[%dma_start3A_950, %multiple_of3A_949, %dma_start3A_954] : memref<4x4096x1024xf32, #tpu.memory_space<hbm>> -> memref<1x64x128xf32, #tpu.memory_space<hbm>>
      %dma_start3A_956 = tpu.memref_squeeze %dma_start3A_955 : memref<1x64x128xf32, #tpu.memory_space<hbm>> -> memref<64x128xf32, #tpu.memory_space<hbm>>
      tpu.enqueue_dma source(%dma_start3A_956 : memref<64x128xf32, #tpu.memory_space<hbm>>) target(%arg8 : memref<64x128xf32, #tpu.memory_space<vmem>>) target_semaphore(%arg12 : memref<!tpu.dma_semaphore, #tpu.memory_space<semaphore_mem>>)
      %dma_wait3A_957 = arith.constant 1 : i32
      %dma_wait3A_958 = arith.constant 0 : i32
      %dma_wait3A_959 = arith.constant 896 : i32
      %dma_wait3A_960 = tpu.memref_slice %arg2[%dma_wait3A_957, %dma_wait3A_958, %dma_wait3A_959] : memref<4x4096x1024xf32, #tpu.memory_space<hbm>> -> memref<1x64x128xf32, #tpu.memory_space<hbm>>
      %dma_wait3A_961 = tpu.memref_squeeze %dma_wait3A_960 : memref<1x64x128xf32, #tpu.memory_space<hbm>> -> memref<64x128xf32, #tpu.memory_space<hbm>>
      %dma_wait3A_962 = arith.constant 0 : i32
      %dma_wait3A_963 = arith.constant 896 : i32
      %dma_wait3A_964 = tpu.memref_slice %arg2[%dma_wait3A_957, %dma_wait3A_962, %dma_wait3A_963] : memref<4x4096x1024xf32, #tpu.memory_space<hbm>> -> memref<1x64x128xf32, #tpu.memory_space<hbm>>
      %dma_wait3A_965 = tpu.memref_squeeze %dma_wait3A_964 : memref<1x64x128xf32, #tpu.memory_space<hbm>> -> memref<64x128xf32, #tpu.memory_space<hbm>>
      tpu.wait_dma2 semaphore(%arg11 : memref<!tpu.dma_semaphore, #tpu.memory_space<semaphore_mem>>) src(%dma_wait3A_965 : memref<64x128xf32, #tpu.memory_space<hbm>>) dst(%arg7 : memref<64x128xf32, #tpu.memory_space<vmem>>)
      %mul3A_966 = arith.constant 64 : i32
      %mul3A_967 = arith.muli %mul3A_941, %mul3A_966 : i32
      %add3A_968 = arith.addi %mul3A_340, %mul3A_967 : i32
      %mul3A_969 = arith.constant 64 : i32
      %mul3A_970 = arith.muli %mul3A_941, %mul3A_969 : i32
      %add3A_971 = arith.addi %mul3A_340, %mul3A_970 : i32
      %min3A_972 = arith.constant 4032 : i32
      %min3A_973 = arith.minsi %add3A_971, %min3A_972 : i32
      %multiple_of3A_974 = tpu.assume_multiple %min3A_973, 8 : i32
      %max3A = arith.maxsi %add3A_968, %squeeze3A_310 : i32
      %scan3A_975 = arith.constant 0 : i32
      %scan3A_976 = arith.constant 0 : i32
      %scan3A_977 = arith.constant 32 : i32
      %scan3A_978 = arith.addi %scan3A_976, %scan3A_977 : i32
      %scan3A_979 = arith.constant 1 : i32
      %scan3A_980 = scf.for %scan3A_1026 = %scan3A_976 to %scan3A_978 step %scan3A_979 iter_args(%scan3A_1027 = %scan3A_975) -> (i32)  : i32 {
        %mul3A_1028 = arith.constant 2 : i32
        %mul3A_1029 = arith.muli %mul3A_1028, %scan3A_1026 : i32
        %add3A_1030 = arith.constant 1 : i32
        %add3A_1031 = arith.addi %mul3A_1029, %add3A_1030 : i32
        %add3A_1032 = arith.addi %multiple_of3A_974, %mul3A_1029 : i32
        %add3A_1033 = arith.addi %multiple_of3A_974, %add3A_1031 : i32
        %get3A_1034 = arith.index_cast %add3A_1032 : i32 to index
        %get3A_1035 = tpu.vector_load %arg5[%get3A_1034] {strides = array<i32>} : memref<4112xi32, #tpu.memory_space<vmem>>, vector<16xi32>,
        %ge3A = arith.cmpi sge, %add3A_1032, %max3A : i32
        %lt3A = arith.cmpi slt, %add3A_1032, %squeeze3A_314 : i32
        %and3A_1036 = arith.andi %ge3A, %lt3A : i1
        %slice3A_1037 = vector.extract_strided_slice %get3A_1035 {offsets = [0], sizes = [1], strides = [1]} : vector<16xi32> to vector<1xi32>
        %squeeze3A_1038 = vector.extract %slice3A_1037[0] : i32 from vector<1xi32>
        %sub3A_1039 = arith.subi %squeeze3A_1038, %mul3A_3 : i32
        %jit3A_1040 = arith.constant 32 : i32
        %select_n3A_1041 = arith.select %and3A_1036, %sub3A_1039, %jit3A_1040 : i32
        %ge3A_1042 = arith.cmpi sge, %add3A_1033, %max3A : i32
        %lt3A_1043 = arith.cmpi slt, %add3A_1033, %squeeze3A_314 : i32
        %and3A_1044 = arith.andi %ge3A_1042, %lt3A_1043 : i1
        %slice3A_1045 = vector.extract_strided_slice %get3A_1035 {offsets = [1], sizes = [1], strides = [1]} : vector<16xi32> to vector<1xi32>
        %squeeze3A_1046 = vector.extract %slice3A_1045[0] : i32 from vector<1xi32>
        %sub3A_1047 = arith.subi %squeeze3A_1046, %mul3A_3 : i32
        %jit3A_1048 = arith.constant 32 : i32
        %select_n3A_1049 = arith.select %and3A_1044, %sub3A_1047, %jit3A_1048 : i32
        %parallel_loop3A = arith.constant 0 : i32
        %parallel_loop3A_1050 = arith.constant 8 : i32
        %parallel_loop3A_1051 = arith.constant 1 : i32
        scf.for %parallel_loop3A_1053 = %parallel_loop3A to %parallel_loop3A_1050 step %parallel_loop3A_1051  : i32 {
          %parallel_loop3A_1054 = arith.constant 16 : i32
          %parallel_loop3A_1055 = arith.muli %parallel_loop3A_1053, %parallel_loop3A_1054 : i32
          %parallel_loop3A_1056 = arith.index_cast %mul3A_1029 : i32 to index
          %parallel_loop3A_1057 = arith.index_cast %parallel_loop3A_1055 : i32 to index
          %parallel_loop3A_1058 = tpu.vector_load %arg7[%parallel_loop3A_1056, %parallel_loop3A_1057] {strides = array<i32>} : memref<64x128xf32, #tpu.memory_space<vmem>>, vector<16xf32>,
          %parallel_loop3A_1059 = arith.index_cast %select_n3A_1041 : i32 to index
          %parallel_loop3A_1060 = arith.index_cast %parallel_loop3A_1055 : i32 to index
          %parallel_loop3A_1061 = tpu.vector_load %arg6[%parallel_loop3A_1059, %parallel_loop3A_1060] {strides = array<i32>} : memref<33x128xf32, #tpu.memory_space<vmem>>, vector<16xf32>,
          tpu.vector_store %arg6[%parallel_loop3A_1059, %parallel_loop3A_1060], %parallel_loop3A_1058 {add = true, strides = array<i32>} : memref<33x128xf32, #tpu.memory_space<vmem>>, vector<16xf32>,
          %parallel_loop3A_1062 = arith.index_cast %add3A_1031 : i32 to index
          %parallel_loop3A_1063 = arith.index_cast %parallel_loop3A_1055 : i32 to index
          %parallel_loop3A_1064 = tpu.vector_load %arg7[%parallel_loop3A_1062, %parallel_loop3A_1063] {strides = array<i32>} : memref<64x128xf32, #tpu.memory_space<vmem>>, vector<16xf32>,
          %parallel_loop3A_1065 = arith.index_cast %select_n3A_1049 : i32 to index
          %parallel_loop3A_1066 = arith.index_cast %parallel_loop3A_1055 : i32 to index
          %parallel_loop3A_1067 = tpu.vector_load %arg6[%parallel_loop3A_1065, %parallel_loop3A_1066] {strides = array<i32>} : memref<33x128xf32, #tpu.memory_space<vmem>>, vector<16xf32>,
          tpu.vector_store %arg6[%parallel_loop3A_1065, %parallel_loop3A_1066], %parallel_loop3A_1064 {add = true, strides = array<i32>} : memref<33x128xf32, #tpu.memory_space<vmem>>, vector<16xf32>,
        } {sc.loop_unroll_factor = 8 : i64, sc.parallel_access}
        %scan3A_1052 = arith.constant 0 : i32
        scf.yield %scan3A_1052 : i32
      }
      %scan3A_981 = arith.constant 32 : i32
      %add3A_982 = arith.constant 2 : i32
      %add3A_983 = arith.addi %mul3A_941, %add3A_982 : i32
      %mul3A_984 = arith.constant 64 : i32
      %mul3A_985 = arith.muli %add3A_983, %mul3A_984 : i32
      %add3A_986 = arith.addi %mul3A_340, %mul3A_985 : i32
      %min3A_987 = arith.constant 4032 : i32
      %min3A_988 = arith.minsi %add3A_986, %min3A_987 : i32
      %multiple_of3A_989 = tpu.assume_multiple %min3A_988, 8 : i32
      %dma_start3A_990 = arith.constant 1 : i32
      %dma_start3A_991 = arith.constant 896 : i32
      %dma_start3A_992 = tpu.memref_slice %arg2[%dma_start3A_990, %multiple_of3A_989, %dma_start3A_991] : memref<4x4096x1024xf32, #tpu.memory_space<hbm>> -> memref<1x64x128xf32, #tpu.memory_space<hbm>>
      %dma_start3A_993 = tpu.memref_squeeze %dma_start3A_992 : memref<1x64x128xf32, #tpu.memory_space<hbm>> -> memref<64x128xf32, #tpu.memory_space<hbm>>
      %dma_start3A_994 = arith.constant 896 : i32
      %dma_start3A_995 = tpu.memref_slice %arg2[%dma_start3A_990, %multiple_of3A_989, %dma_start3A_994] : memref<4x4096x1024xf32, #tpu.memory_space<hbm>> -> memref<1x64x128xf32, #tpu.memory_space<hbm>>
      %dma_start3A_996 = tpu.memref_squeeze %dma_start3A_995 : memref<1x64x128xf32, #tpu.memory_space<hbm>> -> memref<64x128xf32, #tpu.memory_space<hbm>>
      tpu.enqueue_dma source(%dma_start3A_996 : memref<64x128xf32, #tpu.memory_space<hbm>>) target(%arg7 : memref<64x128xf32, #tpu.memory_space<vmem>>) target_semaphore(%arg11 : memref<!tpu.dma_semaphore, #tpu.memory_space<semaphore_mem>>)
      %dma_wait3A_997 = arith.constant 1 : i32
      %dma_wait3A_998 = arith.constant 0 : i32
      %dma_wait3A_999 = arith.constant 896 : i32
      %dma_wait3A_1000 = tpu.memref_slice %arg2[%dma_wait3A_997, %dma_wait3A_998, %dma_wait3A_999] : memref<4x4096x1024xf32, #tpu.memory_space<hbm>> -> memref<1x64x128xf32, #tpu.memory_space<hbm>>
      %dma_wait3A_1001 = tpu.memref_squeeze %dma_wait3A_1000 : memref<1x64x128xf32, #tpu.memory_space<hbm>> -> memref<64x128xf32, #tpu.memory_space<hbm>>
      %dma_wait3A_1002 = arith.constant 0 : i32
      %dma_wait3A_1003 = arith.constant 896 : i32
      %dma_wait3A_1004 = tpu.memref_slice %arg2[%dma_wait3A_997, %dma_wait3A_1002, %dma_wait3A_1003] : memref<4x4096x1024xf32, #tpu.memory_space<hbm>> -> memref<1x64x128xf32, #tpu.memory_space<hbm>>
      %dma_wait3A_1005 = tpu.memref_squeeze %dma_wait3A_1004 : memref<1x64x128xf32, #tpu.memory_space<hbm>> -> memref<64x128xf32, #tpu.memory_space<hbm>>
      tpu.wait_dma2 semaphore(%arg12 : memref<!tpu.dma_semaphore, #tpu.memory_space<semaphore_mem>>) src(%dma_wait3A_1005 : memref<64x128xf32, #tpu.memory_space<hbm>>) dst(%arg8 : memref<64x128xf32, #tpu.memory_space<vmem>>)
      %add3A_1006 = arith.constant 1 : i32
      %add3A_1007 = arith.addi %mul3A_941, %add3A_1006 : i32
      %mul3A_1008 = arith.constant 64 : i32
      %mul3A_1009 = arith.muli %add3A_1007, %mul3A_1008 : i32
      %add3A_1010 = arith.addi %mul3A_340, %mul3A_1009 : i32
      %mul3A_1011 = arith.constant 64 : i32
      %mul3A_1012 = arith.muli %add3A_1007, %mul3A_1011 : i32
      %add3A_1013 = arith.addi %mul3A_340, %mul3A_1012 : i32
      %min3A_1014 = arith.constant 4032 : i32
      %min3A_1015 = arith.minsi %add3A_1013, %min3A_1014 : i32
      %multiple_of3A_1016 = tpu.assume_multiple %min3A_1015, 8 : i32
      %max3A_1017 = arith.maxsi %add3A_1010, %squeeze3A_310 : i32
      %scan3A_1018 = arith.constant 0 : i32
      %scan3A_1019 = arith.constant 0 : i32
      %scan3A_1020 = arith.constant 32 : i32
      %scan3A_1021 = arith.addi %scan3A_1019, %scan3A_1020 : i32
      %scan3A_1022 = arith.constant 1 : i32
      %scan3A_1023 = scf.for %scan3A_1026 = %scan3A_1019 to %scan3A_1021 step %scan3A_1022 iter_args(%scan3A_1027 = %scan3A_1018) -> (i32)  : i32 {
        %mul3A_1028 = arith.constant 2 : i32
        %mul3A_1029 = arith.muli %mul3A_1028, %scan3A_1026 : i32
        %add3A_1030 = arith.constant 1 : i32
        %add3A_1031 = arith.addi %mul3A_1029, %add3A_1030 : i32
        %add3A_1032 = arith.addi %multiple_of3A_1016, %mul3A_1029 : i32
        %add3A_1033 = arith.addi %multiple_of3A_1016, %add3A_1031 : i32
        %get3A_1034 = arith.index_cast %add3A_1032 : i32 to index
        %get3A_1035 = tpu.vector_load %arg5[%get3A_1034] {strides = array<i32>} : memref<4112xi32, #tpu.memory_space<vmem>>, vector<16xi32>,
        %ge3A = arith.cmpi sge, %add3A_1032, %max3A_1017 : i32
        %lt3A = arith.cmpi slt, %add3A_1032, %squeeze3A_314 : i32
        %and3A_1036 = arith.andi %ge3A, %lt3A : i1
        %slice3A_1037 = vector.extract_strided_slice %get3A_1035 {offsets = [0], sizes = [1], strides = [1]} : vector<16xi32> to vector<1xi32>
        %squeeze3A_1038 = vector.extract %slice3A_1037[0] : i32 from vector<1xi32>
        %sub3A_1039 = arith.subi %squeeze3A_1038, %mul3A_3 : i32
        %jit3A_1040 = arith.constant 32 : i32
        %select_n3A_1041 = arith.select %and3A_1036, %sub3A_1039, %jit3A_1040 : i32
        %ge3A_1042 = arith.cmpi sge, %add3A_1033, %max3A_1017 : i32
        %lt3A_1043 = arith.cmpi slt, %add3A_1033, %squeeze3A_314 : i32
        %and3A_1044 = arith.andi %ge3A_1042, %lt3A_1043 : i1
        %slice3A_1045 = vector.extract_strided_slice %get3A_1035 {offsets = [1], sizes = [1], strides = [1]} : vector<16xi32> to vector<1xi32>
        %squeeze3A_1046 = vector.extract %slice3A_1045[0] : i32 from vector<1xi32>
        %sub3A_1047 = arith.subi %squeeze3A_1046, %mul3A_3 : i32
        %jit3A_1048 = arith.constant 32 : i32
        %select_n3A_1049 = arith.select %and3A_1044, %sub3A_1047, %jit3A_1048 : i32
        %parallel_loop3A = arith.constant 0 : i32
        %parallel_loop3A_1050 = arith.constant 8 : i32
        %parallel_loop3A_1051 = arith.constant 1 : i32
        scf.for %parallel_loop3A_1053 = %parallel_loop3A to %parallel_loop3A_1050 step %parallel_loop3A_1051  : i32 {
          %parallel_loop3A_1054 = arith.constant 16 : i32
          %parallel_loop3A_1055 = arith.muli %parallel_loop3A_1053, %parallel_loop3A_1054 : i32
          %parallel_loop3A_1056 = arith.index_cast %mul3A_1029 : i32 to index
          %parallel_loop3A_1057 = arith.index_cast %parallel_loop3A_1055 : i32 to index
          %parallel_loop3A_1058 = tpu.vector_load %arg8[%parallel_loop3A_1056, %parallel_loop3A_1057] {strides = array<i32>} : memref<64x128xf32, #tpu.memory_space<vmem>>, vector<16xf32>,
          %parallel_loop3A_1059 = arith.index_cast %select_n3A_1041 : i32 to index
          %parallel_loop3A_1060 = arith.index_cast %parallel_loop3A_1055 : i32 to index
          %parallel_loop3A_1061 = tpu.vector_load %arg6[%parallel_loop3A_1059, %parallel_loop3A_1060] {strides = array<i32>} : memref<33x128xf32, #tpu.memory_space<vmem>>, vector<16xf32>,
          tpu.vector_store %arg6[%parallel_loop3A_1059, %parallel_loop3A_1060], %parallel_loop3A_1058 {add = true, strides = array<i32>} : memref<33x128xf32, #tpu.memory_space<vmem>>, vector<16xf32>,
          %parallel_loop3A_1062 = arith.index_cast %add3A_1031 : i32 to index
          %parallel_loop3A_1063 = arith.index_cast %parallel_loop3A_1055 : i32 to index
          %parallel_loop3A_1064 = tpu.vector_load %arg8[%parallel_loop3A_1062, %parallel_loop3A_1063] {strides = array<i32>} : memref<64x128xf32, #tpu.memory_space<vmem>>, vector<16xf32>,
          %parallel_loop3A_1065 = arith.index_cast %select_n3A_1049 : i32 to index
          %parallel_loop3A_1066 = arith.index_cast %parallel_loop3A_1055 : i32 to index
          %parallel_loop3A_1067 = tpu.vector_load %arg6[%parallel_loop3A_1065, %parallel_loop3A_1066] {strides = array<i32>} : memref<33x128xf32, #tpu.memory_space<vmem>>, vector<16xf32>,
          tpu.vector_store %arg6[%parallel_loop3A_1065, %parallel_loop3A_1066], %parallel_loop3A_1064 {add = true, strides = array<i32>} : memref<33x128xf32, #tpu.memory_space<vmem>>, vector<16xf32>,
        } {sc.loop_unroll_factor = 8 : i64, sc.parallel_access}
        %scan3A_1052 = arith.constant 0 : i32
        scf.yield %scan3A_1052 : i32
      }
      %scan3A_1024 = arith.constant 32 : i32
      %while3A_1025 = arith.constant 0 : i32
      scf.yield %while3A_1025 : i32
    }
    %while3A_418 = arith.constant 1 : i32
    %while3A_419 = scf.for %while3A_938 = %while3A_415 to %while3A_411 step %while3A_418 iter_args(%while3A_939 = %while3A_417) -> (i32)  : i32 {
      %mul3A_940 = arith.constant 2 : i32
      %mul3A_941 = arith.muli %mul3A_940, %while3A_938 : i32
      %add3A_942 = arith.constant 1 : i32
      %add3A_943 = arith.addi %mul3A_941, %add3A_942 : i32
      %mul3A_944 = arith.constant 64 : i32
      %mul3A_945 = arith.muli %add3A_943, %mul3A_944 : i32
      %add3A_946 = arith.addi %mul3A_340, %mul3A_945 : i32
      %min3A_947 = arith.constant 4032 : i32
      %min3A_948 = arith.minsi %add3A_946, %min3A_947 : i32
      %multiple_of3A_949 = tpu.assume_multiple %min3A_948, 8 : i32
      %dma_start3A_950 = arith.constant 1 : i32
      %dma_start3A_951 = arith.constant 896 : i32
      %dma_start3A_952 = tpu.memref_slice %arg2[%dma_start3A_950, %multiple_of3A_949, %dma_start3A_951] : memref<4x4096x1024xf32, #tpu.memory_space<hbm>> -> memref<1x64x128xf32, #tpu.memory_space<hbm>>
      %dma_start3A_953 = tpu.memref_squeeze %dma_start3A_952 : memref<1x64x128xf32, #tpu.memory_space<hbm>> -> memref<64x128xf32, #tpu.memory_space<hbm>>
      %dma_start3A_954 = arith.constant 896 : i32
      %dma_start3A_955 = tpu.memref_slice %arg2[%dma_start3A_950, %multiple_of3A_949, %dma_start3A_954] : memref<4x4096x1024xf32, #tpu.memory_space<hbm>> -> memref<1x64x128xf32, #tpu.memory_space<hbm>>
      %dma_start3A_956 = tpu.memref_squeeze %dma_start3A_955 : memref<1x64x128xf32, #tpu.memory_space<hbm>> -> memref<64x128xf32, #tpu.memory_space<hbm>>
      tpu.enqueue_dma source(%dma_start3A_956 : memref<64x128xf32, #tpu.memory_space<hbm>>) target(%arg8 : memref<64x128xf32, #tpu.memory_space<vmem>>) target_semaphore(%arg12 : memref<!tpu.dma_semaphore, #tpu.memory_space<semaphore_mem>>)
      %dma_wait3A_957 = arith.constant 1 : i32
      %dma_wait3A_958 = arith.constant 0 : i32
      %dma_wait3A_959 = arith.constant 896 : i32
      %dma_wait3A_960 = tpu.memref_slice %arg2[%dma_wait3A_957, %dma_wait3A_958, %dma_wait3A_959] : memref<4x4096x1024xf32, #tpu.memory_space<hbm>> -> memref<1x64x128xf32, #tpu.memory_space<hbm>>
      %dma_wait3A_961 = tpu.memref_squeeze %dma_wait3A_960 : memref<1x64x128xf32, #tpu.memory_space<hbm>> -> memref<64x128xf32, #tpu.memory_space<hbm>>
      %dma_wait3A_962 = arith.constant 0 : i32
      %dma_wait3A_963 = arith.constant 896 : i32
      %dma_wait3A_964 = tpu.memref_slice %arg2[%dma_wait3A_957, %dma_wait3A_962, %dma_wait3A_963] : memref<4x4096x1024xf32, #tpu.memory_space<hbm>> -> memref<1x64x128xf32, #tpu.memory_space<hbm>>
      %dma_wait3A_965 = tpu.memref_squeeze %dma_wait3A_964 : memref<1x64x128xf32, #tpu.memory_space<hbm>> -> memref<64x128xf32, #tpu.memory_space<hbm>>
      tpu.wait_dma2 semaphore(%arg11 : memref<!tpu.dma_semaphore, #tpu.memory_space<semaphore_mem>>) src(%dma_wait3A_965 : memref<64x128xf32, #tpu.memory_space<hbm>>) dst(%arg7 : memref<64x128xf32, #tpu.memory_space<vmem>>)
      %mul3A_966 = arith.constant 64 : i32
      %mul3A_967 = arith.muli %mul3A_941, %mul3A_966 : i32
      %add3A_968 = arith.addi %mul3A_340, %mul3A_967 : i32
      %mul3A_969 = arith.constant 64 : i32
      %mul3A_970 = arith.muli %mul3A_941, %mul3A_969 : i32
      %add3A_971 = arith.addi %mul3A_340, %mul3A_970 : i32
      %min3A_972 = arith.constant 4032 : i32
      %min3A_973 = arith.minsi %add3A_971, %min3A_972 : i32
      %multiple_of3A_974 = tpu.assume_multiple %min3A_973, 8 : i32
      %max3A = arith.maxsi %add3A_968, %squeeze3A_310 : i32
      %scan3A_975 = arith.constant 0 : i32
      %scan3A_976 = arith.constant 0 : i32
      %scan3A_977 = arith.constant 32 : i32
      %scan3A_978 = arith.addi %scan3A_976, %scan3A_977 : i32
      %scan3A_979 = arith.constant 1 : i32
      %scan3A_980 = scf.for %scan3A_1026 = %scan3A_976 to %scan3A_978 step %scan3A_979 iter_args(%scan3A_1027 = %scan3A_975) -> (i32)  : i32 {
        %mul3A_1028 = arith.constant 2 : i32
        %mul3A_1029 = arith.muli %mul3A_1028, %scan3A_1026 : i32
        %add3A_1030 = arith.constant 1 : i32
        %add3A_1031 = arith.addi %mul3A_1029, %add3A_1030 : i32
        %add3A_1032 = arith.addi %multiple_of3A_974, %mul3A_1029 : i32
        %add3A_1033 = arith.addi %multiple_of3A_974, %add3A_1031 : i32
        %get3A_1034 = arith.index_cast %add3A_1032 : i32 to index
        %get3A_1035 = tpu.vector_load %arg5[%get3A_1034] {strides = array<i32>} : memref<4112xi32, #tpu.memory_space<vmem>>, vector<16xi32>,
        %ge3A = arith.cmpi sge, %add3A_1032, %max3A : i32
        %lt3A = arith.cmpi slt, %add3A_1032, %squeeze3A_314 : i32
        %and3A_1036 = arith.andi %ge3A, %lt3A : i1
        %slice3A_1037 = vector.extract_strided_slice %get3A_1035 {offsets = [0], sizes = [1], strides = [1]} : vector<16xi32> to vector<1xi32>
        %squeeze3A_1038 = vector.extract %slice3A_1037[0] : i32 from vector<1xi32>
        %sub3A_1039 = arith.subi %squeeze3A_1038, %mul3A_3 : i32
        %jit3A_1040 = arith.constant 32 : i32
        %select_n3A_1041 = arith.select %and3A_1036, %sub3A_1039, %jit3A_1040 : i32
        %ge3A_1042 = arith.cmpi sge, %add3A_1033, %max3A : i32
        %lt3A_1043 = arith.cmpi slt, %add3A_1033, %squeeze3A_314 : i32
        %and3A_1044 = arith.andi %ge3A_1042, %lt3A_1043 : i1
        %slice3A_1045 = vector.extract_strided_slice %get3A_1035 {offsets = [1], sizes = [1], strides = [1]} : vector<16xi32> to vector<1xi32>
        %squeeze3A_1046 = vector.extract %slice3A_1045[0] : i32 from vector<1xi32>
        %sub3A_1047 = arith.subi %squeeze3A_1046, %mul3A_3 : i32
        %jit3A_1048 = arith.constant 32 : i32
        %select_n3A_1049 = arith.select %and3A_1044, %sub3A_1047, %jit3A_1048 : i32
        %parallel_loop3A = arith.constant 0 : i32
        %parallel_loop3A_1050 = arith.constant 8 : i32
        %parallel_loop3A_1051 = arith.constant 1 : i32
        scf.for %parallel_loop3A_1053 = %parallel_loop3A to %parallel_loop3A_1050 step %parallel_loop3A_1051  : i32 {
          %parallel_loop3A_1054 = arith.constant 16 : i32
          %parallel_loop3A_1055 = arith.muli %parallel_loop3A_1053, %parallel_loop3A_1054 : i32
          %parallel_loop3A_1056 = arith.index_cast %mul3A_1029 : i32 to index
          %parallel_loop3A_1057 = arith.index_cast %parallel_loop3A_1055 : i32 to index
          %parallel_loop3A_1058 = tpu.vector_load %arg7[%parallel_loop3A_1056, %parallel_loop3A_1057] {strides = array<i32>} : memref<64x128xf32, #tpu.memory_space<vmem>>, vector<16xf32>,
          %parallel_loop3A_1059 = arith.index_cast %select_n3A_1041 : i32 to index
          %parallel_loop3A_1060 = arith.index_cast %parallel_loop3A_1055 : i32 to index
          %parallel_loop3A_1061 = tpu.vector_load %arg6[%parallel_loop3A_1059, %parallel_loop3A_1060] {strides = array<i32>} : memref<33x128xf32, #tpu.memory_space<vmem>>, vector<16xf32>,
          tpu.vector_store %arg6[%parallel_loop3A_1059, %parallel_loop3A_1060], %parallel_loop3A_1058 {add = true, strides = array<i32>} : memref<33x128xf32, #tpu.memory_space<vmem>>, vector<16xf32>,
          %parallel_loop3A_1062 = arith.index_cast %add3A_1031 : i32 to index
          %parallel_loop3A_1063 = arith.index_cast %parallel_loop3A_1055 : i32 to index
          %parallel_loop3A_1064 = tpu.vector_load %arg7[%parallel_loop3A_1062, %parallel_loop3A_1063] {strides = array<i32>} : memref<64x128xf32, #tpu.memory_space<vmem>>, vector<16xf32>,
          %parallel_loop3A_1065 = arith.index_cast %select_n3A_1049 : i32 to index
          %parallel_loop3A_1066 = arith.index_cast %parallel_loop3A_1055 : i32 to index
          %parallel_loop3A_1067 = tpu.vector_load %arg6[%parallel_loop3A_1065, %parallel_loop3A_1066] {strides = array<i32>} : memref<33x128xf32, #tpu.memory_space<vmem>>, vector<16xf32>,
          tpu.vector_store %arg6[%parallel_loop3A_1065, %parallel_loop3A_1066], %parallel_loop3A_1064 {add = true, strides = array<i32>} : memref<33x128xf32, #tpu.memory_space<vmem>>, vector<16xf32>,
        } {sc.loop_unroll_factor = 8 : i64, sc.parallel_access}
        %scan3A_1052 = arith.constant 0 : i32
        scf.yield %scan3A_1052 : i32
      }
      %scan3A_981 = arith.constant 32 : i32
      %add3A_982 = arith.constant 2 : i32
      %add3A_983 = arith.addi %mul3A_941, %add3A_982 : i32
      %mul3A_984 = arith.constant 64 : i32
      %mul3A_985 = arith.muli %add3A_983, %mul3A_984 : i32
      %add3A_986 = arith.addi %mul3A_340, %mul3A_985 : i32
      %min3A_987 = arith.constant 4032 : i32
      %min3A_988 = arith.minsi %add3A_986, %min3A_987 : i32
      %multiple_of3A_989 = tpu.assume_multiple %min3A_988, 8 : i32
      %dma_start3A_990 = arith.constant 1 : i32
      %dma_start3A_991 = arith.constant 896 : i32
      %dma_start3A_992 = tpu.memref_slice %arg2[%dma_start3A_990, %multiple_of3A_989, %dma_start3A_991] : memref<4x4096x1024xf32, #tpu.memory_space<hbm>> -> memref<1x64x128xf32, #tpu.memory_space<hbm>>
      %dma_start3A_993 = tpu.memref_squeeze %dma_start3A_992 : memref<1x64x128xf32, #tpu.memory_space<hbm>> -> memref<64x128xf32, #tpu.memory_space<hbm>>
      %dma_start3A_994 = arith.constant 896 : i32
      %dma_start3A_995 = tpu.memref_slice %arg2[%dma_start3A_990, %multiple_of3A_989, %dma_start3A_994] : memref<4x4096x1024xf32, #tpu.memory_space<hbm>> -> memref<1x64x128xf32, #tpu.memory_space<hbm>>
      %dma_start3A_996 = tpu.memref_squeeze %dma_start3A_995 : memref<1x64x128xf32, #tpu.memory_space<hbm>> -> memref<64x128xf32, #tpu.memory_space<hbm>>
      tpu.enqueue_dma source(%dma_start3A_996 : memref<64x128xf32, #tpu.memory_space<hbm>>) target(%arg7 : memref<64x128xf32, #tpu.memory_space<vmem>>) target_semaphore(%arg11 : memref<!tpu.dma_semaphore, #tpu.memory_space<semaphore_mem>>)
      %dma_wait3A_997 = arith.constant 1 : i32
      %dma_wait3A_998 = arith.constant 0 : i32
      %dma_wait3A_999 = arith.constant 896 : i32
      %dma_wait3A_1000 = tpu.memref_slice %arg2[%dma_wait3A_997, %dma_wait3A_998, %dma_wait3A_999] : memref<4x4096x1024xf32, #tpu.memory_space<hbm>> -> memref<1x64x128xf32, #tpu.memory_space<hbm>>
      %dma_wait3A_1001 = tpu.memref_squeeze %dma_wait3A_1000 : memref<1x64x128xf32, #tpu.memory_space<hbm>> -> memref<64x128xf32, #tpu.memory_space<hbm>>
      %dma_wait3A_1002 = arith.constant 0 : i32
      %dma_wait3A_1003 = arith.constant 896 : i32
      %dma_wait3A_1004 = tpu.memref_slice %arg2[%dma_wait3A_997, %dma_wait3A_1002, %dma_wait3A_1003] : memref<4x4096x1024xf32, #tpu.memory_space<hbm>> -> memref<1x64x128xf32, #tpu.memory_space<hbm>>
      %dma_wait3A_1005 = tpu.memref_squeeze %dma_wait3A_1004 : memref<1x64x128xf32, #tpu.memory_space<hbm>> -> memref<64x128xf32, #tpu.memory_space<hbm>>
      tpu.wait_dma2 semaphore(%arg12 : memref<!tpu.dma_semaphore, #tpu.memory_space<semaphore_mem>>) src(%dma_wait3A_1005 : memref<64x128xf32, #tpu.memory_space<hbm>>) dst(%arg8 : memref<64x128xf32, #tpu.memory_space<vmem>>)
      %add3A_1006 = arith.constant 1 : i32
      %add3A_1007 = arith.addi %mul3A_941, %add3A_1006 : i32
      %mul3A_1008 = arith.constant 64 : i32
      %mul3A_1009 = arith.muli %add3A_1007, %mul3A_1008 : i32
      %add3A_1010 = arith.addi %mul3A_340, %mul3A_1009 : i32
      %mul3A_1011 = arith.constant 64 : i32
      %mul3A_1012 = arith.muli %add3A_1007, %mul3A_1011 : i32
      %add3A_1013 = arith.addi %mul3A_340, %mul3A_1012 : i32
      %min3A_1014 = arith.constant 4032 : i32
      %min3A_1015 = arith.minsi %add3A_1013, %min3A_1014 : i32
      %multiple_of3A_1016 = tpu.assume_multiple %min3A_1015, 8 : i32
      %max3A_1017 = arith.maxsi %add3A_1010, %squeeze3A_310 : i32
      %scan3A_1018 = arith.constant 0 : i32
      %scan3A_1019 = arith.constant 0 : i32
      %scan3A_1020 = arith.constant 32 : i32
      %scan3A_1021 = arith.addi %scan3A_1019, %scan3A_1020 : i32
      %scan3A_1022 = arith.constant 1 : i32
      %scan3A_1023 = scf.for %scan3A_1026 = %scan3A_1019 to %scan3A_1021 step %scan3A_1022 iter_args(%scan3A_1027 = %scan3A_1018) -> (i32)  : i32 {
        %mul3A_1028 = arith.constant 2 : i32
        %mul3A_1029 = arith.muli %mul3A_1028, %scan3A_1026 : i32
        %add3A_1030 = arith.constant 1 : i32
        %add3A_1031 = arith.addi %mul3A_1029, %add3A_1030 : i32
        %add3A_1032 = arith.addi %multiple_of3A_1016, %mul3A_1029 : i32
        %add3A_1033 = arith.addi %multiple_of3A_1016, %add3A_1031 : i32
        %get3A_1034 = arith.index_cast %add3A_1032 : i32 to index
        %get3A_1035 = tpu.vector_load %arg5[%get3A_1034] {strides = array<i32>} : memref<4112xi32, #tpu.memory_space<vmem>>, vector<16xi32>,
        %ge3A = arith.cmpi sge, %add3A_1032, %max3A_1017 : i32
        %lt3A = arith.cmpi slt, %add3A_1032, %squeeze3A_314 : i32
        %and3A_1036 = arith.andi %ge3A, %lt3A : i1
        %slice3A_1037 = vector.extract_strided_slice %get3A_1035 {offsets = [0], sizes = [1], strides = [1]} : vector<16xi32> to vector<1xi32>
        %squeeze3A_1038 = vector.extract %slice3A_1037[0] : i32 from vector<1xi32>
        %sub3A_1039 = arith.subi %squeeze3A_1038, %mul3A_3 : i32
        %jit3A_1040 = arith.constant 32 : i32
        %select_n3A_1041 = arith.select %and3A_1036, %sub3A_1039, %jit3A_1040 : i32
        %ge3A_1042 = arith.cmpi sge, %add3A_1033, %max3A_1017 : i32
        %lt3A_1043 = arith.cmpi slt, %add3A_1033, %squeeze3A_314 : i32
        %and3A_1044 = arith.andi %ge3A_1042, %lt3A_1043 : i1
        %slice3A_1045 = vector.extract_strided_slice %get3A_1035 {offsets = [1], sizes = [1], strides = [1]} : vector<16xi32> to vector<1xi32>
        %squeeze3A_1046 = vector.extract %slice3A_1045[0] : i32 from vector<1xi32>
        %sub3A_1047 = arith.subi %squeeze3A_1046, %mul3A_3 : i32
        %jit3A_1048 = arith.constant 32 : i32
        %select_n3A_1049 = arith.select %and3A_1044, %sub3A_1047, %jit3A_1048 : i32
        %parallel_loop3A = arith.constant 0 : i32
        %parallel_loop3A_1050 = arith.constant 8 : i32
        %parallel_loop3A_1051 = arith.constant 1 : i32
        scf.for %parallel_loop3A_1053 = %parallel_loop3A to %parallel_loop3A_1050 step %parallel_loop3A_1051  : i32 {
          %parallel_loop3A_1054 = arith.constant 16 : i32
          %parallel_loop3A_1055 = arith.muli %parallel_loop3A_1053, %parallel_loop3A_1054 : i32
          %parallel_loop3A_1056 = arith.index_cast %mul3A_1029 : i32 to index
          %parallel_loop3A_1057 = arith.index_cast %parallel_loop3A_1055 : i32 to index
          %parallel_loop3A_1058 = tpu.vector_load %arg8[%parallel_loop3A_1056, %parallel_loop3A_1057] {strides = array<i32>} : memref<64x128xf32, #tpu.memory_space<vmem>>, vector<16xf32>,
          %parallel_loop3A_1059 = arith.index_cast %select_n3A_1041 : i32 to index
          %parallel_loop3A_1060 = arith.index_cast %parallel_loop3A_1055 : i32 to index
          %parallel_loop3A_1061 = tpu.vector_load %arg6[%parallel_loop3A_1059, %parallel_loop3A_1060] {strides = array<i32>} : memref<33x128xf32, #tpu.memory_space<vmem>>, vector<16xf32>,
          tpu.vector_store %arg6[%parallel_loop3A_1059, %parallel_loop3A_1060], %parallel_loop3A_1058 {add = true, strides = array<i32>} : memref<33x128xf32, #tpu.memory_space<vmem>>, vector<16xf32>,
          %parallel_loop3A_1062 = arith.index_cast %add3A_1031 : i32 to index
          %parallel_loop3A_1063 = arith.index_cast %parallel_loop3A_1055 : i32 to index
          %parallel_loop3A_1064 = tpu.vector_load %arg8[%parallel_loop3A_1062, %parallel_loop3A_1063] {strides = array<i32>} : memref<64x128xf32, #tpu.memory_space<vmem>>, vector<16xf32>,
          %parallel_loop3A_1065 = arith.index_cast %select_n3A_1049 : i32 to index
          %parallel_loop3A_1066 = arith.index_cast %parallel_loop3A_1055 : i32 to index
          %parallel_loop3A_1067 = tpu.vector_load %arg6[%parallel_loop3A_1065, %parallel_loop3A_1066] {strides = array<i32>} : memref<33x128xf32, #tpu.memory_space<vmem>>, vector<16xf32>,
          tpu.vector_store %arg6[%parallel_loop3A_1065, %parallel_loop3A_1066], %parallel_loop3A_1064 {add = true, strides = array<i32>} : memref<33x128xf32, #tpu.memory_space<vmem>>, vector<16xf32>,
        } {sc.loop_unroll_factor = 8 : i64, sc.parallel_access}
        %scan3A_1052 = arith.constant 0 : i32
        scf.yield %scan3A_1052 : i32
      }
      %scan3A_1024 = arith.constant 32 : i32
      %while3A_1025 = arith.constant 0 : i32
      scf.yield %while3A_1025 : i32
    }
    %dma_wait3A_420 = arith.constant 1 : i32
    %dma_wait3A_421 = arith.constant 0 : i32
    %dma_wait3A_422 = arith.constant 896 : i32
    %dma_wait3A_423 = tpu.memref_slice %arg2[%dma_wait3A_420, %dma_wait3A_421, %dma_wait3A_422] : memref<4x4096x1024xf32, #tpu.memory_space<hbm>> -> memref<1x64x128xf32, #tpu.memory_space<hbm>>
    %dma_wait3A_424 = tpu.memref_squeeze %dma_wait3A_423 : memref<1x64x128xf32, #tpu.memory_space<hbm>> -> memref<64x128xf32, #tpu.memory_space<hbm>>
    %dma_wait3A_425 = arith.constant 0 : i32
    %dma_wait3A_426 = arith.constant 896 : i32
    %dma_wait3A_427 = tpu.memref_slice %arg2[%dma_wait3A_420, %dma_wait3A_425, %dma_wait3A_426] : memref<4x4096x1024xf32, #tpu.memory_space<hbm>> -> memref<1x64x128xf32, #tpu.memory_space<hbm>>
    %dma_wait3A_428 = tpu.memref_squeeze %dma_wait3A_427 : memref<1x64x128xf32, #tpu.memory_space<hbm>> -> memref<64x128xf32, #tpu.memory_space<hbm>>
    tpu.wait_dma2 semaphore(%arg11 : memref<!tpu.dma_semaphore, #tpu.memory_space<semaphore_mem>>) src(%dma_wait3A_428 : memref<64x128xf32, #tpu.memory_space<hbm>>) dst(%arg7 : memref<64x128xf32, #tpu.memory_space<vmem>>)
    %scan3A_429 = arith.constant 0 : i32
    %scan3A_430 = arith.constant 0 : i32
    %scan3A_431 = arith.constant 32 : i32
    %scan3A_432 = arith.addi %scan3A_430, %scan3A_431 : i32
    %scan3A_433 = arith.constant 1 : i32
    %scan3A_434 = scf.for %scan3A_938 = %scan3A_430 to %scan3A_432 step %scan3A_433 iter_args(%scan3A_939 = %scan3A_429) -> (i32)  : i32 {
      %broadcast_in_dim3A_940 = vector.broadcast %scan3A_938 : i32 to vector<16xi32>
      %gather3A = tpu.vector_load_idx %arg10[%broadcast_in_dim3A_940] : memref<32xf32, #tpu.memory_space<vmem>>[vector<16xi32>], vector<16xf32>,
      %parallel_loop3A = arith.constant 0 : i32
      %parallel_loop3A_941 = arith.constant 8 : i32
      %parallel_loop3A_942 = arith.constant 1 : i32
      scf.for %parallel_loop3A_944 = %parallel_loop3A to %parallel_loop3A_941 step %parallel_loop3A_942  : i32 {
        %parallel_loop3A_945 = arith.constant 16 : i32
        %parallel_loop3A_946 = arith.muli %parallel_loop3A_944, %parallel_loop3A_945 : i32
        %parallel_loop3A_947 = arith.index_cast %scan3A_938 : i32 to index
        %parallel_loop3A_948 = arith.index_cast %parallel_loop3A_946 : i32 to index
        %parallel_loop3A_949 = tpu.vector_load %arg6[%parallel_loop3A_947, %parallel_loop3A_948] {strides = array<i32>} : memref<33x128xf32, #tpu.memory_space<vmem>>, vector<16xf32>,
        %parallel_loop3A_950 = arith.mulf %parallel_loop3A_949, %gather3A : vector<16xf32>
        %parallel_loop3A_951 = arith.index_cast %scan3A_938 : i32 to index
        %parallel_loop3A_952 = arith.index_cast %parallel_loop3A_946 : i32 to index
        %parallel_loop3A_953 = tpu.vector_load %arg7[%parallel_loop3A_951, %parallel_loop3A_952] {strides = array<i32>} : memref<64x128xf32, #tpu.memory_space<vmem>>, vector<16xf32>,
        tpu.vector_store %arg7[%parallel_loop3A_951, %parallel_loop3A_952], %parallel_loop3A_950 {strides = array<i32>} : memref<64x128xf32, #tpu.memory_space<vmem>>, vector<16xf32>,
        %parallel_loop3A_954 = arith.index_cast %scan3A_938 : i32 to index
        %parallel_loop3A_955 = arith.index_cast %parallel_loop3A_946 : i32 to index
        %parallel_loop3A_956 = tpu.vector_load %arg6[%parallel_loop3A_954, %parallel_loop3A_955] {strides = array<i32>} : memref<33x128xf32, #tpu.memory_space<vmem>>, vector<16xf32>,
        tpu.vector_store %arg6[%parallel_loop3A_954, %parallel_loop3A_955], %broadcast_in_dim3A_0 {strides = array<i32>} : memref<33x128xf32, #tpu.memory_space<vmem>>, vector<16xf32>,
      } {sc.loop_unroll_factor = 8 : i64, sc.parallel_access}
      %scan3A_943 = arith.constant 0 : i32
      scf.yield %scan3A_943 : i32
    }
    %scan3A_435 = arith.constant 32 : i32
    %multiple_of3A_436 = tpu.assume_multiple %mul3A_3, 8 : i32
    %dma_start3A_437 = arith.constant 1 : i32
    %dma_start3A_438 = arith.constant 0 : i32
    %dma_start3A_439 = arith.constant 0 : i32
    %dma_start3A_440 = tpu.memref_slice %arg7[%dma_start3A_438, %dma_start3A_439] : memref<64x128xf32, #tpu.memory_space<vmem>> -> memref<32x128xf32, #tpu.memory_space<vmem>>
    %dma_start3A_441 = arith.constant 0 : i32
    %dma_start3A_442 = tpu.memref_slice %arg4[%dma_start3A_437, %multiple_of3A_436, %dma_start3A_441] : memref<4x1024x128xf32, #tpu.memory_space<hbm>> -> memref<1x32x128xf32, #tpu.memory_space<hbm>>
    %dma_start3A_443 = tpu.memref_squeeze %dma_start3A_442 : memref<1x32x128xf32, #tpu.memory_space<hbm>> -> memref<32x128xf32, #tpu.memory_space<hbm>>
    %dma_start3A_444 = arith.constant 0 : i32
    %dma_start3A_445 = tpu.memref_slice %arg4[%dma_start3A_437, %multiple_of3A_436, %dma_start3A_444] : memref<4x1024x128xf32, #tpu.memory_space<hbm>> -> memref<1x32x128xf32, #tpu.memory_space<hbm>>
    %dma_start3A_446 = tpu.memref_squeeze %dma_start3A_445 : memref<1x32x128xf32, #tpu.memory_space<hbm>> -> memref<32x128xf32, #tpu.memory_space<hbm>>
    %dma_start3A_447 = arith.constant 0 : i32
    %dma_start3A_448 = arith.constant 0 : i32
    %dma_start3A_449 = tpu.memref_slice %arg7[%dma_start3A_447, %dma_start3A_448] : memref<64x128xf32, #tpu.memory_space<vmem>> -> memref<32x128xf32, #tpu.memory_space<vmem>>
    tpu.enqueue_dma source(%dma_start3A_449 : memref<32x128xf32, #tpu.memory_space<vmem>>) target(%dma_start3A_446 : memref<32x128xf32, #tpu.memory_space<hbm>>) target_semaphore(%arg13 : memref<!tpu.dma_semaphore, #tpu.memory_space<semaphore_mem>>)
    %run_scoped3A_450 = arith.constant 2 : i32
    "tpu.region"() ({
      %run_scoped3A_938 = tpu.sem_alloc : memref<!tpu.dma_semaphore, #tpu.memory_space<semaphore_mem>>
      %dma_start3A_939 = arith.constant 0 : i32
      %dma_start3A_940 = tpu.memref_slice %arg5[%dma_start3A_939] : memref<4112xi32, #tpu.memory_space<vmem>> -> memref<4096xi32, #tpu.memory_space<vmem>>
      %dma_start3A_941 = arith.constant 0 : i32
      %dma_start3A_942 = tpu.memref_slice %arg3[%run_scoped3A_450, %dma_start3A_941] : memref<4x4096xi32, #tpu.memory_space<hbm>> -> memref<1x4096xi32, #tpu.memory_space<hbm>>
      %dma_start3A_943 = tpu.memref_squeeze %dma_start3A_942 : memref<1x4096xi32, #tpu.memory_space<hbm>> -> memref<4096xi32, #tpu.memory_space<hbm>>
      %dma_start3A_944 = arith.constant 0 : i32
      %dma_start3A_945 = tpu.memref_slice %arg5[%dma_start3A_944] : memref<4112xi32, #tpu.memory_space<vmem>> -> memref<4096xi32, #tpu.memory_space<vmem>>
      %dma_start3A_946 = arith.constant 0 : i32
      %dma_start3A_947 = tpu.memref_slice %arg3[%run_scoped3A_450, %dma_start3A_946] : memref<4x4096xi32, #tpu.memory_space<hbm>> -> memref<1x4096xi32, #tpu.memory_space<hbm>>
      %dma_start3A_948 = tpu.memref_squeeze %dma_start3A_947 : memref<1x4096xi32, #tpu.memory_space<hbm>> -> memref<4096xi32, #tpu.memory_space<hbm>>
      tpu.enqueue_dma source(%dma_start3A_948 : memref<4096xi32, #tpu.memory_space<hbm>>) target(%dma_start3A_945 : memref<4096xi32, #tpu.memory_space<vmem>>) target_semaphore(%run_scoped3A_938 : memref<!tpu.dma_semaphore, #tpu.memory_space<semaphore_mem>>)
      %dma_wait3A_949 = arith.constant 0 : i32
      %dma_wait3A_950 = tpu.memref_slice %arg5[%dma_wait3A_949] : memref<4112xi32, #tpu.memory_space<vmem>> -> memref<4096xi32, #tpu.memory_space<vmem>>
      %dma_wait3A_951 = arith.constant 0 : i32
      %dma_wait3A_952 = tpu.memref_slice %arg3[%run_scoped3A_450, %dma_wait3A_951] : memref<4x4096xi32, #tpu.memory_space<hbm>> -> memref<1x4096xi32, #tpu.memory_space<hbm>>
      %dma_wait3A_953 = tpu.memref_squeeze %dma_wait3A_952 : memref<1x4096xi32, #tpu.memory_space<hbm>> -> memref<4096xi32, #tpu.memory_space<hbm>>
      %dma_wait3A_954 = arith.constant 0 : i32
      %dma_wait3A_955 = tpu.memref_slice %arg5[%dma_wait3A_954] : memref<4112xi32, #tpu.memory_space<vmem>> -> memref<4096xi32, #tpu.memory_space<vmem>>
      %dma_wait3A_956 = arith.constant 0 : i32
      %dma_wait3A_957 = tpu.memref_slice %arg3[%run_scoped3A_450, %dma_wait3A_956] : memref<4x4096xi32, #tpu.memory_space<hbm>> -> memref<1x4096xi32, #tpu.memory_space<hbm>>
      %dma_wait3A_958 = tpu.memref_squeeze %dma_wait3A_957 : memref<1x4096xi32, #tpu.memory_space<hbm>> -> memref<4096xi32, #tpu.memory_space<hbm>>
      tpu.wait_dma2 semaphore(%run_scoped3A_938 : memref<!tpu.dma_semaphore, #tpu.memory_space<semaphore_mem>>) src(%dma_wait3A_958 : memref<4096xi32, #tpu.memory_space<hbm>>) dst(%dma_wait3A_955 : memref<4096xi32, #tpu.memory_space<vmem>>)
      tpu.yield
    }) : () -> ()
    %multiple_of3A_451 = tpu.assume_multiple %mul3A_3, 8 : i32
    %dma_wait3A_452 = arith.constant 1 : i32
    %dma_wait3A_453 = arith.constant 0 : i32
    %dma_wait3A_454 = arith.constant 0 : i32
    %dma_wait3A_455 = tpu.memref_slice %arg7[%dma_wait3A_453, %dma_wait3A_454] : memref<64x128xf32, #tpu.memory_space<vmem>> -> memref<32x128xf32, #tpu.memory_space<vmem>>
    %dma_wait3A_456 = arith.constant 0 : i32
    %dma_wait3A_457 = tpu.memref_slice %arg4[%dma_wait3A_452, %multiple_of3A_451, %dma_wait3A_456] : memref<4x1024x128xf32, #tpu.memory_space<hbm>> -> memref<1x32x128xf32, #tpu.memory_space<hbm>>
    %dma_wait3A_458 = tpu.memref_squeeze %dma_wait3A_457 : memref<1x32x128xf32, #tpu.memory_space<hbm>> -> memref<32x128xf32, #tpu.memory_space<hbm>>
    %dma_wait3A_459 = arith.constant 0 : i32
    %dma_wait3A_460 = tpu.memref_slice %arg4[%dma_wait3A_452, %multiple_of3A_451, %dma_wait3A_459] : memref<4x1024x128xf32, #tpu.memory_space<hbm>> -> memref<1x32x128xf32, #tpu.memory_space<hbm>>
    %dma_wait3A_461 = tpu.memref_squeeze %dma_wait3A_460 : memref<1x32x128xf32, #tpu.memory_space<hbm>> -> memref<32x128xf32, #tpu.memory_space<hbm>>
    %dma_wait3A_462 = arith.constant 0 : i32
    %dma_wait3A_463 = arith.constant 0 : i32
    %dma_wait3A_464 = tpu.memref_slice %arg7[%dma_wait3A_462, %dma_wait3A_463] : memref<64x128xf32, #tpu.memory_space<vmem>> -> memref<32x128xf32, #tpu.memory_space<vmem>>
    tpu.wait_dma2 semaphore(%arg13 : memref<!tpu.dma_semaphore, #tpu.memory_space<semaphore_mem>>) src(%dma_wait3A_464 : memref<32x128xf32, #tpu.memory_space<vmem>>) dst(%dma_wait3A_461 : memref<32x128xf32, #tpu.memory_space<hbm>>)
    %iota3A_465 = tpu.iota {dimensions = array<i32: 0>} : vector<16xi32>
    %add3A_466 = arith.constant 0 : i32
    %add3A_467 = arith.addi %mul3A_3, %add3A_466 : i32
    %add3A_468 = vector.broadcast %add3A_467 : i32 to vector<16xi32>
    %add3A_469 = arith.addi %iota3A_465, %add3A_468 : vector<16xi32>
    %broadcast_in_dim3A_470 = arith.constant 0 : i32
    %broadcast_in_dim3A_471 = vector.broadcast %broadcast_in_dim3A_470 : i32 to vector<16xi32>
    %broadcast_in_dim3A_472 = arith.constant 4096 : i32
    %broadcast_in_dim3A_473 = vector.broadcast %broadcast_in_dim3A_472 : i32 to vector<16xi32>
    %scan3A_474 = arith.constant 0 : i32
    %scan3A_475 = arith.constant 13 : i32
    %scan3A_476 = arith.addi %scan3A_474, %scan3A_475 : i32
    %scan3A_477 = arith.constant 1 : i32
    %scan3A_478:2 = scf.for %scan3A_938 = %scan3A_474 to %scan3A_476 step %scan3A_477 iter_args(%scan3A_939 = %broadcast_in_dim3A_471, %scan3A_940 = %broadcast_in_dim3A_473) -> (vector<16xi32>, vector<16xi32>)  : i32 {
      %add3A_941 = arith.addi %scan3A_939, %scan3A_940 : vector<16xi32>
      %shift_right_arithmetic3A = arith.constant 1 : i32
      %shift_right_arithmetic3A_942 = vector.broadcast %shift_right_arithmetic3A : i32 to vector<16xi32>
      %shift_right_arithmetic3A_943 = arith.shrsi %add3A_941, %shift_right_arithmetic3A_942 : vector<16xi32>
      %min3A_944 = arith.constant 4095 : i32
      %min3A_945 = vector.broadcast %min3A_944 : i32 to vector<16xi32>
      %min3A_946 = arith.minsi %shift_right_arithmetic3A_943, %min3A_945 : vector<16xi32>
      %gather3A = tpu.vector_load_idx %arg5[%min3A_946] : memref<4112xi32, #tpu.memory_space<vmem>>[vector<16xi32>], vector<16xi32>,
      %lt3A = arith.cmpi slt, %gather3A, %add3A_469 : vector<16xi32>
      %lt3A_947 = arith.constant 4096 : i32
      %lt3A_948 = vector.broadcast %lt3A_947 : i32 to vector<16xi32>
      %lt3A_949 = arith.cmpi slt, %shift_right_arithmetic3A_943, %lt3A_948 : vector<16xi32>
      %and3A_950 = arith.andi %lt3A, %lt3A_949 : vector<16xi1>
      %add3A_951 = arith.constant 1 : i32
      %add3A_952 = vector.broadcast %add3A_951 : i32 to vector<16xi32>
      %add3A_953 = arith.addi %shift_right_arithmetic3A_943, %add3A_952 : vector<16xi32>
      %select_n3A_954 = arith.select %and3A_950, %add3A_953, %scan3A_939 : vector<16xi1>, vector<16xi32>
      %select_n3A_955 = arith.select %and3A_950, %scan3A_940, %shift_right_arithmetic3A_943 : vector<16xi1>, vector<16xi32>
      scf.yield %select_n3A_954, %select_n3A_955 : vector<16xi32>, vector<16xi32>
    }
    %scan3A_479 = arith.constant 13 : i32
    %swap3A_480 = arith.constant 0 : index
    %swap3A_481 = tpu.vector_load %arg9[%swap3A_480] {strides = array<i32>} : memref<48xi32, #tpu.memory_space<vmem>>, vector<16xi32>,
    tpu.vector_store %arg9[%swap3A_480], %scan3A_478#0 {strides = array<i32>} : memref<48xi32, #tpu.memory_space<vmem>>, vector<16xi32>,
    %iota3A_482 = tpu.iota {dimensions = array<i32: 0>} : vector<16xi32>
    %add3A_483 = arith.constant 16 : i32
    %add3A_484 = arith.addi %mul3A_3, %add3A_483 : i32
    %add3A_485 = vector.broadcast %add3A_484 : i32 to vector<16xi32>
    %add3A_486 = arith.addi %iota3A_482, %add3A_485 : vector<16xi32>
    %broadcast_in_dim3A_487 = arith.constant 0 : i32
    %broadcast_in_dim3A_488 = vector.broadcast %broadcast_in_dim3A_487 : i32 to vector<16xi32>
    %broadcast_in_dim3A_489 = arith.constant 4096 : i32
    %broadcast_in_dim3A_490 = vector.broadcast %broadcast_in_dim3A_489 : i32 to vector<16xi32>
    %scan3A_491 = arith.constant 0 : i32
    %scan3A_492 = arith.constant 13 : i32
    %scan3A_493 = arith.addi %scan3A_491, %scan3A_492 : i32
    %scan3A_494 = arith.constant 1 : i32
    %scan3A_495:2 = scf.for %scan3A_938 = %scan3A_491 to %scan3A_493 step %scan3A_494 iter_args(%scan3A_939 = %broadcast_in_dim3A_488, %scan3A_940 = %broadcast_in_dim3A_490) -> (vector<16xi32>, vector<16xi32>)  : i32 {
      %add3A_941 = arith.addi %scan3A_939, %scan3A_940 : vector<16xi32>
      %shift_right_arithmetic3A = arith.constant 1 : i32
      %shift_right_arithmetic3A_942 = vector.broadcast %shift_right_arithmetic3A : i32 to vector<16xi32>
      %shift_right_arithmetic3A_943 = arith.shrsi %add3A_941, %shift_right_arithmetic3A_942 : vector<16xi32>
      %min3A_944 = arith.constant 4095 : i32
      %min3A_945 = vector.broadcast %min3A_944 : i32 to vector<16xi32>
      %min3A_946 = arith.minsi %shift_right_arithmetic3A_943, %min3A_945 : vector<16xi32>
      %gather3A = tpu.vector_load_idx %arg5[%min3A_946] : memref<4112xi32, #tpu.memory_space<vmem>>[vector<16xi32>], vector<16xi32>,
      %lt3A = arith.cmpi slt, %gather3A, %add3A_486 : vector<16xi32>
      %lt3A_947 = arith.constant 4096 : i32
      %lt3A_948 = vector.broadcast %lt3A_947 : i32 to vector<16xi32>
      %lt3A_949 = arith.cmpi slt, %shift_right_arithmetic3A_943, %lt3A_948 : vector<16xi32>
      %and3A_950 = arith.andi %lt3A, %lt3A_949 : vector<16xi1>
      %add3A_951 = arith.constant 1 : i32
      %add3A_952 = vector.broadcast %add3A_951 : i32 to vector<16xi32>
      %add3A_953 = arith.addi %shift_right_arithmetic3A_943, %add3A_952 : vector<16xi32>
      %select_n3A_954 = arith.select %and3A_950, %add3A_953, %scan3A_939 : vector<16xi1>, vector<16xi32>
      %select_n3A_955 = arith.select %and3A_950, %scan3A_940, %shift_right_arithmetic3A_943 : vector<16xi1>, vector<16xi32>
      scf.yield %select_n3A_954, %select_n3A_955 : vector<16xi32>, vector<16xi32>
    }
    %scan3A_496 = arith.constant 13 : i32
    %swap3A_497 = arith.constant 16 : index
    %swap3A_498 = tpu.vector_load %arg9[%swap3A_497] {strides = array<i32>} : memref<48xi32, #tpu.memory_space<vmem>>, vector<16xi32>,
    tpu.vector_store %arg9[%swap3A_497], %scan3A_495#0 {strides = array<i32>} : memref<48xi32, #tpu.memory_space<vmem>>, vector<16xi32>,
    %iota3A_499 = tpu.iota {dimensions = array<i32: 0>} : vector<16xi32>
    %add3A_500 = arith.constant 32 : i32
    %add3A_501 = arith.addi %mul3A_3, %add3A_500 : i32
    %add3A_502 = vector.broadcast %add3A_501 : i32 to vector<16xi32>
    %add3A_503 = arith.addi %iota3A_499, %add3A_502 : vector<16xi32>
    %broadcast_in_dim3A_504 = arith.constant 0 : i32
    %broadcast_in_dim3A_505 = vector.broadcast %broadcast_in_dim3A_504 : i32 to vector<16xi32>
    %broadcast_in_dim3A_506 = arith.constant 4096 : i32
    %broadcast_in_dim3A_507 = vector.broadcast %broadcast_in_dim3A_506 : i32 to vector<16xi32>
    %scan3A_508 = arith.constant 0 : i32
    %scan3A_509 = arith.constant 13 : i32
    %scan3A_510 = arith.addi %scan3A_508, %scan3A_509 : i32
    %scan3A_511 = arith.constant 1 : i32
    %scan3A_512:2 = scf.for %scan3A_938 = %scan3A_508 to %scan3A_510 step %scan3A_511 iter_args(%scan3A_939 = %broadcast_in_dim3A_505, %scan3A_940 = %broadcast_in_dim3A_507) -> (vector<16xi32>, vector<16xi32>)  : i32 {
      %add3A_941 = arith.addi %scan3A_939, %scan3A_940 : vector<16xi32>
      %shift_right_arithmetic3A = arith.constant 1 : i32
      %shift_right_arithmetic3A_942 = vector.broadcast %shift_right_arithmetic3A : i32 to vector<16xi32>
      %shift_right_arithmetic3A_943 = arith.shrsi %add3A_941, %shift_right_arithmetic3A_942 : vector<16xi32>
      %min3A_944 = arith.constant 4095 : i32
      %min3A_945 = vector.broadcast %min3A_944 : i32 to vector<16xi32>
      %min3A_946 = arith.minsi %shift_right_arithmetic3A_943, %min3A_945 : vector<16xi32>
      %gather3A = tpu.vector_load_idx %arg5[%min3A_946] : memref<4112xi32, #tpu.memory_space<vmem>>[vector<16xi32>], vector<16xi32>,
      %lt3A = arith.cmpi slt, %gather3A, %add3A_503 : vector<16xi32>
      %lt3A_947 = arith.constant 4096 : i32
      %lt3A_948 = vector.broadcast %lt3A_947 : i32 to vector<16xi32>
      %lt3A_949 = arith.cmpi slt, %shift_right_arithmetic3A_943, %lt3A_948 : vector<16xi32>
      %and3A_950 = arith.andi %lt3A, %lt3A_949 : vector<16xi1>
      %add3A_951 = arith.constant 1 : i32
      %add3A_952 = vector.broadcast %add3A_951 : i32 to vector<16xi32>
      %add3A_953 = arith.addi %shift_right_arithmetic3A_943, %add3A_952 : vector<16xi32>
      %select_n3A_954 = arith.select %and3A_950, %add3A_953, %scan3A_939 : vector<16xi1>, vector<16xi32>
      %select_n3A_955 = arith.select %and3A_950, %scan3A_940, %shift_right_arithmetic3A_943 : vector<16xi1>, vector<16xi32>
      scf.yield %select_n3A_954, %select_n3A_955 : vector<16xi32>, vector<16xi32>
    }
    %scan3A_513 = arith.constant 13 : i32
    %swap3A_514 = arith.constant 32 : index
    %swap3A_515 = tpu.vector_load %arg9[%swap3A_514] {strides = array<i32>} : memref<48xi32, #tpu.memory_space<vmem>>, vector<16xi32>,
    tpu.vector_store %arg9[%swap3A_514], %scan3A_512#0 {strides = array<i32>} : memref<48xi32, #tpu.memory_space<vmem>>, vector<16xi32>,
    %get3A_516 = arith.constant 1 : index
    %get3A_517 = tpu.vector_load %arg9[%get3A_516] {strides = array<i32>} : memref<48xi32, #tpu.memory_space<vmem>>, vector<16xi32>,
    %get3A_518 = arith.constant 0 : index
    %get3A_519 = tpu.vector_load %arg9[%get3A_518] {strides = array<i32>} : memref<48xi32, #tpu.memory_space<vmem>>, vector<16xi32>,
    %sub3A_520 = arith.subi %get3A_517, %get3A_519 : vector<16xi32>
    %convert_element_type3A_521 = arith.sitofp %sub3A_520 : vector<16xi32> to vector<16xf32>
    %add3A_522 = arith.constant 1.000000e+00 : f32
    %add3A_523 = vector.broadcast %add3A_522 : f32 to vector<16xf32>
    %add3A_524 = arith.addf %convert_element_type3A_521, %add3A_523 : vector<16xf32>
    %div3A_525 = arith.constant 1.000000e+00 : f32
    %div3A_526 = vector.broadcast %div3A_525 : f32 to vector<16xf32>
    %div3A_527 = arith.divf %div3A_526, %add3A_524 : vector<16xf32>
    %swap3A_528 = arith.constant 0 : index
    %swap3A_529 = tpu.vector_load %arg10[%swap3A_528] {strides = array<i32>} : memref<32xf32, #tpu.memory_space<vmem>>, vector<16xf32>,
    tpu.vector_store %arg10[%swap3A_528], %div3A_527 {strides = array<i32>} : memref<32xf32, #tpu.memory_space<vmem>>, vector<16xf32>,
    %get3A_530 = arith.constant 17 : index
    %get3A_531 = tpu.vector_load %arg9[%get3A_530] {strides = array<i32>} : memref<48xi32, #tpu.memory_space<vmem>>, vector<16xi32>,
    %get3A_532 = arith.constant 16 : index
    %get3A_533 = tpu.vector_load %arg9[%get3A_532] {strides = array<i32>} : memref<48xi32, #tpu.memory_space<vmem>>, vector<16xi32>,
    %sub3A_534 = arith.subi %get3A_531, %get3A_533 : vector<16xi32>
    %convert_element_type3A_535 = arith.sitofp %sub3A_534 : vector<16xi32> to vector<16xf32>
    %add3A_536 = arith.constant 1.000000e+00 : f32
    %add3A_537 = vector.broadcast %add3A_536 : f32 to vector<16xf32>
    %add3A_538 = arith.addf %convert_element_type3A_535, %add3A_537 : vector<16xf32>
    %div3A_539 = arith.constant 1.000000e+00 : f32
    %div3A_540 = vector.broadcast %div3A_539 : f32 to vector<16xf32>
    %div3A_541 = arith.divf %div3A_540, %add3A_538 : vector<16xf32>
    %swap3A_542 = arith.constant 16 : index
    %swap3A_543 = tpu.vector_load %arg10[%swap3A_542] {strides = array<i32>} : memref<32xf32, #tpu.memory_space<vmem>>, vector<16xf32>,
    tpu.vector_store %arg10[%swap3A_542], %div3A_541 {strides = array<i32>} : memref<32xf32, #tpu.memory_space<vmem>>, vector<16xf32>,
    %get3A_544 = arith.constant 0 : index
    %get3A_545 = tpu.vector_load %arg9[%get3A_544] {strides = array<i32>} : memref<48xi32, #tpu.memory_space<vmem>>, vector<16xi32>,
    %slice3A_546 = vector.extract_strided_slice %get3A_545 {offsets = [0], sizes = [1], strides = [1]} : vector<16xi32> to vector<1xi32>
    %squeeze3A_547 = vector.extract %slice3A_546[0] : i32 from vector<1xi32>
    %get3A_548 = arith.constant 32 : index
    %get3A_549 = tpu.vector_load %arg9[%get3A_548] {strides = array<i32>} : memref<48xi32, #tpu.memory_space<vmem>>, vector<16xi32>,
    %slice3A_550 = vector.extract_strided_slice %get3A_549 {offsets = [0], sizes = [1], strides = [1]} : vector<16xi32> to vector<1xi32>
    %squeeze3A_551 = vector.extract %slice3A_550[0] : i32 from vector<1xi32>
    %jit3A_552 = arith.constant 8 : i32
    %div3A_553 = arith.divsi %squeeze3A_547, %jit3A_552 : i32
    %sign3A_554 = arith.constant 0 : i32
    %sign3A_555 = arith.cmpi sgt, %squeeze3A_547, %sign3A_554 : i32
    %sign3A_556 = arith.extui %sign3A_555 : i1 to i32
    %sign3A_557 = arith.constant 0 : i32
    %sign3A_558 = arith.cmpi slt, %squeeze3A_547, %sign3A_557 : i32
    %sign3A_559 = arith.extui %sign3A_558 : i1 to i32
    %sign3A_560 = arith.subi %sign3A_556, %sign3A_559 : i32
    %sign3A_561 = arith.constant 0 : i32
    %sign3A_562 = arith.cmpi sgt, %jit3A_552, %sign3A_561 : i32
    %sign3A_563 = arith.extui %sign3A_562 : i1 to i32
    %sign3A_564 = arith.constant 0 : i32
    %sign3A_565 = arith.cmpi slt, %jit3A_552, %sign3A_564 : i32
    %sign3A_566 = arith.extui %sign3A_565 : i1 to i32
    %sign3A_567 = arith.subi %sign3A_563, %sign3A_566 : i32
    %ne3A_568 = arith.cmpi ne, %sign3A_560, %sign3A_567 : i32
    %rem3A_569 = arith.remsi %squeeze3A_547, %jit3A_552 : i32
    %ne3A_570 = arith.constant 0 : i32
    %ne3A_571 = arith.cmpi ne, %rem3A_569, %ne3A_570 : i32
    %and3A_572 = arith.andi %ne3A_568, %ne3A_571 : i1
    %sub3A_573 = arith.constant 1 : i32
    %sub3A_574 = arith.subi %div3A_553, %sub3A_573 : i32
    %select_n3A_575 = arith.select %and3A_572, %sub3A_574, %div3A_553 : i32
    %mul3A_576 = arith.constant 8 : i32
    %mul3A_577 = arith.muli %select_n3A_575, %mul3A_576 : i32
    %sub3A_578 = arith.subi %squeeze3A_551, %mul3A_577 : i32
    %add3A_579 = arith.constant 64 : i32
    %add3A_580 = arith.addi %sub3A_578, %add3A_579 : i32
    %sub3A_581 = arith.constant 1 : i32
    %sub3A_582 = arith.subi %add3A_580, %sub3A_581 : i32
    %jit3A_583 = arith.constant 64 : i32
    %div3A_584 = arith.divsi %sub3A_582, %jit3A_583 : i32
    %sign3A_585 = arith.constant 0 : i32
    %sign3A_586 = arith.cmpi sgt, %sub3A_582, %sign3A_585 : i32
    %sign3A_587 = arith.extui %sign3A_586 : i1 to i32
    %sign3A_588 = arith.constant 0 : i32
    %sign3A_589 = arith.cmpi slt, %sub3A_582, %sign3A_588 : i32
    %sign3A_590 = arith.extui %sign3A_589 : i1 to i32
    %sign3A_591 = arith.subi %sign3A_587, %sign3A_590 : i32
    %sign3A_592 = arith.constant 0 : i32
    %sign3A_593 = arith.cmpi sgt, %jit3A_583, %sign3A_592 : i32
    %sign3A_594 = arith.extui %sign3A_593 : i1 to i32
    %sign3A_595 = arith.constant 0 : i32
    %sign3A_596 = arith.cmpi slt, %jit3A_583, %sign3A_595 : i32
    %sign3A_597 = arith.extui %sign3A_596 : i1 to i32
    %sign3A_598 = arith.subi %sign3A_594, %sign3A_597 : i32
    %ne3A_599 = arith.cmpi ne, %sign3A_591, %sign3A_598 : i32
    %rem3A_600 = arith.remsi %sub3A_582, %jit3A_583 : i32
    %ne3A_601 = arith.constant 0 : i32
    %ne3A_602 = arith.cmpi ne, %rem3A_600, %ne3A_601 : i32
    %and3A_603 = arith.andi %ne3A_599, %ne3A_602 : i1
    %sub3A_604 = arith.constant 1 : i32
    %sub3A_605 = arith.subi %div3A_584, %sub3A_604 : i32
    %select_n3A_606 = arith.select %and3A_603, %sub3A_605, %div3A_584 : i32
    %add3A_607 = arith.constant 1 : i32
    %add3A_608 = arith.addi %select_n3A_606, %add3A_607 : i32
    %jit3A_609 = arith.constant 2 : i32
    %div3A_610 = arith.divsi %add3A_608, %jit3A_609 : i32
    %sign3A_611 = arith.constant 0 : i32
    %sign3A_612 = arith.cmpi sgt, %add3A_608, %sign3A_611 : i32
    %sign3A_613 = arith.extui %sign3A_612 : i1 to i32
    %sign3A_614 = arith.constant 0 : i32
    %sign3A_615 = arith.cmpi slt, %add3A_608, %sign3A_614 : i32
    %sign3A_616 = arith.extui %sign3A_615 : i1 to i32
    %sign3A_617 = arith.subi %sign3A_613, %sign3A_616 : i32
    %sign3A_618 = arith.constant 0 : i32
    %sign3A_619 = arith.cmpi sgt, %jit3A_609, %sign3A_618 : i32
    %sign3A_620 = arith.extui %sign3A_619 : i1 to i32
    %sign3A_621 = arith.constant 0 : i32
    %sign3A_622 = arith.cmpi slt, %jit3A_609, %sign3A_621 : i32
    %sign3A_623 = arith.extui %sign3A_622 : i1 to i32
    %sign3A_624 = arith.subi %sign3A_620, %sign3A_623 : i32
    %ne3A_625 = arith.cmpi ne, %sign3A_617, %sign3A_624 : i32
    %rem3A_626 = arith.remsi %add3A_608, %jit3A_609 : i32
    %ne3A_627 = arith.constant 0 : i32
    %ne3A_628 = arith.cmpi ne, %rem3A_626, %ne3A_627 : i32
    %and3A_629 = arith.andi %ne3A_625, %ne3A_628 : i1
    %sub3A_630 = arith.constant 1 : i32
    %sub3A_631 = arith.subi %div3A_610, %sub3A_630 : i32
    %select_n3A_632 = arith.select %and3A_629, %sub3A_631, %div3A_610 : i32
    %add3A_633 = arith.constant 0 : i32
    %add3A_634 = arith.addi %mul3A_577, %add3A_633 : i32
    %min3A_635 = arith.constant 4032 : i32
    %min3A_636 = arith.minsi %add3A_634, %min3A_635 : i32
    %multiple_of3A_637 = tpu.assume_multiple %min3A_636, 8 : i32
    %dma_start3A_638 = arith.constant 2 : i32
    %dma_start3A_639 = arith.constant 896 : i32
    %dma_start3A_640 = tpu.memref_slice %arg2[%dma_start3A_638, %multiple_of3A_637, %dma_start3A_639] : memref<4x4096x1024xf32, #tpu.memory_space<hbm>> -> memref<1x64x128xf32, #tpu.memory_space<hbm>>
    %dma_start3A_641 = tpu.memref_squeeze %dma_start3A_640 : memref<1x64x128xf32, #tpu.memory_space<hbm>> -> memref<64x128xf32, #tpu.memory_space<hbm>>
    %dma_start3A_642 = arith.constant 896 : i32
    %dma_start3A_643 = tpu.memref_slice %arg2[%dma_start3A_638, %multiple_of3A_637, %dma_start3A_642] : memref<4x4096x1024xf32, #tpu.memory_space<hbm>> -> memref<1x64x128xf32, #tpu.memory_space<hbm>>
    %dma_start3A_644 = tpu.memref_squeeze %dma_start3A_643 : memref<1x64x128xf32, #tpu.memory_space<hbm>> -> memref<64x128xf32, #tpu.memory_space<hbm>>
    tpu.enqueue_dma source(%dma_start3A_644 : memref<64x128xf32, #tpu.memory_space<hbm>>) target(%arg7 : memref<64x128xf32, #tpu.memory_space<vmem>>) target_semaphore(%arg11 : memref<!tpu.dma_semaphore, #tpu.memory_space<semaphore_mem>>)
    %while3A_645 = arith.constant 0 : i32
    %while3A_646 = arith.constant 0 : i32
    %while3A_647 = arith.subi %select_n3A_632, %while3A_645 : i32
    %while3A_648 = arith.addi %while3A_645, %while3A_647 : i32
    %while3A_649 = arith.constant 1 : i32
    %while3A_650 = arith.divsi %while3A_647, %while3A_649 : i32
    %while3A_651 = arith.muli %while3A_650, %while3A_649 : i32
    %while3A_652 = arith.addi %while3A_645, %while3A_651 : i32
    %while3A_653 = arith.constant 1 : i32
    %while3A_654 = scf.for %while3A_938 = %while3A_645 to %while3A_652 step %while3A_653 iter_args(%while3A_939 = %while3A_646) -> (i32)  : i32 {
      %mul3A_940 = arith.constant 2 : i32
      %mul3A_941 = arith.muli %mul3A_940, %while3A_938 : i32
      %add3A_942 = arith.constant 1 : i32
      %add3A_943 = arith.addi %mul3A_941, %add3A_942 : i32
      %mul3A_944 = arith.constant 64 : i32
      %mul3A_945 = arith.muli %add3A_943, %mul3A_944 : i32
      %add3A_946 = arith.addi %mul3A_577, %mul3A_945 : i32
      %min3A_947 = arith.constant 4032 : i32
      %min3A_948 = arith.minsi %add3A_946, %min3A_947 : i32
      %multiple_of3A_949 = tpu.assume_multiple %min3A_948, 8 : i32
      %dma_start3A_950 = arith.constant 2 : i32
      %dma_start3A_951 = arith.constant 896 : i32
      %dma_start3A_952 = tpu.memref_slice %arg2[%dma_start3A_950, %multiple_of3A_949, %dma_start3A_951] : memref<4x4096x1024xf32, #tpu.memory_space<hbm>> -> memref<1x64x128xf32, #tpu.memory_space<hbm>>
      %dma_start3A_953 = tpu.memref_squeeze %dma_start3A_952 : memref<1x64x128xf32, #tpu.memory_space<hbm>> -> memref<64x128xf32, #tpu.memory_space<hbm>>
      %dma_start3A_954 = arith.constant 896 : i32
      %dma_start3A_955 = tpu.memref_slice %arg2[%dma_start3A_950, %multiple_of3A_949, %dma_start3A_954] : memref<4x4096x1024xf32, #tpu.memory_space<hbm>> -> memref<1x64x128xf32, #tpu.memory_space<hbm>>
      %dma_start3A_956 = tpu.memref_squeeze %dma_start3A_955 : memref<1x64x128xf32, #tpu.memory_space<hbm>> -> memref<64x128xf32, #tpu.memory_space<hbm>>
      tpu.enqueue_dma source(%dma_start3A_956 : memref<64x128xf32, #tpu.memory_space<hbm>>) target(%arg8 : memref<64x128xf32, #tpu.memory_space<vmem>>) target_semaphore(%arg12 : memref<!tpu.dma_semaphore, #tpu.memory_space<semaphore_mem>>)
      %dma_wait3A_957 = arith.constant 2 : i32
      %dma_wait3A_958 = arith.constant 0 : i32
      %dma_wait3A_959 = arith.constant 896 : i32
      %dma_wait3A_960 = tpu.memref_slice %arg2[%dma_wait3A_957, %dma_wait3A_958, %dma_wait3A_959] : memref<4x4096x1024xf32, #tpu.memory_space<hbm>> -> memref<1x64x128xf32, #tpu.memory_space<hbm>>
      %dma_wait3A_961 = tpu.memref_squeeze %dma_wait3A_960 : memref<1x64x128xf32, #tpu.memory_space<hbm>> -> memref<64x128xf32, #tpu.memory_space<hbm>>
      %dma_wait3A_962 = arith.constant 0 : i32
      %dma_wait3A_963 = arith.constant 896 : i32
      %dma_wait3A_964 = tpu.memref_slice %arg2[%dma_wait3A_957, %dma_wait3A_962, %dma_wait3A_963] : memref<4x4096x1024xf32, #tpu.memory_space<hbm>> -> memref<1x64x128xf32, #tpu.memory_space<hbm>>
      %dma_wait3A_965 = tpu.memref_squeeze %dma_wait3A_964 : memref<1x64x128xf32, #tpu.memory_space<hbm>> -> memref<64x128xf32, #tpu.memory_space<hbm>>
      tpu.wait_dma2 semaphore(%arg11 : memref<!tpu.dma_semaphore, #tpu.memory_space<semaphore_mem>>) src(%dma_wait3A_965 : memref<64x128xf32, #tpu.memory_space<hbm>>) dst(%arg7 : memref<64x128xf32, #tpu.memory_space<vmem>>)
      %mul3A_966 = arith.constant 64 : i32
      %mul3A_967 = arith.muli %mul3A_941, %mul3A_966 : i32
      %add3A_968 = arith.addi %mul3A_577, %mul3A_967 : i32
      %mul3A_969 = arith.constant 64 : i32
      %mul3A_970 = arith.muli %mul3A_941, %mul3A_969 : i32
      %add3A_971 = arith.addi %mul3A_577, %mul3A_970 : i32
      %min3A_972 = arith.constant 4032 : i32
      %min3A_973 = arith.minsi %add3A_971, %min3A_972 : i32
      %multiple_of3A_974 = tpu.assume_multiple %min3A_973, 8 : i32
      %max3A = arith.maxsi %add3A_968, %squeeze3A_547 : i32
      %scan3A_975 = arith.constant 0 : i32
      %scan3A_976 = arith.constant 0 : i32
      %scan3A_977 = arith.constant 32 : i32
      %scan3A_978 = arith.addi %scan3A_976, %scan3A_977 : i32
      %scan3A_979 = arith.constant 1 : i32
      %scan3A_980 = scf.for %scan3A_1026 = %scan3A_976 to %scan3A_978 step %scan3A_979 iter_args(%scan3A_1027 = %scan3A_975) -> (i32)  : i32 {
        %mul3A_1028 = arith.constant 2 : i32
        %mul3A_1029 = arith.muli %mul3A_1028, %scan3A_1026 : i32
        %add3A_1030 = arith.constant 1 : i32
        %add3A_1031 = arith.addi %mul3A_1029, %add3A_1030 : i32
        %add3A_1032 = arith.addi %multiple_of3A_974, %mul3A_1029 : i32
        %add3A_1033 = arith.addi %multiple_of3A_974, %add3A_1031 : i32
        %get3A_1034 = arith.index_cast %add3A_1032 : i32 to index
        %get3A_1035 = tpu.vector_load %arg5[%get3A_1034] {strides = array<i32>} : memref<4112xi32, #tpu.memory_space<vmem>>, vector<16xi32>,
        %ge3A = arith.cmpi sge, %add3A_1032, %max3A : i32
        %lt3A = arith.cmpi slt, %add3A_1032, %squeeze3A_551 : i32
        %and3A_1036 = arith.andi %ge3A, %lt3A : i1
        %slice3A_1037 = vector.extract_strided_slice %get3A_1035 {offsets = [0], sizes = [1], strides = [1]} : vector<16xi32> to vector<1xi32>
        %squeeze3A_1038 = vector.extract %slice3A_1037[0] : i32 from vector<1xi32>
        %sub3A_1039 = arith.subi %squeeze3A_1038, %mul3A_3 : i32
        %jit3A_1040 = arith.constant 32 : i32
        %select_n3A_1041 = arith.select %and3A_1036, %sub3A_1039, %jit3A_1040 : i32
        %ge3A_1042 = arith.cmpi sge, %add3A_1033, %max3A : i32
        %lt3A_1043 = arith.cmpi slt, %add3A_1033, %squeeze3A_551 : i32
        %and3A_1044 = arith.andi %ge3A_1042, %lt3A_1043 : i1
        %slice3A_1045 = vector.extract_strided_slice %get3A_1035 {offsets = [1], sizes = [1], strides = [1]} : vector<16xi32> to vector<1xi32>
        %squeeze3A_1046 = vector.extract %slice3A_1045[0] : i32 from vector<1xi32>
        %sub3A_1047 = arith.subi %squeeze3A_1046, %mul3A_3 : i32
        %jit3A_1048 = arith.constant 32 : i32
        %select_n3A_1049 = arith.select %and3A_1044, %sub3A_1047, %jit3A_1048 : i32
        %parallel_loop3A = arith.constant 0 : i32
        %parallel_loop3A_1050 = arith.constant 8 : i32
        %parallel_loop3A_1051 = arith.constant 1 : i32
        scf.for %parallel_loop3A_1053 = %parallel_loop3A to %parallel_loop3A_1050 step %parallel_loop3A_1051  : i32 {
          %parallel_loop3A_1054 = arith.constant 16 : i32
          %parallel_loop3A_1055 = arith.muli %parallel_loop3A_1053, %parallel_loop3A_1054 : i32
          %parallel_loop3A_1056 = arith.index_cast %mul3A_1029 : i32 to index
          %parallel_loop3A_1057 = arith.index_cast %parallel_loop3A_1055 : i32 to index
          %parallel_loop3A_1058 = tpu.vector_load %arg7[%parallel_loop3A_1056, %parallel_loop3A_1057] {strides = array<i32>} : memref<64x128xf32, #tpu.memory_space<vmem>>, vector<16xf32>,
          %parallel_loop3A_1059 = arith.index_cast %select_n3A_1041 : i32 to index
          %parallel_loop3A_1060 = arith.index_cast %parallel_loop3A_1055 : i32 to index
          %parallel_loop3A_1061 = tpu.vector_load %arg6[%parallel_loop3A_1059, %parallel_loop3A_1060] {strides = array<i32>} : memref<33x128xf32, #tpu.memory_space<vmem>>, vector<16xf32>,
          tpu.vector_store %arg6[%parallel_loop3A_1059, %parallel_loop3A_1060], %parallel_loop3A_1058 {add = true, strides = array<i32>} : memref<33x128xf32, #tpu.memory_space<vmem>>, vector<16xf32>,
          %parallel_loop3A_1062 = arith.index_cast %add3A_1031 : i32 to index
          %parallel_loop3A_1063 = arith.index_cast %parallel_loop3A_1055 : i32 to index
          %parallel_loop3A_1064 = tpu.vector_load %arg7[%parallel_loop3A_1062, %parallel_loop3A_1063] {strides = array<i32>} : memref<64x128xf32, #tpu.memory_space<vmem>>, vector<16xf32>,
          %parallel_loop3A_1065 = arith.index_cast %select_n3A_1049 : i32 to index
          %parallel_loop3A_1066 = arith.index_cast %parallel_loop3A_1055 : i32 to index
          %parallel_loop3A_1067 = tpu.vector_load %arg6[%parallel_loop3A_1065, %parallel_loop3A_1066] {strides = array<i32>} : memref<33x128xf32, #tpu.memory_space<vmem>>, vector<16xf32>,
          tpu.vector_store %arg6[%parallel_loop3A_1065, %parallel_loop3A_1066], %parallel_loop3A_1064 {add = true, strides = array<i32>} : memref<33x128xf32, #tpu.memory_space<vmem>>, vector<16xf32>,
        } {sc.loop_unroll_factor = 8 : i64, sc.parallel_access}
        %scan3A_1052 = arith.constant 0 : i32
        scf.yield %scan3A_1052 : i32
      }
      %scan3A_981 = arith.constant 32 : i32
      %add3A_982 = arith.constant 2 : i32
      %add3A_983 = arith.addi %mul3A_941, %add3A_982 : i32
      %mul3A_984 = arith.constant 64 : i32
      %mul3A_985 = arith.muli %add3A_983, %mul3A_984 : i32
      %add3A_986 = arith.addi %mul3A_577, %mul3A_985 : i32
      %min3A_987 = arith.constant 4032 : i32
      %min3A_988 = arith.minsi %add3A_986, %min3A_987 : i32
      %multiple_of3A_989 = tpu.assume_multiple %min3A_988, 8 : i32
      %dma_start3A_990 = arith.constant 2 : i32
      %dma_start3A_991 = arith.constant 896 : i32
      %dma_start3A_992 = tpu.memref_slice %arg2[%dma_start3A_990, %multiple_of3A_989, %dma_start3A_991] : memref<4x4096x1024xf32, #tpu.memory_space<hbm>> -> memref<1x64x128xf32, #tpu.memory_space<hbm>>
      %dma_start3A_993 = tpu.memref_squeeze %dma_start3A_992 : memref<1x64x128xf32, #tpu.memory_space<hbm>> -> memref<64x128xf32, #tpu.memory_space<hbm>>
      %dma_start3A_994 = arith.constant 896 : i32
      %dma_start3A_995 = tpu.memref_slice %arg2[%dma_start3A_990, %multiple_of3A_989, %dma_start3A_994] : memref<4x4096x1024xf32, #tpu.memory_space<hbm>> -> memref<1x64x128xf32, #tpu.memory_space<hbm>>
      %dma_start3A_996 = tpu.memref_squeeze %dma_start3A_995 : memref<1x64x128xf32, #tpu.memory_space<hbm>> -> memref<64x128xf32, #tpu.memory_space<hbm>>
      tpu.enqueue_dma source(%dma_start3A_996 : memref<64x128xf32, #tpu.memory_space<hbm>>) target(%arg7 : memref<64x128xf32, #tpu.memory_space<vmem>>) target_semaphore(%arg11 : memref<!tpu.dma_semaphore, #tpu.memory_space<semaphore_mem>>)
      %dma_wait3A_997 = arith.constant 2 : i32
      %dma_wait3A_998 = arith.constant 0 : i32
      %dma_wait3A_999 = arith.constant 896 : i32
      %dma_wait3A_1000 = tpu.memref_slice %arg2[%dma_wait3A_997, %dma_wait3A_998, %dma_wait3A_999] : memref<4x4096x1024xf32, #tpu.memory_space<hbm>> -> memref<1x64x128xf32, #tpu.memory_space<hbm>>
      %dma_wait3A_1001 = tpu.memref_squeeze %dma_wait3A_1000 : memref<1x64x128xf32, #tpu.memory_space<hbm>> -> memref<64x128xf32, #tpu.memory_space<hbm>>
      %dma_wait3A_1002 = arith.constant 0 : i32
      %dma_wait3A_1003 = arith.constant 896 : i32
      %dma_wait3A_1004 = tpu.memref_slice %arg2[%dma_wait3A_997, %dma_wait3A_1002, %dma_wait3A_1003] : memref<4x4096x1024xf32, #tpu.memory_space<hbm>> -> memref<1x64x128xf32, #tpu.memory_space<hbm>>
      %dma_wait3A_1005 = tpu.memref_squeeze %dma_wait3A_1004 : memref<1x64x128xf32, #tpu.memory_space<hbm>> -> memref<64x128xf32, #tpu.memory_space<hbm>>
      tpu.wait_dma2 semaphore(%arg12 : memref<!tpu.dma_semaphore, #tpu.memory_space<semaphore_mem>>) src(%dma_wait3A_1005 : memref<64x128xf32, #tpu.memory_space<hbm>>) dst(%arg8 : memref<64x128xf32, #tpu.memory_space<vmem>>)
      %add3A_1006 = arith.constant 1 : i32
      %add3A_1007 = arith.addi %mul3A_941, %add3A_1006 : i32
      %mul3A_1008 = arith.constant 64 : i32
      %mul3A_1009 = arith.muli %add3A_1007, %mul3A_1008 : i32
      %add3A_1010 = arith.addi %mul3A_577, %mul3A_1009 : i32
      %mul3A_1011 = arith.constant 64 : i32
      %mul3A_1012 = arith.muli %add3A_1007, %mul3A_1011 : i32
      %add3A_1013 = arith.addi %mul3A_577, %mul3A_1012 : i32
      %min3A_1014 = arith.constant 4032 : i32
      %min3A_1015 = arith.minsi %add3A_1013, %min3A_1014 : i32
      %multiple_of3A_1016 = tpu.assume_multiple %min3A_1015, 8 : i32
      %max3A_1017 = arith.maxsi %add3A_1010, %squeeze3A_547 : i32
      %scan3A_1018 = arith.constant 0 : i32
      %scan3A_1019 = arith.constant 0 : i32
      %scan3A_1020 = arith.constant 32 : i32
      %scan3A_1021 = arith.addi %scan3A_1019, %scan3A_1020 : i32
      %scan3A_1022 = arith.constant 1 : i32
      %scan3A_1023 = scf.for %scan3A_1026 = %scan3A_1019 to %scan3A_1021 step %scan3A_1022 iter_args(%scan3A_1027 = %scan3A_1018) -> (i32)  : i32 {
        %mul3A_1028 = arith.constant 2 : i32
        %mul3A_1029 = arith.muli %mul3A_1028, %scan3A_1026 : i32
        %add3A_1030 = arith.constant 1 : i32
        %add3A_1031 = arith.addi %mul3A_1029, %add3A_1030 : i32
        %add3A_1032 = arith.addi %multiple_of3A_1016, %mul3A_1029 : i32
        %add3A_1033 = arith.addi %multiple_of3A_1016, %add3A_1031 : i32
        %get3A_1034 = arith.index_cast %add3A_1032 : i32 to index
        %get3A_1035 = tpu.vector_load %arg5[%get3A_1034] {strides = array<i32>} : memref<4112xi32, #tpu.memory_space<vmem>>, vector<16xi32>,
        %ge3A = arith.cmpi sge, %add3A_1032, %max3A_1017 : i32
        %lt3A = arith.cmpi slt, %add3A_1032, %squeeze3A_551 : i32
        %and3A_1036 = arith.andi %ge3A, %lt3A : i1
        %slice3A_1037 = vector.extract_strided_slice %get3A_1035 {offsets = [0], sizes = [1], strides = [1]} : vector<16xi32> to vector<1xi32>
        %squeeze3A_1038 = vector.extract %slice3A_1037[0] : i32 from vector<1xi32>
        %sub3A_1039 = arith.subi %squeeze3A_1038, %mul3A_3 : i32
        %jit3A_1040 = arith.constant 32 : i32
        %select_n3A_1041 = arith.select %and3A_1036, %sub3A_1039, %jit3A_1040 : i32
        %ge3A_1042 = arith.cmpi sge, %add3A_1033, %max3A_1017 : i32
        %lt3A_1043 = arith.cmpi slt, %add3A_1033, %squeeze3A_551 : i32
        %and3A_1044 = arith.andi %ge3A_1042, %lt3A_1043 : i1
        %slice3A_1045 = vector.extract_strided_slice %get3A_1035 {offsets = [1], sizes = [1], strides = [1]} : vector<16xi32> to vector<1xi32>
        %squeeze3A_1046 = vector.extract %slice3A_1045[0] : i32 from vector<1xi32>
        %sub3A_1047 = arith.subi %squeeze3A_1046, %mul3A_3 : i32
        %jit3A_1048 = arith.constant 32 : i32
        %select_n3A_1049 = arith.select %and3A_1044, %sub3A_1047, %jit3A_1048 : i32
        %parallel_loop3A = arith.constant 0 : i32
        %parallel_loop3A_1050 = arith.constant 8 : i32
        %parallel_loop3A_1051 = arith.constant 1 : i32
        scf.for %parallel_loop3A_1053 = %parallel_loop3A to %parallel_loop3A_1050 step %parallel_loop3A_1051  : i32 {
          %parallel_loop3A_1054 = arith.constant 16 : i32
          %parallel_loop3A_1055 = arith.muli %parallel_loop3A_1053, %parallel_loop3A_1054 : i32
          %parallel_loop3A_1056 = arith.index_cast %mul3A_1029 : i32 to index
          %parallel_loop3A_1057 = arith.index_cast %parallel_loop3A_1055 : i32 to index
          %parallel_loop3A_1058 = tpu.vector_load %arg8[%parallel_loop3A_1056, %parallel_loop3A_1057] {strides = array<i32>} : memref<64x128xf32, #tpu.memory_space<vmem>>, vector<16xf32>,
          %parallel_loop3A_1059 = arith.index_cast %select_n3A_1041 : i32 to index
          %parallel_loop3A_1060 = arith.index_cast %parallel_loop3A_1055 : i32 to index
          %parallel_loop3A_1061 = tpu.vector_load %arg6[%parallel_loop3A_1059, %parallel_loop3A_1060] {strides = array<i32>} : memref<33x128xf32, #tpu.memory_space<vmem>>, vector<16xf32>,
          tpu.vector_store %arg6[%parallel_loop3A_1059, %parallel_loop3A_1060], %parallel_loop3A_1058 {add = true, strides = array<i32>} : memref<33x128xf32, #tpu.memory_space<vmem>>, vector<16xf32>,
          %parallel_loop3A_1062 = arith.index_cast %add3A_1031 : i32 to index
          %parallel_loop3A_1063 = arith.index_cast %parallel_loop3A_1055 : i32 to index
          %parallel_loop3A_1064 = tpu.vector_load %arg8[%parallel_loop3A_1062, %parallel_loop3A_1063] {strides = array<i32>} : memref<64x128xf32, #tpu.memory_space<vmem>>, vector<16xf32>,
          %parallel_loop3A_1065 = arith.index_cast %select_n3A_1049 : i32 to index
          %parallel_loop3A_1066 = arith.index_cast %parallel_loop3A_1055 : i32 to index
          %parallel_loop3A_1067 = tpu.vector_load %arg6[%parallel_loop3A_1065, %parallel_loop3A_1066] {strides = array<i32>} : memref<33x128xf32, #tpu.memory_space<vmem>>, vector<16xf32>,
          tpu.vector_store %arg6[%parallel_loop3A_1065, %parallel_loop3A_1066], %parallel_loop3A_1064 {add = true, strides = array<i32>} : memref<33x128xf32, #tpu.memory_space<vmem>>, vector<16xf32>,
        } {sc.loop_unroll_factor = 8 : i64, sc.parallel_access}
        %scan3A_1052 = arith.constant 0 : i32
        scf.yield %scan3A_1052 : i32
      }
      %scan3A_1024 = arith.constant 32 : i32
      %while3A_1025 = arith.constant 0 : i32
      scf.yield %while3A_1025 : i32
    }
    %while3A_655 = arith.constant 1 : i32
    %while3A_656 = scf.for %while3A_938 = %while3A_652 to %while3A_648 step %while3A_655 iter_args(%while3A_939 = %while3A_654) -> (i32)  : i32 {
      %mul3A_940 = arith.constant 2 : i32
      %mul3A_941 = arith.muli %mul3A_940, %while3A_938 : i32
      %add3A_942 = arith.constant 1 : i32
      %add3A_943 = arith.addi %mul3A_941, %add3A_942 : i32
      %mul3A_944 = arith.constant 64 : i32
      %mul3A_945 = arith.muli %add3A_943, %mul3A_944 : i32
      %add3A_946 = arith.addi %mul3A_577, %mul3A_945 : i32
      %min3A_947 = arith.constant 4032 : i32
      %min3A_948 = arith.minsi %add3A_946, %min3A_947 : i32
      %multiple_of3A_949 = tpu.assume_multiple %min3A_948, 8 : i32
      %dma_start3A_950 = arith.constant 2 : i32
      %dma_start3A_951 = arith.constant 896 : i32
      %dma_start3A_952 = tpu.memref_slice %arg2[%dma_start3A_950, %multiple_of3A_949, %dma_start3A_951] : memref<4x4096x1024xf32, #tpu.memory_space<hbm>> -> memref<1x64x128xf32, #tpu.memory_space<hbm>>
      %dma_start3A_953 = tpu.memref_squeeze %dma_start3A_952 : memref<1x64x128xf32, #tpu.memory_space<hbm>> -> memref<64x128xf32, #tpu.memory_space<hbm>>
      %dma_start3A_954 = arith.constant 896 : i32
      %dma_start3A_955 = tpu.memref_slice %arg2[%dma_start3A_950, %multiple_of3A_949, %dma_start3A_954] : memref<4x4096x1024xf32, #tpu.memory_space<hbm>> -> memref<1x64x128xf32, #tpu.memory_space<hbm>>
      %dma_start3A_956 = tpu.memref_squeeze %dma_start3A_955 : memref<1x64x128xf32, #tpu.memory_space<hbm>> -> memref<64x128xf32, #tpu.memory_space<hbm>>
      tpu.enqueue_dma source(%dma_start3A_956 : memref<64x128xf32, #tpu.memory_space<hbm>>) target(%arg8 : memref<64x128xf32, #tpu.memory_space<vmem>>) target_semaphore(%arg12 : memref<!tpu.dma_semaphore, #tpu.memory_space<semaphore_mem>>)
      %dma_wait3A_957 = arith.constant 2 : i32
      %dma_wait3A_958 = arith.constant 0 : i32
      %dma_wait3A_959 = arith.constant 896 : i32
      %dma_wait3A_960 = tpu.memref_slice %arg2[%dma_wait3A_957, %dma_wait3A_958, %dma_wait3A_959] : memref<4x4096x1024xf32, #tpu.memory_space<hbm>> -> memref<1x64x128xf32, #tpu.memory_space<hbm>>
      %dma_wait3A_961 = tpu.memref_squeeze %dma_wait3A_960 : memref<1x64x128xf32, #tpu.memory_space<hbm>> -> memref<64x128xf32, #tpu.memory_space<hbm>>
      %dma_wait3A_962 = arith.constant 0 : i32
      %dma_wait3A_963 = arith.constant 896 : i32
      %dma_wait3A_964 = tpu.memref_slice %arg2[%dma_wait3A_957, %dma_wait3A_962, %dma_wait3A_963] : memref<4x4096x1024xf32, #tpu.memory_space<hbm>> -> memref<1x64x128xf32, #tpu.memory_space<hbm>>
      %dma_wait3A_965 = tpu.memref_squeeze %dma_wait3A_964 : memref<1x64x128xf32, #tpu.memory_space<hbm>> -> memref<64x128xf32, #tpu.memory_space<hbm>>
      tpu.wait_dma2 semaphore(%arg11 : memref<!tpu.dma_semaphore, #tpu.memory_space<semaphore_mem>>) src(%dma_wait3A_965 : memref<64x128xf32, #tpu.memory_space<hbm>>) dst(%arg7 : memref<64x128xf32, #tpu.memory_space<vmem>>)
      %mul3A_966 = arith.constant 64 : i32
      %mul3A_967 = arith.muli %mul3A_941, %mul3A_966 : i32
      %add3A_968 = arith.addi %mul3A_577, %mul3A_967 : i32
      %mul3A_969 = arith.constant 64 : i32
      %mul3A_970 = arith.muli %mul3A_941, %mul3A_969 : i32
      %add3A_971 = arith.addi %mul3A_577, %mul3A_970 : i32
      %min3A_972 = arith.constant 4032 : i32
      %min3A_973 = arith.minsi %add3A_971, %min3A_972 : i32
      %multiple_of3A_974 = tpu.assume_multiple %min3A_973, 8 : i32
      %max3A = arith.maxsi %add3A_968, %squeeze3A_547 : i32
      %scan3A_975 = arith.constant 0 : i32
      %scan3A_976 = arith.constant 0 : i32
      %scan3A_977 = arith.constant 32 : i32
      %scan3A_978 = arith.addi %scan3A_976, %scan3A_977 : i32
      %scan3A_979 = arith.constant 1 : i32
      %scan3A_980 = scf.for %scan3A_1026 = %scan3A_976 to %scan3A_978 step %scan3A_979 iter_args(%scan3A_1027 = %scan3A_975) -> (i32)  : i32 {
        %mul3A_1028 = arith.constant 2 : i32
        %mul3A_1029 = arith.muli %mul3A_1028, %scan3A_1026 : i32
        %add3A_1030 = arith.constant 1 : i32
        %add3A_1031 = arith.addi %mul3A_1029, %add3A_1030 : i32
        %add3A_1032 = arith.addi %multiple_of3A_974, %mul3A_1029 : i32
        %add3A_1033 = arith.addi %multiple_of3A_974, %add3A_1031 : i32
        %get3A_1034 = arith.index_cast %add3A_1032 : i32 to index
        %get3A_1035 = tpu.vector_load %arg5[%get3A_1034] {strides = array<i32>} : memref<4112xi32, #tpu.memory_space<vmem>>, vector<16xi32>,
        %ge3A = arith.cmpi sge, %add3A_1032, %max3A : i32
        %lt3A = arith.cmpi slt, %add3A_1032, %squeeze3A_551 : i32
        %and3A_1036 = arith.andi %ge3A, %lt3A : i1
        %slice3A_1037 = vector.extract_strided_slice %get3A_1035 {offsets = [0], sizes = [1], strides = [1]} : vector<16xi32> to vector<1xi32>
        %squeeze3A_1038 = vector.extract %slice3A_1037[0] : i32 from vector<1xi32>
        %sub3A_1039 = arith.subi %squeeze3A_1038, %mul3A_3 : i32
        %jit3A_1040 = arith.constant 32 : i32
        %select_n3A_1041 = arith.select %and3A_1036, %sub3A_1039, %jit3A_1040 : i32
        %ge3A_1042 = arith.cmpi sge, %add3A_1033, %max3A : i32
        %lt3A_1043 = arith.cmpi slt, %add3A_1033, %squeeze3A_551 : i32
        %and3A_1044 = arith.andi %ge3A_1042, %lt3A_1043 : i1
        %slice3A_1045 = vector.extract_strided_slice %get3A_1035 {offsets = [1], sizes = [1], strides = [1]} : vector<16xi32> to vector<1xi32>
        %squeeze3A_1046 = vector.extract %slice3A_1045[0] : i32 from vector<1xi32>
        %sub3A_1047 = arith.subi %squeeze3A_1046, %mul3A_3 : i32
        %jit3A_1048 = arith.constant 32 : i32
        %select_n3A_1049 = arith.select %and3A_1044, %sub3A_1047, %jit3A_1048 : i32
        %parallel_loop3A = arith.constant 0 : i32
        %parallel_loop3A_1050 = arith.constant 8 : i32
        %parallel_loop3A_1051 = arith.constant 1 : i32
        scf.for %parallel_loop3A_1053 = %parallel_loop3A to %parallel_loop3A_1050 step %parallel_loop3A_1051  : i32 {
          %parallel_loop3A_1054 = arith.constant 16 : i32
          %parallel_loop3A_1055 = arith.muli %parallel_loop3A_1053, %parallel_loop3A_1054 : i32
          %parallel_loop3A_1056 = arith.index_cast %mul3A_1029 : i32 to index
          %parallel_loop3A_1057 = arith.index_cast %parallel_loop3A_1055 : i32 to index
          %parallel_loop3A_1058 = tpu.vector_load %arg7[%parallel_loop3A_1056, %parallel_loop3A_1057] {strides = array<i32>} : memref<64x128xf32, #tpu.memory_space<vmem>>, vector<16xf32>,
          %parallel_loop3A_1059 = arith.index_cast %select_n3A_1041 : i32 to index
          %parallel_loop3A_1060 = arith.index_cast %parallel_loop3A_1055 : i32 to index
          %parallel_loop3A_1061 = tpu.vector_load %arg6[%parallel_loop3A_1059, %parallel_loop3A_1060] {strides = array<i32>} : memref<33x128xf32, #tpu.memory_space<vmem>>, vector<16xf32>,
          tpu.vector_store %arg6[%parallel_loop3A_1059, %parallel_loop3A_1060], %parallel_loop3A_1058 {add = true, strides = array<i32>} : memref<33x128xf32, #tpu.memory_space<vmem>>, vector<16xf32>,
          %parallel_loop3A_1062 = arith.index_cast %add3A_1031 : i32 to index
          %parallel_loop3A_1063 = arith.index_cast %parallel_loop3A_1055 : i32 to index
          %parallel_loop3A_1064 = tpu.vector_load %arg7[%parallel_loop3A_1062, %parallel_loop3A_1063] {strides = array<i32>} : memref<64x128xf32, #tpu.memory_space<vmem>>, vector<16xf32>,
          %parallel_loop3A_1065 = arith.index_cast %select_n3A_1049 : i32 to index
          %parallel_loop3A_1066 = arith.index_cast %parallel_loop3A_1055 : i32 to index
          %parallel_loop3A_1067 = tpu.vector_load %arg6[%parallel_loop3A_1065, %parallel_loop3A_1066] {strides = array<i32>} : memref<33x128xf32, #tpu.memory_space<vmem>>, vector<16xf32>,
          tpu.vector_store %arg6[%parallel_loop3A_1065, %parallel_loop3A_1066], %parallel_loop3A_1064 {add = true, strides = array<i32>} : memref<33x128xf32, #tpu.memory_space<vmem>>, vector<16xf32>,
        } {sc.loop_unroll_factor = 8 : i64, sc.parallel_access}
        %scan3A_1052 = arith.constant 0 : i32
        scf.yield %scan3A_1052 : i32
      }
      %scan3A_981 = arith.constant 32 : i32
      %add3A_982 = arith.constant 2 : i32
      %add3A_983 = arith.addi %mul3A_941, %add3A_982 : i32
      %mul3A_984 = arith.constant 64 : i32
      %mul3A_985 = arith.muli %add3A_983, %mul3A_984 : i32
      %add3A_986 = arith.addi %mul3A_577, %mul3A_985 : i32
      %min3A_987 = arith.constant 4032 : i32
      %min3A_988 = arith.minsi %add3A_986, %min3A_987 : i32
      %multiple_of3A_989 = tpu.assume_multiple %min3A_988, 8 : i32
      %dma_start3A_990 = arith.constant 2 : i32
      %dma_start3A_991 = arith.constant 896 : i32
      %dma_start3A_992 = tpu.memref_slice %arg2[%dma_start3A_990, %multiple_of3A_989, %dma_start3A_991] : memref<4x4096x1024xf32, #tpu.memory_space<hbm>> -> memref<1x64x128xf32, #tpu.memory_space<hbm>>
      %dma_start3A_993 = tpu.memref_squeeze %dma_start3A_992 : memref<1x64x128xf32, #tpu.memory_space<hbm>> -> memref<64x128xf32, #tpu.memory_space<hbm>>
      %dma_start3A_994 = arith.constant 896 : i32
      %dma_start3A_995 = tpu.memref_slice %arg2[%dma_start3A_990, %multiple_of3A_989, %dma_start3A_994] : memref<4x4096x1024xf32, #tpu.memory_space<hbm>> -> memref<1x64x128xf32, #tpu.memory_space<hbm>>
      %dma_start3A_996 = tpu.memref_squeeze %dma_start3A_995 : memref<1x64x128xf32, #tpu.memory_space<hbm>> -> memref<64x128xf32, #tpu.memory_space<hbm>>
      tpu.enqueue_dma source(%dma_start3A_996 : memref<64x128xf32, #tpu.memory_space<hbm>>) target(%arg7 : memref<64x128xf32, #tpu.memory_space<vmem>>) target_semaphore(%arg11 : memref<!tpu.dma_semaphore, #tpu.memory_space<semaphore_mem>>)
      %dma_wait3A_997 = arith.constant 2 : i32
      %dma_wait3A_998 = arith.constant 0 : i32
      %dma_wait3A_999 = arith.constant 896 : i32
      %dma_wait3A_1000 = tpu.memref_slice %arg2[%dma_wait3A_997, %dma_wait3A_998, %dma_wait3A_999] : memref<4x4096x1024xf32, #tpu.memory_space<hbm>> -> memref<1x64x128xf32, #tpu.memory_space<hbm>>
      %dma_wait3A_1001 = tpu.memref_squeeze %dma_wait3A_1000 : memref<1x64x128xf32, #tpu.memory_space<hbm>> -> memref<64x128xf32, #tpu.memory_space<hbm>>
      %dma_wait3A_1002 = arith.constant 0 : i32
      %dma_wait3A_1003 = arith.constant 896 : i32
      %dma_wait3A_1004 = tpu.memref_slice %arg2[%dma_wait3A_997, %dma_wait3A_1002, %dma_wait3A_1003] : memref<4x4096x1024xf32, #tpu.memory_space<hbm>> -> memref<1x64x128xf32, #tpu.memory_space<hbm>>
      %dma_wait3A_1005 = tpu.memref_squeeze %dma_wait3A_1004 : memref<1x64x128xf32, #tpu.memory_space<hbm>> -> memref<64x128xf32, #tpu.memory_space<hbm>>
      tpu.wait_dma2 semaphore(%arg12 : memref<!tpu.dma_semaphore, #tpu.memory_space<semaphore_mem>>) src(%dma_wait3A_1005 : memref<64x128xf32, #tpu.memory_space<hbm>>) dst(%arg8 : memref<64x128xf32, #tpu.memory_space<vmem>>)
      %add3A_1006 = arith.constant 1 : i32
      %add3A_1007 = arith.addi %mul3A_941, %add3A_1006 : i32
      %mul3A_1008 = arith.constant 64 : i32
      %mul3A_1009 = arith.muli %add3A_1007, %mul3A_1008 : i32
      %add3A_1010 = arith.addi %mul3A_577, %mul3A_1009 : i32
      %mul3A_1011 = arith.constant 64 : i32
      %mul3A_1012 = arith.muli %add3A_1007, %mul3A_1011 : i32
      %add3A_1013 = arith.addi %mul3A_577, %mul3A_1012 : i32
      %min3A_1014 = arith.constant 4032 : i32
      %min3A_1015 = arith.minsi %add3A_1013, %min3A_1014 : i32
      %multiple_of3A_1016 = tpu.assume_multiple %min3A_1015, 8 : i32
      %max3A_1017 = arith.maxsi %add3A_1010, %squeeze3A_547 : i32
      %scan3A_1018 = arith.constant 0 : i32
      %scan3A_1019 = arith.constant 0 : i32
      %scan3A_1020 = arith.constant 32 : i32
      %scan3A_1021 = arith.addi %scan3A_1019, %scan3A_1020 : i32
      %scan3A_1022 = arith.constant 1 : i32
      %scan3A_1023 = scf.for %scan3A_1026 = %scan3A_1019 to %scan3A_1021 step %scan3A_1022 iter_args(%scan3A_1027 = %scan3A_1018) -> (i32)  : i32 {
        %mul3A_1028 = arith.constant 2 : i32
        %mul3A_1029 = arith.muli %mul3A_1028, %scan3A_1026 : i32
        %add3A_1030 = arith.constant 1 : i32
        %add3A_1031 = arith.addi %mul3A_1029, %add3A_1030 : i32
        %add3A_1032 = arith.addi %multiple_of3A_1016, %mul3A_1029 : i32
        %add3A_1033 = arith.addi %multiple_of3A_1016, %add3A_1031 : i32
        %get3A_1034 = arith.index_cast %add3A_1032 : i32 to index
        %get3A_1035 = tpu.vector_load %arg5[%get3A_1034] {strides = array<i32>} : memref<4112xi32, #tpu.memory_space<vmem>>, vector<16xi32>,
        %ge3A = arith.cmpi sge, %add3A_1032, %max3A_1017 : i32
        %lt3A = arith.cmpi slt, %add3A_1032, %squeeze3A_551 : i32
        %and3A_1036 = arith.andi %ge3A, %lt3A : i1
        %slice3A_1037 = vector.extract_strided_slice %get3A_1035 {offsets = [0], sizes = [1], strides = [1]} : vector<16xi32> to vector<1xi32>
        %squeeze3A_1038 = vector.extract %slice3A_1037[0] : i32 from vector<1xi32>
        %sub3A_1039 = arith.subi %squeeze3A_1038, %mul3A_3 : i32
        %jit3A_1040 = arith.constant 32 : i32
        %select_n3A_1041 = arith.select %and3A_1036, %sub3A_1039, %jit3A_1040 : i32
        %ge3A_1042 = arith.cmpi sge, %add3A_1033, %max3A_1017 : i32
        %lt3A_1043 = arith.cmpi slt, %add3A_1033, %squeeze3A_551 : i32
        %and3A_1044 = arith.andi %ge3A_1042, %lt3A_1043 : i1
        %slice3A_1045 = vector.extract_strided_slice %get3A_1035 {offsets = [1], sizes = [1], strides = [1]} : vector<16xi32> to vector<1xi32>
        %squeeze3A_1046 = vector.extract %slice3A_1045[0] : i32 from vector<1xi32>
        %sub3A_1047 = arith.subi %squeeze3A_1046, %mul3A_3 : i32
        %jit3A_1048 = arith.constant 32 : i32
        %select_n3A_1049 = arith.select %and3A_1044, %sub3A_1047, %jit3A_1048 : i32
        %parallel_loop3A = arith.constant 0 : i32
        %parallel_loop3A_1050 = arith.constant 8 : i32
        %parallel_loop3A_1051 = arith.constant 1 : i32
        scf.for %parallel_loop3A_1053 = %parallel_loop3A to %parallel_loop3A_1050 step %parallel_loop3A_1051  : i32 {
          %parallel_loop3A_1054 = arith.constant 16 : i32
          %parallel_loop3A_1055 = arith.muli %parallel_loop3A_1053, %parallel_loop3A_1054 : i32
          %parallel_loop3A_1056 = arith.index_cast %mul3A_1029 : i32 to index
          %parallel_loop3A_1057 = arith.index_cast %parallel_loop3A_1055 : i32 to index
          %parallel_loop3A_1058 = tpu.vector_load %arg8[%parallel_loop3A_1056, %parallel_loop3A_1057] {strides = array<i32>} : memref<64x128xf32, #tpu.memory_space<vmem>>, vector<16xf32>,
          %parallel_loop3A_1059 = arith.index_cast %select_n3A_1041 : i32 to index
          %parallel_loop3A_1060 = arith.index_cast %parallel_loop3A_1055 : i32 to index
          %parallel_loop3A_1061 = tpu.vector_load %arg6[%parallel_loop3A_1059, %parallel_loop3A_1060] {strides = array<i32>} : memref<33x128xf32, #tpu.memory_space<vmem>>, vector<16xf32>,
          tpu.vector_store %arg6[%parallel_loop3A_1059, %parallel_loop3A_1060], %parallel_loop3A_1058 {add = true, strides = array<i32>} : memref<33x128xf32, #tpu.memory_space<vmem>>, vector<16xf32>,
          %parallel_loop3A_1062 = arith.index_cast %add3A_1031 : i32 to index
          %parallel_loop3A_1063 = arith.index_cast %parallel_loop3A_1055 : i32 to index
          %parallel_loop3A_1064 = tpu.vector_load %arg8[%parallel_loop3A_1062, %parallel_loop3A_1063] {strides = array<i32>} : memref<64x128xf32, #tpu.memory_space<vmem>>, vector<16xf32>,
          %parallel_loop3A_1065 = arith.index_cast %select_n3A_1049 : i32 to index
          %parallel_loop3A_1066 = arith.index_cast %parallel_loop3A_1055 : i32 to index
          %parallel_loop3A_1067 = tpu.vector_load %arg6[%parallel_loop3A_1065, %parallel_loop3A_1066] {strides = array<i32>} : memref<33x128xf32, #tpu.memory_space<vmem>>, vector<16xf32>,
          tpu.vector_store %arg6[%parallel_loop3A_1065, %parallel_loop3A_1066], %parallel_loop3A_1064 {add = true, strides = array<i32>} : memref<33x128xf32, #tpu.memory_space<vmem>>, vector<16xf32>,
        } {sc.loop_unroll_factor = 8 : i64, sc.parallel_access}
        %scan3A_1052 = arith.constant 0 : i32
        scf.yield %scan3A_1052 : i32
      }
      %scan3A_1024 = arith.constant 32 : i32
      %while3A_1025 = arith.constant 0 : i32
      scf.yield %while3A_1025 : i32
    }
    %dma_wait3A_657 = arith.constant 2 : i32
    %dma_wait3A_658 = arith.constant 0 : i32
    %dma_wait3A_659 = arith.constant 896 : i32
    %dma_wait3A_660 = tpu.memref_slice %arg2[%dma_wait3A_657, %dma_wait3A_658, %dma_wait3A_659] : memref<4x4096x1024xf32, #tpu.memory_space<hbm>> -> memref<1x64x128xf32, #tpu.memory_space<hbm>>
    %dma_wait3A_661 = tpu.memref_squeeze %dma_wait3A_660 : memref<1x64x128xf32, #tpu.memory_space<hbm>> -> memref<64x128xf32, #tpu.memory_space<hbm>>
    %dma_wait3A_662 = arith.constant 0 : i32
    %dma_wait3A_663 = arith.constant 896 : i32
    %dma_wait3A_664 = tpu.memref_slice %arg2[%dma_wait3A_657, %dma_wait3A_662, %dma_wait3A_663] : memref<4x4096x1024xf32, #tpu.memory_space<hbm>> -> memref<1x64x128xf32, #tpu.memory_space<hbm>>
    %dma_wait3A_665 = tpu.memref_squeeze %dma_wait3A_664 : memref<1x64x128xf32, #tpu.memory_space<hbm>> -> memref<64x128xf32, #tpu.memory_space<hbm>>
    tpu.wait_dma2 semaphore(%arg11 : memref<!tpu.dma_semaphore, #tpu.memory_space<semaphore_mem>>) src(%dma_wait3A_665 : memref<64x128xf32, #tpu.memory_space<hbm>>) dst(%arg7 : memref<64x128xf32, #tpu.memory_space<vmem>>)
    %scan3A_666 = arith.constant 0 : i32
    %scan3A_667 = arith.constant 0 : i32
    %scan3A_668 = arith.constant 32 : i32
    %scan3A_669 = arith.addi %scan3A_667, %scan3A_668 : i32
    %scan3A_670 = arith.constant 1 : i32
    %scan3A_671 = scf.for %scan3A_938 = %scan3A_667 to %scan3A_669 step %scan3A_670 iter_args(%scan3A_939 = %scan3A_666) -> (i32)  : i32 {
      %broadcast_in_dim3A_940 = vector.broadcast %scan3A_938 : i32 to vector<16xi32>
      %gather3A = tpu.vector_load_idx %arg10[%broadcast_in_dim3A_940] : memref<32xf32, #tpu.memory_space<vmem>>[vector<16xi32>], vector<16xf32>,
      %parallel_loop3A = arith.constant 0 : i32
      %parallel_loop3A_941 = arith.constant 8 : i32
      %parallel_loop3A_942 = arith.constant 1 : i32
      scf.for %parallel_loop3A_944 = %parallel_loop3A to %parallel_loop3A_941 step %parallel_loop3A_942  : i32 {
        %parallel_loop3A_945 = arith.constant 16 : i32
        %parallel_loop3A_946 = arith.muli %parallel_loop3A_944, %parallel_loop3A_945 : i32
        %parallel_loop3A_947 = arith.index_cast %scan3A_938 : i32 to index
        %parallel_loop3A_948 = arith.index_cast %parallel_loop3A_946 : i32 to index
        %parallel_loop3A_949 = tpu.vector_load %arg6[%parallel_loop3A_947, %parallel_loop3A_948] {strides = array<i32>} : memref<33x128xf32, #tpu.memory_space<vmem>>, vector<16xf32>,
        %parallel_loop3A_950 = arith.mulf %parallel_loop3A_949, %gather3A : vector<16xf32>
        %parallel_loop3A_951 = arith.index_cast %scan3A_938 : i32 to index
        %parallel_loop3A_952 = arith.index_cast %parallel_loop3A_946 : i32 to index
        %parallel_loop3A_953 = tpu.vector_load %arg7[%parallel_loop3A_951, %parallel_loop3A_952] {strides = array<i32>} : memref<64x128xf32, #tpu.memory_space<vmem>>, vector<16xf32>,
        tpu.vector_store %arg7[%parallel_loop3A_951, %parallel_loop3A_952], %parallel_loop3A_950 {strides = array<i32>} : memref<64x128xf32, #tpu.memory_space<vmem>>, vector<16xf32>,
        %parallel_loop3A_954 = arith.index_cast %scan3A_938 : i32 to index
        %parallel_loop3A_955 = arith.index_cast %parallel_loop3A_946 : i32 to index
        %parallel_loop3A_956 = tpu.vector_load %arg6[%parallel_loop3A_954, %parallel_loop3A_955] {strides = array<i32>} : memref<33x128xf32, #tpu.memory_space<vmem>>, vector<16xf32>,
        tpu.vector_store %arg6[%parallel_loop3A_954, %parallel_loop3A_955], %broadcast_in_dim3A_0 {strides = array<i32>} : memref<33x128xf32, #tpu.memory_space<vmem>>, vector<16xf32>,
      } {sc.loop_unroll_factor = 8 : i64, sc.parallel_access}
      %scan3A_943 = arith.constant 0 : i32
      scf.yield %scan3A_943 : i32
    }
    %scan3A_672 = arith.constant 32 : i32
    %multiple_of3A_673 = tpu.assume_multiple %mul3A_3, 8 : i32
    %dma_start3A_674 = arith.constant 2 : i32
    %dma_start3A_675 = arith.constant 0 : i32
    %dma_start3A_676 = arith.constant 0 : i32
    %dma_start3A_677 = tpu.memref_slice %arg7[%dma_start3A_675, %dma_start3A_676] : memref<64x128xf32, #tpu.memory_space<vmem>> -> memref<32x128xf32, #tpu.memory_space<vmem>>
    %dma_start3A_678 = arith.constant 0 : i32
    %dma_start3A_679 = tpu.memref_slice %arg4[%dma_start3A_674, %multiple_of3A_673, %dma_start3A_678] : memref<4x1024x128xf32, #tpu.memory_space<hbm>> -> memref<1x32x128xf32, #tpu.memory_space<hbm>>
    %dma_start3A_680 = tpu.memref_squeeze %dma_start3A_679 : memref<1x32x128xf32, #tpu.memory_space<hbm>> -> memref<32x128xf32, #tpu.memory_space<hbm>>
    %dma_start3A_681 = arith.constant 0 : i32
    %dma_start3A_682 = tpu.memref_slice %arg4[%dma_start3A_674, %multiple_of3A_673, %dma_start3A_681] : memref<4x1024x128xf32, #tpu.memory_space<hbm>> -> memref<1x32x128xf32, #tpu.memory_space<hbm>>
    %dma_start3A_683 = tpu.memref_squeeze %dma_start3A_682 : memref<1x32x128xf32, #tpu.memory_space<hbm>> -> memref<32x128xf32, #tpu.memory_space<hbm>>
    %dma_start3A_684 = arith.constant 0 : i32
    %dma_start3A_685 = arith.constant 0 : i32
    %dma_start3A_686 = tpu.memref_slice %arg7[%dma_start3A_684, %dma_start3A_685] : memref<64x128xf32, #tpu.memory_space<vmem>> -> memref<32x128xf32, #tpu.memory_space<vmem>>
    tpu.enqueue_dma source(%dma_start3A_686 : memref<32x128xf32, #tpu.memory_space<vmem>>) target(%dma_start3A_683 : memref<32x128xf32, #tpu.memory_space<hbm>>) target_semaphore(%arg13 : memref<!tpu.dma_semaphore, #tpu.memory_space<semaphore_mem>>)
    %run_scoped3A_687 = arith.constant 3 : i32
    "tpu.region"() ({
      %run_scoped3A_938 = tpu.sem_alloc : memref<!tpu.dma_semaphore, #tpu.memory_space<semaphore_mem>>
      %dma_start3A_939 = arith.constant 0 : i32
      %dma_start3A_940 = tpu.memref_slice %arg5[%dma_start3A_939] : memref<4112xi32, #tpu.memory_space<vmem>> -> memref<4096xi32, #tpu.memory_space<vmem>>
      %dma_start3A_941 = arith.constant 0 : i32
      %dma_start3A_942 = tpu.memref_slice %arg3[%run_scoped3A_687, %dma_start3A_941] : memref<4x4096xi32, #tpu.memory_space<hbm>> -> memref<1x4096xi32, #tpu.memory_space<hbm>>
      %dma_start3A_943 = tpu.memref_squeeze %dma_start3A_942 : memref<1x4096xi32, #tpu.memory_space<hbm>> -> memref<4096xi32, #tpu.memory_space<hbm>>
      %dma_start3A_944 = arith.constant 0 : i32
      %dma_start3A_945 = tpu.memref_slice %arg5[%dma_start3A_944] : memref<4112xi32, #tpu.memory_space<vmem>> -> memref<4096xi32, #tpu.memory_space<vmem>>
      %dma_start3A_946 = arith.constant 0 : i32
      %dma_start3A_947 = tpu.memref_slice %arg3[%run_scoped3A_687, %dma_start3A_946] : memref<4x4096xi32, #tpu.memory_space<hbm>> -> memref<1x4096xi32, #tpu.memory_space<hbm>>
      %dma_start3A_948 = tpu.memref_squeeze %dma_start3A_947 : memref<1x4096xi32, #tpu.memory_space<hbm>> -> memref<4096xi32, #tpu.memory_space<hbm>>
      tpu.enqueue_dma source(%dma_start3A_948 : memref<4096xi32, #tpu.memory_space<hbm>>) target(%dma_start3A_945 : memref<4096xi32, #tpu.memory_space<vmem>>) target_semaphore(%run_scoped3A_938 : memref<!tpu.dma_semaphore, #tpu.memory_space<semaphore_mem>>)
      %dma_wait3A_949 = arith.constant 0 : i32
      %dma_wait3A_950 = tpu.memref_slice %arg5[%dma_wait3A_949] : memref<4112xi32, #tpu.memory_space<vmem>> -> memref<4096xi32, #tpu.memory_space<vmem>>
      %dma_wait3A_951 = arith.constant 0 : i32
      %dma_wait3A_952 = tpu.memref_slice %arg3[%run_scoped3A_687, %dma_wait3A_951] : memref<4x4096xi32, #tpu.memory_space<hbm>> -> memref<1x4096xi32, #tpu.memory_space<hbm>>
      %dma_wait3A_953 = tpu.memref_squeeze %dma_wait3A_952 : memref<1x4096xi32, #tpu.memory_space<hbm>> -> memref<4096xi32, #tpu.memory_space<hbm>>
      %dma_wait3A_954 = arith.constant 0 : i32
      %dma_wait3A_955 = tpu.memref_slice %arg5[%dma_wait3A_954] : memref<4112xi32, #tpu.memory_space<vmem>> -> memref<4096xi32, #tpu.memory_space<vmem>>
      %dma_wait3A_956 = arith.constant 0 : i32
      %dma_wait3A_957 = tpu.memref_slice %arg3[%run_scoped3A_687, %dma_wait3A_956] : memref<4x4096xi32, #tpu.memory_space<hbm>> -> memref<1x4096xi32, #tpu.memory_space<hbm>>
      %dma_wait3A_958 = tpu.memref_squeeze %dma_wait3A_957 : memref<1x4096xi32, #tpu.memory_space<hbm>> -> memref<4096xi32, #tpu.memory_space<hbm>>
      tpu.wait_dma2 semaphore(%run_scoped3A_938 : memref<!tpu.dma_semaphore, #tpu.memory_space<semaphore_mem>>) src(%dma_wait3A_958 : memref<4096xi32, #tpu.memory_space<hbm>>) dst(%dma_wait3A_955 : memref<4096xi32, #tpu.memory_space<vmem>>)
      tpu.yield
    }) : () -> ()
    %multiple_of3A_688 = tpu.assume_multiple %mul3A_3, 8 : i32
    %dma_wait3A_689 = arith.constant 2 : i32
    %dma_wait3A_690 = arith.constant 0 : i32
    %dma_wait3A_691 = arith.constant 0 : i32
    %dma_wait3A_692 = tpu.memref_slice %arg7[%dma_wait3A_690, %dma_wait3A_691] : memref<64x128xf32, #tpu.memory_space<vmem>> -> memref<32x128xf32, #tpu.memory_space<vmem>>
    %dma_wait3A_693 = arith.constant 0 : i32
    %dma_wait3A_694 = tpu.memref_slice %arg4[%dma_wait3A_689, %multiple_of3A_688, %dma_wait3A_693] : memref<4x1024x128xf32, #tpu.memory_space<hbm>> -> memref<1x32x128xf32, #tpu.memory_space<hbm>>
    %dma_wait3A_695 = tpu.memref_squeeze %dma_wait3A_694 : memref<1x32x128xf32, #tpu.memory_space<hbm>> -> memref<32x128xf32, #tpu.memory_space<hbm>>
    %dma_wait3A_696 = arith.constant 0 : i32
    %dma_wait3A_697 = tpu.memref_slice %arg4[%dma_wait3A_689, %multiple_of3A_688, %dma_wait3A_696] : memref<4x1024x128xf32, #tpu.memory_space<hbm>> -> memref<1x32x128xf32, #tpu.memory_space<hbm>>
    %dma_wait3A_698 = tpu.memref_squeeze %dma_wait3A_697 : memref<1x32x128xf32, #tpu.memory_space<hbm>> -> memref<32x128xf32, #tpu.memory_space<hbm>>
    %dma_wait3A_699 = arith.constant 0 : i32
    %dma_wait3A_700 = arith.constant 0 : i32
    %dma_wait3A_701 = tpu.memref_slice %arg7[%dma_wait3A_699, %dma_wait3A_700] : memref<64x128xf32, #tpu.memory_space<vmem>> -> memref<32x128xf32, #tpu.memory_space<vmem>>
    tpu.wait_dma2 semaphore(%arg13 : memref<!tpu.dma_semaphore, #tpu.memory_space<semaphore_mem>>) src(%dma_wait3A_701 : memref<32x128xf32, #tpu.memory_space<vmem>>) dst(%dma_wait3A_698 : memref<32x128xf32, #tpu.memory_space<hbm>>)
    %iota3A_702 = tpu.iota {dimensions = array<i32: 0>} : vector<16xi32>
    %add3A_703 = arith.constant 0 : i32
    %add3A_704 = arith.addi %mul3A_3, %add3A_703 : i32
    %add3A_705 = vector.broadcast %add3A_704 : i32 to vector<16xi32>
    %add3A_706 = arith.addi %iota3A_702, %add3A_705 : vector<16xi32>
    %broadcast_in_dim3A_707 = arith.constant 0 : i32
    %broadcast_in_dim3A_708 = vector.broadcast %broadcast_in_dim3A_707 : i32 to vector<16xi32>
    %broadcast_in_dim3A_709 = arith.constant 4096 : i32
    %broadcast_in_dim3A_710 = vector.broadcast %broadcast_in_dim3A_709 : i32 to vector<16xi32>
    %scan3A_711 = arith.constant 0 : i32
    %scan3A_712 = arith.constant 13 : i32
    %scan3A_713 = arith.addi %scan3A_711, %scan3A_712 : i32
    %scan3A_714 = arith.constant 1 : i32
    %scan3A_715:2 = scf.for %scan3A_938 = %scan3A_711 to %scan3A_713 step %scan3A_714 iter_args(%scan3A_939 = %broadcast_in_dim3A_708, %scan3A_940 = %broadcast_in_dim3A_710) -> (vector<16xi32>, vector<16xi32>)  : i32 {
      %add3A_941 = arith.addi %scan3A_939, %scan3A_940 : vector<16xi32>
      %shift_right_arithmetic3A = arith.constant 1 : i32
      %shift_right_arithmetic3A_942 = vector.broadcast %shift_right_arithmetic3A : i32 to vector<16xi32>
      %shift_right_arithmetic3A_943 = arith.shrsi %add3A_941, %shift_right_arithmetic3A_942 : vector<16xi32>
      %min3A_944 = arith.constant 4095 : i32
      %min3A_945 = vector.broadcast %min3A_944 : i32 to vector<16xi32>
      %min3A_946 = arith.minsi %shift_right_arithmetic3A_943, %min3A_945 : vector<16xi32>
      %gather3A = tpu.vector_load_idx %arg5[%min3A_946] : memref<4112xi32, #tpu.memory_space<vmem>>[vector<16xi32>], vector<16xi32>,
      %lt3A = arith.cmpi slt, %gather3A, %add3A_706 : vector<16xi32>
      %lt3A_947 = arith.constant 4096 : i32
      %lt3A_948 = vector.broadcast %lt3A_947 : i32 to vector<16xi32>
      %lt3A_949 = arith.cmpi slt, %shift_right_arithmetic3A_943, %lt3A_948 : vector<16xi32>
      %and3A_950 = arith.andi %lt3A, %lt3A_949 : vector<16xi1>
      %add3A_951 = arith.constant 1 : i32
      %add3A_952 = vector.broadcast %add3A_951 : i32 to vector<16xi32>
      %add3A_953 = arith.addi %shift_right_arithmetic3A_943, %add3A_952 : vector<16xi32>
      %select_n3A_954 = arith.select %and3A_950, %add3A_953, %scan3A_939 : vector<16xi1>, vector<16xi32>
      %select_n3A_955 = arith.select %and3A_950, %scan3A_940, %shift_right_arithmetic3A_943 : vector<16xi1>, vector<16xi32>
      scf.yield %select_n3A_954, %select_n3A_955 : vector<16xi32>, vector<16xi32>
    }
    %scan3A_716 = arith.constant 13 : i32
    %swap3A_717 = arith.constant 0 : index
    %swap3A_718 = tpu.vector_load %arg9[%swap3A_717] {strides = array<i32>} : memref<48xi32, #tpu.memory_space<vmem>>, vector<16xi32>,
    tpu.vector_store %arg9[%swap3A_717], %scan3A_715#0 {strides = array<i32>} : memref<48xi32, #tpu.memory_space<vmem>>, vector<16xi32>,
    %iota3A_719 = tpu.iota {dimensions = array<i32: 0>} : vector<16xi32>
    %add3A_720 = arith.constant 16 : i32
    %add3A_721 = arith.addi %mul3A_3, %add3A_720 : i32
    %add3A_722 = vector.broadcast %add3A_721 : i32 to vector<16xi32>
    %add3A_723 = arith.addi %iota3A_719, %add3A_722 : vector<16xi32>
    %broadcast_in_dim3A_724 = arith.constant 0 : i32
    %broadcast_in_dim3A_725 = vector.broadcast %broadcast_in_dim3A_724 : i32 to vector<16xi32>
    %broadcast_in_dim3A_726 = arith.constant 4096 : i32
    %broadcast_in_dim3A_727 = vector.broadcast %broadcast_in_dim3A_726 : i32 to vector<16xi32>
    %scan3A_728 = arith.constant 0 : i32
    %scan3A_729 = arith.constant 13 : i32
    %scan3A_730 = arith.addi %scan3A_728, %scan3A_729 : i32
    %scan3A_731 = arith.constant 1 : i32
    %scan3A_732:2 = scf.for %scan3A_938 = %scan3A_728 to %scan3A_730 step %scan3A_731 iter_args(%scan3A_939 = %broadcast_in_dim3A_725, %scan3A_940 = %broadcast_in_dim3A_727) -> (vector<16xi32>, vector<16xi32>)  : i32 {
      %add3A_941 = arith.addi %scan3A_939, %scan3A_940 : vector<16xi32>
      %shift_right_arithmetic3A = arith.constant 1 : i32
      %shift_right_arithmetic3A_942 = vector.broadcast %shift_right_arithmetic3A : i32 to vector<16xi32>
      %shift_right_arithmetic3A_943 = arith.shrsi %add3A_941, %shift_right_arithmetic3A_942 : vector<16xi32>
      %min3A_944 = arith.constant 4095 : i32
      %min3A_945 = vector.broadcast %min3A_944 : i32 to vector<16xi32>
      %min3A_946 = arith.minsi %shift_right_arithmetic3A_943, %min3A_945 : vector<16xi32>
      %gather3A = tpu.vector_load_idx %arg5[%min3A_946] : memref<4112xi32, #tpu.memory_space<vmem>>[vector<16xi32>], vector<16xi32>,
      %lt3A = arith.cmpi slt, %gather3A, %add3A_723 : vector<16xi32>
      %lt3A_947 = arith.constant 4096 : i32
      %lt3A_948 = vector.broadcast %lt3A_947 : i32 to vector<16xi32>
      %lt3A_949 = arith.cmpi slt, %shift_right_arithmetic3A_943, %lt3A_948 : vector<16xi32>
      %and3A_950 = arith.andi %lt3A, %lt3A_949 : vector<16xi1>
      %add3A_951 = arith.constant 1 : i32
      %add3A_952 = vector.broadcast %add3A_951 : i32 to vector<16xi32>
      %add3A_953 = arith.addi %shift_right_arithmetic3A_943, %add3A_952 : vector<16xi32>
      %select_n3A_954 = arith.select %and3A_950, %add3A_953, %scan3A_939 : vector<16xi1>, vector<16xi32>
      %select_n3A_955 = arith.select %and3A_950, %scan3A_940, %shift_right_arithmetic3A_943 : vector<16xi1>, vector<16xi32>
      scf.yield %select_n3A_954, %select_n3A_955 : vector<16xi32>, vector<16xi32>
    }
    %scan3A_733 = arith.constant 13 : i32
    %swap3A_734 = arith.constant 16 : index
    %swap3A_735 = tpu.vector_load %arg9[%swap3A_734] {strides = array<i32>} : memref<48xi32, #tpu.memory_space<vmem>>, vector<16xi32>,
    tpu.vector_store %arg9[%swap3A_734], %scan3A_732#0 {strides = array<i32>} : memref<48xi32, #tpu.memory_space<vmem>>, vector<16xi32>,
    %iota3A_736 = tpu.iota {dimensions = array<i32: 0>} : vector<16xi32>
    %add3A_737 = arith.constant 32 : i32
    %add3A_738 = arith.addi %mul3A_3, %add3A_737 : i32
    %add3A_739 = vector.broadcast %add3A_738 : i32 to vector<16xi32>
    %add3A_740 = arith.addi %iota3A_736, %add3A_739 : vector<16xi32>
    %broadcast_in_dim3A_741 = arith.constant 0 : i32
    %broadcast_in_dim3A_742 = vector.broadcast %broadcast_in_dim3A_741 : i32 to vector<16xi32>
    %broadcast_in_dim3A_743 = arith.constant 4096 : i32
    %broadcast_in_dim3A_744 = vector.broadcast %broadcast_in_dim3A_743 : i32 to vector<16xi32>
    %scan3A_745 = arith.constant 0 : i32
    %scan3A_746 = arith.constant 13 : i32
    %scan3A_747 = arith.addi %scan3A_745, %scan3A_746 : i32
    %scan3A_748 = arith.constant 1 : i32
    %scan3A_749:2 = scf.for %scan3A_938 = %scan3A_745 to %scan3A_747 step %scan3A_748 iter_args(%scan3A_939 = %broadcast_in_dim3A_742, %scan3A_940 = %broadcast_in_dim3A_744) -> (vector<16xi32>, vector<16xi32>)  : i32 {
      %add3A_941 = arith.addi %scan3A_939, %scan3A_940 : vector<16xi32>
      %shift_right_arithmetic3A = arith.constant 1 : i32
      %shift_right_arithmetic3A_942 = vector.broadcast %shift_right_arithmetic3A : i32 to vector<16xi32>
      %shift_right_arithmetic3A_943 = arith.shrsi %add3A_941, %shift_right_arithmetic3A_942 : vector<16xi32>
      %min3A_944 = arith.constant 4095 : i32
      %min3A_945 = vector.broadcast %min3A_944 : i32 to vector<16xi32>
      %min3A_946 = arith.minsi %shift_right_arithmetic3A_943, %min3A_945 : vector<16xi32>
      %gather3A = tpu.vector_load_idx %arg5[%min3A_946] : memref<4112xi32, #tpu.memory_space<vmem>>[vector<16xi32>], vector<16xi32>,
      %lt3A = arith.cmpi slt, %gather3A, %add3A_740 : vector<16xi32>
      %lt3A_947 = arith.constant 4096 : i32
      %lt3A_948 = vector.broadcast %lt3A_947 : i32 to vector<16xi32>
      %lt3A_949 = arith.cmpi slt, %shift_right_arithmetic3A_943, %lt3A_948 : vector<16xi32>
      %and3A_950 = arith.andi %lt3A, %lt3A_949 : vector<16xi1>
      %add3A_951 = arith.constant 1 : i32
      %add3A_952 = vector.broadcast %add3A_951 : i32 to vector<16xi32>
      %add3A_953 = arith.addi %shift_right_arithmetic3A_943, %add3A_952 : vector<16xi32>
      %select_n3A_954 = arith.select %and3A_950, %add3A_953, %scan3A_939 : vector<16xi1>, vector<16xi32>
      %select_n3A_955 = arith.select %and3A_950, %scan3A_940, %shift_right_arithmetic3A_943 : vector<16xi1>, vector<16xi32>
      scf.yield %select_n3A_954, %select_n3A_955 : vector<16xi32>, vector<16xi32>
    }
    %scan3A_750 = arith.constant 13 : i32
    %swap3A_751 = arith.constant 32 : index
    %swap3A_752 = tpu.vector_load %arg9[%swap3A_751] {strides = array<i32>} : memref<48xi32, #tpu.memory_space<vmem>>, vector<16xi32>,
    tpu.vector_store %arg9[%swap3A_751], %scan3A_749#0 {strides = array<i32>} : memref<48xi32, #tpu.memory_space<vmem>>, vector<16xi32>,
    %get3A_753 = arith.constant 1 : index
    %get3A_754 = tpu.vector_load %arg9[%get3A_753] {strides = array<i32>} : memref<48xi32, #tpu.memory_space<vmem>>, vector<16xi32>,
    %get3A_755 = arith.constant 0 : index
    %get3A_756 = tpu.vector_load %arg9[%get3A_755] {strides = array<i32>} : memref<48xi32, #tpu.memory_space<vmem>>, vector<16xi32>,
    %sub3A_757 = arith.subi %get3A_754, %get3A_756 : vector<16xi32>
    %convert_element_type3A_758 = arith.sitofp %sub3A_757 : vector<16xi32> to vector<16xf32>
    %add3A_759 = arith.constant 1.000000e+00 : f32
    %add3A_760 = vector.broadcast %add3A_759 : f32 to vector<16xf32>
    %add3A_761 = arith.addf %convert_element_type3A_758, %add3A_760 : vector<16xf32>
    %div3A_762 = arith.constant 1.000000e+00 : f32
    %div3A_763 = vector.broadcast %div3A_762 : f32 to vector<16xf32>
    %div3A_764 = arith.divf %div3A_763, %add3A_761 : vector<16xf32>
    %swap3A_765 = arith.constant 0 : index
    %swap3A_766 = tpu.vector_load %arg10[%swap3A_765] {strides = array<i32>} : memref<32xf32, #tpu.memory_space<vmem>>, vector<16xf32>,
    tpu.vector_store %arg10[%swap3A_765], %div3A_764 {strides = array<i32>} : memref<32xf32, #tpu.memory_space<vmem>>, vector<16xf32>,
    %get3A_767 = arith.constant 17 : index
    %get3A_768 = tpu.vector_load %arg9[%get3A_767] {strides = array<i32>} : memref<48xi32, #tpu.memory_space<vmem>>, vector<16xi32>,
    %get3A_769 = arith.constant 16 : index
    %get3A_770 = tpu.vector_load %arg9[%get3A_769] {strides = array<i32>} : memref<48xi32, #tpu.memory_space<vmem>>, vector<16xi32>,
    %sub3A_771 = arith.subi %get3A_768, %get3A_770 : vector<16xi32>
    %convert_element_type3A_772 = arith.sitofp %sub3A_771 : vector<16xi32> to vector<16xf32>
    %add3A_773 = arith.constant 1.000000e+00 : f32
    %add3A_774 = vector.broadcast %add3A_773 : f32 to vector<16xf32>
    %add3A_775 = arith.addf %convert_element_type3A_772, %add3A_774 : vector<16xf32>
    %div3A_776 = arith.constant 1.000000e+00 : f32
    %div3A_777 = vector.broadcast %div3A_776 : f32 to vector<16xf32>
    %div3A_778 = arith.divf %div3A_777, %add3A_775 : vector<16xf32>
    %swap3A_779 = arith.constant 16 : index
    %swap3A_780 = tpu.vector_load %arg10[%swap3A_779] {strides = array<i32>} : memref<32xf32, #tpu.memory_space<vmem>>, vector<16xf32>,
    tpu.vector_store %arg10[%swap3A_779], %div3A_778 {strides = array<i32>} : memref<32xf32, #tpu.memory_space<vmem>>, vector<16xf32>,
    %get3A_781 = arith.constant 0 : index
    %get3A_782 = tpu.vector_load %arg9[%get3A_781] {strides = array<i32>} : memref<48xi32, #tpu.memory_space<vmem>>, vector<16xi32>,
    %slice3A_783 = vector.extract_strided_slice %get3A_782 {offsets = [0], sizes = [1], strides = [1]} : vector<16xi32> to vector<1xi32>
    %squeeze3A_784 = vector.extract %slice3A_783[0] : i32 from vector<1xi32>
    %get3A_785 = arith.constant 32 : index
    %get3A_786 = tpu.vector_load %arg9[%get3A_785] {strides = array<i32>} : memref<48xi32, #tpu.memory_space<vmem>>, vector<16xi32>,
    %slice3A_787 = vector.extract_strided_slice %get3A_786 {offsets = [0], sizes = [1], strides = [1]} : vector<16xi32> to vector<1xi32>
    %squeeze3A_788 = vector.extract %slice3A_787[0] : i32 from vector<1xi32>
    %jit3A_789 = arith.constant 8 : i32
    %div3A_790 = arith.divsi %squeeze3A_784, %jit3A_789 : i32
    %sign3A_791 = arith.constant 0 : i32
    %sign3A_792 = arith.cmpi sgt, %squeeze3A_784, %sign3A_791 : i32
    %sign3A_793 = arith.extui %sign3A_792 : i1 to i32
    %sign3A_794 = arith.constant 0 : i32
    %sign3A_795 = arith.cmpi slt, %squeeze3A_784, %sign3A_794 : i32
    %sign3A_796 = arith.extui %sign3A_795 : i1 to i32
    %sign3A_797 = arith.subi %sign3A_793, %sign3A_796 : i32
    %sign3A_798 = arith.constant 0 : i32
    %sign3A_799 = arith.cmpi sgt, %jit3A_789, %sign3A_798 : i32
    %sign3A_800 = arith.extui %sign3A_799 : i1 to i32
    %sign3A_801 = arith.constant 0 : i32
    %sign3A_802 = arith.cmpi slt, %jit3A_789, %sign3A_801 : i32
    %sign3A_803 = arith.extui %sign3A_802 : i1 to i32
    %sign3A_804 = arith.subi %sign3A_800, %sign3A_803 : i32
    %ne3A_805 = arith.cmpi ne, %sign3A_797, %sign3A_804 : i32
    %rem3A_806 = arith.remsi %squeeze3A_784, %jit3A_789 : i32
    %ne3A_807 = arith.constant 0 : i32
    %ne3A_808 = arith.cmpi ne, %rem3A_806, %ne3A_807 : i32
    %and3A_809 = arith.andi %ne3A_805, %ne3A_808 : i1
    %sub3A_810 = arith.constant 1 : i32
    %sub3A_811 = arith.subi %div3A_790, %sub3A_810 : i32
    %select_n3A_812 = arith.select %and3A_809, %sub3A_811, %div3A_790 : i32
    %mul3A_813 = arith.constant 8 : i32
    %mul3A_814 = arith.muli %select_n3A_812, %mul3A_813 : i32
    %sub3A_815 = arith.subi %squeeze3A_788, %mul3A_814 : i32
    %add3A_816 = arith.constant 64 : i32
    %add3A_817 = arith.addi %sub3A_815, %add3A_816 : i32
    %sub3A_818 = arith.constant 1 : i32
    %sub3A_819 = arith.subi %add3A_817, %sub3A_818 : i32
    %jit3A_820 = arith.constant 64 : i32
    %div3A_821 = arith.divsi %sub3A_819, %jit3A_820 : i32
    %sign3A_822 = arith.constant 0 : i32
    %sign3A_823 = arith.cmpi sgt, %sub3A_819, %sign3A_822 : i32
    %sign3A_824 = arith.extui %sign3A_823 : i1 to i32
    %sign3A_825 = arith.constant 0 : i32
    %sign3A_826 = arith.cmpi slt, %sub3A_819, %sign3A_825 : i32
    %sign3A_827 = arith.extui %sign3A_826 : i1 to i32
    %sign3A_828 = arith.subi %sign3A_824, %sign3A_827 : i32
    %sign3A_829 = arith.constant 0 : i32
    %sign3A_830 = arith.cmpi sgt, %jit3A_820, %sign3A_829 : i32
    %sign3A_831 = arith.extui %sign3A_830 : i1 to i32
    %sign3A_832 = arith.constant 0 : i32
    %sign3A_833 = arith.cmpi slt, %jit3A_820, %sign3A_832 : i32
    %sign3A_834 = arith.extui %sign3A_833 : i1 to i32
    %sign3A_835 = arith.subi %sign3A_831, %sign3A_834 : i32
    %ne3A_836 = arith.cmpi ne, %sign3A_828, %sign3A_835 : i32
    %rem3A_837 = arith.remsi %sub3A_819, %jit3A_820 : i32
    %ne3A_838 = arith.constant 0 : i32
    %ne3A_839 = arith.cmpi ne, %rem3A_837, %ne3A_838 : i32
    %and3A_840 = arith.andi %ne3A_836, %ne3A_839 : i1
    %sub3A_841 = arith.constant 1 : i32
    %sub3A_842 = arith.subi %div3A_821, %sub3A_841 : i32
    %select_n3A_843 = arith.select %and3A_840, %sub3A_842, %div3A_821 : i32
    %add3A_844 = arith.constant 1 : i32
    %add3A_845 = arith.addi %select_n3A_843, %add3A_844 : i32
    %jit3A_846 = arith.constant 2 : i32
    %div3A_847 = arith.divsi %add3A_845, %jit3A_846 : i32
    %sign3A_848 = arith.constant 0 : i32
    %sign3A_849 = arith.cmpi sgt, %add3A_845, %sign3A_848 : i32
    %sign3A_850 = arith.extui %sign3A_849 : i1 to i32
    %sign3A_851 = arith.constant 0 : i32
    %sign3A_852 = arith.cmpi slt, %add3A_845, %sign3A_851 : i32
    %sign3A_853 = arith.extui %sign3A_852 : i1 to i32
    %sign3A_854 = arith.subi %sign3A_850, %sign3A_853 : i32
    %sign3A_855 = arith.constant 0 : i32
    %sign3A_856 = arith.cmpi sgt, %jit3A_846, %sign3A_855 : i32
    %sign3A_857 = arith.extui %sign3A_856 : i1 to i32
    %sign3A_858 = arith.constant 0 : i32
    %sign3A_859 = arith.cmpi slt, %jit3A_846, %sign3A_858 : i32
    %sign3A_860 = arith.extui %sign3A_859 : i1 to i32
    %sign3A_861 = arith.subi %sign3A_857, %sign3A_860 : i32
    %ne3A_862 = arith.cmpi ne, %sign3A_854, %sign3A_861 : i32
    %rem3A_863 = arith.remsi %add3A_845, %jit3A_846 : i32
    %ne3A_864 = arith.constant 0 : i32
    %ne3A_865 = arith.cmpi ne, %rem3A_863, %ne3A_864 : i32
    %and3A_866 = arith.andi %ne3A_862, %ne3A_865 : i1
    %sub3A_867 = arith.constant 1 : i32
    %sub3A_868 = arith.subi %div3A_847, %sub3A_867 : i32
    %select_n3A_869 = arith.select %and3A_866, %sub3A_868, %div3A_847 : i32
    %add3A_870 = arith.constant 0 : i32
    %add3A_871 = arith.addi %mul3A_814, %add3A_870 : i32
    %min3A_872 = arith.constant 4032 : i32
    %min3A_873 = arith.minsi %add3A_871, %min3A_872 : i32
    %multiple_of3A_874 = tpu.assume_multiple %min3A_873, 8 : i32
    %dma_start3A_875 = arith.constant 3 : i32
    %dma_start3A_876 = arith.constant 896 : i32
    %dma_start3A_877 = tpu.memref_slice %arg2[%dma_start3A_875, %multiple_of3A_874, %dma_start3A_876] : memref<4x4096x1024xf32, #tpu.memory_space<hbm>> -> memref<1x64x128xf32, #tpu.memory_space<hbm>>
    %dma_start3A_878 = tpu.memref_squeeze %dma_start3A_877 : memref<1x64x128xf32, #tpu.memory_space<hbm>> -> memref<64x128xf32, #tpu.memory_space<hbm>>
    %dma_start3A_879 = arith.constant 896 : i32
    %dma_start3A_880 = tpu.memref_slice %arg2[%dma_start3A_875, %multiple_of3A_874, %dma_start3A_879] : memref<4x4096x1024xf32, #tpu.memory_space<hbm>> -> memref<1x64x128xf32, #tpu.memory_space<hbm>>
    %dma_start3A_881 = tpu.memref_squeeze %dma_start3A_880 : memref<1x64x128xf32, #tpu.memory_space<hbm>> -> memref<64x128xf32, #tpu.memory_space<hbm>>
    tpu.enqueue_dma source(%dma_start3A_881 : memref<64x128xf32, #tpu.memory_space<hbm>>) target(%arg7 : memref<64x128xf32, #tpu.memory_space<vmem>>) target_semaphore(%arg11 : memref<!tpu.dma_semaphore, #tpu.memory_space<semaphore_mem>>)
    %while3A_882 = arith.constant 0 : i32
    %while3A_883 = arith.constant 0 : i32
    %while3A_884 = arith.subi %select_n3A_869, %while3A_882 : i32
    %while3A_885 = arith.addi %while3A_882, %while3A_884 : i32
    %while3A_886 = arith.constant 1 : i32
    %while3A_887 = arith.divsi %while3A_884, %while3A_886 : i32
    %while3A_888 = arith.muli %while3A_887, %while3A_886 : i32
    %while3A_889 = arith.addi %while3A_882, %while3A_888 : i32
    %while3A_890 = arith.constant 1 : i32
    %while3A_891 = scf.for %while3A_938 = %while3A_882 to %while3A_889 step %while3A_890 iter_args(%while3A_939 = %while3A_883) -> (i32)  : i32 {
      %mul3A_940 = arith.constant 2 : i32
      %mul3A_941 = arith.muli %mul3A_940, %while3A_938 : i32
      %add3A_942 = arith.constant 1 : i32
      %add3A_943 = arith.addi %mul3A_941, %add3A_942 : i32
      %mul3A_944 = arith.constant 64 : i32
      %mul3A_945 = arith.muli %add3A_943, %mul3A_944 : i32
      %add3A_946 = arith.addi %mul3A_814, %mul3A_945 : i32
      %min3A_947 = arith.constant 4032 : i32
      %min3A_948 = arith.minsi %add3A_946, %min3A_947 : i32
      %multiple_of3A_949 = tpu.assume_multiple %min3A_948, 8 : i32
      %dma_start3A_950 = arith.constant 3 : i32
      %dma_start3A_951 = arith.constant 896 : i32
      %dma_start3A_952 = tpu.memref_slice %arg2[%dma_start3A_950, %multiple_of3A_949, %dma_start3A_951] : memref<4x4096x1024xf32, #tpu.memory_space<hbm>> -> memref<1x64x128xf32, #tpu.memory_space<hbm>>
      %dma_start3A_953 = tpu.memref_squeeze %dma_start3A_952 : memref<1x64x128xf32, #tpu.memory_space<hbm>> -> memref<64x128xf32, #tpu.memory_space<hbm>>
      %dma_start3A_954 = arith.constant 896 : i32
      %dma_start3A_955 = tpu.memref_slice %arg2[%dma_start3A_950, %multiple_of3A_949, %dma_start3A_954] : memref<4x4096x1024xf32, #tpu.memory_space<hbm>> -> memref<1x64x128xf32, #tpu.memory_space<hbm>>
      %dma_start3A_956 = tpu.memref_squeeze %dma_start3A_955 : memref<1x64x128xf32, #tpu.memory_space<hbm>> -> memref<64x128xf32, #tpu.memory_space<hbm>>
      tpu.enqueue_dma source(%dma_start3A_956 : memref<64x128xf32, #tpu.memory_space<hbm>>) target(%arg8 : memref<64x128xf32, #tpu.memory_space<vmem>>) target_semaphore(%arg12 : memref<!tpu.dma_semaphore, #tpu.memory_space<semaphore_mem>>)
      %dma_wait3A_957 = arith.constant 3 : i32
      %dma_wait3A_958 = arith.constant 0 : i32
      %dma_wait3A_959 = arith.constant 896 : i32
      %dma_wait3A_960 = tpu.memref_slice %arg2[%dma_wait3A_957, %dma_wait3A_958, %dma_wait3A_959] : memref<4x4096x1024xf32, #tpu.memory_space<hbm>> -> memref<1x64x128xf32, #tpu.memory_space<hbm>>
      %dma_wait3A_961 = tpu.memref_squeeze %dma_wait3A_960 : memref<1x64x128xf32, #tpu.memory_space<hbm>> -> memref<64x128xf32, #tpu.memory_space<hbm>>
      %dma_wait3A_962 = arith.constant 0 : i32
      %dma_wait3A_963 = arith.constant 896 : i32
      %dma_wait3A_964 = tpu.memref_slice %arg2[%dma_wait3A_957, %dma_wait3A_962, %dma_wait3A_963] : memref<4x4096x1024xf32, #tpu.memory_space<hbm>> -> memref<1x64x128xf32, #tpu.memory_space<hbm>>
      %dma_wait3A_965 = tpu.memref_squeeze %dma_wait3A_964 : memref<1x64x128xf32, #tpu.memory_space<hbm>> -> memref<64x128xf32, #tpu.memory_space<hbm>>
      tpu.wait_dma2 semaphore(%arg11 : memref<!tpu.dma_semaphore, #tpu.memory_space<semaphore_mem>>) src(%dma_wait3A_965 : memref<64x128xf32, #tpu.memory_space<hbm>>) dst(%arg7 : memref<64x128xf32, #tpu.memory_space<vmem>>)
      %mul3A_966 = arith.constant 64 : i32
      %mul3A_967 = arith.muli %mul3A_941, %mul3A_966 : i32
      %add3A_968 = arith.addi %mul3A_814, %mul3A_967 : i32
      %mul3A_969 = arith.constant 64 : i32
      %mul3A_970 = arith.muli %mul3A_941, %mul3A_969 : i32
      %add3A_971 = arith.addi %mul3A_814, %mul3A_970 : i32
      %min3A_972 = arith.constant 4032 : i32
      %min3A_973 = arith.minsi %add3A_971, %min3A_972 : i32
      %multiple_of3A_974 = tpu.assume_multiple %min3A_973, 8 : i32
      %max3A = arith.maxsi %add3A_968, %squeeze3A_784 : i32
      %scan3A_975 = arith.constant 0 : i32
      %scan3A_976 = arith.constant 0 : i32
      %scan3A_977 = arith.constant 32 : i32
      %scan3A_978 = arith.addi %scan3A_976, %scan3A_977 : i32
      %scan3A_979 = arith.constant 1 : i32
      %scan3A_980 = scf.for %scan3A_1026 = %scan3A_976 to %scan3A_978 step %scan3A_979 iter_args(%scan3A_1027 = %scan3A_975) -> (i32)  : i32 {
        %mul3A_1028 = arith.constant 2 : i32
        %mul3A_1029 = arith.muli %mul3A_1028, %scan3A_1026 : i32
        %add3A_1030 = arith.constant 1 : i32
        %add3A_1031 = arith.addi %mul3A_1029, %add3A_1030 : i32
        %add3A_1032 = arith.addi %multiple_of3A_974, %mul3A_1029 : i32
        %add3A_1033 = arith.addi %multiple_of3A_974, %add3A_1031 : i32
        %get3A_1034 = arith.index_cast %add3A_1032 : i32 to index
        %get3A_1035 = tpu.vector_load %arg5[%get3A_1034] {strides = array<i32>} : memref<4112xi32, #tpu.memory_space<vmem>>, vector<16xi32>,
        %ge3A = arith.cmpi sge, %add3A_1032, %max3A : i32
        %lt3A = arith.cmpi slt, %add3A_1032, %squeeze3A_788 : i32
        %and3A_1036 = arith.andi %ge3A, %lt3A : i1
        %slice3A_1037 = vector.extract_strided_slice %get3A_1035 {offsets = [0], sizes = [1], strides = [1]} : vector<16xi32> to vector<1xi32>
        %squeeze3A_1038 = vector.extract %slice3A_1037[0] : i32 from vector<1xi32>
        %sub3A_1039 = arith.subi %squeeze3A_1038, %mul3A_3 : i32
        %jit3A_1040 = arith.constant 32 : i32
        %select_n3A_1041 = arith.select %and3A_1036, %sub3A_1039, %jit3A_1040 : i32
        %ge3A_1042 = arith.cmpi sge, %add3A_1033, %max3A : i32
        %lt3A_1043 = arith.cmpi slt, %add3A_1033, %squeeze3A_788 : i32
        %and3A_1044 = arith.andi %ge3A_1042, %lt3A_1043 : i1
        %slice3A_1045 = vector.extract_strided_slice %get3A_1035 {offsets = [1], sizes = [1], strides = [1]} : vector<16xi32> to vector<1xi32>
        %squeeze3A_1046 = vector.extract %slice3A_1045[0] : i32 from vector<1xi32>
        %sub3A_1047 = arith.subi %squeeze3A_1046, %mul3A_3 : i32
        %jit3A_1048 = arith.constant 32 : i32
        %select_n3A_1049 = arith.select %and3A_1044, %sub3A_1047, %jit3A_1048 : i32
        %parallel_loop3A = arith.constant 0 : i32
        %parallel_loop3A_1050 = arith.constant 8 : i32
        %parallel_loop3A_1051 = arith.constant 1 : i32
        scf.for %parallel_loop3A_1053 = %parallel_loop3A to %parallel_loop3A_1050 step %parallel_loop3A_1051  : i32 {
          %parallel_loop3A_1054 = arith.constant 16 : i32
          %parallel_loop3A_1055 = arith.muli %parallel_loop3A_1053, %parallel_loop3A_1054 : i32
          %parallel_loop3A_1056 = arith.index_cast %mul3A_1029 : i32 to index
          %parallel_loop3A_1057 = arith.index_cast %parallel_loop3A_1055 : i32 to index
          %parallel_loop3A_1058 = tpu.vector_load %arg7[%parallel_loop3A_1056, %parallel_loop3A_1057] {strides = array<i32>} : memref<64x128xf32, #tpu.memory_space<vmem>>, vector<16xf32>,
          %parallel_loop3A_1059 = arith.index_cast %select_n3A_1041 : i32 to index
          %parallel_loop3A_1060 = arith.index_cast %parallel_loop3A_1055 : i32 to index
          %parallel_loop3A_1061 = tpu.vector_load %arg6[%parallel_loop3A_1059, %parallel_loop3A_1060] {strides = array<i32>} : memref<33x128xf32, #tpu.memory_space<vmem>>, vector<16xf32>,
          tpu.vector_store %arg6[%parallel_loop3A_1059, %parallel_loop3A_1060], %parallel_loop3A_1058 {add = true, strides = array<i32>} : memref<33x128xf32, #tpu.memory_space<vmem>>, vector<16xf32>,
          %parallel_loop3A_1062 = arith.index_cast %add3A_1031 : i32 to index
          %parallel_loop3A_1063 = arith.index_cast %parallel_loop3A_1055 : i32 to index
          %parallel_loop3A_1064 = tpu.vector_load %arg7[%parallel_loop3A_1062, %parallel_loop3A_1063] {strides = array<i32>} : memref<64x128xf32, #tpu.memory_space<vmem>>, vector<16xf32>,
          %parallel_loop3A_1065 = arith.index_cast %select_n3A_1049 : i32 to index
          %parallel_loop3A_1066 = arith.index_cast %parallel_loop3A_1055 : i32 to index
          %parallel_loop3A_1067 = tpu.vector_load %arg6[%parallel_loop3A_1065, %parallel_loop3A_1066] {strides = array<i32>} : memref<33x128xf32, #tpu.memory_space<vmem>>, vector<16xf32>,
          tpu.vector_store %arg6[%parallel_loop3A_1065, %parallel_loop3A_1066], %parallel_loop3A_1064 {add = true, strides = array<i32>} : memref<33x128xf32, #tpu.memory_space<vmem>>, vector<16xf32>,
        } {sc.loop_unroll_factor = 8 : i64, sc.parallel_access}
        %scan3A_1052 = arith.constant 0 : i32
        scf.yield %scan3A_1052 : i32
      }
      %scan3A_981 = arith.constant 32 : i32
      %add3A_982 = arith.constant 2 : i32
      %add3A_983 = arith.addi %mul3A_941, %add3A_982 : i32
      %mul3A_984 = arith.constant 64 : i32
      %mul3A_985 = arith.muli %add3A_983, %mul3A_984 : i32
      %add3A_986 = arith.addi %mul3A_814, %mul3A_985 : i32
      %min3A_987 = arith.constant 4032 : i32
      %min3A_988 = arith.minsi %add3A_986, %min3A_987 : i32
      %multiple_of3A_989 = tpu.assume_multiple %min3A_988, 8 : i32
      %dma_start3A_990 = arith.constant 3 : i32
      %dma_start3A_991 = arith.constant 896 : i32
      %dma_start3A_992 = tpu.memref_slice %arg2[%dma_start3A_990, %multiple_of3A_989, %dma_start3A_991] : memref<4x4096x1024xf32, #tpu.memory_space<hbm>> -> memref<1x64x128xf32, #tpu.memory_space<hbm>>
      %dma_start3A_993 = tpu.memref_squeeze %dma_start3A_992 : memref<1x64x128xf32, #tpu.memory_space<hbm>> -> memref<64x128xf32, #tpu.memory_space<hbm>>
      %dma_start3A_994 = arith.constant 896 : i32
      %dma_start3A_995 = tpu.memref_slice %arg2[%dma_start3A_990, %multiple_of3A_989, %dma_start3A_994] : memref<4x4096x1024xf32, #tpu.memory_space<hbm>> -> memref<1x64x128xf32, #tpu.memory_space<hbm>>
      %dma_start3A_996 = tpu.memref_squeeze %dma_start3A_995 : memref<1x64x128xf32, #tpu.memory_space<hbm>> -> memref<64x128xf32, #tpu.memory_space<hbm>>
      tpu.enqueue_dma source(%dma_start3A_996 : memref<64x128xf32, #tpu.memory_space<hbm>>) target(%arg7 : memref<64x128xf32, #tpu.memory_space<vmem>>) target_semaphore(%arg11 : memref<!tpu.dma_semaphore, #tpu.memory_space<semaphore_mem>>)
      %dma_wait3A_997 = arith.constant 3 : i32
      %dma_wait3A_998 = arith.constant 0 : i32
      %dma_wait3A_999 = arith.constant 896 : i32
      %dma_wait3A_1000 = tpu.memref_slice %arg2[%dma_wait3A_997, %dma_wait3A_998, %dma_wait3A_999] : memref<4x4096x1024xf32, #tpu.memory_space<hbm>> -> memref<1x64x128xf32, #tpu.memory_space<hbm>>
      %dma_wait3A_1001 = tpu.memref_squeeze %dma_wait3A_1000 : memref<1x64x128xf32, #tpu.memory_space<hbm>> -> memref<64x128xf32, #tpu.memory_space<hbm>>
      %dma_wait3A_1002 = arith.constant 0 : i32
      %dma_wait3A_1003 = arith.constant 896 : i32
      %dma_wait3A_1004 = tpu.memref_slice %arg2[%dma_wait3A_997, %dma_wait3A_1002, %dma_wait3A_1003] : memref<4x4096x1024xf32, #tpu.memory_space<hbm>> -> memref<1x64x128xf32, #tpu.memory_space<hbm>>
      %dma_wait3A_1005 = tpu.memref_squeeze %dma_wait3A_1004 : memref<1x64x128xf32, #tpu.memory_space<hbm>> -> memref<64x128xf32, #tpu.memory_space<hbm>>
      tpu.wait_dma2 semaphore(%arg12 : memref<!tpu.dma_semaphore, #tpu.memory_space<semaphore_mem>>) src(%dma_wait3A_1005 : memref<64x128xf32, #tpu.memory_space<hbm>>) dst(%arg8 : memref<64x128xf32, #tpu.memory_space<vmem>>)
      %add3A_1006 = arith.constant 1 : i32
      %add3A_1007 = arith.addi %mul3A_941, %add3A_1006 : i32
      %mul3A_1008 = arith.constant 64 : i32
      %mul3A_1009 = arith.muli %add3A_1007, %mul3A_1008 : i32
      %add3A_1010 = arith.addi %mul3A_814, %mul3A_1009 : i32
      %mul3A_1011 = arith.constant 64 : i32
      %mul3A_1012 = arith.muli %add3A_1007, %mul3A_1011 : i32
      %add3A_1013 = arith.addi %mul3A_814, %mul3A_1012 : i32
      %min3A_1014 = arith.constant 4032 : i32
      %min3A_1015 = arith.minsi %add3A_1013, %min3A_1014 : i32
      %multiple_of3A_1016 = tpu.assume_multiple %min3A_1015, 8 : i32
      %max3A_1017 = arith.maxsi %add3A_1010, %squeeze3A_784 : i32
      %scan3A_1018 = arith.constant 0 : i32
      %scan3A_1019 = arith.constant 0 : i32
      %scan3A_1020 = arith.constant 32 : i32
      %scan3A_1021 = arith.addi %scan3A_1019, %scan3A_1020 : i32
      %scan3A_1022 = arith.constant 1 : i32
      %scan3A_1023 = scf.for %scan3A_1026 = %scan3A_1019 to %scan3A_1021 step %scan3A_1022 iter_args(%scan3A_1027 = %scan3A_1018) -> (i32)  : i32 {
        %mul3A_1028 = arith.constant 2 : i32
        %mul3A_1029 = arith.muli %mul3A_1028, %scan3A_1026 : i32
        %add3A_1030 = arith.constant 1 : i32
        %add3A_1031 = arith.addi %mul3A_1029, %add3A_1030 : i32
        %add3A_1032 = arith.addi %multiple_of3A_1016, %mul3A_1029 : i32
        %add3A_1033 = arith.addi %multiple_of3A_1016, %add3A_1031 : i32
        %get3A_1034 = arith.index_cast %add3A_1032 : i32 to index
        %get3A_1035 = tpu.vector_load %arg5[%get3A_1034] {strides = array<i32>} : memref<4112xi32, #tpu.memory_space<vmem>>, vector<16xi32>,
        %ge3A = arith.cmpi sge, %add3A_1032, %max3A_1017 : i32
        %lt3A = arith.cmpi slt, %add3A_1032, %squeeze3A_788 : i32
        %and3A_1036 = arith.andi %ge3A, %lt3A : i1
        %slice3A_1037 = vector.extract_strided_slice %get3A_1035 {offsets = [0], sizes = [1], strides = [1]} : vector<16xi32> to vector<1xi32>
        %squeeze3A_1038 = vector.extract %slice3A_1037[0] : i32 from vector<1xi32>
        %sub3A_1039 = arith.subi %squeeze3A_1038, %mul3A_3 : i32
        %jit3A_1040 = arith.constant 32 : i32
        %select_n3A_1041 = arith.select %and3A_1036, %sub3A_1039, %jit3A_1040 : i32
        %ge3A_1042 = arith.cmpi sge, %add3A_1033, %max3A_1017 : i32
        %lt3A_1043 = arith.cmpi slt, %add3A_1033, %squeeze3A_788 : i32
        %and3A_1044 = arith.andi %ge3A_1042, %lt3A_1043 : i1
        %slice3A_1045 = vector.extract_strided_slice %get3A_1035 {offsets = [1], sizes = [1], strides = [1]} : vector<16xi32> to vector<1xi32>
        %squeeze3A_1046 = vector.extract %slice3A_1045[0] : i32 from vector<1xi32>
        %sub3A_1047 = arith.subi %squeeze3A_1046, %mul3A_3 : i32
        %jit3A_1048 = arith.constant 32 : i32
        %select_n3A_1049 = arith.select %and3A_1044, %sub3A_1047, %jit3A_1048 : i32
        %parallel_loop3A = arith.constant 0 : i32
        %parallel_loop3A_1050 = arith.constant 8 : i32
        %parallel_loop3A_1051 = arith.constant 1 : i32
        scf.for %parallel_loop3A_1053 = %parallel_loop3A to %parallel_loop3A_1050 step %parallel_loop3A_1051  : i32 {
          %parallel_loop3A_1054 = arith.constant 16 : i32
          %parallel_loop3A_1055 = arith.muli %parallel_loop3A_1053, %parallel_loop3A_1054 : i32
          %parallel_loop3A_1056 = arith.index_cast %mul3A_1029 : i32 to index
          %parallel_loop3A_1057 = arith.index_cast %parallel_loop3A_1055 : i32 to index
          %parallel_loop3A_1058 = tpu.vector_load %arg8[%parallel_loop3A_1056, %parallel_loop3A_1057] {strides = array<i32>} : memref<64x128xf32, #tpu.memory_space<vmem>>, vector<16xf32>,
          %parallel_loop3A_1059 = arith.index_cast %select_n3A_1041 : i32 to index
          %parallel_loop3A_1060 = arith.index_cast %parallel_loop3A_1055 : i32 to index
          %parallel_loop3A_1061 = tpu.vector_load %arg6[%parallel_loop3A_1059, %parallel_loop3A_1060] {strides = array<i32>} : memref<33x128xf32, #tpu.memory_space<vmem>>, vector<16xf32>,
          tpu.vector_store %arg6[%parallel_loop3A_1059, %parallel_loop3A_1060], %parallel_loop3A_1058 {add = true, strides = array<i32>} : memref<33x128xf32, #tpu.memory_space<vmem>>, vector<16xf32>,
          %parallel_loop3A_1062 = arith.index_cast %add3A_1031 : i32 to index
          %parallel_loop3A_1063 = arith.index_cast %parallel_loop3A_1055 : i32 to index
          %parallel_loop3A_1064 = tpu.vector_load %arg8[%parallel_loop3A_1062, %parallel_loop3A_1063] {strides = array<i32>} : memref<64x128xf32, #tpu.memory_space<vmem>>, vector<16xf32>,
          %parallel_loop3A_1065 = arith.index_cast %select_n3A_1049 : i32 to index
          %parallel_loop3A_1066 = arith.index_cast %parallel_loop3A_1055 : i32 to index
          %parallel_loop3A_1067 = tpu.vector_load %arg6[%parallel_loop3A_1065, %parallel_loop3A_1066] {strides = array<i32>} : memref<33x128xf32, #tpu.memory_space<vmem>>, vector<16xf32>,
          tpu.vector_store %arg6[%parallel_loop3A_1065, %parallel_loop3A_1066], %parallel_loop3A_1064 {add = true, strides = array<i32>} : memref<33x128xf32, #tpu.memory_space<vmem>>, vector<16xf32>,
        } {sc.loop_unroll_factor = 8 : i64, sc.parallel_access}
        %scan3A_1052 = arith.constant 0 : i32
        scf.yield %scan3A_1052 : i32
      }
      %scan3A_1024 = arith.constant 32 : i32
      %while3A_1025 = arith.constant 0 : i32
      scf.yield %while3A_1025 : i32
    }
    %while3A_892 = arith.constant 1 : i32
    %while3A_893 = scf.for %while3A_938 = %while3A_889 to %while3A_885 step %while3A_892 iter_args(%while3A_939 = %while3A_891) -> (i32)  : i32 {
      %mul3A_940 = arith.constant 2 : i32
      %mul3A_941 = arith.muli %mul3A_940, %while3A_938 : i32
      %add3A_942 = arith.constant 1 : i32
      %add3A_943 = arith.addi %mul3A_941, %add3A_942 : i32
      %mul3A_944 = arith.constant 64 : i32
      %mul3A_945 = arith.muli %add3A_943, %mul3A_944 : i32
      %add3A_946 = arith.addi %mul3A_814, %mul3A_945 : i32
      %min3A_947 = arith.constant 4032 : i32
      %min3A_948 = arith.minsi %add3A_946, %min3A_947 : i32
      %multiple_of3A_949 = tpu.assume_multiple %min3A_948, 8 : i32
      %dma_start3A_950 = arith.constant 3 : i32
      %dma_start3A_951 = arith.constant 896 : i32
      %dma_start3A_952 = tpu.memref_slice %arg2[%dma_start3A_950, %multiple_of3A_949, %dma_start3A_951] : memref<4x4096x1024xf32, #tpu.memory_space<hbm>> -> memref<1x64x128xf32, #tpu.memory_space<hbm>>
      %dma_start3A_953 = tpu.memref_squeeze %dma_start3A_952 : memref<1x64x128xf32, #tpu.memory_space<hbm>> -> memref<64x128xf32, #tpu.memory_space<hbm>>
      %dma_start3A_954 = arith.constant 896 : i32
      %dma_start3A_955 = tpu.memref_slice %arg2[%dma_start3A_950, %multiple_of3A_949, %dma_start3A_954] : memref<4x4096x1024xf32, #tpu.memory_space<hbm>> -> memref<1x64x128xf32, #tpu.memory_space<hbm>>
      %dma_start3A_956 = tpu.memref_squeeze %dma_start3A_955 : memref<1x64x128xf32, #tpu.memory_space<hbm>> -> memref<64x128xf32, #tpu.memory_space<hbm>>
      tpu.enqueue_dma source(%dma_start3A_956 : memref<64x128xf32, #tpu.memory_space<hbm>>) target(%arg8 : memref<64x128xf32, #tpu.memory_space<vmem>>) target_semaphore(%arg12 : memref<!tpu.dma_semaphore, #tpu.memory_space<semaphore_mem>>)
      %dma_wait3A_957 = arith.constant 3 : i32
      %dma_wait3A_958 = arith.constant 0 : i32
      %dma_wait3A_959 = arith.constant 896 : i32
      %dma_wait3A_960 = tpu.memref_slice %arg2[%dma_wait3A_957, %dma_wait3A_958, %dma_wait3A_959] : memref<4x4096x1024xf32, #tpu.memory_space<hbm>> -> memref<1x64x128xf32, #tpu.memory_space<hbm>>
      %dma_wait3A_961 = tpu.memref_squeeze %dma_wait3A_960 : memref<1x64x128xf32, #tpu.memory_space<hbm>> -> memref<64x128xf32, #tpu.memory_space<hbm>>
      %dma_wait3A_962 = arith.constant 0 : i32
      %dma_wait3A_963 = arith.constant 896 : i32
      %dma_wait3A_964 = tpu.memref_slice %arg2[%dma_wait3A_957, %dma_wait3A_962, %dma_wait3A_963] : memref<4x4096x1024xf32, #tpu.memory_space<hbm>> -> memref<1x64x128xf32, #tpu.memory_space<hbm>>
      %dma_wait3A_965 = tpu.memref_squeeze %dma_wait3A_964 : memref<1x64x128xf32, #tpu.memory_space<hbm>> -> memref<64x128xf32, #tpu.memory_space<hbm>>
      tpu.wait_dma2 semaphore(%arg11 : memref<!tpu.dma_semaphore, #tpu.memory_space<semaphore_mem>>) src(%dma_wait3A_965 : memref<64x128xf32, #tpu.memory_space<hbm>>) dst(%arg7 : memref<64x128xf32, #tpu.memory_space<vmem>>)
      %mul3A_966 = arith.constant 64 : i32
      %mul3A_967 = arith.muli %mul3A_941, %mul3A_966 : i32
      %add3A_968 = arith.addi %mul3A_814, %mul3A_967 : i32
      %mul3A_969 = arith.constant 64 : i32
      %mul3A_970 = arith.muli %mul3A_941, %mul3A_969 : i32
      %add3A_971 = arith.addi %mul3A_814, %mul3A_970 : i32
      %min3A_972 = arith.constant 4032 : i32
      %min3A_973 = arith.minsi %add3A_971, %min3A_972 : i32
      %multiple_of3A_974 = tpu.assume_multiple %min3A_973, 8 : i32
      %max3A = arith.maxsi %add3A_968, %squeeze3A_784 : i32
      %scan3A_975 = arith.constant 0 : i32
      %scan3A_976 = arith.constant 0 : i32
      %scan3A_977 = arith.constant 32 : i32
      %scan3A_978 = arith.addi %scan3A_976, %scan3A_977 : i32
      %scan3A_979 = arith.constant 1 : i32
      %scan3A_980 = scf.for %scan3A_1026 = %scan3A_976 to %scan3A_978 step %scan3A_979 iter_args(%scan3A_1027 = %scan3A_975) -> (i32)  : i32 {
        %mul3A_1028 = arith.constant 2 : i32
        %mul3A_1029 = arith.muli %mul3A_1028, %scan3A_1026 : i32
        %add3A_1030 = arith.constant 1 : i32
        %add3A_1031 = arith.addi %mul3A_1029, %add3A_1030 : i32
        %add3A_1032 = arith.addi %multiple_of3A_974, %mul3A_1029 : i32
        %add3A_1033 = arith.addi %multiple_of3A_974, %add3A_1031 : i32
        %get3A_1034 = arith.index_cast %add3A_1032 : i32 to index
        %get3A_1035 = tpu.vector_load %arg5[%get3A_1034] {strides = array<i32>} : memref<4112xi32, #tpu.memory_space<vmem>>, vector<16xi32>,
        %ge3A = arith.cmpi sge, %add3A_1032, %max3A : i32
        %lt3A = arith.cmpi slt, %add3A_1032, %squeeze3A_788 : i32
        %and3A_1036 = arith.andi %ge3A, %lt3A : i1
        %slice3A_1037 = vector.extract_strided_slice %get3A_1035 {offsets = [0], sizes = [1], strides = [1]} : vector<16xi32> to vector<1xi32>
        %squeeze3A_1038 = vector.extract %slice3A_1037[0] : i32 from vector<1xi32>
        %sub3A_1039 = arith.subi %squeeze3A_1038, %mul3A_3 : i32
        %jit3A_1040 = arith.constant 32 : i32
        %select_n3A_1041 = arith.select %and3A_1036, %sub3A_1039, %jit3A_1040 : i32
        %ge3A_1042 = arith.cmpi sge, %add3A_1033, %max3A : i32
        %lt3A_1043 = arith.cmpi slt, %add3A_1033, %squeeze3A_788 : i32
        %and3A_1044 = arith.andi %ge3A_1042, %lt3A_1043 : i1
        %slice3A_1045 = vector.extract_strided_slice %get3A_1035 {offsets = [1], sizes = [1], strides = [1]} : vector<16xi32> to vector<1xi32>
        %squeeze3A_1046 = vector.extract %slice3A_1045[0] : i32 from vector<1xi32>
        %sub3A_1047 = arith.subi %squeeze3A_1046, %mul3A_3 : i32
        %jit3A_1048 = arith.constant 32 : i32
        %select_n3A_1049 = arith.select %and3A_1044, %sub3A_1047, %jit3A_1048 : i32
        %parallel_loop3A = arith.constant 0 : i32
        %parallel_loop3A_1050 = arith.constant 8 : i32
        %parallel_loop3A_1051 = arith.constant 1 : i32
        scf.for %parallel_loop3A_1053 = %parallel_loop3A to %parallel_loop3A_1050 step %parallel_loop3A_1051  : i32 {
          %parallel_loop3A_1054 = arith.constant 16 : i32
          %parallel_loop3A_1055 = arith.muli %parallel_loop3A_1053, %parallel_loop3A_1054 : i32
          %parallel_loop3A_1056 = arith.index_cast %mul3A_1029 : i32 to index
          %parallel_loop3A_1057 = arith.index_cast %parallel_loop3A_1055 : i32 to index
          %parallel_loop3A_1058 = tpu.vector_load %arg7[%parallel_loop3A_1056, %parallel_loop3A_1057] {strides = array<i32>} : memref<64x128xf32, #tpu.memory_space<vmem>>, vector<16xf32>,
          %parallel_loop3A_1059 = arith.index_cast %select_n3A_1041 : i32 to index
          %parallel_loop3A_1060 = arith.index_cast %parallel_loop3A_1055 : i32 to index
          %parallel_loop3A_1061 = tpu.vector_load %arg6[%parallel_loop3A_1059, %parallel_loop3A_1060] {strides = array<i32>} : memref<33x128xf32, #tpu.memory_space<vmem>>, vector<16xf32>,
          tpu.vector_store %arg6[%parallel_loop3A_1059, %parallel_loop3A_1060], %parallel_loop3A_1058 {add = true, strides = array<i32>} : memref<33x128xf32, #tpu.memory_space<vmem>>, vector<16xf32>,
          %parallel_loop3A_1062 = arith.index_cast %add3A_1031 : i32 to index
          %parallel_loop3A_1063 = arith.index_cast %parallel_loop3A_1055 : i32 to index
          %parallel_loop3A_1064 = tpu.vector_load %arg7[%parallel_loop3A_1062, %parallel_loop3A_1063] {strides = array<i32>} : memref<64x128xf32, #tpu.memory_space<vmem>>, vector<16xf32>,
          %parallel_loop3A_1065 = arith.index_cast %select_n3A_1049 : i32 to index
          %parallel_loop3A_1066 = arith.index_cast %parallel_loop3A_1055 : i32 to index
          %parallel_loop3A_1067 = tpu.vector_load %arg6[%parallel_loop3A_1065, %parallel_loop3A_1066] {strides = array<i32>} : memref<33x128xf32, #tpu.memory_space<vmem>>, vector<16xf32>,
          tpu.vector_store %arg6[%parallel_loop3A_1065, %parallel_loop3A_1066], %parallel_loop3A_1064 {add = true, strides = array<i32>} : memref<33x128xf32, #tpu.memory_space<vmem>>, vector<16xf32>,
        } {sc.loop_unroll_factor = 8 : i64, sc.parallel_access}
        %scan3A_1052 = arith.constant 0 : i32
        scf.yield %scan3A_1052 : i32
      }
      %scan3A_981 = arith.constant 32 : i32
      %add3A_982 = arith.constant 2 : i32
      %add3A_983 = arith.addi %mul3A_941, %add3A_982 : i32
      %mul3A_984 = arith.constant 64 : i32
      %mul3A_985 = arith.muli %add3A_983, %mul3A_984 : i32
      %add3A_986 = arith.addi %mul3A_814, %mul3A_985 : i32
      %min3A_987 = arith.constant 4032 : i32
      %min3A_988 = arith.minsi %add3A_986, %min3A_987 : i32
      %multiple_of3A_989 = tpu.assume_multiple %min3A_988, 8 : i32
      %dma_start3A_990 = arith.constant 3 : i32
      %dma_start3A_991 = arith.constant 896 : i32
      %dma_start3A_992 = tpu.memref_slice %arg2[%dma_start3A_990, %multiple_of3A_989, %dma_start3A_991] : memref<4x4096x1024xf32, #tpu.memory_space<hbm>> -> memref<1x64x128xf32, #tpu.memory_space<hbm>>
      %dma_start3A_993 = tpu.memref_squeeze %dma_start3A_992 : memref<1x64x128xf32, #tpu.memory_space<hbm>> -> memref<64x128xf32, #tpu.memory_space<hbm>>
      %dma_start3A_994 = arith.constant 896 : i32
      %dma_start3A_995 = tpu.memref_slice %arg2[%dma_start3A_990, %multiple_of3A_989, %dma_start3A_994] : memref<4x4096x1024xf32, #tpu.memory_space<hbm>> -> memref<1x64x128xf32, #tpu.memory_space<hbm>>
      %dma_start3A_996 = tpu.memref_squeeze %dma_start3A_995 : memref<1x64x128xf32, #tpu.memory_space<hbm>> -> memref<64x128xf32, #tpu.memory_space<hbm>>
      tpu.enqueue_dma source(%dma_start3A_996 : memref<64x128xf32, #tpu.memory_space<hbm>>) target(%arg7 : memref<64x128xf32, #tpu.memory_space<vmem>>) target_semaphore(%arg11 : memref<!tpu.dma_semaphore, #tpu.memory_space<semaphore_mem>>)
      %dma_wait3A_997 = arith.constant 3 : i32
      %dma_wait3A_998 = arith.constant 0 : i32
      %dma_wait3A_999 = arith.constant 896 : i32
      %dma_wait3A_1000 = tpu.memref_slice %arg2[%dma_wait3A_997, %dma_wait3A_998, %dma_wait3A_999] : memref<4x4096x1024xf32, #tpu.memory_space<hbm>> -> memref<1x64x128xf32, #tpu.memory_space<hbm>>
      %dma_wait3A_1001 = tpu.memref_squeeze %dma_wait3A_1000 : memref<1x64x128xf32, #tpu.memory_space<hbm>> -> memref<64x128xf32, #tpu.memory_space<hbm>>
      %dma_wait3A_1002 = arith.constant 0 : i32
      %dma_wait3A_1003 = arith.constant 896 : i32
      %dma_wait3A_1004 = tpu.memref_slice %arg2[%dma_wait3A_997, %dma_wait3A_1002, %dma_wait3A_1003] : memref<4x4096x1024xf32, #tpu.memory_space<hbm>> -> memref<1x64x128xf32, #tpu.memory_space<hbm>>
      %dma_wait3A_1005 = tpu.memref_squeeze %dma_wait3A_1004 : memref<1x64x128xf32, #tpu.memory_space<hbm>> -> memref<64x128xf32, #tpu.memory_space<hbm>>
      tpu.wait_dma2 semaphore(%arg12 : memref<!tpu.dma_semaphore, #tpu.memory_space<semaphore_mem>>) src(%dma_wait3A_1005 : memref<64x128xf32, #tpu.memory_space<hbm>>) dst(%arg8 : memref<64x128xf32, #tpu.memory_space<vmem>>)
      %add3A_1006 = arith.constant 1 : i32
      %add3A_1007 = arith.addi %mul3A_941, %add3A_1006 : i32
      %mul3A_1008 = arith.constant 64 : i32
      %mul3A_1009 = arith.muli %add3A_1007, %mul3A_1008 : i32
      %add3A_1010 = arith.addi %mul3A_814, %mul3A_1009 : i32
      %mul3A_1011 = arith.constant 64 : i32
      %mul3A_1012 = arith.muli %add3A_1007, %mul3A_1011 : i32
      %add3A_1013 = arith.addi %mul3A_814, %mul3A_1012 : i32
      %min3A_1014 = arith.constant 4032 : i32
      %min3A_1015 = arith.minsi %add3A_1013, %min3A_1014 : i32
      %multiple_of3A_1016 = tpu.assume_multiple %min3A_1015, 8 : i32
      %max3A_1017 = arith.maxsi %add3A_1010, %squeeze3A_784 : i32
      %scan3A_1018 = arith.constant 0 : i32
      %scan3A_1019 = arith.constant 0 : i32
      %scan3A_1020 = arith.constant 32 : i32
      %scan3A_1021 = arith.addi %scan3A_1019, %scan3A_1020 : i32
      %scan3A_1022 = arith.constant 1 : i32
      %scan3A_1023 = scf.for %scan3A_1026 = %scan3A_1019 to %scan3A_1021 step %scan3A_1022 iter_args(%scan3A_1027 = %scan3A_1018) -> (i32)  : i32 {
        %mul3A_1028 = arith.constant 2 : i32
        %mul3A_1029 = arith.muli %mul3A_1028, %scan3A_1026 : i32
        %add3A_1030 = arith.constant 1 : i32
        %add3A_1031 = arith.addi %mul3A_1029, %add3A_1030 : i32
        %add3A_1032 = arith.addi %multiple_of3A_1016, %mul3A_1029 : i32
        %add3A_1033 = arith.addi %multiple_of3A_1016, %add3A_1031 : i32
        %get3A_1034 = arith.index_cast %add3A_1032 : i32 to index
        %get3A_1035 = tpu.vector_load %arg5[%get3A_1034] {strides = array<i32>} : memref<4112xi32, #tpu.memory_space<vmem>>, vector<16xi32>,
        %ge3A = arith.cmpi sge, %add3A_1032, %max3A_1017 : i32
        %lt3A = arith.cmpi slt, %add3A_1032, %squeeze3A_788 : i32
        %and3A_1036 = arith.andi %ge3A, %lt3A : i1
        %slice3A_1037 = vector.extract_strided_slice %get3A_1035 {offsets = [0], sizes = [1], strides = [1]} : vector<16xi32> to vector<1xi32>
        %squeeze3A_1038 = vector.extract %slice3A_1037[0] : i32 from vector<1xi32>
        %sub3A_1039 = arith.subi %squeeze3A_1038, %mul3A_3 : i32
        %jit3A_1040 = arith.constant 32 : i32
        %select_n3A_1041 = arith.select %and3A_1036, %sub3A_1039, %jit3A_1040 : i32
        %ge3A_1042 = arith.cmpi sge, %add3A_1033, %max3A_1017 : i32
        %lt3A_1043 = arith.cmpi slt, %add3A_1033, %squeeze3A_788 : i32
        %and3A_1044 = arith.andi %ge3A_1042, %lt3A_1043 : i1
        %slice3A_1045 = vector.extract_strided_slice %get3A_1035 {offsets = [1], sizes = [1], strides = [1]} : vector<16xi32> to vector<1xi32>
        %squeeze3A_1046 = vector.extract %slice3A_1045[0] : i32 from vector<1xi32>
        %sub3A_1047 = arith.subi %squeeze3A_1046, %mul3A_3 : i32
        %jit3A_1048 = arith.constant 32 : i32
        %select_n3A_1049 = arith.select %and3A_1044, %sub3A_1047, %jit3A_1048 : i32
        %parallel_loop3A = arith.constant 0 : i32
        %parallel_loop3A_1050 = arith.constant 8 : i32
        %parallel_loop3A_1051 = arith.constant 1 : i32
        scf.for %parallel_loop3A_1053 = %parallel_loop3A to %parallel_loop3A_1050 step %parallel_loop3A_1051  : i32 {
          %parallel_loop3A_1054 = arith.constant 16 : i32
          %parallel_loop3A_1055 = arith.muli %parallel_loop3A_1053, %parallel_loop3A_1054 : i32
          %parallel_loop3A_1056 = arith.index_cast %mul3A_1029 : i32 to index
          %parallel_loop3A_1057 = arith.index_cast %parallel_loop3A_1055 : i32 to index
          %parallel_loop3A_1058 = tpu.vector_load %arg8[%parallel_loop3A_1056, %parallel_loop3A_1057] {strides = array<i32>} : memref<64x128xf32, #tpu.memory_space<vmem>>, vector<16xf32>,
          %parallel_loop3A_1059 = arith.index_cast %select_n3A_1041 : i32 to index
          %parallel_loop3A_1060 = arith.index_cast %parallel_loop3A_1055 : i32 to index
          %parallel_loop3A_1061 = tpu.vector_load %arg6[%parallel_loop3A_1059, %parallel_loop3A_1060] {strides = array<i32>} : memref<33x128xf32, #tpu.memory_space<vmem>>, vector<16xf32>,
          tpu.vector_store %arg6[%parallel_loop3A_1059, %parallel_loop3A_1060], %parallel_loop3A_1058 {add = true, strides = array<i32>} : memref<33x128xf32, #tpu.memory_space<vmem>>, vector<16xf32>,
          %parallel_loop3A_1062 = arith.index_cast %add3A_1031 : i32 to index
          %parallel_loop3A_1063 = arith.index_cast %parallel_loop3A_1055 : i32 to index
          %parallel_loop3A_1064 = tpu.vector_load %arg8[%parallel_loop3A_1062, %parallel_loop3A_1063] {strides = array<i32>} : memref<64x128xf32, #tpu.memory_space<vmem>>, vector<16xf32>,
          %parallel_loop3A_1065 = arith.index_cast %select_n3A_1049 : i32 to index
          %parallel_loop3A_1066 = arith.index_cast %parallel_loop3A_1055 : i32 to index
          %parallel_loop3A_1067 = tpu.vector_load %arg6[%parallel_loop3A_1065, %parallel_loop3A_1066] {strides = array<i32>} : memref<33x128xf32, #tpu.memory_space<vmem>>, vector<16xf32>,
          tpu.vector_store %arg6[%parallel_loop3A_1065, %parallel_loop3A_1066], %parallel_loop3A_1064 {add = true, strides = array<i32>} : memref<33x128xf32, #tpu.memory_space<vmem>>, vector<16xf32>,
        } {sc.loop_unroll_factor = 8 : i64, sc.parallel_access}
        %scan3A_1052 = arith.constant 0 : i32
        scf.yield %scan3A_1052 : i32
      }
      %scan3A_1024 = arith.constant 32 : i32
      %while3A_1025 = arith.constant 0 : i32
      scf.yield %while3A_1025 : i32
    }
    %dma_wait3A_894 = arith.constant 3 : i32
    %dma_wait3A_895 = arith.constant 0 : i32
    %dma_wait3A_896 = arith.constant 896 : i32
    %dma_wait3A_897 = tpu.memref_slice %arg2[%dma_wait3A_894, %dma_wait3A_895, %dma_wait3A_896] : memref<4x4096x1024xf32, #tpu.memory_space<hbm>> -> memref<1x64x128xf32, #tpu.memory_space<hbm>>
    %dma_wait3A_898 = tpu.memref_squeeze %dma_wait3A_897 : memref<1x64x128xf32, #tpu.memory_space<hbm>> -> memref<64x128xf32, #tpu.memory_space<hbm>>
    %dma_wait3A_899 = arith.constant 0 : i32
    %dma_wait3A_900 = arith.constant 896 : i32
    %dma_wait3A_901 = tpu.memref_slice %arg2[%dma_wait3A_894, %dma_wait3A_899, %dma_wait3A_900] : memref<4x4096x1024xf32, #tpu.memory_space<hbm>> -> memref<1x64x128xf32, #tpu.memory_space<hbm>>
    %dma_wait3A_902 = tpu.memref_squeeze %dma_wait3A_901 : memref<1x64x128xf32, #tpu.memory_space<hbm>> -> memref<64x128xf32, #tpu.memory_space<hbm>>
    tpu.wait_dma2 semaphore(%arg11 : memref<!tpu.dma_semaphore, #tpu.memory_space<semaphore_mem>>) src(%dma_wait3A_902 : memref<64x128xf32, #tpu.memory_space<hbm>>) dst(%arg7 : memref<64x128xf32, #tpu.memory_space<vmem>>)
    %scan3A_903 = arith.constant 0 : i32
    %scan3A_904 = arith.constant 0 : i32
    %scan3A_905 = arith.constant 32 : i32
    %scan3A_906 = arith.addi %scan3A_904, %scan3A_905 : i32
    %scan3A_907 = arith.constant 1 : i32
    %scan3A_908 = scf.for %scan3A_938 = %scan3A_904 to %scan3A_906 step %scan3A_907 iter_args(%scan3A_939 = %scan3A_903) -> (i32)  : i32 {
      %broadcast_in_dim3A_940 = vector.broadcast %scan3A_938 : i32 to vector<16xi32>
      %gather3A = tpu.vector_load_idx %arg10[%broadcast_in_dim3A_940] : memref<32xf32, #tpu.memory_space<vmem>>[vector<16xi32>], vector<16xf32>,
      %parallel_loop3A = arith.constant 0 : i32
      %parallel_loop3A_941 = arith.constant 8 : i32
      %parallel_loop3A_942 = arith.constant 1 : i32
      scf.for %parallel_loop3A_944 = %parallel_loop3A to %parallel_loop3A_941 step %parallel_loop3A_942  : i32 {
        %parallel_loop3A_945 = arith.constant 16 : i32
        %parallel_loop3A_946 = arith.muli %parallel_loop3A_944, %parallel_loop3A_945 : i32
        %parallel_loop3A_947 = arith.index_cast %scan3A_938 : i32 to index
        %parallel_loop3A_948 = arith.index_cast %parallel_loop3A_946 : i32 to index
        %parallel_loop3A_949 = tpu.vector_load %arg6[%parallel_loop3A_947, %parallel_loop3A_948] {strides = array<i32>} : memref<33x128xf32, #tpu.memory_space<vmem>>, vector<16xf32>,
        %parallel_loop3A_950 = arith.mulf %parallel_loop3A_949, %gather3A : vector<16xf32>
        %parallel_loop3A_951 = arith.index_cast %scan3A_938 : i32 to index
        %parallel_loop3A_952 = arith.index_cast %parallel_loop3A_946 : i32 to index
        %parallel_loop3A_953 = tpu.vector_load %arg7[%parallel_loop3A_951, %parallel_loop3A_952] {strides = array<i32>} : memref<64x128xf32, #tpu.memory_space<vmem>>, vector<16xf32>,
        tpu.vector_store %arg7[%parallel_loop3A_951, %parallel_loop3A_952], %parallel_loop3A_950 {strides = array<i32>} : memref<64x128xf32, #tpu.memory_space<vmem>>, vector<16xf32>,
        %parallel_loop3A_954 = arith.index_cast %scan3A_938 : i32 to index
        %parallel_loop3A_955 = arith.index_cast %parallel_loop3A_946 : i32 to index
        %parallel_loop3A_956 = tpu.vector_load %arg6[%parallel_loop3A_954, %parallel_loop3A_955] {strides = array<i32>} : memref<33x128xf32, #tpu.memory_space<vmem>>, vector<16xf32>,
        tpu.vector_store %arg6[%parallel_loop3A_954, %parallel_loop3A_955], %broadcast_in_dim3A_0 {strides = array<i32>} : memref<33x128xf32, #tpu.memory_space<vmem>>, vector<16xf32>,
      } {sc.loop_unroll_factor = 8 : i64, sc.parallel_access}
      %scan3A_943 = arith.constant 0 : i32
      scf.yield %scan3A_943 : i32
    }
    %scan3A_909 = arith.constant 32 : i32
    %multiple_of3A_910 = tpu.assume_multiple %mul3A_3, 8 : i32
    %dma_start3A_911 = arith.constant 3 : i32
    %dma_start3A_912 = arith.constant 0 : i32
    %dma_start3A_913 = arith.constant 0 : i32
    %dma_start3A_914 = tpu.memref_slice %arg7[%dma_start3A_912, %dma_start3A_913] : memref<64x128xf32, #tpu.memory_space<vmem>> -> memref<32x128xf32, #tpu.memory_space<vmem>>
    %dma_start3A_915 = arith.constant 0 : i32
    %dma_start3A_916 = tpu.memref_slice %arg4[%dma_start3A_911, %multiple_of3A_910, %dma_start3A_915] : memref<4x1024x128xf32, #tpu.memory_space<hbm>> -> memref<1x32x128xf32, #tpu.memory_space<hbm>>
    %dma_start3A_917 = tpu.memref_squeeze %dma_start3A_916 : memref<1x32x128xf32, #tpu.memory_space<hbm>> -> memref<32x128xf32, #tpu.memory_space<hbm>>
    %dma_start3A_918 = arith.constant 0 : i32
    %dma_start3A_919 = tpu.memref_slice %arg4[%dma_start3A_911, %multiple_of3A_910, %dma_start3A_918] : memref<4x1024x128xf32, #tpu.memory_space<hbm>> -> memref<1x32x128xf32, #tpu.memory_space<hbm>>
    %dma_start3A_920 = tpu.memref_squeeze %dma_start3A_919 : memref<1x32x128xf32, #tpu.memory_space<hbm>> -> memref<32x128xf32, #tpu.memory_space<hbm>>
    %dma_start3A_921 = arith.constant 0 : i32
    %dma_start3A_922 = arith.constant 0 : i32
    %dma_start3A_923 = tpu.memref_slice %arg7[%dma_start3A_921, %dma_start3A_922] : memref<64x128xf32, #tpu.memory_space<vmem>> -> memref<32x128xf32, #tpu.memory_space<vmem>>
    tpu.enqueue_dma source(%dma_start3A_923 : memref<32x128xf32, #tpu.memory_space<vmem>>) target(%dma_start3A_920 : memref<32x128xf32, #tpu.memory_space<hbm>>) target_semaphore(%arg13 : memref<!tpu.dma_semaphore, #tpu.memory_space<semaphore_mem>>)
    %multiple_of3A_924 = tpu.assume_multiple %mul3A_3, 8 : i32
    %dma_wait3A_925 = arith.constant 3 : i32
    %dma_wait3A_926 = arith.constant 0 : i32
    %dma_wait3A_927 = arith.constant 0 : i32
    %dma_wait3A_928 = tpu.memref_slice %arg7[%dma_wait3A_926, %dma_wait3A_927] : memref<64x128xf32, #tpu.memory_space<vmem>> -> memref<32x128xf32, #tpu.memory_space<vmem>>
    %dma_wait3A_929 = arith.constant 0 : i32
    %dma_wait3A_930 = tpu.memref_slice %arg4[%dma_wait3A_925, %multiple_of3A_924, %dma_wait3A_929] : memref<4x1024x128xf32, #tpu.memory_space<hbm>> -> memref<1x32x128xf32, #tpu.memory_space<hbm>>
    %dma_wait3A_931 = tpu.memref_squeeze %dma_wait3A_930 : memref<1x32x128xf32, #tpu.memory_space<hbm>> -> memref<32x128xf32, #tpu.memory_space<hbm>>
    %dma_wait3A_932 = arith.constant 0 : i32
    %dma_wait3A_933 = tpu.memref_slice %arg4[%dma_wait3A_925, %multiple_of3A_924, %dma_wait3A_932] : memref<4x1024x128xf32, #tpu.memory_space<hbm>> -> memref<1x32x128xf32, #tpu.memory_space<hbm>>
    %dma_wait3A_934 = tpu.memref_squeeze %dma_wait3A_933 : memref<1x32x128xf32, #tpu.memory_space<hbm>> -> memref<32x128xf32, #tpu.memory_space<hbm>>
    %dma_wait3A_935 = arith.constant 0 : i32
    %dma_wait3A_936 = arith.constant 0 : i32
    %dma_wait3A_937 = tpu.memref_slice %arg7[%dma_wait3A_935, %dma_wait3A_936] : memref<64x128xf32, #tpu.memory_space<vmem>> -> memref<32x128xf32, #tpu.memory_space<vmem>>
    tpu.wait_dma2 semaphore(%arg13 : memref<!tpu.dma_semaphore, #tpu.memory_space<semaphore_mem>>) src(%dma_wait3A_937 : memref<32x128xf32, #tpu.memory_space<vmem>>) dst(%dma_wait3A_934 : memref<32x128xf32, #tpu.memory_space<hbm>>)
    return
  }
}

module attributes {stable_mosaic.version = 14 : i64} {
  func.func @_tc_body(%arg0: i32, %arg1: i32, %arg2: memref<1x1x4096xi32, #tpu.memory_space<vmem>>, %arg3: memref<1x512x896xf32, #tpu.memory_space<vmem>>, %arg4: memref<1x1024x1024xf32, #tpu.memory_space<vmem>>, %arg5: memref<1024x128xf32, #tpu.memory_space<vmem>>) attributes {dimension_semantics = [#tpu.dimension_semantics<arbitrary>, #tpu.dimension_semantics<arbitrary>], iteration_bounds = array<i64: 4, 8>, scalar_prefetch = 0 : i64, scratch_operands = 1 : i64, tpu.core_type = #tpu.core_type<tc>, window_params = [{transform_indices = @transform_0, window_bounds = array<i64: 1, 1, 4096>}, {transform_indices = @transform_1, window_bounds = array<i64: 1, 512, 896>}, {transform_indices = @transform_2, window_bounds = array<i64: 1, 1024, 1024>}]} {
    %eq3A = arith.constant 0 : i32
    %eq3A_0 = arith.cmpi eq, %arg1, %eq3A : i32
    %convert_element_type3A = arith.extui %eq3A_0 : i1 to i32
    %cond3A = arith.constant 0 : i32
    %cond3A_1 = arith.cmpi ne, %convert_element_type3A, %cond3A : i32
    scf.if %cond3A_1 {
      %broadcast_in_dim3A_42 = arith.constant 0.000000e+00 : f32
      %broadcast_in_dim3A_43 = vector.broadcast %broadcast_in_dim3A_42 : f32 to vector<1x1024x1024xf32>
      %swap3A_44 = arith.constant 0 : index
      %swap3A_45 = arith.constant 0 : index
      %swap3A_46 = arith.constant 0 : index
      %swap3A_47 = vector.load %arg4[%swap3A_44, %swap3A_45, %swap3A_46] : memref<1x1024x1024xf32, #tpu.memory_space<vmem>>, vector<1x1024x1024xf32>
      tpu.vector_store %arg4[%swap3A_44, %swap3A_45, %swap3A_46], %broadcast_in_dim3A_43 {strides = array<i32>} : memref<1x1024x1024xf32, #tpu.memory_space<vmem>>, vector<1x1024x1024xf32>,
      %broadcast_in_dim3A_48 = arith.constant 0.000000e+00 : f32
      %broadcast_in_dim3A_49 = vector.broadcast %broadcast_in_dim3A_48 : f32 to vector<1024x128xf32>
      %swap3A_50 = arith.constant 0 : index
      %swap3A_51 = arith.constant 0 : index
      %swap3A_52 = vector.load %arg5[%swap3A_50, %swap3A_51] : memref<1024x128xf32, #tpu.memory_space<vmem>>, vector<1024x128xf32>
      tpu.vector_store %arg5[%swap3A_50, %swap3A_51], %broadcast_in_dim3A_49 {strides = array<i32>} : memref<1024x128xf32, #tpu.memory_space<vmem>>, vector<1024x128xf32>,
    } else {
    }
    %mul3A = arith.constant 512 : i32
    %mul3A_2 = arith.muli %arg1, %mul3A : i32
    %get3A = arith.constant 0 : index
    %get3A_3 = arith.constant 0 : index
    %get3A_4 = arith.index_cast %mul3A_2 : i32 to index
    %get3A_5 = vector.load %arg2[%get3A, %get3A_3, %get3A_4] : memref<1x1x4096xi32, #tpu.memory_space<vmem>>, vector<1x1x512xi32>
    %get3A_6 = vector.shape_cast %get3A_5 : vector<1x1x512xi32> to vector<1x512xi32>
    %iota3A = tpu.iota {dimensions = array<i32: 0>} : vector<1024x512xi32>
    %eq3A_7 = vector.broadcast %get3A_6 : vector<1x512xi32> to vector<1024x512xi32>
    %eq3A_8 = arith.cmpi eq, %iota3A, %eq3A_7 : vector<1024x512xi32>
    %convert_element_type3A_9 = arith.extui %eq3A_8 : vector<1024x512xi1> to vector<1024x512xi32>
    %convert_element_type3A_10 = arith.sitofp %convert_element_type3A_9 : vector<1024x512xi32> to vector<1024x512xf32>
    %get3A_11 = arith.constant 0 : index
    %get3A_12 = arith.constant 0 : index
    %get3A_13 = arith.constant 0 : index
    %get3A_14 = vector.load %arg4[%get3A_11, %get3A_12, %get3A_13] : memref<1x1024x1024xf32, #tpu.memory_space<vmem>>, vector<1x1024x896xf32>
    %get3A_15 = vector.shape_cast %get3A_14 : vector<1x1024x896xf32> to vector<1024x896xf32>
    %get3A_16 = arith.constant 0 : index
    %get3A_17 = arith.constant 0 : index
    %get3A_18 = arith.constant 0 : index
    %get3A_19 = vector.load %arg3[%get3A_16, %get3A_17, %get3A_18] : memref<1x512x896xf32, #tpu.memory_space<vmem>>, vector<1x512x896xf32>
    %get3A_20 = vector.shape_cast %get3A_19 : vector<1x512x896xf32> to vector<512x896xf32>
    %dot_general3A = arith.constant dense<0.000000e+00> : vector<1024x896xf32>
    %dot_general3A_21 = tpu.matmul %convert_element_type3A_10, %get3A_20, %dot_general3A {dimension_numbers = #tpu.dot_dimension_numbers<[1], [0], [0], [1], [0, 0, 1, 1], [], []>, transpose_lhs_hint = false} : vector<1024x512xf32>, vector<512x896xf32>, vector<1024x896xf32> -> vector<1024x896xf32>
    %add3A = arith.addf %get3A_15, %dot_general3A_21 : vector<1024x896xf32>
    %swap3A = arith.constant 0 : index
    %swap3A_22 = arith.constant 0 : index
    %swap3A_23 = arith.constant 0 : index
    %swap3A_24 = vector.load %arg4[%swap3A, %swap3A_22, %swap3A_23] : memref<1x1024x1024xf32, #tpu.memory_space<vmem>>, vector<1x1024x896xf32>
    %swap3A_25 = vector.shape_cast %swap3A_24 : vector<1x1024x896xf32> to vector<1024x896xf32>
    %swap3A_26 = vector.shape_cast %add3A : vector<1024x896xf32> to vector<1x1024x896xf32>
    tpu.vector_store %arg4[%swap3A, %swap3A_22, %swap3A_23], %swap3A_26 {strides = array<i32>} : memref<1x1024x1024xf32, #tpu.memory_space<vmem>>, vector<1x1024x896xf32>,
    %get3A_27 = arith.constant 0 : index
    %get3A_28 = arith.constant 0 : index
    %get3A_29 = vector.load %arg5[%get3A_27, %get3A_28] : memref<1024x128xf32, #tpu.memory_space<vmem>>, vector<1024x128xf32>
    %reduce_sum3A = arith.constant dense<0.000000e+00> : vector<1024xf32>
    %reduce_sum3A_30 = vector.multi_reduction <add>, %convert_element_type3A_10, %reduce_sum3A [1] : vector<1024x512xf32> to vector<1024xf32>
    %broadcast_in_dim3A = vector.shape_cast %reduce_sum3A_30 : vector<1024xf32> to vector<1024x1xf32>
    %broadcast_in_dim3A_31 = vector.shape_cast %broadcast_in_dim3A : vector<1024x1xf32> to vector<1024x1xf32>
    %broadcast_in_dim3A_32 = vector.broadcast %broadcast_in_dim3A_31 : vector<1024x1xf32> to vector<1024x128xf32>
    %add3A_33 = arith.addf %get3A_29, %broadcast_in_dim3A_32 : vector<1024x128xf32>
    %swap3A_34 = arith.constant 0 : index
    %swap3A_35 = arith.constant 0 : index
    %swap3A_36 = vector.load %arg5[%swap3A_34, %swap3A_35] : memref<1024x128xf32, #tpu.memory_space<vmem>>, vector<1024x128xf32>
    tpu.vector_store %arg5[%swap3A_34, %swap3A_35], %add3A_33 {strides = array<i32>} : memref<1024x128xf32, #tpu.memory_space<vmem>>, vector<1024x128xf32>,
    %eq3A_37 = arith.constant 7 : i32
    %eq3A_38 = arith.cmpi eq, %arg1, %eq3A_37 : i32
    %convert_element_type3A_39 = arith.extui %eq3A_38 : i1 to i32
    %cond3A_40 = arith.constant 0 : i32
    %cond3A_41 = arith.cmpi ne, %convert_element_type3A_39, %cond3A_40 : i32
    scf.if %cond3A_41 {
      %get3A_42 = arith.constant 0 : index
      %get3A_43 = arith.constant 0 : index
      %get3A_44 = arith.constant 0 : index
      %get3A_45 = vector.load %arg4[%get3A_42, %get3A_43, %get3A_44] : memref<1x1024x1024xf32, #tpu.memory_space<vmem>>, vector<1x1024x896xf32>
      %get3A_46 = vector.shape_cast %get3A_45 : vector<1x1024x896xf32> to vector<1024x896xf32>
      %get3A_47 = arith.constant 0 : index
      %get3A_48 = arith.constant 0 : index
      %get3A_49 = vector.load %arg5[%get3A_47, %get3A_48] : memref<1024x128xf32, #tpu.memory_space<vmem>>, vector<1024x1xf32>
      %add3A_50 = arith.constant 1.000000e+00 : f32
      %add3A_51 = vector.broadcast %add3A_50 : f32 to vector<1024x1xf32>
      %add3A_52 = arith.addf %get3A_49, %add3A_51 : vector<1024x1xf32>
      %div3A = vector.broadcast %add3A_52 : vector<1024x1xf32> to vector<1024x896xf32>
      %div3A_53 = arith.divf %get3A_46, %div3A : vector<1024x896xf32>
      %swap3A_54 = arith.constant 0 : index
      %swap3A_55 = arith.constant 0 : index
      %swap3A_56 = arith.constant 0 : index
      %swap3A_57 = vector.load %arg4[%swap3A_54, %swap3A_55, %swap3A_56] : memref<1x1024x1024xf32, #tpu.memory_space<vmem>>, vector<1x1024x896xf32>
      %swap3A_58 = vector.shape_cast %swap3A_57 : vector<1x1024x896xf32> to vector<1024x896xf32>
      %swap3A_59 = vector.shape_cast %div3A_53 : vector<1024x896xf32> to vector<1x1024x896xf32>
      tpu.vector_store %arg4[%swap3A_54, %swap3A_55, %swap3A_56], %swap3A_59 {strides = array<i32>} : memref<1x1024x1024xf32, #tpu.memory_space<vmem>>, vector<1x1024x896xf32>,
    } else {
    }
    return
  }
  func.func @transform_0(%arg0: i32, %arg1: i32) -> (i32, i32, i32) {
    %c0_i32 = arith.constant 0 : i32
    %c0_i32_0 = arith.constant 0 : i32
    %c0_i32_1 = arith.constant 0 : i32
    return %arg0, %c0_i32, %c0_i32_0 : i32, i32, i32
  }
  func.func @transform_1(%arg0: i32, %arg1: i32) -> (i32, i32, i32) {
    %c0_i32 = arith.constant 0 : i32
    %c0_i32_0 = arith.constant 0 : i32
    return %arg0, %arg1, %c0_i32 : i32, i32, i32
  }
  func.func @transform_2(%arg0: i32, %arg1: i32) -> (i32, i32, i32) {
    %c0_i32 = arith.constant 0 : i32
    %c0_i32_0 = arith.constant 0 : i32
    %c0_i32_1 = arith.constant 0 : i32
    return %arg0, %c0_i32, %c0_i32_0 : i32, i32, i32
  }
}

</mosaic_0001>

<sc_bundles>
// kernel: _pool.4.cloned.1.call-start
scs
__scs_entry_jumppad:
0x0: {  	(pc) =	sbr.rel $0x88, $3  }
0x1: {  	(tag) =	ssettag $0x0;
	lr =	simm.s32 $0x1  }
0x2: {  	[smem:$0x3F9F] =	sst lr;
	_ =	strace $0xD0000000  }
0x3: {  	_ = 	snop  }
0x4: {  	_ = 	snop  }
0x5: {  	_ = 	snop  }
0x6: {  	_ = 	snop  }
0x7: {  	_ = 	snop  }
__scs_overlays_trampoline_lowered:
0x8: {  	[smem:$0x3FAE] =	sst s0  }
0x9: {  	[smem:$0x3FAF] =	sst s1  }
0xa: {  	[smem:$0x3FB0] =	sst s2  }
0xb: {  	[smem:$0x3FB1] =	sst s3  }
0xc: {  	[smem:$0x3FB2] =	sst s4  }
0xd: {  	[smem:$0x3FB3] =	sst s5  }
0xe: {  	[smem:$0x3FB4] =	sst s6  }
0xf: {  	[smem:$0x3FB5] =	sst s7  }
0x10: {  	[smem:$0x3FB6] =	sst s8  }
0x11: {  	[smem:$0x3FB7] =	sst s9;
	s0 =	simm.s32 @!p0 $0x0  }
0x12: {  	s1 =	sld [smem:$0x3F9D];
	s0 =	simm.s32 @p0 $0x1  }
0x13: {  	[smem:$0x3FB8] =	sst s0;
	s0 =	simm.s32 @!p1 $0x0  }
0x14: {  	s2 =	sld [smem:$0x3F9C];
	s0 =	simm.s32 @p1 $0x1  }
0x15: {  	[smem:$0x3FB9] =	sst s0;
	s0 =	simm.s32 @!p2 $0x0  }
0x16: {  	s3 =	sld [smem:$0x3FDB];
	s0 =	simm.s32 @p2 $0x1  }
0x17: {  	s4 =	simm.s32 $0x1BF5;
	[smem:$0x3FBB] =	sst s0  }
0x18: {  	s0 =	sld [smem:$0x3F9E];
	_ =	swait.ge [sflag:s4], $0x0  }
0x19: {  	s7 =	sld [smem:$0x3F9F]  }
0x1a: {  	s8 =	sadd.s32 $0xFFFFE003, lr  }
0x1b: {  	s9 =	sadd.s32 $0xFFFFFEF7, lr;
	s5 =	simm.s32 $0xFFFFFFFF;
	p2 =	slt.u32 s8, $0xFFFFF086  }
0x1c: {  	p1 =	slt.u32 s9, $0xF7A;
	s5 =	simm.s32 @!p2 $0x0  }
0x1d: {  	s5 =	simm.s32 @p1 $0x1;
	p0 =	seq.s32 s7, s2  }
0x1e: {  	s7 =	smul.u32 @!p0 $0xF7A, s2;
	p2 =	seq.s32 @!p0 s5, $0x0  }
0x1f: {  	s9 =	smul.u32 $0xF7A, s1;
	s8 =	simm.s32 @!p0 $0x1BF5;
	p2 =	por !p2, p0  }
0x20: {  	[sflag:s8] =	ssyncset.s32 @!p0 $0xFFFFF086;
	s6 =	sadd.s32 @!p0 s3, s7;
	s7 =	simm.s32 @!p0 $0x108  }
0x21: {  	s3 =	sadd.s32 s3, s9;
	s6 =	sadd.s32 @!p0 $0x88, s6;
	s7 =	simm.s32 @p2 $0x1082  }
0x22: {  	[simem:s7], [sflag:s8] =	dma.local @!p0 [hbm:s6], $0xF7A  }
0x23: {  	s9 =	sor.u32 $0xD0000000, s2;
	s6 =	simm.s32 $0x108;
	_ =	swait.ge @!p0 [sflag:s8], $0x0  }
0x24: {  	s3 =	sadd.s32 $0x88, s3;
	s6 =	simm.s32 @!p1 $0x1082;
	[sflag:s4] =	ssyncset.s32 $0xFFFFF086  }
0x25: {  	[simem:s6], [sflag:s4] =	dma.local [hbm:s3], $0xF7A  }
0x26: {  	[smem:$0x3F9F] =	sst s1;
	(tag) =	ssettag s2;
	_ =	strace s9  }
0x27: {  	s1 =	sld [smem:$0x3FAF]  }
0x28: {  	s2 =	sld [smem:$0x3FB0]  }
0x29: {  	s4 =	sld [smem:$0x3FB2]  }
0x2a: {  	p0 =	seq.s32 s5, $0x0;
	s5 =	sld [smem:$0x3FB3]  }
0x2b: {  	s6 =	sld [smem:$0x3FB4]  }
0x2c: {  	s7 =	sld [smem:$0x3FB5]  }
0x2d: {  	s3 =	simm.s32 $0x108;
	s8 =	sld [smem:$0x3FB6]  }
0x2e: {  	s3 =	simm.s32 @!p0 $0x1082;
	s9 =	sld [smem:$0x3FB7]  }
0x2f: {  	lr =	sadd.s32 s0, s3;
	s0 =	sld [smem:$0x3FAE]  }
0x30: {  	s3 =	sld [smem:$0x3FB1]  }
0x31: {  	[smem:$0x3FBA] =	sst s10  }
0x32: {  	s10 =	sld [smem:$0x3FB8];
	_ =	sdelay $0x3  }
0x33: {  	p0 =	seq.s32 s10, $0x1;
	s10 =	sld [smem:$0x3FBA];
	_ =	sdelay $0x3  }
0x34: {  	[smem:$0x3FBA] =	sst s10  }
0x35: {  	s10 =	sld [smem:$0x3FB9];
	_ =	sdelay $0x3  }
0x36: {  	p1 =	seq.s32 s10, $0x1;
	s10 =	sld [smem:$0x3FBA];
	_ =	sdelay $0x3  }
0x37: {  	[smem:$0x3FBA] =	sst s10  }
0x38: {  	s10 =	sld [smem:$0x3FBB]  }
0x39: {  	_ = 	snop;
	(pc) =	sbr.ind lr, $3  }
0x3a: {  	_ = 	snop  }
0x3b: {  	_ = 	snop  }
0x3c: {  	p2 =	seq.s32 s10, $0x1;
	s10 =	sld [smem:$0x3FBA]  }
0x3d: {  	_ =	shalt  }
0x3e: {  	_ =	shalt  }
0x3f: {  	_ =	shalt  }
0x40: {  	_ =	shalt  }
0x41: {  	_ =	shalt  }
0x42: {  	_ =	shalt  }
0x43: {  	_ =	shalt  }
0x44: {  	_ =	shalt  }
0x45: {  	_ =	shalt  }
0x46: {  	_ =	shalt  }
0x47: {  	_ =	shalt  }
0x48: {  	_ =	shalt  }
0x49: {  	_ =	shalt  }
0x4a: {  	_ =	shalt  }
0x4b: {  	_ =	shalt  }
0x4c: {  	_ =	shalt  }
0x4d: {  	_ =	shalt  }
0x4e: {  	_ =	shalt  }
0x4f: {  	_ =	shalt  }
0x50: {  	_ =	shalt  }
0x51: {  	_ =	shalt  }
0x52: {  	_ =	shalt  }
0x53: {  	_ =	shalt  }
0x54: {  	_ =	shalt  }
0x55: {  	_ =	shalt  }
0x56: {  	_ =	shalt  }
0x57: {  	_ =	shalt  }
0x58: {  	_ =	shalt  }
0x59: {  	_ =	shalt  }
0x5a: {  	_ =	shalt  }
0x5b: {  	_ =	shalt  }
0x5c: {  	_ =	shalt  }
0x5d: {  	_ =	shalt  }
0x5e: {  	_ =	shalt  }
0x5f: {  	_ =	shalt  }
0x60: {  	_ =	shalt  }
0x61: {  	_ =	shalt  }
0x62: {  	_ =	shalt  }
0x63: {  	_ =	shalt  }
0x64: {  	_ =	shalt  }
0x65: {  	_ =	shalt  }
0x66: {  	_ =	shalt  }
0x67: {  	_ =	shalt  }
0x68: {  	_ =	shalt  }
0x69: {  	_ =	shalt  }
0x6a: {  	_ =	shalt  }
0x6b: {  	_ =	shalt  }
0x6c: {  	_ =	shalt  }
0x6d: {  	_ =	shalt  }
0x6e: {  	_ =	shalt  }
0x6f: {  	_ =	shalt  }
0x70: {  	_ =	shalt  }
0x71: {  	_ =	shalt  }
0x72: {  	_ =	shalt  }
0x73: {  	_ =	shalt  }
0x74: {  	_ =	shalt  }
0x75: {  	_ =	shalt  }
0x76: {  	_ =	shalt  }
0x77: {  	_ =	shalt  }
0x78: {  	_ =	shalt  }
0x79: {  	_ =	shalt  }
0x7a: {  	_ =	shalt  }
0x7b: {  	_ =	shalt  }
0x7c: {  	_ =	shalt  }
0x7d: {  	_ =	shalt  }
0x7e: {  	_ =	shalt  }
0x7f: {  	_ =	shalt  }
0x80: {  	_ =	shalt  }
0x81: {  	_ =	shalt  }
0x82: {  	_ =	shalt  }
0x83: {  	_ =	shalt  }
0x84: {  	_ =	shalt  }
0x85: {  	_ =	shalt  }
0x86: {  	_ =	shalt  }
0x87: {  	_ =	shalt  }
.Lfunc_end0:
.L_simem_size_0:
called_computation_lowered:
.L_overlay_start_0:
0x88: {  	s2 =	sld [smem:$0x3FD9]  }
0x89: {  	s3 =	sld [smem:$0x3FFE];
	_ =	sdelay $0x1  }
0x8a: {  	s1 =	srdreg.scid  }
0x8b: {  	s0 =	sand.u32 $0x1, s1  }
0x8c: {  	s17 =	sshll.u32 s0, $0xA;
	s2 =	sadd.s32 s3, s2  }
0x8d: {  	s2 =	sadd.s32 s2, s17  }
0x8e: {  	[smem:$0x3FC6] =	sst s2  }
0x8f: {  	_ = 	snop  }
0x90: {  	s2 =	sld [smem:$0x3FC9]  }
0x91: {  	s18 =	sld [smem:$0x3FC8];
	(tm) =	ssettm $0x1  }
0x92: {  	s4 =	sld [smem:$0x3FFB];
	_ =	sdelay $0x3  }
0x93: {  	_ =	strace s4  }
0x94: {  	s4 =	sld [smem:$0x3FFC];
	_ =	sdelay $0x3  }
0x95: {  	_ =	strace s4  }
0x96: {  	s4 =	sld [smem:$0x3FFD];
	_ =	sdelay $0x3  }
0x97: {  	_ =	strace s4  }
0x98: {  	_ =	strace $0x8FFFFFFF  }
0x99: {  	s19 =	sld [smem:$0x3FDB];
	_ =	sdelay $0x1  }
0x9a: {  	s5 =	simm.s32 $_scs_section_size  }
0x9b: {  	s6 =	simm.s32 $_size__tile_overlayer_lowered;
	s7 =	simm.s32 $_tile_overlayer_lowered  }
0x9c: {  	s22 =	simm.s32 $0x1BFF;
	s21 =	sshll.u32 s7, $0x1;
	s4 =	sadd.s32 s5, s19  }
0x9d: {  	s8 =	simm.s32 $0x0;
	s20 =	sshll.u32 s6, $0x1;
	s6 =	sadd.s32 s21, s4  }
0x9e: {  	[timem:s8], [sflag:s22] =	dma.local [hbm:s6], s20  }
0x9f: {  	_ =	swait.ge [sflag:s22], s20  }
0xa0: {  	s5 =	ssub.s32 $0x0, s20;
	[sflag:s22] =	ssyncset.done $0x0  }
0xa1: {  	[sflag:s22] =	ssyncadd.s32 s5;
	_ =	sdelay $0x1  }
0xa2: {  	s23 =	simm.s32 $0x1B8B  }
0xa3: {  	_ =	swait.ge [sflag:s23], $0x1  }
0xa4: {  	[sflag:s23] =	ssyncset.done $0x0  }
0xa5: {  	s25 =	simm.s32 $0x1B8E;
	s24 =	sld [smem:$0x3FFE];
	[sflag:s23] =	ssyncadd.s32 $0xFFFFFFFF  }
0xa6: {  	s26 =	simm.s32 $execute0_lowered;
	[smem:$0x3FD2] =	sst s25  }
0xa7: {  	s6 =	sshll.u32 s26, $0x1;
	_ =	strace $0x80000046;
	[dreg:$0x1] =	wrdreg $0xFFFFFFFF  }
0xa8: {  	s28 =	simm.s32 $_size_execute0_lowered;
	s4 =	sadd.s32 s4, s6;
	[dreg:$0x0] =	wrdreg $0x0  }
0xa9: {  	s6 =	sshll.u32 s28, $0x1;
	[dreg:$0x2] =	wrdreg s4  }
0xaa: {  	[dreg:$0x3] =	wrdreg s6  }
0xab: {  	[dreg:$0x4] =	wrdreg $0xC0  }
0xac: {  	_ =	task [dreg:s8], $0x5FFFF  }
0xad: {  	[dreg:$0x1] =	wrdreg $0xFFFFFFFF  }
0xae: {  	[dreg:$0x0] =	wrdreg $0x60  }
0xaf: {  	[dreg:$0x2] =	wrdreg s2  }
0xb0: {  	[dreg:$0x3] =	wrdreg s18  }
0xb1: {  	[dreg:$0x4] =	wrdreg s24  }
0xb2: {  	[dreg:$0x5] =	wrdreg $0x9  }
0xb3: {  	_ =	task.clear_ibuf [dreg:s8], $0x6FFFF;
	_ =	strace $0x90000046  }
0xb4: {  	s29 =	simm.s32 $0x9;
	_ =	strace $0x80000048  }
0xb5: {  	_ =	swait.ge [sflag:s29], $0x1  }
0xb6: {  	[sflag:s29] =	ssyncadd.s32 $0xFFFFFFFF  }
0xb7: {  	_ =	strace $0x90000048  }
0xb8: {  	_ =	sfence  }
0xb9: {  	s30 =	sld [smem:$0x0];
	_ =	sdelay $0x2  }
0xba: {  	s31 =	sshll.u32 s1, $0xD;
	s1 =	sshrl.u32 s1, $0x2  }
0xbb: {  	s3 =	sand.u32 $0x4000, s31;
	s1 =	sadd.s32 s1, s30  }
0xbc: {  	s0 =	sor.u32 s3, s0;
	s1 =	sshll.u32 s1, $0x11  }
0xbd: {  	s0 =	sor.u32 s1, s0  }
0xbe: {  	s0 =	sadd.s32 $0x8F2B, s0  }
0xbf: {  	[sflag:s0] =	ssyncadd.remote.s32 $0x1  }
0xc0: {  	_ =	sfence.sel $0xFFFF  }
0xc1: {  	[dreg:$0x0] =	wrdreg $0xFFFFFFFF;
	(pc) =	sbr.abs _section_cstart, $3  }
0xc2: {  	[dreg:$0x1] =	wrdreg $0xFFFFFFFF  }
0xc3: {  	_ =	task.clear_ibuf [dreg:s8], $0x2FFFF;
	_ =	strace $0x9FFFFFFF  }
0xc4: {  	(tm) =	ssettm $0x7FFFFFFF  }
0xc5: {  	_ =	shalt  }
tec
execute0_lowered:
.L_overlay_start_1:
0x0: {  	(tag) =	ssettag $0x1  }
0x1: {  	s1 =	rddreg [dreg:$0x0]  }
0x2: {  	s0 =	srdreg.scid;
	s8 =	rddreg [dreg:$0x1]  }
0x3: {  	s3 =	stileid.u32;
	s2 =	rddreg [dreg:$0x2]  }
0x4: {  	s4 =	simm.s32 $0x0;
	s17 =	simm.s32 $0x1;
	s18 =	simm.s32 $0x400  }
0x5: {  	s19 =	simm.s32 $0x2000;
	s20 =	simm.s32 $0x2480;
	s21 =	simm.s32 $0x4480  }
0x6: {  	s0 =	sand.u32 $0x1, s0;
	s3 =	sshll.u32 s3, $0x6;
	[smem:$0x7FF] =	sst s4  }
0x7: {  	s28 =	sadd.s32 $0x10, s8;
	s30 =	sadd.s32 $0x20, s8;
	s8 =	sadd.s32 $0x30, s8  }
0x8: {  	s5 =	sshll.u32 s0, $0x5;
	s0 =	ssub.s32 $0x2, s0;
	_ =	strace $0x80000047  }
0x9: {  	[dreg:$0x5] =	wrdreg s28;
	s3 =	sor.u32 s5, s3;
	s26 =	sshrl.u32 s0, $0x1  }
0xa: {  	[dreg:$0x7] =	wrdreg s30;
	s5 =	sshll.u32 s3, $0x4;
	s0 =	ssub.s32 s0, s26  }
0xb: {  	[dreg:$0x9] =	wrdreg s8;
	s2 =	sadd.s32 s5, s2;
	s0 =	smax.u32 s0, $0x1  }
0xc: {  	s22 =	simm.s32 $0x2;
	s9 =	sadd.s32 $0x600, s2;
	[dreg:$0xb] =	wrdreg s0  }
0xd: {  	s23 =	simm.s32 $0x6500;
	s29 =	sadd.s32 $0x4600, s2;
	[dreg:$0x4] =	wrdreg s9  }
0xe: {  	v2 =	vlaneseq.u32;
	s6 =	sor.u32 $0x10, s3;
	s31 =	sadd.s32 $0x8600, s2;
	[dreg:$0x6] =	wrdreg s29  }
0xf: {  	v3 =	vimm.f32 $0.0e+00;
	s7 =	sadd.s32 $0x20, s3;
	v0 =	vor.u32 s3, v2;
	s2 =	sadd.s32 $0xC600, s2;
	[dreg:$0x8] =	wrdreg s31  }
0x10: {  	s25 =	simm.s32 $0x0;
	v4 =	vmov s3;
	s5 =	sadd.s32 $0x380, s1;
	v1 =	vor.u32 s6, v2;
	v2 =	vor.u32 s7, v2;
	[dreg:$0xa] =	wrdreg s2  }
.LBB2_1:
0x11: {  	s0 =	simm.s32 $0x0;
	s2 =	simm.s32 $0x200  }
.LBB2_2:
0x12: {  	p0 =	sne.s32 s2, $0x3E00;
	[tilespmem:s0+$0x10F0] =	vst v3  }
0x13: {  	[tilespmem:s0+$0x1080] =	vst v3  }
0x14: {  	[tilespmem:s0+$0x1090] =	vst v3  }
.Ltmp0:
0x15: {  	[tilespmem:s0+$0x10A0] =	vst v3;
	(pc) =	sbr.rel @p0 .LBB2_2-.Ltmp0, $4  }
0x16: {  	[tilespmem:s0+$0x10B0] =	vst v3  }
0x17: {  	[tilespmem:s0+$0x10C0] =	vst v3  }
0x18: {  	[tilespmem:s0+$0x10D0] =	vst v3  }
0x19: {  	[tilespmem:s0+$0x10E0] =	vst v3;
	s0 =	sshra.s32 s2, $0x2;
	s2 =	sadd.s32 $0x200, s2  }
0x1a: {  	[tilespmem:s0+$0x10F0] =	vst v3  }
0x1b: {  	[tilespmem:s0+$0x1080] =	vst v3  }
0x1c: {  	[tilespmem:s0+$0x1090] =	vst v3  }
0x1d: {  	[tilespmem:s0+$0x10A0] =	vst v3  }
0x1e: {  	[tilespmem:s0+$0x10B0] =	vst v3  }
0x1f: {  	[tilespmem:s0+$0x10C0] =	vst v3  }
0x20: {  	[tilespmem:s0+$0x10D0] =	vst v3;
	s30 =	rddreg [dreg:$0x1]  }
0x21: {  	[tilespmem:s0+$0x10E0] =	vst v3;
	s2 =	simm.s32 $0x80;
	s3 =	simm.s32 $0x200;
	s31 =	simm.s32 $0x4  }
0x22: {  	[tilespmem:s4], [sflag:$0x4] =	stream.strided.gather [hbm4b:s30+s2], $0x1000, s3, s2, $0x38;
	[tilespmem:$0x6580] =	vst v63  }
0x23: {  	_ =	swait.ge [sflag:s31], $0x1000  }
0x24: {  	v5 =	vimm.s32 $0x0;
	v6 =	vimm.s32 $0x1000;
	[sflag:s31] =	ssyncset.done $0x0  }
0x25: {  	s0 =	simm.s32 $0xC;
	v7 =	vadd.s32 v5, v6;
	[sflag:s31] =	ssyncadd.s32 $0xFFFFF000  }
.LBB2_4:
0x26: {  	p0 =	sne.s32 s0, $0x1;
	v7 =	vshra.s32 v7, $0x1  }
0x27: {  	vm0 =	vlt.s32 v7, $0xFFF  }
0x28: {  	v8 =	vnsel vm0, $0xFFF, v7;
	_ =	sdelay $0x4  }
0x29: {  	v8 =	vld.idx.msk [tilespmem:v8+s4+$0x0], $0xffff;
	_ =	sdelay $0x4  }
.Ltmp1:
0x2a: {  	(pc) =	sbr.rel @p0 .LBB2_4-.Ltmp1, $4  }
0x2b: {  	vm1 =	vlt.s32 v7, $0x1000;
	vm0 =	vlt.s32 v8, v0  }
0x2c: {  	v8 =	vadd.s32 $0x1, v7;
	vm0 =	vmand vm1, vm0  }
0x2d: {  	v5 =	vsel vm0, v8, v5;
	v6 =	vsel vm0, v6, v7  }
0x2e: {  	s0 =	sadd.s32 $0xFFFFFFFF, s0;
	v7 =	vadd.s32 v5, v6  }
0x2f: {  	v6 =	vshra.s32 v7, $0x1  }
0x30: {  	vm0 =	vlt.s32 v6, $0xFFF  }
0x31: {  	v7 =	vnsel vm0, $0xFFF, v6;
	_ =	sdelay $0x4  }
0x32: {  	v7 =	vld.idx.msk [tilespmem:v7+s4+$0x0], $0xffff;
	_ =	sdelay $0x4  }
0x33: {  	vm1 =	vlt.s32 v6, $0x1000;
	vm15 =	vlt.s32 v7, v0  }
0x34: {  	v6 =	vadd.s32 $0x1, v6;
	vm0 =	vmand vm1, vm15  }
0x35: {  	v7 =	vimm.s32 $0x1000;
	v5 =	vsel vm0, v6, v5;
	v6 =	vimm.s32 $0x0  }
0x36: {  	s0 =	simm.s32 $0xC;
	[tilespmem:$0x6480] =	vst v5;
	v8 =	vadd.s32 v6, v7  }
.LBB2_6:
0x37: {  	p0 =	sne.s32 s0, $0x1;
	v8 =	vshra.s32 v8, $0x1  }
0x38: {  	vm0 =	vlt.s32 v8, $0xFFF  }
0x39: {  	v9 =	vnsel vm0, $0xFFF, v8;
	_ =	sdelay $0x4  }
0x3a: {  	v9 =	vld.idx.msk [tilespmem:v9+s4+$0x0], $0xffff;
	_ =	sdelay $0x4  }
.Ltmp2:
0x3b: {  	(pc) =	sbr.rel @p0 .LBB2_6-.Ltmp2, $4  }
0x3c: {  	vm1 =	vlt.s32 v8, $0x1000;
	vm0 =	vlt.s32 v9, v1  }
0x3d: {  	v9 =	vadd.s32 $0x1, v8;
	vm0 =	vmand vm1, vm0  }
0x3e: {  	v6 =	vsel vm0, v9, v6;
	v7 =	vsel vm0, v7, v8  }
0x3f: {  	s0 =	sadd.s32 $0xFFFFFFFF, s0;
	v8 =	vadd.s32 v6, v7  }
0x40: {  	v7 =	vshra.s32 v8, $0x1  }
0x41: {  	vm0 =	vlt.s32 v7, $0xFFF  }
0x42: {  	v8 =	vnsel vm0, $0xFFF, v7;
	_ =	sdelay $0x4  }
0x43: {  	v8 =	vld.idx.msk [tilespmem:v8+s4+$0x0], $0xffff;
	_ =	sdelay $0x4  }
0x44: {  	vm1 =	vlt.s32 v7, $0x1000;
	vm15 =	vlt.s32 v8, v1  }
0x45: {  	v7 =	vadd.s32 $0x1, v7;
	vm0 =	vmand vm1, vm15  }
0x46: {  	v8 =	vsel vm0, v7, v6;
	v6 =	vimm.s32 $0x0;
	v7 =	vimm.s32 $0x1000  }
0x47: {  	s0 =	simm.s32 $0xC;
	[tilespmem:$0x6490] =	vst v8;
	v8 =	vadd.s32 v6, v7  }
.LBB2_8:
0x48: {  	p0 =	sne.s32 s0, $0x1;
	v8 =	vshra.s32 v8, $0x1  }
0x49: {  	vm0 =	vlt.s32 v8, $0xFFF  }
0x4a: {  	v9 =	vnsel vm0, $0xFFF, v8;
	_ =	sdelay $0x4  }
0x4b: {  	v9 =	vld.idx.msk [tilespmem:v9+s4+$0x0], $0xffff;
	_ =	sdelay $0x4  }
.Ltmp3:
0x4c: {  	(pc) =	sbr.rel @p0 .LBB2_8-.Ltmp3, $4  }
0x4d: {  	vm1 =	vlt.s32 v8, $0x1000;
	vm0 =	vlt.s32 v9, v2  }
0x4e: {  	v9 =	vadd.s32 $0x1, v8;
	vm0 =	vmand vm1, vm0  }
0x4f: {  	v6 =	vsel vm0, v9, v6;
	v7 =	vsel vm0, v7, v8  }
0x50: {  	s0 =	sadd.s32 $0xFFFFFFFF, s0;
	v8 =	vadd.s32 v6, v7  }
0x51: {  	v7 =	vshra.s32 v8, $0x1  }
0x52: {  	vm0 =	vlt.s32 v7, $0xFFF  }
0x53: {  	v8 =	vnsel vm0, $0xFFF, v7;
	_ =	sdelay $0x4  }
0x54: {  	v8 =	vld.idx.msk [tilespmem:v8+s4+$0x0], $0xffff;
	_ =	sdelay $0x1  }
0x55: {  	v9 =	vld [tilespmem:$0x6480];
	_ =	sdelay $0x2  }
0x56: {  	vm1 =	vlt.s32 v7, $0x1000;
	vm15 =	vlt.s32 v8, v2  }
0x57: {  	v7 =	vadd.s32 $0x1, v7;
	vm0 =	vmand vm1, vm15  }
0x58: {  	(v2sf) =	vpush v9, $0x0;
	v6 =	vsel vm0, v7, v6  }
0x59: {  	[tilespmem:$0x64A0] =	vst v6  }
0x5a: {  	v6 =	vld [tilespmem:$0x64A0];
	_ =	sdelay $0x4  }
0x5b: {  	(v2sf) =	vpush v6, $0x0;
	_ =	sdelay $0x7  }
0x5c: {  	s12 =	spop (v2sf)  }
0x5d: {  	s0 =	sand.u32 $0x7, s12  }
0x5e: {  	s2 =	sshra.s32 s12, $0x1F;
	p0 =	slt.s32 s12, $0x1;
	p1 =	sne.s32 s0, $0x0  }
0x5f: {  	s14 =	sshrl.u32 s2, $0x1D;
	p0 =	por !p0, !p1  }
0x60: {  	s2 =	simm.s32 $0x1;
	s0 =	sadd.s32 s14, s12;
	p0 =	por !p0, !p0  }
0x61: {  	v63 =	vld [tilespmem:$0x6490];
	s0 =	sshrl.u32 s0, $0x3;
	s2 =	simm.s32 @!p0 $0x0  }
0x62: {  	v6 =	vld [tilespmem:$0x6481];
	s0 =	ssub.s32 s0, s2  }
0x63: {  	v7 =	vld [tilespmem:$0x6491];
	s29 =	sshll.u32 s0, $0x3;
	s28 =	spop (v2sf)  }
0x64: {  	s0 =	ssub.s32 s28, s29  }
0x65: {  	s0 =	sadd.s32 $0x3F, s0  }
0x66: {  	s15 =	sand.u32 $0x3F, s0  }
0x67: {  	v5 =	vsub.s32 v6, v5;
	s3 =	sshra.s32 s0, $0x1F;
	p3 =	slt.s32 s0, $0x1;
	p4 =	sne.s32 s15, $0x0  }
0x68: {  	v6 =	vsub.s32 v7, v63;
	v5 =	vcvt.s32.f32 v5;
	s16 =	sshrl.u32 s3, $0x1A;
	p0 =	por !p3, !p4  }
0x69: {  	s2 =	simm.s32 $0x1;
	v6 =	vcvt.s32.f32 v6;
	s0 =	sadd.s32 s16, s0;
	p0 =	por !p0, !p0  }
0x6a: {  	v5 =	vadd.f32 $1.000000000e+00, v5;
	s0 =	sshra.s32 s0, $0x6;
	s2 =	simm.s32 @!p0 $0x0  }
0x6b: {  	v6 =	vadd.f32 $1.000000000e+00, v6;
	s0 =	ssub.s32 s0, s2  }
0x6c: {  	(erf) = vrcp.f32 v5;
	s2 =	sadd.s32 $0x1, s0  }
0x6d: {  	(erf) = vrcp.f32 v6;
	s24 =	sand.u32 $0x1, s2  }
0x6e: {  	p5 =	slt.s32 s0, $0x0;
	p6 =	seq.s32 s24, $0x1  }
0x6f: {  	s26 =	sshrl.u32 s2, $0x1F;
	p0 =	por !p5, !p6  }
0x70: {  	s3 =	simm.s32 $0x1;
	s0 =	sadd.s32 s26, s2;
	p0 =	por !p0, !p0  }
0x71: {  	s0 =	sshra.s32 s0, $0x1;
	s3 =	simm.s32 @!p0 $0x0  }
0x72: {  	s30 =	ssub.s32 s0, s3  }
0x73: {  	p0 =	slt.s32 s30, $0x1  }
.Ltmp4:
0x74: {  	p1 =	slt.s32 s29, $0xFC0;
	s2 =	smov.u32 s29;
	(pc) =	sbr.rel @p0 .LBB2_16-.Ltmp4, $4  }
0x75: {  	v5 =	vpop (erf);
	s2 =	simm.s32 @!p1 $0xFC0  }
0x76: {  	[tilespmem:$0x6500] =	vst v5;
	v5 =	vpop (erf);
	s2 =	sshll.u32 s2, $0x7  }
0x77: {  	[tilespmem:$0x6510] =	vst v5;
	s31 =	sadd.s32 s2, s5  }
0x78: {  	[tilespmem:s20], [sflag:$0x1] =	stream.strided.gather [hbm4b:s31+s18], $0x2000, s19, s18, $0x38;
	[tilespmem:$0x6580] =	vst v63  }
0x79: {  	s0 =	sadd.s32 $0x80, s29  }
0x7a: {  	s2 =	sadd.s32 $0x40, s29;
	s3 =	simm.s32 $0x0;
	s31 =	smov.u32 s29  }
.LBB2_11:
0x7b: {  	s8 =	sshll.u32 s3, $0x7  }
0x7c: {  	s6 =	sadd.s32 s29, s8  }
0x7d: {  	p0 =	slt.s32 s31, $0xFC0;
	s10 =	smov.u32 s31;
	s7 =	sadd.s32 $0x40, s6  }
0x7e: {  	s10 =	simm.s32 @!p0 $0xFC0;
	p0 =	slt.s32 s7, $0xFC0;
	s9 =	smov.u32 s7  }
0x7f: {  	s11 =	sshll.u32 s10, $0x2;
	s9 =	simm.s32 @!p0 $0xFC0  }
0x80: {  	s11 =	sshra.s32 s11, $0x2;
	s9 =	sshll.u32 s9, $0x7  }
0x81: {  	v5 =	vmov s11;
	s9 =	sadd.s32 s9, s5  }
0x82: {  	[tilespmem:s21], [sflag:$0x2] =	stream.strided.gather [hbm4b:s9+s18], $0x2000, s19, s18, $0x38;
	[tilespmem:$0x6580] =	vst v63  }
0x83: {  	_ =	swait.ge [sflag:s17], $0x2000  }
0x84: {  	[sflag:s17] =	ssyncset.done $0x0  }
0x85: {  	s14 =	simm.s32 $0x0;
	[sflag:s17] =	ssyncadd.s32 $0xFFFFE000  }
0x86: {  	v6 =	vld.idx.msk [tilespmem:v5+s14+$0x0 ss:$0x1], $0xffff;
	_ =	sdelay $0x4  }
0x87: {  	v6 =	vsub.s32 v6, v4  }
0x88: {  	v6 =	vshll.u32 v6, $0x7  }
0x89: {  	(v2sf) =	vpush v6, $0x0;
	_ =	sdelay $0x5  }
0x8a: {  	(v2sf) =	vpush v6, $0x1;
	_ =	sdelay $0x2  }
0x8b: {  	s9 =	simm.s32 $0x2500  }
0x8c: {  	v9 =	vld [tilespmem:s9+$0xFFFFFFF0]  }
0x8d: {  	v7 =	vld [tilespmem:s9+$0xFFFFFFA0]  }
0x8e: {  	v8 =	vld [tilespmem:s9+$0xFFFFFF90]  }
0x8f: {  	s10 =	sadd.s32 $0x1, s10;
	v10 =	vld [tilespmem:s9+$0xFFFFFFE0]  }
0x90: {  	s26 =	smov.u32 s12;
	s15 =	sadd.s32 $0xFFFFFFFF, s10;
	p0 =	sgt.s32 s6, s12;
	v11 =	vld [tilespmem:s9+$0xFFFFFFB0]  }
0x91: {  	s26 =	smov.u32 @p0 s6;
	p0 =	slt.s32 s15, s28;
	v12 =	vld [tilespmem:s9+$0xFFFFFFD0];
	s16 =	spop (v2sf)  }
0x92: {  	p1 =	sge.s32 s15, s26;
	v13 =	vld [tilespmem:s9+$0xFFFFFFC0];
	s16 =	simm.s32 @!p0 $0x1000  }
0x93: {  	v6 =	vld [tilespmem:s9+$0xFFFFFF80];
	s16 =	simm.s32 @!p1 $0x1000  }
0x94: {  	[tilespmem:s16+$0x10F0] =	vst.add.f32.msk $0xffff, v9  }
0x95: {  	v9 =	vld [tilespmem:s9+$0x70]  }
0x96: {  	s13 =	simm.s32 $0x2500;
	s6 =	smov.u32 s2;
	p0 =	slt.s32 s2, $0xFC0;
	[tilespmem:s16+$0x10E0] =	vst.add.f32.msk $0xffff, v10  }
0x97: {  	s15 =	spop (v2sf);
	s6 =	simm.s32 @!p0 $0xFC0;
	p0 =	slt.s32 s10, s28;
	[tilespmem:s16+$0x10D0] =	vst.add.f32.msk $0xffff, v12  }
0x98: {  	s24 =	sshll.u32 s6, $0x2;
	s15 =	simm.s32 @!p0 $0x1000;
	p0 =	sge.s32 s10, s26;
	[tilespmem:s16+$0x10C0] =	vst.add.f32.msk $0xffff, v13  }
0x99: {  	s14 =	simm.s32 $0x8;
	[tilespmem:s16+$0x10B0] =	vst.add.f32.msk $0xffff, v11;
	s11 =	sshra.s32 s24, $0x2;
	s15 =	simm.s32 @!p0 $0x1000  }
.LBB2_12:
0x9a: {  	p0 =	sne.s32 s14, $0xF8;
	[tilespmem:s15+$0x10F0] =	vst.add.f32.msk $0xffff, v9;
	s10 =	sadd.s32 $0x2, s10;
	s9 =	sadd.s32 $0x100, s9  }
0x9b: {  	s24 =	smov.u32 s14;
	s14 =	sadd.s32 $0x8, s14;
	[tilespmem:s16+$0x1090] =	vst.add.f32.msk $0xffff, v8  }
0x9c: {  	[tilespmem:s16+$0x10A0] =	vst.add.f32.msk $0xffff, v7  }
0x9d: {  	[tilespmem:s16+$0x1080] =	vst.add.f32.msk $0xffff, v6  }
0x9e: {  	v6 =	vld [tilespmem:s13+$0x0]  }
0x9f: {  	v7 =	vld [tilespmem:s13+$0x20]  }
0xa0: {  	v8 =	vld [tilespmem:s13+$0x60]  }
0xa1: {  	v9 =	vld [tilespmem:s13+$0x10]  }
0xa2: {  	v10 =	vld [tilespmem:s13+$0x30]  }
0xa3: {  	v11 =	vld [tilespmem:s13+$0x50]  }
0xa4: {  	v12 =	vld [tilespmem:s13+$0x40];
	s13 =	smov.u32 s9  }
0xa5: {  	[tilespmem:s15+$0x1080] =	vst.add.f32.msk $0xffff, v6  }
0xa6: {  	[tilespmem:s15+$0x10E0] =	vst.add.f32.msk $0xffff, v8  }
0xa7: {  	[tilespmem:s15+$0x1090] =	vst.add.f32.msk $0xffff, v9  }
0xa8: {  	[tilespmem:s15+$0x10A0] =	vst.add.f32.msk $0xffff, v7  }
0xa9: {  	[tilespmem:s15+$0x10D0] =	vst.add.f32.msk $0xffff, v11  }
0xaa: {  	[tilespmem:s15+$0x10B0] =	vst.add.f32.msk $0xffff, v10  }
0xab: {  	s16 =	sshra.s32 s24, $0x2;
	[tilespmem:s15+$0x10C0] =	vst.add.f32.msk $0xffff, v12  }
0xac: {  	v6 =	vld.idx.msk [tilespmem:v5+s16+$0x0 ss:$0x1], $0xffff;
	_ =	sdelay $0x5  }
0xad: {  	v6 =	vsub.s32 v6, v4  }
0xae: {  	v6 =	vshll.u32 v6, $0x7  }
0xaf: {  	(v2sf) =	vpush v6, $0x0  }
0xb0: {  	(v2sf) =	vpush v6, $0x1;
	_ =	sdelay $0x8  }
0xb1: {  	v6 =	vld [tilespmem:s9+$0xFFFFFF80]  }
0xb2: {  	v9 =	vld [tilespmem:s9+$0xFFFFFFF0]  }
0xb3: {  	v7 =	vld [tilespmem:s9+$0xFFFFFFA0]  }
0xb4: {  	v8 =	vld [tilespmem:s9+$0xFFFFFF90]  }
0xb5: {  	s15 =	sadd.s32 $0xFFFFFFFF, s10;
	v10 =	vld [tilespmem:s9+$0xFFFFFFE0]  }
0xb6: {  	p2 =	slt.s32 s10, s28;
	p1 =	slt.s32 s15, s28;
	v11 =	vld [tilespmem:s9+$0xFFFFFFB0];
	s16 =	spop (v2sf)  }
0xb7: {  	p3 =	sge.s32 s15, s26;
	s16 =	simm.s32 @!p1 $0x1000;
	v12 =	vld [tilespmem:s9+$0xFFFFFFD0];
	s15 =	spop (v2sf)  }
0xb8: {  	s16 =	simm.s32 @!p3 $0x1000;
	s15 =	simm.s32 @!p2 $0x1000;
	v13 =	vld [tilespmem:s9+$0xFFFFFFC0]  }
0xb9: {  	[tilespmem:s16+$0x10F0] =	vst.add.f32.msk $0xffff, v9  }
.Ltmp5:
0xba: {  	v9 =	vld [tilespmem:s9+$0x70];
	(pc) =	sbr.rel @p0 .LBB2_12-.Ltmp5, $4  }
0xbb: {  	[tilespmem:s16+$0x10E0] =	vst.add.f32.msk $0xffff, v10  }
0xbc: {  	[tilespmem:s16+$0x10D0] =	vst.add.f32.msk $0xffff, v12  }
0xbd: {  	p1 =	sge.s32 s10, s26;
	[tilespmem:s16+$0x10C0] =	vst.add.f32.msk $0xffff, v13  }
0xbe: {  	s15 =	simm.s32 @!p1 $0x1000;
	[tilespmem:s16+$0x10B0] =	vst.add.f32.msk $0xffff, v11  }
0xbf: {  	[tilespmem:s15+$0x10F0] =	vst.add.f32.msk $0xffff, v9  }
0xc0: {  	[tilespmem:s16+$0x1090] =	vst.add.f32.msk $0xffff, v8  }
0xc1: {  	[tilespmem:s16+$0x10A0] =	vst.add.f32.msk $0xffff, v7  }
0xc2: {  	[tilespmem:s16+$0x1080] =	vst.add.f32.msk $0xffff, v6  }
0xc3: {  	v7 =	vld [tilespmem:s13+$0x60]  }
0xc4: {  	v9 =	vld [tilespmem:s13+$0x30]  }
0xc5: {  	v10 =	vld [tilespmem:s13+$0x50]  }
0xc6: {  	v11 =	vld [tilespmem:s13+$0x40]  }
0xc7: {  	v5 =	vld [tilespmem:s13+$0x0]  }
0xc8: {  	v6 =	vld [tilespmem:s13+$0x20]  }
0xc9: {  	v8 =	vld [tilespmem:s13+$0x10]  }
0xca: {  	[tilespmem:s15+$0x10E0] =	vst.add.f32.msk $0xffff, v7  }
0xcb: {  	[tilespmem:s15+$0x10D0] =	vst.add.f32.msk $0xffff, v10  }
0xcc: {  	s8 =	sadd.s32 s8, s0;
	[tilespmem:s15+$0x10B0] =	vst.add.f32.msk $0xffff, v9  }
0xcd: {  	p0 =	slt.s32 s8, $0xFC0;
	[tilespmem:s15+$0x10C0] =	vst.add.f32.msk $0xffff, v11  }
0xce: {  	s8 =	simm.s32 @!p0 $0xFC0;
	[tilespmem:s15+$0x1080] =	vst.add.f32.msk $0xffff, v5  }
0xcf: {  	s8 =	sshll.u32 s8, $0x7;
	[tilespmem:s15+$0x1090] =	vst.add.f32.msk $0xffff, v8  }
0xd0: {  	s8 =	sadd.s32 s8, s5;
	[tilespmem:s15+$0x10A0] =	vst.add.f32.msk $0xffff, v6;
	v5 =	vmov s11  }
0xd1: {  	[tilespmem:s20], [sflag:$0x1] =	stream.strided.gather [hbm4b:s8+s18], $0x2000, s19, s18, $0x38;
	[tilespmem:$0x6580] =	vst v63  }
0xd2: {  	_ =	swait.ge [sflag:s22], $0x2000  }
0xd3: {  	[sflag:s22] =	ssyncset.done $0x0  }
0xd4: {  	s24 =	simm.s32 $0x0;
	[sflag:s22] =	ssyncadd.s32 $0xFFFFE000  }
0xd5: {  	v6 =	vld.idx.msk [tilespmem:v5+s24+$0x0 ss:$0x1], $0xffff;
	_ =	sdelay $0x4  }
0xd6: {  	v6 =	vsub.s32 v6, v4  }
0xd7: {  	v6 =	vshll.u32 v6, $0x7  }
0xd8: {  	(v2sf) =	vpush v6, $0x0;
	_ =	sdelay $0x5  }
0xd9: {  	(v2sf) =	vpush v6, $0x1;
	_ =	sdelay $0x2  }
0xda: {  	s8 =	simm.s32 $0x4500  }
0xdb: {  	v9 =	vld [tilespmem:s8+$0xFFFFFFF0]  }
0xdc: {  	v7 =	vld [tilespmem:s8+$0xFFFFFFA0]  }
0xdd: {  	v8 =	vld [tilespmem:s8+$0xFFFFFF90]  }
0xde: {  	v10 =	vld [tilespmem:s8+$0xFFFFFFE0]  }
0xdf: {  	s9 =	smov.u32 s12;
	p0 =	sgt.s32 s7, s12;
	v11 =	vld [tilespmem:s8+$0xFFFFFFB0]  }
0xe0: {  	s9 =	smov.u32 @p0 s7;
	p0 =	slt.s32 s6, s28;
	v12 =	vld [tilespmem:s8+$0xFFFFFFD0];
	s13 =	spop (v2sf)  }
0xe1: {  	p1 =	sge.s32 s6, s9;
	v13 =	vld [tilespmem:s8+$0xFFFFFFC0];
	s13 =	simm.s32 @!p0 $0x1000  }
0xe2: {  	v6 =	vld [tilespmem:s8+$0xFFFFFF80];
	s13 =	simm.s32 @!p1 $0x1000  }
0xe3: {  	[tilespmem:s13+$0x10F0] =	vst.add.f32.msk $0xffff, v9  }
0xe4: {  	v9 =	vld [tilespmem:s8+$0x70]  }
0xe5: {  	s26 =	sadd.s32 $0x1, s6;
	[tilespmem:s13+$0x10E0] =	vst.add.f32.msk $0xffff, v10  }
0xe6: {  	p0 =	slt.s32 s26, s28;
	s11 =	spop (v2sf);
	[tilespmem:s13+$0x10D0] =	vst.add.f32.msk $0xffff, v12  }
0xe7: {  	s11 =	simm.s32 @!p0 $0x1000;
	p0 =	sge.s32 s26, s9;
	[tilespmem:s13+$0x10C0] =	vst.add.f32.msk $0xffff, v13  }
0xe8: {  	s10 =	simm.s32 $0x8;
	s7 =	simm.s32 $0x4500;
	s11 =	simm.s32 @!p0 $0x1000;
	[tilespmem:s13+$0x10B0] =	vst.add.f32.msk $0xffff, v11  }
.LBB2_14:
0xe9: {  	p0 =	sne.s32 s10, $0xF8;
	[tilespmem:s11+$0x10F0] =	vst.add.f32.msk $0xffff, v9;
	s6 =	sadd.s32 $0x2, s6;
	s8 =	sadd.s32 $0x100, s8  }
0xea: {  	s14 =	smov.u32 s10;
	s10 =	sadd.s32 $0x8, s10;
	[tilespmem:s13+$0x1090] =	vst.add.f32.msk $0xffff, v8  }
0xeb: {  	[tilespmem:s13+$0x10A0] =	vst.add.f32.msk $0xffff, v7  }
0xec: {  	[tilespmem:s13+$0x1080] =	vst.add.f32.msk $0xffff, v6  }
0xed: {  	v6 =	vld [tilespmem:s7+$0x0]  }
0xee: {  	v7 =	vld [tilespmem:s7+$0x20]  }
0xef: {  	v8 =	vld [tilespmem:s7+$0x60]  }
0xf0: {  	v9 =	vld [tilespmem:s7+$0x10]  }
0xf1: {  	v10 =	vld [tilespmem:s7+$0x30]  }
0xf2: {  	v11 =	vld [tilespmem:s7+$0x50]  }
0xf3: {  	v12 =	vld [tilespmem:s7+$0x40];
	s7 =	smov.u32 s8  }
0xf4: {  	[tilespmem:s11+$0x1080] =	vst.add.f32.msk $0xffff, v6  }
0xf5: {  	[tilespmem:s11+$0x10E0] =	vst.add.f32.msk $0xffff, v8  }
0xf6: {  	[tilespmem:s11+$0x1090] =	vst.add.f32.msk $0xffff, v9  }
0xf7: {  	[tilespmem:s11+$0x10A0] =	vst.add.f32.msk $0xffff, v7  }
0xf8: {  	[tilespmem:s11+$0x10D0] =	vst.add.f32.msk $0xffff, v11  }
0xf9: {  	[tilespmem:s11+$0x10B0] =	vst.add.f32.msk $0xffff, v10  }
0xfa: {  	s13 =	sshra.s32 s14, $0x2;
	[tilespmem:s11+$0x10C0] =	vst.add.f32.msk $0xffff, v12  }
0xfb: {  	v6 =	vld.idx.msk [tilespmem:v5+s13+$0x0 ss:$0x1], $0xffff;
	_ =	sdelay $0x5  }
0xfc: {  	v6 =	vsub.s32 v6, v4  }
0xfd: {  	v6 =	vshll.u32 v6, $0x7  }
0xfe: {  	(v2sf) =	vpush v6, $0x0  }
0xff: {  	(v2sf) =	vpush v6, $0x1;
	_ =	sdelay $0x8  }
0x100: {  	v6 =	vld [tilespmem:s8+$0xFFFFFF80]  }
0x101: {  	v9 =	vld [tilespmem:s8+$0xFFFFFFF0]  }
0x102: {  	v7 =	vld [tilespmem:s8+$0xFFFFFFA0]  }
0x103: {  	v8 =	vld [tilespmem:s8+$0xFFFFFF90]  }
0x104: {  	p1 =	sge.s32 s6, s9;
	v10 =	vld [tilespmem:s8+$0xFFFFFFE0]  }
0x105: {  	p2 =	slt.s32 s6, s28;
	s14 =	sadd.s32 $0x1, s6;
	v11 =	vld [tilespmem:s8+$0xFFFFFFB0];
	s13 =	spop (v2sf)  }
0x106: {  	p3 =	slt.s32 s14, s28;
	s13 =	simm.s32 @!p2 $0x1000;
	v12 =	vld [tilespmem:s8+$0xFFFFFFD0];
	s11 =	spop (v2sf)  }
0x107: {  	s13 =	simm.s32 @!p1 $0x1000;
	s11 =	simm.s32 @!p3 $0x1000;
	v13 =	vld [tilespmem:s8+$0xFFFFFFC0]  }
0x108: {  	[tilespmem:s13+$0x10F0] =	vst.add.f32.msk $0xffff, v9  }
.Ltmp6:
0x109: {  	v9 =	vld [tilespmem:s8+$0x70];
	(pc) =	sbr.rel @p0 .LBB2_14-.Ltmp6, $4  }
0x10a: {  	[tilespmem:s13+$0x10E0] =	vst.add.f32.msk $0xffff, v10  }
0x10b: {  	[tilespmem:s13+$0x10D0] =	vst.add.f32.msk $0xffff, v12  }
0x10c: {  	p1 =	sge.s32 s14, s9;
	[tilespmem:s13+$0x10C0] =	vst.add.f32.msk $0xffff, v13  }
0x10d: {  	s11 =	simm.s32 @!p1 $0x1000;
	[tilespmem:s13+$0x10B0] =	vst.add.f32.msk $0xffff, v11  }
0x10e: {  	[tilespmem:s11+$0x10F0] =	vst.add.f32.msk $0xffff, v9  }
0x10f: {  	[tilespmem:s13+$0x1090] =	vst.add.f32.msk $0xffff, v8  }
0x110: {  	[tilespmem:s13+$0x10A0] =	vst.add.f32.msk $0xffff, v7  }
0x111: {  	[tilespmem:s13+$0x1080] =	vst.add.f32.msk $0xffff, v6  }
0x112: {  	v7 =	vld [tilespmem:s7+$0x60]  }
0x113: {  	v63 =	vld [tilespmem:s7+$0x30]  }
0x114: {  	v10 =	vld [tilespmem:s7+$0x50]  }
0x115: {  	v11 =	vld [tilespmem:s7+$0x40]  }
0x116: {  	v5 =	vld [tilespmem:s7+$0x0]  }
0x117: {  	v6 =	vld [tilespmem:s7+$0x20]  }
0x118: {  	v8 =	vld [tilespmem:s7+$0x10]  }
0x119: {  	s3 =	sadd.s32 $0x1, s3;
	[tilespmem:s11+$0x10E0] =	vst.add.f32.msk $0xffff, v7  }
0x11a: {  	p0 =	sne.s32 s3, s30;
	[tilespmem:s11+$0x10D0] =	vst.add.f32.msk $0xffff, v10  }
.Ltmp7:
0x11b: {  	[tilespmem:s11+$0x10B0] =	vst.add.f32.msk $0xffff, v63;
	(pc) =	sbr.rel @p0 .LBB2_11-.Ltmp7, $4  }
0x11c: {  	[tilespmem:s11+$0x10C0] =	vst.add.f32.msk $0xffff, v11  }
0x11d: {  	[tilespmem:s11+$0x1080] =	vst.add.f32.msk $0xffff, v5  }
0x11e: {  	[tilespmem:s11+$0x1090] =	vst.add.f32.msk $0xffff, v8  }
0x11f: {  	s31 =	sadd.s32 $0x80, s31;
	s2 =	sadd.s32 $0x80, s2;
	[tilespmem:s11+$0x10A0] =	vst.add.f32.msk $0xffff, v6  }
.LBB2_16:
0x120: {  	s2 =	simm.s32 $0x0  }
0x121: {  	_ =	swait.ge [sflag:s17], $0x2000;
	v5 =	vmov s2  }
0x122: {  	[sflag:s17] =	ssyncset.done $0x0  }
0x123: {  	s0 =	simm.s32 $0x10C0;
	[sflag:s17] =	ssyncadd.s32 $0xFFFFE000  }
0x124: {  	v7 =	vld [tilespmem:s0+$0xFFFFFFC0]  }
0x125: {  	v10 =	vld [tilespmem:s0+$0x10]  }
0x126: {  	v5 =	vld.idx.msk [tilespmem:v5+s23+$0x0], $0xffff  }
0x127: {  	v12 =	vld [tilespmem:s0+$0xFFFFFFE0]  }
0x128: {  	v6 =	vld [tilespmem:s0+$0x30]  }
0x129: {  	v11 =	vld [tilespmem:s0+$0xFFFFFFF0]  }
0x12a: {  	v13 =	vld [tilespmem:s0+$0xFFFFFFD0]  }
0x12b: {  	v8 =	vld [tilespmem:s0+$0x20];
	v9 =	vmul.f32 v7, v5  }
0x12c: {  	v7 =	vmul.f32 v12, v5;
	v12 =	vmul.f32 v10, v5;
	v10 =	vld [tilespmem:s0+$0x0];
	_ =	sdelay $0x1  }
0x12d: {  	v14 =	vmul.f32 v6, v5  }
0x12e: {  	s3 =	simm.s32 $0x24C0  }
0x12f: {  	s6 =	simm.s32 $0x1;
	s7 =	simm.s32 $0x10C0;
	s2 =	simm.s32 $0x24C0;
	v6 =	vmul.f32 v13, v5;
	v11 =	vmul.f32 v11, v5;
	[tilespmem:s3+$0x30] =	vst v14  }
.LBB2_17:
0x130: {  	p0 =	sne.s32 s6, $0x1F;
	v10 =	vmul.f32 v10, v5;
	v5 =	vmul.f32 v8, v5;
	[tilespmem:s0+$0x30] =	vst v3;
	s3 =	sadd.s32 $0x80, s3;
	s7 =	sadd.s32 $0x80, s7  }
0x131: {  	s8 =	smov.u32 s6;
	s6 =	sadd.s32 $0x1, s6;
	[tilespmem:s2+$0x10] =	vst v12  }
0x132: {  	[tilespmem:s2+$0xFFFFFFC0] =	vst v9  }
0x133: {  	[tilespmem:s0+$0xFFFFFFC0] =	vst v3  }
0x134: {  	[tilespmem:s2+$0xFFFFFFF0] =	vst v11  }
0x135: {  	[tilespmem:s0+$0x10] =	vst v3  }
0x136: {  	[tilespmem:s2+$0xFFFFFFE0] =	vst v7  }
0x137: {  	[tilespmem:s0+$0xFFFFFFF0] =	vst v3  }
0x138: {  	[tilespmem:s2+$0x20] =	vst v5  }
0x139: {  	[tilespmem:s2+$0xFFFFFFD0] =	vst v6  }
0x13a: {  	v5 =	vmov s8;
	[tilespmem:s2+$0x0] =	vst v10;
	s2 =	smov.u32 s3  }
0x13b: {  	v6 =	vld [tilespmem:s7+$0x30];
	[tilespmem:s0+$0xFFFFFFE0] =	vst v3  }
0x13c: {  	v11 =	vld [tilespmem:s7+$0xFFFFFFF0];
	[tilespmem:s0+$0x20] =	vst v3  }
0x13d: {  	v7 =	vld [tilespmem:s7+$0xFFFFFFC0];
	[tilespmem:s0+$0xFFFFFFD0] =	vst v3  }
0x13e: {  	v12 =	vld [tilespmem:s7+$0x10];
	[tilespmem:s0+$0x0] =	vst v3;
	s0 =	smov.u32 s7  }
0x13f: {  	v5 =	vld.idx.msk [tilespmem:v5+s23+$0x0], $0xffff  }
0x140: {  	v8 =	vld [tilespmem:s7+$0x20]  }
0x141: {  	v13 =	vld [tilespmem:s7+$0xFFFFFFE0]  }
0x142: {  	v14 =	vld [tilespmem:s7+$0xFFFFFFD0]  }
.Ltmp8:
0x143: {  	v10 =	vld [tilespmem:s7+$0x0];
	(pc) =	sbr.rel @p0 .LBB2_17-.Ltmp8, $4  }
0x144: {  	_ = 	snop  }
0x145: {  	v9 =	vmul.f32 v7, v5;
	v15 =	vmul.f32 v6, v5  }
0x146: {  	v12 =	vmul.f32 v12, v5;
	v7 =	vmul.f32 v13, v5  }
0x147: {  	v11 =	vmul.f32 v11, v5;
	v6 =	vmul.f32 v14, v5;
	[tilespmem:s3+$0x30] =	vst v15  }
0x148: {  	[tilespmem:s0+$0x30] =	vst v3  }
0x149: {  	[tilespmem:s2+$0x10] =	vst v12  }
0x14a: {  	[tilespmem:s2+$0xFFFFFFC0] =	vst v9  }
0x14b: {  	[tilespmem:s2+$0xFFFFFFE0] =	vst v7  }
0x14c: {  	[tilespmem:s0+$0xFFFFFFC0] =	vst v3  }
0x14d: {  	[tilespmem:s2+$0xFFFFFFF0] =	vst v11  }
0x14e: {  	[tilespmem:s0+$0x10] =	vst v3  }
0x14f: {  	[tilespmem:s2+$0xFFFFFFD0] =	vst v6  }
0x150: {  	v8 =	vmul.f32 v8, v5;
	[tilespmem:s0+$0xFFFFFFE0] =	vst v3  }
0x151: {  	v5 =	vmul.f32 v10, v5;
	[tilespmem:s0+$0xFFFFFFF0] =	vst v3  }
0x152: {  	[tilespmem:s2+$0x20] =	vst v8  }
0x153: {  	[tilespmem:s2+$0x0] =	vst v5  }
0x154: {  	[tilespmem:s0+$0xFFFFFFD0] =	vst v3  }
0x155: {  	s26 =	rddreg [dreg:$0x4];
	[tilespmem:s0+$0x20] =	vst v3  }
0x156: {  	s28 =	rddreg [dreg:$0x5];
	[tilespmem:s0+$0x0] =	vst v3  }
0x157: {  	[hbm4b:s26+s4] =	stream.linear.scatter [tilespmem:s20], [sflag:$0x3], $0x1000, $0x38;
	[tilespmem:$0x6580] =	vst v63  }
0x158: {  	s29 =	simm.s32 $0x80;
	s3 =	simm.s32 $0x200;
	s30 =	simm.s32 $0x4  }
0x159: {  	[tilespmem:s4], [sflag:$0x4] =	stream.strided.gather [hbm4b:s28+s29], $0x1000, s3, s29, $0x38;
	[tilespmem:$0x6580] =	vst v63  }
0x15a: {  	_ =	swait.ge [sflag:s30], $0x1000  }
0x15b: {  	[sflag:s30] =	ssyncset.done $0x0  }
0x15c: {  	s31 =	simm.s32 $0x3;
	[sflag:s30] =	ssyncadd.s32 $0xFFFFF000  }
0x15d: {  	_ =	swait.ge [sflag:s31], $0x1000  }
0x15e: {  	v6 =	vimm.s32 $0x1000;
	v5 =	vimm.s32 $0x0;
	[sflag:s31] =	ssyncset.done $0x0  }
0x15f: {  	v7 =	vadd.s32 v5, v6;
	s0 =	simm.s32 $0xC;
	[sflag:s31] =	ssyncadd.s32 $0xFFFFF000  }
.LBB2_19:
0x160: {  	p0 =	sne.s32 s0, $0x1;
	v7 =	vshra.s32 v7, $0x1  }
0x161: {  	vm0 =	vlt.s32 v7, $0xFFF  }
0x162: {  	v8 =	vnsel vm0, $0xFFF, v7;
	_ =	sdelay $0x4  }
0x163: {  	v8 =	vld.idx.msk [tilespmem:v8+s4+$0x0], $0xffff;
	_ =	sdelay $0x4  }
.Ltmp9:
0x164: {  	(pc) =	sbr.rel @p0 .LBB2_19-.Ltmp9, $4  }
0x165: {  	vm1 =	vlt.s32 v7, $0x1000;
	vm0 =	vlt.s32 v8, v0  }
0x166: {  	v8 =	vadd.s32 $0x1, v7;
	vm0 =	vmand vm1, vm0  }
0x167: {  	v5 =	vsel vm0, v8, v5;
	v6 =	vsel vm0, v6, v7  }
0x168: {  	s0 =	sadd.s32 $0xFFFFFFFF, s0;
	v7 =	vadd.s32 v5, v6  }
0x169: {  	v6 =	vshra.s32 v7, $0x1  }
0x16a: {  	vm0 =	vlt.s32 v6, $0xFFF  }
0x16b: {  	v7 =	vnsel vm0, $0xFFF, v6;
	_ =	sdelay $0x4  }
0x16c: {  	v7 =	vld.idx.msk [tilespmem:v7+s4+$0x0], $0xffff;
	_ =	sdelay $0x4  }
0x16d: {  	vm1 =	vlt.s32 v6, $0x1000;
	vm15 =	vlt.s32 v7, v0  }
0x16e: {  	v6 =	vadd.s32 $0x1, v6;
	vm0 =	vmand vm1, vm15  }
0x16f: {  	v7 =	vimm.s32 $0x1000;
	v5 =	vsel vm0, v6, v5;
	v6 =	vimm.s32 $0x0  }
0x170: {  	s0 =	simm.s32 $0xC;
	[tilespmem:$0x6480] =	vst v5;
	v8 =	vadd.s32 v6, v7  }
.LBB2_21:
0x171: {  	p0 =	sne.s32 s0, $0x1;
	v8 =	vshra.s32 v8, $0x1  }
0x172: {  	vm0 =	vlt.s32 v8, $0xFFF  }
0x173: {  	v9 =	vnsel vm0, $0xFFF, v8;
	_ =	sdelay $0x4  }
0x174: {  	v9 =	vld.idx.msk [tilespmem:v9+s4+$0x0], $0xffff;
	_ =	sdelay $0x4  }
.Ltmp10:
0x175: {  	(pc) =	sbr.rel @p0 .LBB2_21-.Ltmp10, $4  }
0x176: {  	vm1 =	vlt.s32 v8, $0x1000;
	vm0 =	vlt.s32 v9, v1  }
0x177: {  	v9 =	vadd.s32 $0x1, v8;
	vm0 =	vmand vm1, vm0  }
0x178: {  	v6 =	vsel vm0, v9, v6;
	v7 =	vsel vm0, v7, v8  }
0x179: {  	s0 =	sadd.s32 $0xFFFFFFFF, s0;
	v8 =	vadd.s32 v6, v7  }
0x17a: {  	v7 =	vshra.s32 v8, $0x1  }
0x17b: {  	vm0 =	vlt.s32 v7, $0xFFF  }
0x17c: {  	v8 =	vnsel vm0, $0xFFF, v7;
	_ =	sdelay $0x4  }
0x17d: {  	v8 =	vld.idx.msk [tilespmem:v8+s4+$0x0], $0xffff;
	_ =	sdelay $0x4  }
0x17e: {  	vm1 =	vlt.s32 v7, $0x1000;
	vm15 =	vlt.s32 v8, v1  }
0x17f: {  	v7 =	vadd.s32 $0x1, v7;
	vm0 =	vmand vm1, vm15  }
0x180: {  	v8 =	vsel vm0, v7, v6;
	v6 =	vimm.s32 $0x0;
	v7 =	vimm.s32 $0x1000  }
0x181: {  	s0 =	simm.s32 $0xC;
	[tilespmem:$0x6490] =	vst v8;
	v8 =	vadd.s32 v6, v7  }
.LBB2_23:
0x182: {  	p0 =	sne.s32 s0, $0x1;
	v8 =	vshra.s32 v8, $0x1  }
0x183: {  	vm0 =	vlt.s32 v8, $0xFFF  }
0x184: {  	v9 =	vnsel vm0, $0xFFF, v8;
	_ =	sdelay $0x4  }
0x185: {  	v9 =	vld.idx.msk [tilespmem:v9+s4+$0x0], $0xffff;
	_ =	sdelay $0x4  }
.Ltmp11:
0x186: {  	(pc) =	sbr.rel @p0 .LBB2_23-.Ltmp11, $4  }
0x187: {  	vm1 =	vlt.s32 v8, $0x1000;
	vm0 =	vlt.s32 v9, v2  }
0x188: {  	v9 =	vadd.s32 $0x1, v8;
	vm0 =	vmand vm1, vm0  }
0x189: {  	v6 =	vsel vm0, v9, v6;
	v7 =	vsel vm0, v7, v8  }
0x18a: {  	s0 =	sadd.s32 $0xFFFFFFFF, s0;
	v8 =	vadd.s32 v6, v7  }
0x18b: {  	v7 =	vshra.s32 v8, $0x1  }
0x18c: {  	vm0 =	vlt.s32 v7, $0xFFF  }
0x18d: {  	v8 =	vnsel vm0, $0xFFF, v7;
	_ =	sdelay $0x4  }
0x18e: {  	v8 =	vld.idx.msk [tilespmem:v8+s4+$0x0], $0xffff;
	_ =	sdelay $0x1  }
0x18f: {  	v9 =	vld [tilespmem:$0x6480];
	_ =	sdelay $0x2  }
0x190: {  	vm1 =	vlt.s32 v7, $0x1000;
	vm15 =	vlt.s32 v8, v2  }
0x191: {  	v7 =	vadd.s32 $0x1, v7;
	vm0 =	vmand vm1, vm15  }
0x192: {  	(v2sf) =	vpush v9, $0x0;
	v6 =	vsel vm0, v7, v6  }
0x193: {  	[tilespmem:$0x64A0] =	vst v6  }
0x194: {  	v6 =	vld [tilespmem:$0x64A0];
	_ =	sdelay $0x4  }
0x195: {  	(v2sf) =	vpush v6, $0x0;
	_ =	sdelay $0x7  }
0x196: {  	s26 =	spop (v2sf)  }
0x197: {  	s0 =	sand.u32 $0x7, s26  }
0x198: {  	s2 =	sshra.s32 s26, $0x1F;
	p0 =	slt.s32 s26, $0x1;
	p1 =	sne.s32 s0, $0x0  }
0x199: {  	s13 =	sshrl.u32 s2, $0x1D;
	p0 =	por !p0, !p1  }
0x19a: {  	s2 =	simm.s32 $0x1;
	s0 =	sadd.s32 s13, s26;
	p0 =	por !p0, !p0  }
0x19b: {  	v63 =	vld [tilespmem:$0x6490];
	s0 =	sshrl.u32 s0, $0x3;
	s2 =	simm.s32 @!p0 $0x0  }
0x19c: {  	v6 =	vld [tilespmem:$0x6481];
	s0 =	ssub.s32 s0, s2  }
0x19d: {  	v7 =	vld [tilespmem:$0x6491];
	s3 =	sshll.u32 s0, $0x3;
	s28 =	spop (v2sf)  }
0x19e: {  	s0 =	ssub.s32 s28, s3  }
0x19f: {  	s0 =	sadd.s32 $0x3F, s0  }
0x1a0: {  	s14 =	sand.u32 $0x3F, s0  }
0x1a1: {  	v5 =	vsub.s32 v6, v5;
	s6 =	sshra.s32 s0, $0x1F;
	p3 =	slt.s32 s0, $0x1;
	p4 =	sne.s32 s14, $0x0  }
0x1a2: {  	v6 =	vsub.s32 v7, v63;
	v5 =	vcvt.s32.f32 v5;
	s15 =	sshrl.u32 s6, $0x1A;
	p0 =	por !p3, !p4  }
0x1a3: {  	s2 =	simm.s32 $0x1;
	v6 =	vcvt.s32.f32 v6;
	s0 =	sadd.s32 s15, s0;
	p0 =	por !p0, !p0  }
0x1a4: {  	v5 =	vadd.f32 $1.000000000e+00, v5;
	s0 =	sshra.s32 s0, $0x6;
	s2 =	simm.s32 @!p0 $0x0  }
0x1a5: {  	v6 =	vadd.f32 $1.000000000e+00, v6;
	s0 =	ssub.s32 s0, s2  }
0x1a6: {  	(erf) = vrcp.f32 v5;
	s2 =	sadd.s32 $0x1, s0  }
0x1a7: {  	p1 =	slt.s32 s3, $0xFC0;
	(erf) = vrcp.f32 v6;
	s6 =	smov.u32 s3;
	s16 =	sand.u32 $0x1, s2  }
0x1a8: {  	s6 =	simm.s32 @!p1 $0xFC0;
	p5 =	slt.s32 s0, $0x0;
	p6 =	seq.s32 s16, $0x1  }
0x1a9: {  	s29 =	sshll.u32 s6, $0x7;
	s24 =	sshrl.u32 s2, $0x1F;
	p0 =	por !p5, !p6  }
0x1aa: {  	s6 =	simm.s32 $0x1;
	s0 =	sadd.s32 s24, s2;
	p0 =	por !p0, !p0  }
0x1ab: {  	s0 =	sshra.s32 s0, $0x1;
	s6 =	simm.s32 @!p0 $0x0  }
0x1ac: {  	s30 =	ssub.s32 s0, s6  }
0x1ad: {  	p0 =	slt.s32 s30, $0x1  }
.Ltmp12:
0x1ae: {  	_ = 	snop;
	(pc) =	sbr.rel @p0 .LBB2_31-.Ltmp12, $4  }
0x1af: {  	v5 =	vpop (erf);
	s2 =	sand.u32 $0x1FFFFC00, s29  }
0x1b0: {  	[tilespmem:$0x6500] =	vst v5;
	v5 =	vpop (erf);
	s2 =	sadd.s32 s1, s2  }
0x1b1: {  	[tilespmem:$0x6510] =	vst v5;
	s31 =	sadd.s32 $0x80380, s2  }
0x1b2: {  	[tilespmem:s20], [sflag:$0x1] =	stream.strided.gather [hbm4b:s31+s18], $0x2000, s19, s18, $0x38;
	[tilespmem:$0x6580] =	vst v63  }
0x1b3: {  	s31 =	sadd.s32 $0x80, s3  }
0x1b4: {  	s6 =	sadd.s32 $0x40, s3;
	s0 =	simm.s32 $0x0;
	s29 =	smov.u32 s3  }
.LBB2_26:
0x1b5: {  	s8 =	sshll.u32 s0, $0x7  }
0x1b6: {  	s2 =	sadd.s32 s3, s8  }
0x1b7: {  	s7 =	sadd.s32 $0x40, s2  }
0x1b8: {  	p0 =	slt.s32 s7, $0xFC0;
	s9 =	smov.u32 s7  }
0x1b9: {  	p1 =	slt.s32 s29, $0xFC0;
	s10 =	smov.u32 s29;
	s9 =	simm.s32 @!p0 $0xFC0  }
0x1ba: {  	s10 =	simm.s32 @!p1 $0xFC0;
	s9 =	sshll.u32 s9, $0x7  }
0x1bb: {  	s11 =	sshll.u32 s10, $0x2;
	s9 =	sand.u32 $0x1FFFFF80, s9  }
0x1bc: {  	s11 =	sshra.s32 s11, $0x2;
	s9 =	sadd.s32 s1, s9  }
0x1bd: {  	v5 =	vmov s11;
	s9 =	sadd.s32 $0x80380, s9  }
0x1be: {  	[tilespmem:s21], [sflag:$0x2] =	stream.strided.gather [hbm4b:s9+s18], $0x2000, s19, s18, $0x38;
	[tilespmem:$0x6580] =	vst v63  }
0x1bf: {  	_ =	swait.ge [sflag:s17], $0x2000  }
0x1c0: {  	[sflag:s17] =	ssyncset.done $0x0  }
0x1c1: {  	s16 =	simm.s32 $0x0;
	[sflag:s17] =	ssyncadd.s32 $0xFFFFE000  }
0x1c2: {  	v6 =	vld.idx.msk [tilespmem:v5+s16+$0x0 ss:$0x1], $0xffff;
	_ =	sdelay $0x4  }
0x1c3: {  	v6 =	vsub.s32 v6, v4  }
0x1c4: {  	v6 =	vshll.u32 v6, $0x7  }
0x1c5: {  	(v2sf) =	vpush v6, $0x0;
	_ =	sdelay $0x5  }
0x1c6: {  	(v2sf) =	vpush v6, $0x1;
	_ =	sdelay $0x2  }
0x1c7: {  	s9 =	simm.s32 $0x2500  }
0x1c8: {  	v9 =	vld [tilespmem:s9+$0xFFFFFFF0]  }
0x1c9: {  	v7 =	vld [tilespmem:s9+$0xFFFFFFA0]  }
0x1ca: {  	v8 =	vld [tilespmem:s9+$0xFFFFFF90]  }
0x1cb: {  	s11 =	sadd.s32 $0x1, s10;
	v10 =	vld [tilespmem:s9+$0xFFFFFFE0]  }
0x1cc: {  	s12 =	smov.u32 s26;
	p0 =	sgt.s32 s2, s26;
	s10 =	sadd.s32 $0xFFFFFFFF, s11;
	v11 =	vld [tilespmem:s9+$0xFFFFFFB0]  }
0x1cd: {  	s12 =	smov.u32 @p0 s2;
	p0 =	slt.s32 s10, s28;
	v12 =	vld [tilespmem:s9+$0xFFFFFFD0];
	s16 =	spop (v2sf)  }
0x1ce: {  	p1 =	sge.s32 s10, s12;
	v13 =	vld [tilespmem:s9+$0xFFFFFFC0];
	s16 =	simm.s32 @!p0 $0x1000  }
0x1cf: {  	v6 =	vld [tilespmem:s9+$0xFFFFFF80];
	s16 =	simm.s32 @!p1 $0x1000  }
0x1d0: {  	[tilespmem:s16+$0x10F0] =	vst.add.f32.msk $0xffff, v9  }
0x1d1: {  	v9 =	vld [tilespmem:s9+$0x70]  }
0x1d2: {  	s14 =	simm.s32 $0x8;
	s2 =	smov.u32 s6;
	p0 =	slt.s32 s6, $0xFC0;
	[tilespmem:s16+$0x10E0] =	vst.add.f32.msk $0xffff, v10  }
0x1d3: {  	s15 =	spop (v2sf);
	s2 =	simm.s32 @!p0 $0xFC0;
	p0 =	slt.s32 s11, s28;
	[tilespmem:s16+$0x10D0] =	vst.add.f32.msk $0xffff, v12  }
0x1d4: {  	s24 =	sshll.u32 s2, $0x2;
	s15 =	simm.s32 @!p0 $0x1000;
	p0 =	sge.s32 s11, s12;
	[tilespmem:s16+$0x10C0] =	vst.add.f32.msk $0xffff, v13  }
0x1d5: {  	s13 =	simm.s32 $0x2500;
	[tilespmem:s16+$0x10B0] =	vst.add.f32.msk $0xffff, v11;
	s10 =	sshra.s32 s24, $0x2;
	s15 =	simm.s32 @!p0 $0x1000  }
.LBB2_27:
0x1d6: {  	p0 =	sne.s32 s14, $0xF8;
	[tilespmem:s15+$0x10F0] =	vst.add.f32.msk $0xffff, v9;
	s11 =	sadd.s32 $0x2, s11;
	s9 =	sadd.s32 $0x100, s9  }
0x1d7: {  	s24 =	smov.u32 s14;
	s14 =	sadd.s32 $0x8, s14;
	[tilespmem:s16+$0x1090] =	vst.add.f32.msk $0xffff, v8  }
0x1d8: {  	[tilespmem:s16+$0x10A0] =	vst.add.f32.msk $0xffff, v7  }
0x1d9: {  	[tilespmem:s16+$0x1080] =	vst.add.f32.msk $0xffff, v6  }
0x1da: {  	v6 =	vld [tilespmem:s13+$0x0]  }
0x1db: {  	v7 =	vld [tilespmem:s13+$0x20]  }
0x1dc: {  	v8 =	vld [tilespmem:s13+$0x60]  }
0x1dd: {  	v9 =	vld [tilespmem:s13+$0x10]  }
0x1de: {  	v10 =	vld [tilespmem:s13+$0x30]  }
0x1df: {  	v11 =	vld [tilespmem:s13+$0x50]  }
0x1e0: {  	v12 =	vld [tilespmem:s13+$0x40];
	s13 =	smov.u32 s9  }
0x1e1: {  	[tilespmem:s15+$0x1080] =	vst.add.f32.msk $0xffff, v6  }
0x1e2: {  	[tilespmem:s15+$0x10E0] =	vst.add.f32.msk $0xffff, v8  }
0x1e3: {  	[tilespmem:s15+$0x1090] =	vst.add.f32.msk $0xffff, v9  }
0x1e4: {  	[tilespmem:s15+$0x10A0] =	vst.add.f32.msk $0xffff, v7  }
0x1e5: {  	[tilespmem:s15+$0x10D0] =	vst.add.f32.msk $0xffff, v11  }
0x1e6: {  	[tilespmem:s15+$0x10B0] =	vst.add.f32.msk $0xffff, v10  }
0x1e7: {  	s16 =	sshra.s32 s24, $0x2;
	[tilespmem:s15+$0x10C0] =	vst.add.f32.msk $0xffff, v12  }
0x1e8: {  	v6 =	vld.idx.msk [tilespmem:v5+s16+$0x0 ss:$0x1], $0xffff;
	_ =	sdelay $0x5  }
0x1e9: {  	v6 =	vsub.s32 v6, v4  }
0x1ea: {  	v6 =	vshll.u32 v6, $0x7  }
0x1eb: {  	(v2sf) =	vpush v6, $0x0  }
0x1ec: {  	(v2sf) =	vpush v6, $0x1;
	_ =	sdelay $0x8  }
0x1ed: {  	v6 =	vld [tilespmem:s9+$0xFFFFFF80]  }
0x1ee: {  	v9 =	vld [tilespmem:s9+$0xFFFFFFF0]  }
0x1ef: {  	v7 =	vld [tilespmem:s9+$0xFFFFFFA0]  }
0x1f0: {  	v8 =	vld [tilespmem:s9+$0xFFFFFF90]  }
0x1f1: {  	s15 =	sadd.s32 $0xFFFFFFFF, s11;
	v10 =	vld [tilespmem:s9+$0xFFFFFFE0]  }
0x1f2: {  	p2 =	slt.s32 s11, s28;
	p1 =	slt.s32 s15, s28;
	v11 =	vld [tilespmem:s9+$0xFFFFFFB0];
	s16 =	spop (v2sf)  }
0x1f3: {  	p3 =	sge.s32 s15, s12;
	s16 =	simm.s32 @!p1 $0x1000;
	v12 =	vld [tilespmem:s9+$0xFFFFFFD0];
	s15 =	spop (v2sf)  }
0x1f4: {  	s16 =	simm.s32 @!p3 $0x1000;
	s15 =	simm.s32 @!p2 $0x1000;
	v13 =	vld [tilespmem:s9+$0xFFFFFFC0]  }
0x1f5: {  	[tilespmem:s16+$0x10F0] =	vst.add.f32.msk $0xffff, v9  }
.Ltmp13:
0x1f6: {  	v9 =	vld [tilespmem:s9+$0x70];
	(pc) =	sbr.rel @p0 .LBB2_27-.Ltmp13, $4  }
0x1f7: {  	[tilespmem:s16+$0x10E0] =	vst.add.f32.msk $0xffff, v10  }
0x1f8: {  	[tilespmem:s16+$0x10D0] =	vst.add.f32.msk $0xffff, v12  }
0x1f9: {  	p1 =	sge.s32 s11, s12;
	[tilespmem:s16+$0x10C0] =	vst.add.f32.msk $0xffff, v13  }
0x1fa: {  	s15 =	simm.s32 @!p1 $0x1000;
	[tilespmem:s16+$0x10B0] =	vst.add.f32.msk $0xffff, v11  }
0x1fb: {  	[tilespmem:s15+$0x10F0] =	vst.add.f32.msk $0xffff, v9  }
0x1fc: {  	[tilespmem:s16+$0x1090] =	vst.add.f32.msk $0xffff, v8  }
0x1fd: {  	[tilespmem:s16+$0x10A0] =	vst.add.f32.msk $0xffff, v7  }
0x1fe: {  	[tilespmem:s16+$0x1080] =	vst.add.f32.msk $0xffff, v6  }
0x1ff: {  	v7 =	vld [tilespmem:s13+$0x60]  }
0x200: {  	v9 =	vld [tilespmem:s13+$0x30]  }
0x201: {  	v10 =	vld [tilespmem:s13+$0x50]  }
0x202: {  	v11 =	vld [tilespmem:s13+$0x40]  }
0x203: {  	v5 =	vld [tilespmem:s13+$0x0]  }
0x204: {  	v6 =	vld [tilespmem:s13+$0x20]  }
0x205: {  	v8 =	vld [tilespmem:s13+$0x10]  }
0x206: {  	s8 =	sadd.s32 s8, s31;
	[tilespmem:s15+$0x10E0] =	vst.add.f32.msk $0xffff, v7  }
0x207: {  	p0 =	slt.s32 s8, $0xFC0;
	[tilespmem:s15+$0x10D0] =	vst.add.f32.msk $0xffff, v10  }
0x208: {  	s8 =	simm.s32 @!p0 $0xFC0;
	[tilespmem:s15+$0x10B0] =	vst.add.f32.msk $0xffff, v9  }
0x209: {  	s8 =	sshll.u32 s8, $0x7;
	[tilespmem:s15+$0x10C0] =	vst.add.f32.msk $0xffff, v11  }
0x20a: {  	s8 =	sand.u32 $0x1FFFFF80, s8;
	[tilespmem:s15+$0x1080] =	vst.add.f32.msk $0xffff, v5  }
0x20b: {  	s8 =	sadd.s32 s1, s8;
	[tilespmem:s15+$0x1090] =	vst.add.f32.msk $0xffff, v8  }
0x20c: {  	[tilespmem:s15+$0x10A0] =	vst.add.f32.msk $0xffff, v6;
	s8 =	sadd.s32 $0x80380, s8;
	v5 =	vmov s10  }
0x20d: {  	[tilespmem:s20], [sflag:$0x1] =	stream.strided.gather [hbm4b:s8+s18], $0x2000, s19, s18, $0x38;
	[tilespmem:$0x6580] =	vst v63  }
0x20e: {  	_ =	swait.ge [sflag:s22], $0x2000  }
0x20f: {  	[sflag:s22] =	ssyncset.done $0x0  }
0x210: {  	s16 =	simm.s32 $0x0;
	[sflag:s22] =	ssyncadd.s32 $0xFFFFE000  }
0x211: {  	v6 =	vld.idx.msk [tilespmem:v5+s16+$0x0 ss:$0x1], $0xffff;
	_ =	sdelay $0x4  }
0x212: {  	v6 =	vsub.s32 v6, v4  }
0x213: {  	v6 =	vshll.u32 v6, $0x7  }
0x214: {  	(v2sf) =	vpush v6, $0x0;
	_ =	sdelay $0x5  }
0x215: {  	(v2sf) =	vpush v6, $0x1;
	_ =	sdelay $0x2  }
0x216: {  	s8 =	simm.s32 $0x4500  }
0x217: {  	v9 =	vld [tilespmem:s8+$0xFFFFFFF0]  }
0x218: {  	v7 =	vld [tilespmem:s8+$0xFFFFFFA0]  }
0x219: {  	v8 =	vld [tilespmem:s8+$0xFFFFFF90]  }
0x21a: {  	v10 =	vld [tilespmem:s8+$0xFFFFFFE0]  }
0x21b: {  	s9 =	smov.u32 s26;
	p0 =	sgt.s32 s7, s26;
	v11 =	vld [tilespmem:s8+$0xFFFFFFB0]  }
0x21c: {  	s9 =	smov.u32 @p0 s7;
	p0 =	slt.s32 s2, s28;
	v12 =	vld [tilespmem:s8+$0xFFFFFFD0];
	s12 =	spop (v2sf)  }
0x21d: {  	p1 =	sge.s32 s2, s9;
	v13 =	vld [tilespmem:s8+$0xFFFFFFC0];
	s12 =	simm.s32 @!p0 $0x1000  }
0x21e: {  	v6 =	vld [tilespmem:s8+$0xFFFFFF80];
	s12 =	simm.s32 @!p1 $0x1000  }
0x21f: {  	[tilespmem:s12+$0x10F0] =	vst.add.f32.msk $0xffff, v9  }
0x220: {  	v9 =	vld [tilespmem:s8+$0x70]  }
0x221: {  	s24 =	sadd.s32 $0x1, s2;
	[tilespmem:s12+$0x10E0] =	vst.add.f32.msk $0xffff, v10  }
0x222: {  	p0 =	slt.s32 s24, s28;
	s11 =	spop (v2sf);
	[tilespmem:s12+$0x10D0] =	vst.add.f32.msk $0xffff, v12  }
0x223: {  	s11 =	simm.s32 @!p0 $0x1000;
	p0 =	sge.s32 s24, s9;
	[tilespmem:s12+$0x10C0] =	vst.add.f32.msk $0xffff, v13  }
0x224: {  	s7 =	simm.s32 $0x4500;
	s10 =	simm.s32 $0x8;
	s11 =	simm.s32 @!p0 $0x1000;
	[tilespmem:s12+$0x10B0] =	vst.add.f32.msk $0xffff, v11  }
.LBB2_29:
0x225: {  	p0 =	sne.s32 s10, $0xF8;
	[tilespmem:s11+$0x10F0] =	vst.add.f32.msk $0xffff, v9;
	s2 =	sadd.s32 $0x2, s2;
	s8 =	sadd.s32 $0x100, s8  }
0x226: {  	s13 =	smov.u32 s10;
	s10 =	sadd.s32 $0x8, s10;
	[tilespmem:s12+$0x1090] =	vst.add.f32.msk $0xffff, v8  }
0x227: {  	[tilespmem:s12+$0x10A0] =	vst.add.f32.msk $0xffff, v7  }
0x228: {  	[tilespmem:s12+$0x1080] =	vst.add.f32.msk $0xffff, v6  }
0x229: {  	v6 =	vld [tilespmem:s7+$0x0]  }
0x22a: {  	v7 =	vld [tilespmem:s7+$0x20]  }
0x22b: {  	v8 =	vld [tilespmem:s7+$0x60]  }
0x22c: {  	v9 =	vld [tilespmem:s7+$0x10]  }
0x22d: {  	v10 =	vld [tilespmem:s7+$0x30]  }
0x22e: {  	v11 =	vld [tilespmem:s7+$0x50]  }
0x22f: {  	v12 =	vld [tilespmem:s7+$0x40];
	s7 =	smov.u32 s8  }
0x230: {  	[tilespmem:s11+$0x1080] =	vst.add.f32.msk $0xffff, v6  }
0x231: {  	[tilespmem:s11+$0x10E0] =	vst.add.f32.msk $0xffff, v8  }
0x232: {  	[tilespmem:s11+$0x1090] =	vst.add.f32.msk $0xffff, v9  }
0x233: {  	[tilespmem:s11+$0x10A0] =	vst.add.f32.msk $0xffff, v7  }
0x234: {  	[tilespmem:s11+$0x10D0] =	vst.add.f32.msk $0xffff, v11  }
0x235: {  	[tilespmem:s11+$0x10B0] =	vst.add.f32.msk $0xffff, v10  }
0x236: {  	s12 =	sshra.s32 s13, $0x2;
	[tilespmem:s11+$0x10C0] =	vst.add.f32.msk $0xffff, v12  }
0x237: {  	v6 =	vld.idx.msk [tilespmem:v5+s12+$0x0 ss:$0x1], $0xffff;
	_ =	sdelay $0x5  }
0x238: {  	v6 =	vsub.s32 v6, v4  }
0x239: {  	v6 =	vshll.u32 v6, $0x7  }
0x23a: {  	(v2sf) =	vpush v6, $0x0  }
0x23b: {  	(v2sf) =	vpush v6, $0x1;
	_ =	sdelay $0x8  }
0x23c: {  	v6 =	vld [tilespmem:s8+$0xFFFFFF80]  }
0x23d: {  	v9 =	vld [tilespmem:s8+$0xFFFFFFF0]  }
0x23e: {  	v7 =	vld [tilespmem:s8+$0xFFFFFFA0]  }
0x23f: {  	v8 =	vld [tilespmem:s8+$0xFFFFFF90]  }
0x240: {  	p1 =	sge.s32 s2, s9;
	v10 =	vld [tilespmem:s8+$0xFFFFFFE0]  }
0x241: {  	p2 =	slt.s32 s2, s28;
	s13 =	sadd.s32 $0x1, s2;
	v11 =	vld [tilespmem:s8+$0xFFFFFFB0];
	s12 =	spop (v2sf)  }
0x242: {  	p3 =	slt.s32 s13, s28;
	s12 =	simm.s32 @!p2 $0x1000;
	v12 =	vld [tilespmem:s8+$0xFFFFFFD0];
	s11 =	spop (v2sf)  }
0x243: {  	s12 =	simm.s32 @!p1 $0x1000;
	s11 =	simm.s32 @!p3 $0x1000;
	v13 =	vld [tilespmem:s8+$0xFFFFFFC0]  }
0x244: {  	[tilespmem:s12+$0x10F0] =	vst.add.f32.msk $0xffff, v9  }
.Ltmp14:
0x245: {  	v9 =	vld [tilespmem:s8+$0x70];
	(pc) =	sbr.rel @p0 .LBB2_29-.Ltmp14, $4  }
0x246: {  	[tilespmem:s12+$0x10E0] =	vst.add.f32.msk $0xffff, v10  }
0x247: {  	[tilespmem:s12+$0x10D0] =	vst.add.f32.msk $0xffff, v12  }
0x248: {  	p1 =	sge.s32 s13, s9;
	[tilespmem:s12+$0x10C0] =	vst.add.f32.msk $0xffff, v13  }
0x249: {  	s11 =	simm.s32 @!p1 $0x1000;
	[tilespmem:s12+$0x10B0] =	vst.add.f32.msk $0xffff, v11  }
0x24a: {  	[tilespmem:s11+$0x10F0] =	vst.add.f32.msk $0xffff, v9  }
0x24b: {  	[tilespmem:s12+$0x1090] =	vst.add.f32.msk $0xffff, v8  }
0x24c: {  	[tilespmem:s12+$0x10A0] =	vst.add.f32.msk $0xffff, v7  }
0x24d: {  	[tilespmem:s12+$0x1080] =	vst.add.f32.msk $0xffff, v6  }
0x24e: {  	v7 =	vld [tilespmem:s7+$0x60]  }
0x24f: {  	v63 =	vld [tilespmem:s7+$0x30]  }
0x250: {  	v10 =	vld [tilespmem:s7+$0x50]  }
0x251: {  	v11 =	vld [tilespmem:s7+$0x40]  }
0x252: {  	v5 =	vld [tilespmem:s7+$0x0]  }
0x253: {  	v6 =	vld [tilespmem:s7+$0x20]  }
0x254: {  	v8 =	vld [tilespmem:s7+$0x10]  }
0x255: {  	s0 =	sadd.s32 $0x1, s0;
	[tilespmem:s11+$0x10E0] =	vst.add.f32.msk $0xffff, v7  }
0x256: {  	p0 =	sne.s32 s0, s30;
	[tilespmem:s11+$0x10D0] =	vst.add.f32.msk $0xffff, v10  }
.Ltmp15:
0x257: {  	[tilespmem:s11+$0x10B0] =	vst.add.f32.msk $0xffff, v63;
	(pc) =	sbr.rel @p0 .LBB2_26-.Ltmp15, $4  }
0x258: {  	[tilespmem:s11+$0x10C0] =	vst.add.f32.msk $0xffff, v11  }
0x259: {  	[tilespmem:s11+$0x1080] =	vst.add.f32.msk $0xffff, v5  }
0x25a: {  	[tilespmem:s11+$0x1090] =	vst.add.f32.msk $0xffff, v8  }
0x25b: {  	s29 =	sadd.s32 $0x80, s29;
	s6 =	sadd.s32 $0x80, s6;
	[tilespmem:s11+$0x10A0] =	vst.add.f32.msk $0xffff, v6  }
.LBB2_31:
0x25c: {  	s2 =	simm.s32 $0x0  }
0x25d: {  	_ =	swait.ge [sflag:s17], $0x2000;
	v5 =	vmov s2  }
0x25e: {  	[sflag:s17] =	ssyncset.done $0x0  }
0x25f: {  	s0 =	simm.s32 $0x10C0;
	[sflag:s17] =	ssyncadd.s32 $0xFFFFE000  }
0x260: {  	v7 =	vld [tilespmem:s0+$0xFFFFFFC0]  }
0x261: {  	v10 =	vld [tilespmem:s0+$0x10]  }
0x262: {  	v5 =	vld.idx.msk [tilespmem:v5+s23+$0x0], $0xffff  }
0x263: {  	v12 =	vld [tilespmem:s0+$0xFFFFFFE0]  }
0x264: {  	v6 =	vld [tilespmem:s0+$0x30]  }
0x265: {  	v11 =	vld [tilespmem:s0+$0xFFFFFFF0]  }
0x266: {  	v13 =	vld [tilespmem:s0+$0xFFFFFFD0]  }
0x267: {  	v8 =	vld [tilespmem:s0+$0x20];
	v9 =	vmul.f32 v7, v5  }
0x268: {  	v7 =	vmul.f32 v12, v5;
	v12 =	vmul.f32 v10, v5;
	v10 =	vld [tilespmem:s0+$0x0];
	_ =	sdelay $0x1  }
0x269: {  	v14 =	vmul.f32 v6, v5  }
0x26a: {  	s3 =	simm.s32 $0x24C0  }
0x26b: {  	s6 =	simm.s32 $0x1;
	s7 =	simm.s32 $0x10C0;
	s2 =	simm.s32 $0x24C0;
	v6 =	vmul.f32 v13, v5;
	v11 =	vmul.f32 v11, v5;
	[tilespmem:s3+$0x30] =	vst v14  }
.LBB2_32:
0x26c: {  	p0 =	sne.s32 s6, $0x1F;
	v10 =	vmul.f32 v10, v5;
	v5 =	vmul.f32 v8, v5;
	[tilespmem:s0+$0x30] =	vst v3;
	s3 =	sadd.s32 $0x80, s3;
	s7 =	sadd.s32 $0x80, s7  }
0x26d: {  	s8 =	smov.u32 s6;
	s6 =	sadd.s32 $0x1, s6;
	[tilespmem:s2+$0x10] =	vst v12  }
0x26e: {  	[tilespmem:s2+$0xFFFFFFC0] =	vst v9  }
0x26f: {  	[tilespmem:s0+$0xFFFFFFC0] =	vst v3  }
0x270: {  	[tilespmem:s2+$0xFFFFFFF0] =	vst v11  }
0x271: {  	[tilespmem:s0+$0x10] =	vst v3  }
0x272: {  	[tilespmem:s2+$0xFFFFFFE0] =	vst v7  }
0x273: {  	[tilespmem:s0+$0xFFFFFFF0] =	vst v3  }
0x274: {  	[tilespmem:s2+$0x20] =	vst v5  }
0x275: {  	[tilespmem:s2+$0xFFFFFFD0] =	vst v6  }
0x276: {  	v5 =	vmov s8;
	[tilespmem:s2+$0x0] =	vst v10;
	s2 =	smov.u32 s3  }
0x277: {  	v6 =	vld [tilespmem:s7+$0x30];
	[tilespmem:s0+$0xFFFFFFE0] =	vst v3  }
0x278: {  	v11 =	vld [tilespmem:s7+$0xFFFFFFF0];
	[tilespmem:s0+$0x20] =	vst v3  }
0x279: {  	v7 =	vld [tilespmem:s7+$0xFFFFFFC0];
	[tilespmem:s0+$0xFFFFFFD0] =	vst v3  }
0x27a: {  	v12 =	vld [tilespmem:s7+$0x10];
	[tilespmem:s0+$0x0] =	vst v3;
	s0 =	smov.u32 s7  }
0x27b: {  	v5 =	vld.idx.msk [tilespmem:v5+s23+$0x0], $0xffff  }
0x27c: {  	v8 =	vld [tilespmem:s7+$0x20]  }
0x27d: {  	v13 =	vld [tilespmem:s7+$0xFFFFFFE0]  }
0x27e: {  	v14 =	vld [tilespmem:s7+$0xFFFFFFD0]  }
.Ltmp16:
0x27f: {  	v10 =	vld [tilespmem:s7+$0x0];
	(pc) =	sbr.rel @p0 .LBB2_32-.Ltmp16, $4  }
0x280: {  	_ = 	snop  }
0x281: {  	v9 =	vmul.f32 v7, v5;
	v15 =	vmul.f32 v6, v5  }
0x282: {  	v12 =	vmul.f32 v12, v5;
	v7 =	vmul.f32 v13, v5  }
0x283: {  	v11 =	vmul.f32 v11, v5;
	v6 =	vmul.f32 v14, v5;
	[tilespmem:s3+$0x30] =	vst v15  }
0x284: {  	[tilespmem:s0+$0x30] =	vst v3  }
0x285: {  	[tilespmem:s2+$0x10] =	vst v12  }
0x286: {  	[tilespmem:s2+$0xFFFFFFC0] =	vst v9  }
0x287: {  	[tilespmem:s2+$0xFFFFFFE0] =	vst v7  }
0x288: {  	[tilespmem:s0+$0xFFFFFFC0] =	vst v3  }
0x289: {  	[tilespmem:s2+$0xFFFFFFF0] =	vst v11  }
0x28a: {  	[tilespmem:s0+$0x10] =	vst v3  }
0x28b: {  	[tilespmem:s2+$0xFFFFFFD0] =	vst v6  }
0x28c: {  	v8 =	vmul.f32 v8, v5;
	[tilespmem:s0+$0xFFFFFFE0] =	vst v3  }
0x28d: {  	v5 =	vmul.f32 v10, v5;
	[tilespmem:s0+$0xFFFFFFF0] =	vst v3  }
0x28e: {  	[tilespmem:s2+$0x20] =	vst v8  }
0x28f: {  	[tilespmem:s2+$0x0] =	vst v5  }
0x290: {  	[tilespmem:s0+$0xFFFFFFD0] =	vst v3  }
0x291: {  	s26 =	rddreg [dreg:$0x6];
	[tilespmem:s0+$0x20] =	vst v3  }
0x292: {  	s28 =	rddreg [dreg:$0x7];
	[tilespmem:s0+$0x0] =	vst v3  }
0x293: {  	[hbm4b:s26+s4] =	stream.linear.scatter [tilespmem:s20], [sflag:$0x3], $0x1000, $0x38;
	[tilespmem:$0x6580] =	vst v63  }
0x294: {  	s29 =	simm.s32 $0x80;
	s3 =	simm.s32 $0x200;
	s30 =	simm.s32 $0x4  }
0x295: {  	[tilespmem:s4], [sflag:$0x4] =	stream.strided.gather [hbm4b:s28+s29], $0x1000, s3, s29, $0x38;
	[tilespmem:$0x6580] =	vst v63  }
0x296: {  	_ =	swait.ge [sflag:s30], $0x1000  }
0x297: {  	[sflag:s30] =	ssyncset.done $0x0  }
0x298: {  	s31 =	simm.s32 $0x3;
	[sflag:s30] =	ssyncadd.s32 $0xFFFFF000  }
0x299: {  	_ =	swait.ge [sflag:s31], $0x1000  }
0x29a: {  	v6 =	vimm.s32 $0x1000;
	v5 =	vimm.s32 $0x0;
	[sflag:s31] =	ssyncset.done $0x0  }
0x29b: {  	v7 =	vadd.s32 v5, v6;
	s0 =	simm.s32 $0xC;
	[sflag:s31] =	ssyncadd.s32 $0xFFFFF000  }
.LBB2_34:
0x29c: {  	p0 =	sne.s32 s0, $0x1;
	v7 =	vshra.s32 v7, $0x1  }
0x29d: {  	vm0 =	vlt.s32 v7, $0xFFF  }
0x29e: {  	v8 =	vnsel vm0, $0xFFF, v7;
	_ =	sdelay $0x4  }
0x29f: {  	v8 =	vld.idx.msk [tilespmem:v8+s4+$0x0], $0xffff;
	_ =	sdelay $0x4  }
.Ltmp17:
0x2a0: {  	(pc) =	sbr.rel @p0 .LBB2_34-.Ltmp17, $4  }
0x2a1: {  	vm1 =	vlt.s32 v7, $0x1000;
	vm0 =	vlt.s32 v8, v0  }
0x2a2: {  	v8 =	vadd.s32 $0x1, v7;
	vm0 =	vmand vm1, vm0  }
0x2a3: {  	v5 =	vsel vm0, v8, v5;
	v6 =	vsel vm0, v6, v7  }
0x2a4: {  	s0 =	sadd.s32 $0xFFFFFFFF, s0;
	v7 =	vadd.s32 v5, v6  }
0x2a5: {  	v6 =	vshra.s32 v7, $0x1  }
0x2a6: {  	vm0 =	vlt.s32 v6, $0xFFF  }
0x2a7: {  	v7 =	vnsel vm0, $0xFFF, v6;
	_ =	sdelay $0x4  }
0x2a8: {  	v7 =	vld.idx.msk [tilespmem:v7+s4+$0x0], $0xffff;
	_ =	sdelay $0x4  }
0x2a9: {  	vm1 =	vlt.s32 v6, $0x1000;
	vm15 =	vlt.s32 v7, v0  }
0x2aa: {  	v6 =	vadd.s32 $0x1, v6;
	vm0 =	vmand vm1, vm15  }
0x2ab: {  	v7 =	vimm.s32 $0x1000;
	v5 =	vsel vm0, v6, v5;
	v6 =	vimm.s32 $0x0  }
0x2ac: {  	s0 =	simm.s32 $0xC;
	[tilespmem:$0x6480] =	vst v5;
	v8 =	vadd.s32 v6, v7  }
.LBB2_36:
0x2ad: {  	p0 =	sne.s32 s0, $0x1;
	v8 =	vshra.s32 v8, $0x1  }
0x2ae: {  	vm0 =	vlt.s32 v8, $0xFFF  }
0x2af: {  	v9 =	vnsel vm0, $0xFFF, v8;
	_ =	sdelay $0x4  }
0x2b0: {  	v9 =	vld.idx.msk [tilespmem:v9+s4+$0x0], $0xffff;
	_ =	sdelay $0x4  }
.Ltmp18:
0x2b1: {  	(pc) =	sbr.rel @p0 .LBB2_36-.Ltmp18, $4  }
0x2b2: {  	vm1 =	vlt.s32 v8, $0x1000;
	vm0 =	vlt.s32 v9, v1  }
0x2b3: {  	v9 =	vadd.s32 $0x1, v8;
	vm0 =	vmand vm1, vm0  }
0x2b4: {  	v6 =	vsel vm0, v9, v6;
	v7 =	vsel vm0, v7, v8  }
0x2b5: {  	s0 =	sadd.s32 $0xFFFFFFFF, s0;
	v8 =	vadd.s32 v6, v7  }
0x2b6: {  	v7 =	vshra.s32 v8, $0x1  }
0x2b7: {  	vm0 =	vlt.s32 v7, $0xFFF  }
0x2b8: {  	v8 =	vnsel vm0, $0xFFF, v7;
	_ =	sdelay $0x4  }
0x2b9: {  	v8 =	vld.idx.msk [tilespmem:v8+s4+$0x0], $0xffff;
	_ =	sdelay $0x4  }
0x2ba: {  	vm1 =	vlt.s32 v7, $0x1000;
	vm15 =	vlt.s32 v8, v1  }
0x2bb: {  	v7 =	vadd.s32 $0x1, v7;
	vm0 =	vmand vm1, vm15  }
0x2bc: {  	v8 =	vsel vm0, v7, v6;
	v6 =	vimm.s32 $0x0;
	v7 =	vimm.s32 $0x1000  }
0x2bd: {  	s0 =	simm.s32 $0xC;
	[tilespmem:$0x6490] =	vst v8;
	v8 =	vadd.s32 v6, v7  }
.LBB2_38:
0x2be: {  	p0 =	sne.s32 s0, $0x1;
	v8 =	vshra.s32 v8, $0x1  }
0x2bf: {  	vm0 =	vlt.s32 v8, $0xFFF  }
0x2c0: {  	v9 =	vnsel vm0, $0xFFF, v8;
	_ =	sdelay $0x4  }
0x2c1: {  	v9 =	vld.idx.msk [tilespmem:v9+s4+$0x0], $0xffff;
	_ =	sdelay $0x4  }
.Ltmp19:
0x2c2: {  	(pc) =	sbr.rel @p0 .LBB2_38-.Ltmp19, $4  }
0x2c3: {  	vm1 =	vlt.s32 v8, $0x1000;
	vm0 =	vlt.s32 v9, v2  }
0x2c4: {  	v9 =	vadd.s32 $0x1, v8;
	vm0 =	vmand vm1, vm0  }
0x2c5: {  	v6 =	vsel vm0, v9, v6;
	v7 =	vsel vm0, v7, v8  }
0x2c6: {  	s0 =	sadd.s32 $0xFFFFFFFF, s0;
	v8 =	vadd.s32 v6, v7  }
0x2c7: {  	v7 =	vshra.s32 v8, $0x1  }
0x2c8: {  	vm0 =	vlt.s32 v7, $0xFFF  }
0x2c9: {  	v8 =	vnsel vm0, $0xFFF, v7;
	_ =	sdelay $0x4  }
0x2ca: {  	v8 =	vld.idx.msk [tilespmem:v8+s4+$0x0], $0xffff;
	_ =	sdelay $0x1  }
0x2cb: {  	v9 =	vld [tilespmem:$0x6480];
	_ =	sdelay $0x2  }
0x2cc: {  	vm1 =	vlt.s32 v7, $0x1000;
	vm15 =	vlt.s32 v8, v2  }
0x2cd: {  	v7 =	vadd.s32 $0x1, v7;
	vm0 =	vmand vm1, vm15  }
0x2ce: {  	(v2sf) =	vpush v9, $0x0;
	v6 =	vsel vm0, v7, v6  }
0x2cf: {  	[tilespmem:$0x64A0] =	vst v6  }
0x2d0: {  	v6 =	vld [tilespmem:$0x64A0];
	_ =	sdelay $0x4  }
0x2d1: {  	(v2sf) =	vpush v6, $0x0;
	_ =	sdelay $0x7  }
0x2d2: {  	s26 =	spop (v2sf)  }
0x2d3: {  	s0 =	sand.u32 $0x7, s26  }
0x2d4: {  	s2 =	sshra.s32 s26, $0x1F;
	p0 =	slt.s32 s26, $0x1;
	p1 =	sne.s32 s0, $0x0  }
0x2d5: {  	s12 =	sshrl.u32 s2, $0x1D;
	p0 =	por !p0, !p1  }
0x2d6: {  	s2 =	simm.s32 $0x1;
	s0 =	sadd.s32 s12, s26;
	p0 =	por !p0, !p0  }
0x2d7: {  	v63 =	vld [tilespmem:$0x6490];
	s0 =	sshrl.u32 s0, $0x3;
	s2 =	simm.s32 @!p0 $0x0  }
0x2d8: {  	v6 =	vld [tilespmem:$0x6481];
	s0 =	ssub.s32 s0, s2  }
0x2d9: {  	v7 =	vld [tilespmem:$0x6491];
	s29 =	sshll.u32 s0, $0x3;
	s28 =	spop (v2sf)  }
0x2da: {  	s0 =	ssub.s32 s28, s29  }
0x2db: {  	s0 =	sadd.s32 $0x3F, s0  }
0x2dc: {  	s13 =	sand.u32 $0x3F, s0  }
0x2dd: {  	v5 =	vsub.s32 v6, v5;
	s3 =	sshra.s32 s0, $0x1F;
	p3 =	slt.s32 s0, $0x1;
	p4 =	sne.s32 s13, $0x0  }
0x2de: {  	v6 =	vsub.s32 v7, v63;
	v5 =	vcvt.s32.f32 v5;
	s14 =	sshrl.u32 s3, $0x1A;
	p0 =	por !p3, !p4  }
0x2df: {  	s2 =	simm.s32 $0x1;
	v6 =	vcvt.s32.f32 v6;
	s0 =	sadd.s32 s14, s0;
	p0 =	por !p0, !p0  }
0x2e0: {  	v5 =	vadd.f32 $1.000000000e+00, v5;
	s0 =	sshra.s32 s0, $0x6;
	s2 =	simm.s32 @!p0 $0x0  }
0x2e1: {  	v6 =	vadd.f32 $1.000000000e+00, v6;
	s0 =	ssub.s32 s0, s2  }
0x2e2: {  	(erf) = vrcp.f32 v5;
	s2 =	sadd.s32 $0x1, s0  }
0x2e3: {  	p1 =	slt.s32 s29, $0xFC0;
	(erf) = vrcp.f32 v6;
	s3 =	smov.u32 s29;
	s15 =	sand.u32 $0x1, s2  }
0x2e4: {  	s3 =	simm.s32 @!p1 $0xFC0;
	p5 =	slt.s32 s0, $0x0;
	p6 =	seq.s32 s15, $0x1  }
0x2e5: {  	s24 =	sshll.u32 s3, $0x7;
	s16 =	sshrl.u32 s2, $0x1F;
	p0 =	por !p5, !p6  }
0x2e6: {  	s3 =	simm.s32 $0x1;
	s0 =	sadd.s32 s16, s2;
	p0 =	por !p0, !p0  }
0x2e7: {  	s0 =	sshra.s32 s0, $0x1;
	s3 =	simm.s32 @!p0 $0x0  }
0x2e8: {  	s30 =	ssub.s32 s0, s3  }
0x2e9: {  	p0 =	slt.s32 s30, $0x1  }
.Ltmp20:
0x2ea: {  	_ = 	snop;
	(pc) =	sbr.rel @p0 .LBB2_46-.Ltmp20, $4  }
0x2eb: {  	v5 =	vpop (erf);
	s2 =	sand.u32 $0x1FFFFC00, s24  }
0x2ec: {  	[tilespmem:$0x6500] =	vst v5;
	v5 =	vpop (erf);
	s2 =	sadd.s32 s1, s2  }
0x2ed: {  	[tilespmem:$0x6510] =	vst v5;
	s31 =	sadd.s32 $0x100380, s2  }
0x2ee: {  	[tilespmem:s20], [sflag:$0x1] =	stream.strided.gather [hbm4b:s31+s18], $0x2000, s19, s18, $0x38;
	[tilespmem:$0x6580] =	vst v63  }
0x2ef: {  	s31 =	sadd.s32 $0x80, s29  }
0x2f0: {  	s2 =	sadd.s32 $0x40, s29;
	s0 =	simm.s32 $0x0;
	s3 =	smov.u32 s29  }
.LBB2_41:
0x2f1: {  	s8 =	sshll.u32 s0, $0x7  }
0x2f2: {  	s6 =	sadd.s32 s29, s8  }
0x2f3: {  	s7 =	sadd.s32 $0x40, s6  }
0x2f4: {  	p0 =	slt.s32 s7, $0xFC0;
	s9 =	smov.u32 s7  }
0x2f5: {  	p1 =	slt.s32 s3, $0xFC0;
	s10 =	smov.u32 s3;
	s9 =	simm.s32 @!p0 $0xFC0  }
0x2f6: {  	s10 =	simm.s32 @!p1 $0xFC0;
	s9 =	sshll.u32 s9, $0x7  }
0x2f7: {  	s11 =	sshll.u32 s10, $0x2;
	s9 =	sand.u32 $0x1FFFFF80, s9  }
0x2f8: {  	s11 =	sshra.s32 s11, $0x2;
	s9 =	sadd.s32 s1, s9  }
0x2f9: {  	v5 =	vmov s11;
	s9 =	sadd.s32 $0x100380, s9  }
0x2fa: {  	[tilespmem:s21], [sflag:$0x2] =	stream.strided.gather [hbm4b:s9+s18], $0x2000, s19, s18, $0x38;
	[tilespmem:$0x6580] =	vst v63  }
0x2fb: {  	_ =	swait.ge [sflag:s17], $0x2000  }
0x2fc: {  	[sflag:s17] =	ssyncset.done $0x0  }
0x2fd: {  	s16 =	simm.s32 $0x0;
	[sflag:s17] =	ssyncadd.s32 $0xFFFFE000  }
0x2fe: {  	v6 =	vld.idx.msk [tilespmem:v5+s16+$0x0 ss:$0x1], $0xffff;
	_ =	sdelay $0x4  }
0x2ff: {  	v6 =	vsub.s32 v6, v4  }
0x300: {  	v6 =	vshll.u32 v6, $0x7  }
0x301: {  	(v2sf) =	vpush v6, $0x0;
	_ =	sdelay $0x5  }
0x302: {  	(v2sf) =	vpush v6, $0x1;
	_ =	sdelay $0x2  }
0x303: {  	s9 =	simm.s32 $0x2500  }
0x304: {  	v9 =	vld [tilespmem:s9+$0xFFFFFFF0]  }
0x305: {  	v7 =	vld [tilespmem:s9+$0xFFFFFFA0]  }
0x306: {  	v8 =	vld [tilespmem:s9+$0xFFFFFF90]  }
0x307: {  	s11 =	sadd.s32 $0x1, s10;
	v10 =	vld [tilespmem:s9+$0xFFFFFFE0]  }
0x308: {  	s12 =	smov.u32 s26;
	p0 =	sgt.s32 s6, s26;
	s10 =	sadd.s32 $0xFFFFFFFF, s11;
	v11 =	vld [tilespmem:s9+$0xFFFFFFB0]  }
0x309: {  	s12 =	smov.u32 @p0 s6;
	p0 =	slt.s32 s10, s28;
	v12 =	vld [tilespmem:s9+$0xFFFFFFD0];
	s16 =	spop (v2sf)  }
0x30a: {  	p1 =	sge.s32 s10, s12;
	v13 =	vld [tilespmem:s9+$0xFFFFFFC0];
	s16 =	simm.s32 @!p0 $0x1000  }
0x30b: {  	v6 =	vld [tilespmem:s9+$0xFFFFFF80];
	s16 =	simm.s32 @!p1 $0x1000  }
0x30c: {  	[tilespmem:s16+$0x10F0] =	vst.add.f32.msk $0xffff, v9  }
0x30d: {  	v9 =	vld [tilespmem:s9+$0x70]  }
0x30e: {  	s14 =	simm.s32 $0x8;
	s6 =	smov.u32 s2;
	p0 =	slt.s32 s2, $0xFC0;
	[tilespmem:s16+$0x10E0] =	vst.add.f32.msk $0xffff, v10  }
0x30f: {  	s15 =	spop (v2sf);
	s6 =	simm.s32 @!p0 $0xFC0;
	p0 =	slt.s32 s11, s28;
	[tilespmem:s16+$0x10D0] =	vst.add.f32.msk $0xffff, v12  }
0x310: {  	s24 =	sshll.u32 s6, $0x2;
	s15 =	simm.s32 @!p0 $0x1000;
	p0 =	sge.s32 s11, s12;
	[tilespmem:s16+$0x10C0] =	vst.add.f32.msk $0xffff, v13  }
0x311: {  	s13 =	simm.s32 $0x2500;
	[tilespmem:s16+$0x10B0] =	vst.add.f32.msk $0xffff, v11;
	s10 =	sshra.s32 s24, $0x2;
	s15 =	simm.s32 @!p0 $0x1000  }
.LBB2_42:
0x312: {  	p0 =	sne.s32 s14, $0xF8;
	[tilespmem:s15+$0x10F0] =	vst.add.f32.msk $0xffff, v9;
	s11 =	sadd.s32 $0x2, s11;
	s9 =	sadd.s32 $0x100, s9  }
0x313: {  	s24 =	smov.u32 s14;
	s14 =	sadd.s32 $0x8, s14;
	[tilespmem:s16+$0x1090] =	vst.add.f32.msk $0xffff, v8  }
0x314: {  	[tilespmem:s16+$0x10A0] =	vst.add.f32.msk $0xffff, v7  }
0x315: {  	[tilespmem:s16+$0x1080] =	vst.add.f32.msk $0xffff, v6  }
0x316: {  	v6 =	vld [tilespmem:s13+$0x0]  }
0x317: {  	v7 =	vld [tilespmem:s13+$0x20]  }
0x318: {  	v8 =	vld [tilespmem:s13+$0x60]  }
0x319: {  	v9 =	vld [tilespmem:s13+$0x10]  }
0x31a: {  	v10 =	vld [tilespmem:s13+$0x30]  }
0x31b: {  	v11 =	vld [tilespmem:s13+$0x50]  }
0x31c: {  	v12 =	vld [tilespmem:s13+$0x40];
	s13 =	smov.u32 s9  }
0x31d: {  	[tilespmem:s15+$0x1080] =	vst.add.f32.msk $0xffff, v6  }
0x31e: {  	[tilespmem:s15+$0x10E0] =	vst.add.f32.msk $0xffff, v8  }
0x31f: {  	[tilespmem:s15+$0x1090] =	vst.add.f32.msk $0xffff, v9  }
0x320: {  	[tilespmem:s15+$0x10A0] =	vst.add.f32.msk $0xffff, v7  }
0x321: {  	[tilespmem:s15+$0x10D0] =	vst.add.f32.msk $0xffff, v11  }
0x322: {  	[tilespmem:s15+$0x10B0] =	vst.add.f32.msk $0xffff, v10  }
0x323: {  	s16 =	sshra.s32 s24, $0x2;
	[tilespmem:s15+$0x10C0] =	vst.add.f32.msk $0xffff, v12  }
0x324: {  	v6 =	vld.idx.msk [tilespmem:v5+s16+$0x0 ss:$0x1], $0xffff;
	_ =	sdelay $0x5  }
0x325: {  	v6 =	vsub.s32 v6, v4  }
0x326: {  	v6 =	vshll.u32 v6, $0x7  }
0x327: {  	(v2sf) =	vpush v6, $0x0  }
0x328: {  	(v2sf) =	vpush v6, $0x1;
	_ =	sdelay $0x8  }
0x329: {  	v6 =	vld [tilespmem:s9+$0xFFFFFF80]  }
0x32a: {  	v9 =	vld [tilespmem:s9+$0xFFFFFFF0]  }
0x32b: {  	v7 =	vld [tilespmem:s9+$0xFFFFFFA0]  }
0x32c: {  	v8 =	vld [tilespmem:s9+$0xFFFFFF90]  }
0x32d: {  	s15 =	sadd.s32 $0xFFFFFFFF, s11;
	v10 =	vld [tilespmem:s9+$0xFFFFFFE0]  }
0x32e: {  	p2 =	slt.s32 s11, s28;
	p1 =	slt.s32 s15, s28;
	v11 =	vld [tilespmem:s9+$0xFFFFFFB0];
	s16 =	spop (v2sf)  }
0x32f: {  	p3 =	sge.s32 s15, s12;
	s16 =	simm.s32 @!p1 $0x1000;
	v12 =	vld [tilespmem:s9+$0xFFFFFFD0];
	s15 =	spop (v2sf)  }
0x330: {  	s16 =	simm.s32 @!p3 $0x1000;
	s15 =	simm.s32 @!p2 $0x1000;
	v13 =	vld [tilespmem:s9+$0xFFFFFFC0]  }
0x331: {  	[tilespmem:s16+$0x10F0] =	vst.add.f32.msk $0xffff, v9  }
.Ltmp21:
0x332: {  	v9 =	vld [tilespmem:s9+$0x70];
	(pc) =	sbr.rel @p0 .LBB2_42-.Ltmp21, $4  }
0x333: {  	[tilespmem:s16+$0x10E0] =	vst.add.f32.msk $0xffff, v10  }
0x334: {  	[tilespmem:s16+$0x10D0] =	vst.add.f32.msk $0xffff, v12  }
0x335: {  	p1 =	sge.s32 s11, s12;
	[tilespmem:s16+$0x10C0] =	vst.add.f32.msk $0xffff, v13  }
0x336: {  	s15 =	simm.s32 @!p1 $0x1000;
	[tilespmem:s16+$0x10B0] =	vst.add.f32.msk $0xffff, v11  }
0x337: {  	[tilespmem:s15+$0x10F0] =	vst.add.f32.msk $0xffff, v9  }
0x338: {  	[tilespmem:s16+$0x1090] =	vst.add.f32.msk $0xffff, v8  }
0x339: {  	[tilespmem:s16+$0x10A0] =	vst.add.f32.msk $0xffff, v7  }
0x33a: {  	[tilespmem:s16+$0x1080] =	vst.add.f32.msk $0xffff, v6  }
0x33b: {  	v7 =	vld [tilespmem:s13+$0x60]  }
0x33c: {  	v9 =	vld [tilespmem:s13+$0x30]  }
0x33d: {  	v10 =	vld [tilespmem:s13+$0x50]  }
0x33e: {  	v11 =	vld [tilespmem:s13+$0x40]  }
0x33f: {  	v5 =	vld [tilespmem:s13+$0x0]  }
0x340: {  	v6 =	vld [tilespmem:s13+$0x20]  }
0x341: {  	v8 =	vld [tilespmem:s13+$0x10]  }
0x342: {  	s8 =	sadd.s32 s8, s31;
	[tilespmem:s15+$0x10E0] =	vst.add.f32.msk $0xffff, v7  }
0x343: {  	p0 =	slt.s32 s8, $0xFC0;
	[tilespmem:s15+$0x10D0] =	vst.add.f32.msk $0xffff, v10  }
0x344: {  	s8 =	simm.s32 @!p0 $0xFC0;
	[tilespmem:s15+$0x10B0] =	vst.add.f32.msk $0xffff, v9  }
0x345: {  	s8 =	sshll.u32 s8, $0x7;
	[tilespmem:s15+$0x10C0] =	vst.add.f32.msk $0xffff, v11  }
0x346: {  	s8 =	sand.u32 $0x1FFFFF80, s8;
	[tilespmem:s15+$0x1080] =	vst.add.f32.msk $0xffff, v5  }
0x347: {  	s8 =	sadd.s32 s1, s8;
	[tilespmem:s15+$0x1090] =	vst.add.f32.msk $0xffff, v8  }
0x348: {  	[tilespmem:s15+$0x10A0] =	vst.add.f32.msk $0xffff, v6;
	s8 =	sadd.s32 $0x100380, s8;
	v5 =	vmov s10  }
0x349: {  	[tilespmem:s20], [sflag:$0x1] =	stream.strided.gather [hbm4b:s8+s18], $0x2000, s19, s18, $0x38;
	[tilespmem:$0x6580] =	vst v63  }
0x34a: {  	_ =	swait.ge [sflag:s22], $0x2000  }
0x34b: {  	[sflag:s22] =	ssyncset.done $0x0  }
0x34c: {  	s16 =	simm.s32 $0x0;
	[sflag:s22] =	ssyncadd.s32 $0xFFFFE000  }
0x34d: {  	v6 =	vld.idx.msk [tilespmem:v5+s16+$0x0 ss:$0x1], $0xffff;
	_ =	sdelay $0x4  }
0x34e: {  	v6 =	vsub.s32 v6, v4  }
0x34f: {  	v6 =	vshll.u32 v6, $0x7  }
0x350: {  	(v2sf) =	vpush v6, $0x0;
	_ =	sdelay $0x5  }
0x351: {  	(v2sf) =	vpush v6, $0x1;
	_ =	sdelay $0x2  }
0x352: {  	s8 =	simm.s32 $0x4500  }
0x353: {  	v9 =	vld [tilespmem:s8+$0xFFFFFFF0]  }
0x354: {  	v7 =	vld [tilespmem:s8+$0xFFFFFFA0]  }
0x355: {  	v8 =	vld [tilespmem:s8+$0xFFFFFF90]  }
0x356: {  	v10 =	vld [tilespmem:s8+$0xFFFFFFE0]  }
0x357: {  	s9 =	smov.u32 s26;
	p0 =	sgt.s32 s7, s26;
	v11 =	vld [tilespmem:s8+$0xFFFFFFB0]  }
0x358: {  	s9 =	smov.u32 @p0 s7;
	p0 =	slt.s32 s6, s28;
	v12 =	vld [tilespmem:s8+$0xFFFFFFD0];
	s12 =	spop (v2sf)  }
0x359: {  	p1 =	sge.s32 s6, s9;
	v13 =	vld [tilespmem:s8+$0xFFFFFFC0];
	s12 =	simm.s32 @!p0 $0x1000  }
0x35a: {  	v6 =	vld [tilespmem:s8+$0xFFFFFF80];
	s12 =	simm.s32 @!p1 $0x1000  }
0x35b: {  	[tilespmem:s12+$0x10F0] =	vst.add.f32.msk $0xffff, v9  }
0x35c: {  	v9 =	vld [tilespmem:s8+$0x70]  }
0x35d: {  	s24 =	sadd.s32 $0x1, s6;
	[tilespmem:s12+$0x10E0] =	vst.add.f32.msk $0xffff, v10  }
0x35e: {  	p0 =	slt.s32 s24, s28;
	s11 =	spop (v2sf);
	[tilespmem:s12+$0x10D0] =	vst.add.f32.msk $0xffff, v12  }
0x35f: {  	s11 =	simm.s32 @!p0 $0x1000;
	p0 =	sge.s32 s24, s9;
	[tilespmem:s12+$0x10C0] =	vst.add.f32.msk $0xffff, v13  }
0x360: {  	s7 =	simm.s32 $0x4500;
	s10 =	simm.s32 $0x8;
	s11 =	simm.s32 @!p0 $0x1000;
	[tilespmem:s12+$0x10B0] =	vst.add.f32.msk $0xffff, v11  }
.LBB2_44:
0x361: {  	p0 =	sne.s32 s10, $0xF8;
	[tilespmem:s11+$0x10F0] =	vst.add.f32.msk $0xffff, v9;
	s6 =	sadd.s32 $0x2, s6;
	s8 =	sadd.s32 $0x100, s8  }
0x362: {  	s13 =	smov.u32 s10;
	s10 =	sadd.s32 $0x8, s10;
	[tilespmem:s12+$0x1090] =	vst.add.f32.msk $0xffff, v8  }
0x363: {  	[tilespmem:s12+$0x10A0] =	vst.add.f32.msk $0xffff, v7  }
0x364: {  	[tilespmem:s12+$0x1080] =	vst.add.f32.msk $0xffff, v6  }
0x365: {  	v6 =	vld [tilespmem:s7+$0x0]  }
0x366: {  	v7 =	vld [tilespmem:s7+$0x20]  }
0x367: {  	v8 =	vld [tilespmem:s7+$0x60]  }
0x368: {  	v9 =	vld [tilespmem:s7+$0x10]  }
0x369: {  	v10 =	vld [tilespmem:s7+$0x30]  }
0x36a: {  	v11 =	vld [tilespmem:s7+$0x50]  }
0x36b: {  	v12 =	vld [tilespmem:s7+$0x40];
	s7 =	smov.u32 s8  }
0x36c: {  	[tilespmem:s11+$0x1080] =	vst.add.f32.msk $0xffff, v6  }
0x36d: {  	[tilespmem:s11+$0x10E0] =	vst.add.f32.msk $0xffff, v8  }
0x36e: {  	[tilespmem:s11+$0x1090] =	vst.add.f32.msk $0xffff, v9  }
0x36f: {  	[tilespmem:s11+$0x10A0] =	vst.add.f32.msk $0xffff, v7  }
0x370: {  	[tilespmem:s11+$0x10D0] =	vst.add.f32.msk $0xffff, v11  }
0x371: {  	[tilespmem:s11+$0x10B0] =	vst.add.f32.msk $0xffff, v10  }
0x372: {  	s12 =	sshra.s32 s13, $0x2;
	[tilespmem:s11+$0x10C0] =	vst.add.f32.msk $0xffff, v12  }
0x373: {  	v6 =	vld.idx.msk [tilespmem:v5+s12+$0x0 ss:$0x1], $0xffff;
	_ =	sdelay $0x5  }
0x374: {  	v6 =	vsub.s32 v6, v4  }
0x375: {  	v6 =	vshll.u32 v6, $0x7  }
0x376: {  	(v2sf) =	vpush v6, $0x0  }
0x377: {  	(v2sf) =	vpush v6, $0x1;
	_ =	sdelay $0x8  }
0x378: {  	v6 =	vld [tilespmem:s8+$0xFFFFFF80]  }
0x379: {  	v9 =	vld [tilespmem:s8+$0xFFFFFFF0]  }
0x37a: {  	v7 =	vld [tilespmem:s8+$0xFFFFFFA0]  }
0x37b: {  	v8 =	vld [tilespmem:s8+$0xFFFFFF90]  }
0x37c: {  	p1 =	sge.s32 s6, s9;
	v10 =	vld [tilespmem:s8+$0xFFFFFFE0]  }
0x37d: {  	p2 =	slt.s32 s6, s28;
	s13 =	sadd.s32 $0x1, s6;
	v11 =	vld [tilespmem:s8+$0xFFFFFFB0];
	s12 =	spop (v2sf)  }
0x37e: {  	p3 =	slt.s32 s13, s28;
	s12 =	simm.s32 @!p2 $0x1000;
	v12 =	vld [tilespmem:s8+$0xFFFFFFD0];
	s11 =	spop (v2sf)  }
0x37f: {  	s12 =	simm.s32 @!p1 $0x1000;
	s11 =	simm.s32 @!p3 $0x1000;
	v13 =	vld [tilespmem:s8+$0xFFFFFFC0]  }
0x380: {  	[tilespmem:s12+$0x10F0] =	vst.add.f32.msk $0xffff, v9  }
.Ltmp22:
0x381: {  	v9 =	vld [tilespmem:s8+$0x70];
	(pc) =	sbr.rel @p0 .LBB2_44-.Ltmp22, $4  }
0x382: {  	[tilespmem:s12+$0x10E0] =	vst.add.f32.msk $0xffff, v10  }
0x383: {  	[tilespmem:s12+$0x10D0] =	vst.add.f32.msk $0xffff, v12  }
0x384: {  	p1 =	sge.s32 s13, s9;
	[tilespmem:s12+$0x10C0] =	vst.add.f32.msk $0xffff, v13  }
0x385: {  	s11 =	simm.s32 @!p1 $0x1000;
	[tilespmem:s12+$0x10B0] =	vst.add.f32.msk $0xffff, v11  }
0x386: {  	[tilespmem:s11+$0x10F0] =	vst.add.f32.msk $0xffff, v9  }
0x387: {  	[tilespmem:s12+$0x1090] =	vst.add.f32.msk $0xffff, v8  }
0x388: {  	[tilespmem:s12+$0x10A0] =	vst.add.f32.msk $0xffff, v7  }
0x389: {  	[tilespmem:s12+$0x1080] =	vst.add.f32.msk $0xffff, v6  }
0x38a: {  	v7 =	vld [tilespmem:s7+$0x60]  }
0x38b: {  	v63 =	vld [tilespmem:s7+$0x30]  }
0x38c: {  	v10 =	vld [tilespmem:s7+$0x50]  }
0x38d: {  	v11 =	vld [tilespmem:s7+$0x40]  }
0x38e: {  	v5 =	vld [tilespmem:s7+$0x0]  }
0x38f: {  	v6 =	vld [tilespmem:s7+$0x20]  }
0x390: {  	v8 =	vld [tilespmem:s7+$0x10]  }
0x391: {  	s0 =	sadd.s32 $0x1, s0;
	[tilespmem:s11+$0x10E0] =	vst.add.f32.msk $0xffff, v7  }
0x392: {  	p0 =	sne.s32 s0, s30;
	[tilespmem:s11+$0x10D0] =	vst.add.f32.msk $0xffff, v10  }
.Ltmp23:
0x393: {  	[tilespmem:s11+$0x10B0] =	vst.add.f32.msk $0xffff, v63;
	(pc) =	sbr.rel @p0 .LBB2_41-.Ltmp23, $4  }
0x394: {  	[tilespmem:s11+$0x10C0] =	vst.add.f32.msk $0xffff, v11  }
0x395: {  	[tilespmem:s11+$0x1080] =	vst.add.f32.msk $0xffff, v5  }
0x396: {  	[tilespmem:s11+$0x1090] =	vst.add.f32.msk $0xffff, v8  }
0x397: {  	s3 =	sadd.s32 $0x80, s3;
	s2 =	sadd.s32 $0x80, s2;
	[tilespmem:s11+$0x10A0] =	vst.add.f32.msk $0xffff, v6  }
.LBB2_46:
0x398: {  	s2 =	simm.s32 $0x0  }
0x399: {  	_ =	swait.ge [sflag:s17], $0x2000;
	v5 =	vmov s2  }
0x39a: {  	[sflag:s17] =	ssyncset.done $0x0  }
0x39b: {  	s0 =	simm.s32 $0x10C0;
	[sflag:s17] =	ssyncadd.s32 $0xFFFFE000  }
0x39c: {  	v7 =	vld [tilespmem:s0+$0xFFFFFFC0]  }
0x39d: {  	v10 =	vld [tilespmem:s0+$0x10]  }
0x39e: {  	v5 =	vld.idx.msk [tilespmem:v5+s23+$0x0], $0xffff  }
0x39f: {  	v12 =	vld [tilespmem:s0+$0xFFFFFFE0]  }
0x3a0: {  	v6 =	vld [tilespmem:s0+$0x30]  }
0x3a1: {  	v11 =	vld [tilespmem:s0+$0xFFFFFFF0]  }
0x3a2: {  	v13 =	vld [tilespmem:s0+$0xFFFFFFD0]  }
0x3a3: {  	v8 =	vld [tilespmem:s0+$0x20];
	v9 =	vmul.f32 v7, v5  }
0x3a4: {  	v7 =	vmul.f32 v12, v5;
	v12 =	vmul.f32 v10, v5;
	v10 =	vld [tilespmem:s0+$0x0];
	_ =	sdelay $0x1  }
0x3a5: {  	v14 =	vmul.f32 v6, v5  }
0x3a6: {  	s3 =	simm.s32 $0x24C0  }
0x3a7: {  	s6 =	simm.s32 $0x1;
	s7 =	simm.s32 $0x10C0;
	s2 =	simm.s32 $0x24C0;
	v6 =	vmul.f32 v13, v5;
	v11 =	vmul.f32 v11, v5;
	[tilespmem:s3+$0x30] =	vst v14  }
.LBB2_47:
0x3a8: {  	p0 =	sne.s32 s6, $0x1F;
	v10 =	vmul.f32 v10, v5;
	v5 =	vmul.f32 v8, v5;
	[tilespmem:s0+$0x30] =	vst v3;
	s3 =	sadd.s32 $0x80, s3;
	s7 =	sadd.s32 $0x80, s7  }
0x3a9: {  	s8 =	smov.u32 s6;
	s6 =	sadd.s32 $0x1, s6;
	[tilespmem:s2+$0x10] =	vst v12  }
0x3aa: {  	[tilespmem:s2+$0xFFFFFFC0] =	vst v9  }
0x3ab: {  	[tilespmem:s0+$0xFFFFFFC0] =	vst v3  }
0x3ac: {  	[tilespmem:s2+$0xFFFFFFF0] =	vst v11  }
0x3ad: {  	[tilespmem:s0+$0x10] =	vst v3  }
0x3ae: {  	[tilespmem:s2+$0xFFFFFFE0] =	vst v7  }
0x3af: {  	[tilespmem:s0+$0xFFFFFFF0] =	vst v3  }
0x3b0: {  	[tilespmem:s2+$0x20] =	vst v5  }
0x3b1: {  	[tilespmem:s2+$0xFFFFFFD0] =	vst v6  }
0x3b2: {  	v5 =	vmov s8;
	[tilespmem:s2+$0x0] =	vst v10;
	s2 =	smov.u32 s3  }
0x3b3: {  	v6 =	vld [tilespmem:s7+$0x30];
	[tilespmem:s0+$0xFFFFFFE0] =	vst v3  }
0x3b4: {  	v11 =	vld [tilespmem:s7+$0xFFFFFFF0];
	[tilespmem:s0+$0x20] =	vst v3  }
0x3b5: {  	v7 =	vld [tilespmem:s7+$0xFFFFFFC0];
	[tilespmem:s0+$0xFFFFFFD0] =	vst v3  }
0x3b6: {  	v12 =	vld [tilespmem:s7+$0x10];
	[tilespmem:s0+$0x0] =	vst v3;
	s0 =	smov.u32 s7  }
0x3b7: {  	v5 =	vld.idx.msk [tilespmem:v5+s23+$0x0], $0xffff  }
0x3b8: {  	v8 =	vld [tilespmem:s7+$0x20]  }
0x3b9: {  	v13 =	vld [tilespmem:s7+$0xFFFFFFE0]  }
0x3ba: {  	v14 =	vld [tilespmem:s7+$0xFFFFFFD0]  }
.Ltmp24:
0x3bb: {  	v10 =	vld [tilespmem:s7+$0x0];
	(pc) =	sbr.rel @p0 .LBB2_47-.Ltmp24, $4  }
0x3bc: {  	_ = 	snop  }
0x3bd: {  	v9 =	vmul.f32 v7, v5;
	v15 =	vmul.f32 v6, v5  }
0x3be: {  	v12 =	vmul.f32 v12, v5;
	v7 =	vmul.f32 v13, v5  }
0x3bf: {  	v11 =	vmul.f32 v11, v5;
	v6 =	vmul.f32 v14, v5;
	[tilespmem:s3+$0x30] =	vst v15  }
0x3c0: {  	[tilespmem:s0+$0x30] =	vst v3  }
0x3c1: {  	[tilespmem:s2+$0x10] =	vst v12  }
0x3c2: {  	[tilespmem:s2+$0xFFFFFFC0] =	vst v9  }
0x3c3: {  	[tilespmem:s2+$0xFFFFFFE0] =	vst v7  }
0x3c4: {  	[tilespmem:s0+$0xFFFFFFC0] =	vst v3  }
0x3c5: {  	[tilespmem:s2+$0xFFFFFFF0] =	vst v11  }
0x3c6: {  	[tilespmem:s0+$0x10] =	vst v3  }
0x3c7: {  	[tilespmem:s2+$0xFFFFFFD0] =	vst v6  }
0x3c8: {  	v8 =	vmul.f32 v8, v5;
	[tilespmem:s0+$0xFFFFFFE0] =	vst v3  }
0x3c9: {  	v5 =	vmul.f32 v10, v5;
	[tilespmem:s0+$0xFFFFFFF0] =	vst v3  }
0x3ca: {  	[tilespmem:s2+$0x20] =	vst v8  }
0x3cb: {  	[tilespmem:s2+$0x0] =	vst v5  }
0x3cc: {  	[tilespmem:s0+$0xFFFFFFD0] =	vst v3  }
0x3cd: {  	s26 =	rddreg [dreg:$0x8];
	[tilespmem:s0+$0x20] =	vst v3  }
0x3ce: {  	s28 =	rddreg [dreg:$0x9];
	[tilespmem:s0+$0x0] =	vst v3  }
0x3cf: {  	[hbm4b:s26+s4] =	stream.linear.scatter [tilespmem:s20], [sflag:$0x3], $0x1000, $0x38;
	[tilespmem:$0x6580] =	vst v63  }
0x3d0: {  	s29 =	simm.s32 $0x80;
	s3 =	simm.s32 $0x200;
	s30 =	simm.s32 $0x4  }
0x3d1: {  	[tilespmem:s4], [sflag:$0x4] =	stream.strided.gather [hbm4b:s28+s29], $0x1000, s3, s29, $0x38;
	[tilespmem:$0x6580] =	vst v63  }
0x3d2: {  	_ =	swait.ge [sflag:s30], $0x1000  }
0x3d3: {  	[sflag:s30] =	ssyncset.done $0x0  }
0x3d4: {  	s31 =	simm.s32 $0x3;
	[sflag:s30] =	ssyncadd.s32 $0xFFFFF000  }
0x3d5: {  	_ =	swait.ge [sflag:s31], $0x1000  }
0x3d6: {  	v6 =	vimm.s32 $0x1000;
	v5 =	vimm.s32 $0x0;
	[sflag:s31] =	ssyncset.done $0x0  }
0x3d7: {  	v7 =	vadd.s32 v5, v6;
	s0 =	simm.s32 $0xC;
	[sflag:s31] =	ssyncadd.s32 $0xFFFFF000  }
.LBB2_49:
0x3d8: {  	p0 =	sne.s32 s0, $0x1;
	v7 =	vshra.s32 v7, $0x1  }
0x3d9: {  	vm0 =	vlt.s32 v7, $0xFFF  }
0x3da: {  	v8 =	vnsel vm0, $0xFFF, v7;
	_ =	sdelay $0x4  }
0x3db: {  	v8 =	vld.idx.msk [tilespmem:v8+s4+$0x0], $0xffff;
	_ =	sdelay $0x4  }
.Ltmp25:
0x3dc: {  	(pc) =	sbr.rel @p0 .LBB2_49-.Ltmp25, $4  }
0x3dd: {  	vm1 =	vlt.s32 v7, $0x1000;
	vm0 =	vlt.s32 v8, v0  }
0x3de: {  	v8 =	vadd.s32 $0x1, v7;
	vm0 =	vmand vm1, vm0  }
0x3df: {  	v5 =	vsel vm0, v8, v5;
	v6 =	vsel vm0, v6, v7  }
0x3e0: {  	s0 =	sadd.s32 $0xFFFFFFFF, s0;
	v7 =	vadd.s32 v5, v6  }
0x3e1: {  	v6 =	vshra.s32 v7, $0x1  }
0x3e2: {  	vm0 =	vlt.s32 v6, $0xFFF  }
0x3e3: {  	v7 =	vnsel vm0, $0xFFF, v6;
	_ =	sdelay $0x4  }
0x3e4: {  	v7 =	vld.idx.msk [tilespmem:v7+s4+$0x0], $0xffff;
	_ =	sdelay $0x4  }
0x3e5: {  	vm1 =	vlt.s32 v6, $0x1000;
	vm15 =	vlt.s32 v7, v0  }
0x3e6: {  	v6 =	vadd.s32 $0x1, v6;
	vm0 =	vmand vm1, vm15  }
0x3e7: {  	v7 =	vimm.s32 $0x1000;
	v5 =	vsel vm0, v6, v5;
	v6 =	vimm.s32 $0x0  }
0x3e8: {  	s0 =	simm.s32 $0xC;
	[tilespmem:$0x6480] =	vst v5;
	v8 =	vadd.s32 v6, v7  }
.LBB2_51:
0x3e9: {  	p0 =	sne.s32 s0, $0x1;
	v8 =	vshra.s32 v8, $0x1  }
0x3ea: {  	vm0 =	vlt.s32 v8, $0xFFF  }
0x3eb: {  	v9 =	vnsel vm0, $0xFFF, v8;
	_ =	sdelay $0x4  }
0x3ec: {  	v9 =	vld.idx.msk [tilespmem:v9+s4+$0x0], $0xffff;
	_ =	sdelay $0x4  }
.Ltmp26:
0x3ed: {  	(pc) =	sbr.rel @p0 .LBB2_51-.Ltmp26, $4  }
0x3ee: {  	vm1 =	vlt.s32 v8, $0x1000;
	vm0 =	vlt.s32 v9, v1  }
0x3ef: {  	v9 =	vadd.s32 $0x1, v8;
	vm0 =	vmand vm1, vm0  }
0x3f0: {  	v6 =	vsel vm0, v9, v6;
	v7 =	vsel vm0, v7, v8  }
0x3f1: {  	s0 =	sadd.s32 $0xFFFFFFFF, s0;
	v8 =	vadd.s32 v6, v7  }
0x3f2: {  	v7 =	vshra.s32 v8, $0x1  }
0x3f3: {  	vm0 =	vlt.s32 v7, $0xFFF  }
0x3f4: {  	v8 =	vnsel vm0, $0xFFF, v7;
	_ =	sdelay $0x4  }
0x3f5: {  	v8 =	vld.idx.msk [tilespmem:v8+s4+$0x0], $0xffff;
	_ =	sdelay $0x4  }
0x3f6: {  	vm1 =	vlt.s32 v7, $0x1000;
	vm15 =	vlt.s32 v8, v1  }
0x3f7: {  	v7 =	vadd.s32 $0x1, v7;
	vm0 =	vmand vm1, vm15  }
0x3f8: {  	v8 =	vsel vm0, v7, v6;
	v6 =	vimm.s32 $0x0;
	v7 =	vimm.s32 $0x1000  }
0x3f9: {  	s0 =	simm.s32 $0xC;
	[tilespmem:$0x6490] =	vst v8;
	v8 =	vadd.s32 v6, v7  }
.LBB2_53:
0x3fa: {  	p0 =	sne.s32 s0, $0x1;
	v8 =	vshra.s32 v8, $0x1  }
0x3fb: {  	vm0 =	vlt.s32 v8, $0xFFF  }
0x3fc: {  	v9 =	vnsel vm0, $0xFFF, v8;
	_ =	sdelay $0x4  }
0x3fd: {  	v9 =	vld.idx.msk [tilespmem:v9+s4+$0x0], $0xffff;
	_ =	sdelay $0x4  }
.Ltmp27:
0x3fe: {  	(pc) =	sbr.rel @p0 .LBB2_53-.Ltmp27, $4  }
0x3ff: {  	vm1 =	vlt.s32 v8, $0x1000;
	vm0 =	vlt.s32 v9, v2  }
0x400: {  	v9 =	vadd.s32 $0x1, v8;
	vm0 =	vmand vm1, vm0  }
0x401: {  	v6 =	vsel vm0, v9, v6;
	v7 =	vsel vm0, v7, v8  }
0x402: {  	s0 =	sadd.s32 $0xFFFFFFFF, s0;
	v8 =	vadd.s32 v6, v7  }
0x403: {  	v7 =	vshra.s32 v8, $0x1  }
0x404: {  	vm0 =	vlt.s32 v7, $0xFFF  }
0x405: {  	v8 =	vnsel vm0, $0xFFF, v7;
	_ =	sdelay $0x4  }
0x406: {  	v8 =	vld.idx.msk [tilespmem:v8+s4+$0x0], $0xffff;
	_ =	sdelay $0x1  }
0x407: {  	v9 =	vld [tilespmem:$0x6480];
	_ =	sdelay $0x2  }
0x408: {  	vm1 =	vlt.s32 v7, $0x1000;
	vm15 =	vlt.s32 v8, v2  }
0x409: {  	v7 =	vadd.s32 $0x1, v7;
	vm0 =	vmand vm1, vm15  }
0x40a: {  	(v2sf) =	vpush v9, $0x0;
	v6 =	vsel vm0, v7, v6  }
0x40b: {  	[tilespmem:$0x64A0] =	vst v6  }
0x40c: {  	v6 =	vld [tilespmem:$0x64A0];
	_ =	sdelay $0x4  }
0x40d: {  	(v2sf) =	vpush v6, $0x0;
	_ =	sdelay $0x7  }
0x40e: {  	s26 =	spop (v2sf)  }
0x40f: {  	s0 =	sand.u32 $0x7, s26  }
0x410: {  	s2 =	sshra.s32 s26, $0x1F;
	p0 =	slt.s32 s26, $0x1;
	p1 =	sne.s32 s0, $0x0  }
0x411: {  	s12 =	sshrl.u32 s2, $0x1D;
	p0 =	por !p0, !p1  }
0x412: {  	s2 =	simm.s32 $0x1;
	s0 =	sadd.s32 s12, s26;
	p0 =	por !p0, !p0  }
0x413: {  	v63 =	vld [tilespmem:$0x6490];
	s0 =	sshrl.u32 s0, $0x3;
	s2 =	simm.s32 @!p0 $0x0  }
0x414: {  	v6 =	vld [tilespmem:$0x6481];
	s0 =	ssub.s32 s0, s2  }
0x415: {  	v7 =	vld [tilespmem:$0x6491];
	s29 =	sshll.u32 s0, $0x3;
	s28 =	spop (v2sf)  }
0x416: {  	s0 =	ssub.s32 s28, s29  }
0x417: {  	s0 =	sadd.s32 $0x3F, s0  }
0x418: {  	s13 =	sand.u32 $0x3F, s0  }
0x419: {  	v5 =	vsub.s32 v6, v5;
	s3 =	sshra.s32 s0, $0x1F;
	p3 =	slt.s32 s0, $0x1;
	p4 =	sne.s32 s13, $0x0  }
0x41a: {  	v6 =	vsub.s32 v7, v63;
	v5 =	vcvt.s32.f32 v5;
	s14 =	sshrl.u32 s3, $0x1A;
	p0 =	por !p3, !p4  }
0x41b: {  	s2 =	simm.s32 $0x1;
	v6 =	vcvt.s32.f32 v6;
	s0 =	sadd.s32 s14, s0;
	p0 =	por !p0, !p0  }
0x41c: {  	v5 =	vadd.f32 $1.000000000e+00, v5;
	s0 =	sshra.s32 s0, $0x6;
	s2 =	simm.s32 @!p0 $0x0  }
0x41d: {  	v6 =	vadd.f32 $1.000000000e+00, v6;
	s0 =	ssub.s32 s0, s2  }
0x41e: {  	(erf) = vrcp.f32 v5;
	s2 =	sadd.s32 $0x1, s0  }
0x41f: {  	p1 =	slt.s32 s29, $0xFC0;
	(erf) = vrcp.f32 v6;
	s3 =	smov.u32 s29;
	s15 =	sand.u32 $0x1, s2  }
0x420: {  	s3 =	simm.s32 @!p1 $0xFC0;
	p5 =	slt.s32 s0, $0x0;
	p6 =	seq.s32 s15, $0x1  }
0x421: {  	s24 =	sshll.u32 s3, $0x7;
	s16 =	sshrl.u32 s2, $0x1F;
	p0 =	por !p5, !p6  }
0x422: {  	s3 =	simm.s32 $0x1;
	s0 =	sadd.s32 s16, s2;
	p0 =	por !p0, !p0  }
0x423: {  	s0 =	sshra.s32 s0, $0x1;
	s3 =	simm.s32 @!p0 $0x0  }
0x424: {  	s30 =	ssub.s32 s0, s3  }
0x425: {  	p0 =	slt.s32 s30, $0x1  }
.Ltmp28:
0x426: {  	_ = 	snop;
	(pc) =	sbr.rel @p0 .LBB2_61-.Ltmp28, $4  }
0x427: {  	v5 =	vpop (erf);
	s2 =	sand.u32 $0x1FFFFC00, s24  }
0x428: {  	[tilespmem:$0x6500] =	vst v5;
	v5 =	vpop (erf);
	s2 =	sadd.s32 s1, s2  }
0x429: {  	[tilespmem:$0x6510] =	vst v5;
	s31 =	sadd.s32 $0x180380, s2  }
0x42a: {  	[tilespmem:s20], [sflag:$0x1] =	stream.strided.gather [hbm4b:s31+s18], $0x2000, s19, s18, $0x38;
	[tilespmem:$0x6580] =	vst v63  }
0x42b: {  	s31 =	sadd.s32 $0x80, s29  }
0x42c: {  	s2 =	sadd.s32 $0x40, s29;
	s0 =	simm.s32 $0x0;
	s3 =	smov.u32 s29  }
.LBB2_56:
0x42d: {  	s8 =	sshll.u32 s0, $0x7  }
0x42e: {  	s6 =	sadd.s32 s29, s8  }
0x42f: {  	s7 =	sadd.s32 $0x40, s6  }
0x430: {  	p0 =	slt.s32 s7, $0xFC0;
	s9 =	smov.u32 s7  }
0x431: {  	p1 =	slt.s32 s3, $0xFC0;
	s10 =	smov.u32 s3;
	s9 =	simm.s32 @!p0 $0xFC0  }
0x432: {  	s10 =	simm.s32 @!p1 $0xFC0;
	s9 =	sshll.u32 s9, $0x7  }
0x433: {  	s11 =	sshll.u32 s10, $0x2;
	s9 =	sand.u32 $0x1FFFFF80, s9  }
0x434: {  	s11 =	sshra.s32 s11, $0x2;
	s9 =	sadd.s32 s1, s9  }
0x435: {  	v5 =	vmov s11;
	s9 =	sadd.s32 $0x180380, s9  }
0x436: {  	[tilespmem:s21], [sflag:$0x2] =	stream.strided.gather [hbm4b:s9+s18], $0x2000, s19, s18, $0x38;
	[tilespmem:$0x6580] =	vst v63  }
0x437: {  	_ =	swait.ge [sflag:s17], $0x2000  }
0x438: {  	[sflag:s17] =	ssyncset.done $0x0  }
0x439: {  	s16 =	simm.s32 $0x0;
	[sflag:s17] =	ssyncadd.s32 $0xFFFFE000  }
0x43a: {  	v6 =	vld.idx.msk [tilespmem:v5+s16+$0x0 ss:$0x1], $0xffff;
	_ =	sdelay $0x4  }
0x43b: {  	v6 =	vsub.s32 v6, v4  }
0x43c: {  	v6 =	vshll.u32 v6, $0x7  }
0x43d: {  	(v2sf) =	vpush v6, $0x0;
	_ =	sdelay $0x5  }
0x43e: {  	(v2sf) =	vpush v6, $0x1;
	_ =	sdelay $0x2  }
0x43f: {  	s9 =	simm.s32 $0x2500  }
0x440: {  	v9 =	vld [tilespmem:s9+$0xFFFFFFF0]  }
0x441: {  	v7 =	vld [tilespmem:s9+$0xFFFFFFA0]  }
0x442: {  	v8 =	vld [tilespmem:s9+$0xFFFFFF90]  }
0x443: {  	s11 =	sadd.s32 $0x1, s10;
	v10 =	vld [tilespmem:s9+$0xFFFFFFE0]  }
0x444: {  	s12 =	smov.u32 s26;
	p0 =	sgt.s32 s6, s26;
	s10 =	sadd.s32 $0xFFFFFFFF, s11;
	v11 =	vld [tilespmem:s9+$0xFFFFFFB0]  }
0x445: {  	s12 =	smov.u32 @p0 s6;
	p0 =	slt.s32 s10, s28;
	v12 =	vld [tilespmem:s9+$0xFFFFFFD0];
	s16 =	spop (v2sf)  }
0x446: {  	p1 =	sge.s32 s10, s12;
	v13 =	vld [tilespmem:s9+$0xFFFFFFC0];
	s16 =	simm.s32 @!p0 $0x1000  }
0x447: {  	v6 =	vld [tilespmem:s9+$0xFFFFFF80];
	s16 =	simm.s32 @!p1 $0x1000  }
0x448: {  	[tilespmem:s16+$0x10F0] =	vst.add.f32.msk $0xffff, v9  }
0x449: {  	v9 =	vld [tilespmem:s9+$0x70]  }
0x44a: {  	s14 =	simm.s32 $0x8;
	s6 =	smov.u32 s2;
	p0 =	slt.s32 s2, $0xFC0;
	[tilespmem:s16+$0x10E0] =	vst.add.f32.msk $0xffff, v10  }
0x44b: {  	s15 =	spop (v2sf);
	s6 =	simm.s32 @!p0 $0xFC0;
	p0 =	slt.s32 s11, s28;
	[tilespmem:s16+$0x10D0] =	vst.add.f32.msk $0xffff, v12  }
0x44c: {  	s24 =	sshll.u32 s6, $0x2;
	s15 =	simm.s32 @!p0 $0x1000;
	p0 =	sge.s32 s11, s12;
	[tilespmem:s16+$0x10C0] =	vst.add.f32.msk $0xffff, v13  }
0x44d: {  	s13 =	simm.s32 $0x2500;
	[tilespmem:s16+$0x10B0] =	vst.add.f32.msk $0xffff, v11;
	s10 =	sshra.s32 s24, $0x2;
	s15 =	simm.s32 @!p0 $0x1000  }
.LBB2_57:
0x44e: {  	p0 =	sne.s32 s14, $0xF8;
	[tilespmem:s15+$0x10F0] =	vst.add.f32.msk $0xffff, v9;
	s11 =	sadd.s32 $0x2, s11;
	s9 =	sadd.s32 $0x100, s9  }
0x44f: {  	s24 =	smov.u32 s14;
	s14 =	sadd.s32 $0x8, s14;
	[tilespmem:s16+$0x1090] =	vst.add.f32.msk $0xffff, v8  }
0x450: {  	[tilespmem:s16+$0x10A0] =	vst.add.f32.msk $0xffff, v7  }
0x451: {  	[tilespmem:s16+$0x1080] =	vst.add.f32.msk $0xffff, v6  }
0x452: {  	v6 =	vld [tilespmem:s13+$0x0]  }
0x453: {  	v7 =	vld [tilespmem:s13+$0x20]  }
0x454: {  	v8 =	vld [tilespmem:s13+$0x60]  }
0x455: {  	v9 =	vld [tilespmem:s13+$0x10]  }
0x456: {  	v10 =	vld [tilespmem:s13+$0x30]  }
0x457: {  	v11 =	vld [tilespmem:s13+$0x50]  }
0x458: {  	v12 =	vld [tilespmem:s13+$0x40];
	s13 =	smov.u32 s9  }
0x459: {  	[tilespmem:s15+$0x1080] =	vst.add.f32.msk $0xffff, v6  }
0x45a: {  	[tilespmem:s15+$0x10E0] =	vst.add.f32.msk $0xffff, v8  }
0x45b: {  	[tilespmem:s15+$0x1090] =	vst.add.f32.msk $0xffff, v9  }
0x45c: {  	[tilespmem:s15+$0x10A0] =	vst.add.f32.msk $0xffff, v7  }
0x45d: {  	[tilespmem:s15+$0x10D0] =	vst.add.f32.msk $0xffff, v11  }
0x45e: {  	[tilespmem:s15+$0x10B0] =	vst.add.f32.msk $0xffff, v10  }
0x45f: {  	s16 =	sshra.s32 s24, $0x2;
	[tilespmem:s15+$0x10C0] =	vst.add.f32.msk $0xffff, v12  }
0x460: {  	v6 =	vld.idx.msk [tilespmem:v5+s16+$0x0 ss:$0x1], $0xffff;
	_ =	sdelay $0x5  }
0x461: {  	v6 =	vsub.s32 v6, v4  }
0x462: {  	v6 =	vshll.u32 v6, $0x7  }
0x463: {  	(v2sf) =	vpush v6, $0x0  }
0x464: {  	(v2sf) =	vpush v6, $0x1;
	_ =	sdelay $0x8  }
0x465: {  	v6 =	vld [tilespmem:s9+$0xFFFFFF80]  }
0x466: {  	v9 =	vld [tilespmem:s9+$0xFFFFFFF0]  }
0x467: {  	v7 =	vld [tilespmem:s9+$0xFFFFFFA0]  }
0x468: {  	v8 =	vld [tilespmem:s9+$0xFFFFFF90]  }
0x469: {  	s15 =	sadd.s32 $0xFFFFFFFF, s11;
	v10 =	vld [tilespmem:s9+$0xFFFFFFE0]  }
0x46a: {  	p2 =	slt.s32 s11, s28;
	p1 =	slt.s32 s15, s28;
	v11 =	vld [tilespmem:s9+$0xFFFFFFB0];
	s16 =	spop (v2sf)  }
0x46b: {  	p3 =	sge.s32 s15, s12;
	s16 =	simm.s32 @!p1 $0x1000;
	v12 =	vld [tilespmem:s9+$0xFFFFFFD0];
	s15 =	spop (v2sf)  }
0x46c: {  	s16 =	simm.s32 @!p3 $0x1000;
	s15 =	simm.s32 @!p2 $0x1000;
	v13 =	vld [tilespmem:s9+$0xFFFFFFC0]  }
0x46d: {  	[tilespmem:s16+$0x10F0] =	vst.add.f32.msk $0xffff, v9  }
.Ltmp29:
0x46e: {  	v9 =	vld [tilespmem:s9+$0x70];
	(pc) =	sbr.rel @p0 .LBB2_57-.Ltmp29, $4  }
0x46f: {  	[tilespmem:s16+$0x10E0] =	vst.add.f32.msk $0xffff, v10  }
0x470: {  	[tilespmem:s16+$0x10D0] =	vst.add.f32.msk $0xffff, v12  }
0x471: {  	p1 =	sge.s32 s11, s12;
	[tilespmem:s16+$0x10C0] =	vst.add.f32.msk $0xffff, v13  }
0x472: {  	s15 =	simm.s32 @!p1 $0x1000;
	[tilespmem:s16+$0x10B0] =	vst.add.f32.msk $0xffff, v11  }
0x473: {  	[tilespmem:s15+$0x10F0] =	vst.add.f32.msk $0xffff, v9  }
0x474: {  	[tilespmem:s16+$0x1090] =	vst.add.f32.msk $0xffff, v8  }
0x475: {  	[tilespmem:s16+$0x10A0] =	vst.add.f32.msk $0xffff, v7  }
0x476: {  	[tilespmem:s16+$0x1080] =	vst.add.f32.msk $0xffff, v6  }
0x477: {  	v7 =	vld [tilespmem:s13+$0x60]  }
0x478: {  	v9 =	vld [tilespmem:s13+$0x30]  }
0x479: {  	v10 =	vld [tilespmem:s13+$0x50]  }
0x47a: {  	v11 =	vld [tilespmem:s13+$0x40]  }
0x47b: {  	v5 =	vld [tilespmem:s13+$0x0]  }
0x47c: {  	v6 =	vld [tilespmem:s13+$0x20]  }
0x47d: {  	v8 =	vld [tilespmem:s13+$0x10]  }
0x47e: {  	s8 =	sadd.s32 s8, s31;
	[tilespmem:s15+$0x10E0] =	vst.add.f32.msk $0xffff, v7  }
0x47f: {  	p0 =	slt.s32 s8, $0xFC0;
	[tilespmem:s15+$0x10D0] =	vst.add.f32.msk $0xffff, v10  }
0x480: {  	s8 =	simm.s32 @!p0 $0xFC0;
	[tilespmem:s15+$0x10B0] =	vst.add.f32.msk $0xffff, v9  }
0x481: {  	s8 =	sshll.u32 s8, $0x7;
	[tilespmem:s15+$0x10C0] =	vst.add.f32.msk $0xffff, v11  }
0x482: {  	s8 =	sand.u32 $0x1FFFFF80, s8;
	[tilespmem:s15+$0x1080] =	vst.add.f32.msk $0xffff, v5  }
0x483: {  	s8 =	sadd.s32 s1, s8;
	[tilespmem:s15+$0x1090] =	vst.add.f32.msk $0xffff, v8  }
0x484: {  	[tilespmem:s15+$0x10A0] =	vst.add.f32.msk $0xffff, v6;
	s8 =	sadd.s32 $0x180380, s8;
	v5 =	vmov s10  }
0x485: {  	[tilespmem:s20], [sflag:$0x1] =	stream.strided.gather [hbm4b:s8+s18], $0x2000, s19, s18, $0x38;
	[tilespmem:$0x6580] =	vst v63  }
0x486: {  	_ =	swait.ge [sflag:s22], $0x2000  }
0x487: {  	[sflag:s22] =	ssyncset.done $0x0  }
0x488: {  	s16 =	simm.s32 $0x0;
	[sflag:s22] =	ssyncadd.s32 $0xFFFFE000  }
0x489: {  	v6 =	vld.idx.msk [tilespmem:v5+s16+$0x0 ss:$0x1], $0xffff;
	_ =	sdelay $0x4  }
0x48a: {  	v6 =	vsub.s32 v6, v4  }
0x48b: {  	v6 =	vshll.u32 v6, $0x7  }
0x48c: {  	(v2sf) =	vpush v6, $0x0;
	_ =	sdelay $0x5  }
0x48d: {  	(v2sf) =	vpush v6, $0x1;
	_ =	sdelay $0x2  }
0x48e: {  	s8 =	simm.s32 $0x4500  }
0x48f: {  	v9 =	vld [tilespmem:s8+$0xFFFFFFF0]  }
0x490: {  	v7 =	vld [tilespmem:s8+$0xFFFFFFA0]  }
0x491: {  	v8 =	vld [tilespmem:s8+$0xFFFFFF90]  }
0x492: {  	v10 =	vld [tilespmem:s8+$0xFFFFFFE0]  }
0x493: {  	s9 =	smov.u32 s26;
	p0 =	sgt.s32 s7, s26;
	v11 =	vld [tilespmem:s8+$0xFFFFFFB0]  }
0x494: {  	s9 =	smov.u32 @p0 s7;
	p0 =	slt.s32 s6, s28;
	v12 =	vld [tilespmem:s8+$0xFFFFFFD0];
	s12 =	spop (v2sf)  }
0x495: {  	p1 =	sge.s32 s6, s9;
	v13 =	vld [tilespmem:s8+$0xFFFFFFC0];
	s12 =	simm.s32 @!p0 $0x1000  }
0x496: {  	v6 =	vld [tilespmem:s8+$0xFFFFFF80];
	s12 =	simm.s32 @!p1 $0x1000  }
0x497: {  	[tilespmem:s12+$0x10F0] =	vst.add.f32.msk $0xffff, v9  }
0x498: {  	v9 =	vld [tilespmem:s8+$0x70]  }
0x499: {  	s24 =	sadd.s32 $0x1, s6;
	[tilespmem:s12+$0x10E0] =	vst.add.f32.msk $0xffff, v10  }
0x49a: {  	p0 =	slt.s32 s24, s28;
	s11 =	spop (v2sf);
	[tilespmem:s12+$0x10D0] =	vst.add.f32.msk $0xffff, v12  }
0x49b: {  	s11 =	simm.s32 @!p0 $0x1000;
	p0 =	sge.s32 s24, s9;
	[tilespmem:s12+$0x10C0] =	vst.add.f32.msk $0xffff, v13  }
0x49c: {  	s7 =	simm.s32 $0x4500;
	s10 =	simm.s32 $0x8;
	s11 =	simm.s32 @!p0 $0x1000;
	[tilespmem:s12+$0x10B0] =	vst.add.f32.msk $0xffff, v11  }
.LBB2_59:
0x49d: {  	p0 =	sne.s32 s10, $0xF8;
	[tilespmem:s11+$0x10F0] =	vst.add.f32.msk $0xffff, v9;
	s6 =	sadd.s32 $0x2, s6;
	s8 =	sadd.s32 $0x100, s8  }
0x49e: {  	s13 =	smov.u32 s10;
	s10 =	sadd.s32 $0x8, s10;
	[tilespmem:s12+$0x1090] =	vst.add.f32.msk $0xffff, v8  }
0x49f: {  	[tilespmem:s12+$0x10A0] =	vst.add.f32.msk $0xffff, v7  }
0x4a0: {  	[tilespmem:s12+$0x1080] =	vst.add.f32.msk $0xffff, v6  }
0x4a1: {  	v6 =	vld [tilespmem:s7+$0x0]  }
0x4a2: {  	v7 =	vld [tilespmem:s7+$0x20]  }
0x4a3: {  	v8 =	vld [tilespmem:s7+$0x60]  }
0x4a4: {  	v9 =	vld [tilespmem:s7+$0x10]  }
0x4a5: {  	v10 =	vld [tilespmem:s7+$0x30]  }
0x4a6: {  	v11 =	vld [tilespmem:s7+$0x50]  }
0x4a7: {  	v12 =	vld [tilespmem:s7+$0x40];
	s7 =	smov.u32 s8  }
0x4a8: {  	[tilespmem:s11+$0x1080] =	vst.add.f32.msk $0xffff, v6  }
0x4a9: {  	[tilespmem:s11+$0x10E0] =	vst.add.f32.msk $0xffff, v8  }
0x4aa: {  	[tilespmem:s11+$0x1090] =	vst.add.f32.msk $0xffff, v9  }
0x4ab: {  	[tilespmem:s11+$0x10A0] =	vst.add.f32.msk $0xffff, v7  }
0x4ac: {  	[tilespmem:s11+$0x10D0] =	vst.add.f32.msk $0xffff, v11  }
0x4ad: {  	[tilespmem:s11+$0x10B0] =	vst.add.f32.msk $0xffff, v10  }
0x4ae: {  	s12 =	sshra.s32 s13, $0x2;
	[tilespmem:s11+$0x10C0] =	vst.add.f32.msk $0xffff, v12  }
0x4af: {  	v6 =	vld.idx.msk [tilespmem:v5+s12+$0x0 ss:$0x1], $0xffff;
	_ =	sdelay $0x5  }
0x4b0: {  	v6 =	vsub.s32 v6, v4  }
0x4b1: {  	v6 =	vshll.u32 v6, $0x7  }
0x4b2: {  	(v2sf) =	vpush v6, $0x0  }
0x4b3: {  	(v2sf) =	vpush v6, $0x1;
	_ =	sdelay $0x8  }
0x4b4: {  	v6 =	vld [tilespmem:s8+$0xFFFFFF80]  }
0x4b5: {  	v9 =	vld [tilespmem:s8+$0xFFFFFFF0]  }
0x4b6: {  	v7 =	vld [tilespmem:s8+$0xFFFFFFA0]  }
0x4b7: {  	v8 =	vld [tilespmem:s8+$0xFFFFFF90]  }
0x4b8: {  	p1 =	sge.s32 s6, s9;
	v10 =	vld [tilespmem:s8+$0xFFFFFFE0]  }
0x4b9: {  	p2 =	slt.s32 s6, s28;
	s13 =	sadd.s32 $0x1, s6;
	v11 =	vld [tilespmem:s8+$0xFFFFFFB0];
	s12 =	spop (v2sf)  }
0x4ba: {  	p3 =	slt.s32 s13, s28;
	s12 =	simm.s32 @!p2 $0x1000;
	v12 =	vld [tilespmem:s8+$0xFFFFFFD0];
	s11 =	spop (v2sf)  }
0x4bb: {  	s12 =	simm.s32 @!p1 $0x1000;
	s11 =	simm.s32 @!p3 $0x1000;
	v13 =	vld [tilespmem:s8+$0xFFFFFFC0]  }
0x4bc: {  	[tilespmem:s12+$0x10F0] =	vst.add.f32.msk $0xffff, v9  }
.Ltmp30:
0x4bd: {  	v9 =	vld [tilespmem:s8+$0x70];
	(pc) =	sbr.rel @p0 .LBB2_59-.Ltmp30, $4  }
0x4be: {  	[tilespmem:s12+$0x10E0] =	vst.add.f32.msk $0xffff, v10  }
0x4bf: {  	[tilespmem:s12+$0x10D0] =	vst.add.f32.msk $0xffff, v12  }
0x4c0: {  	p1 =	sge.s32 s13, s9;
	[tilespmem:s12+$0x10C0] =	vst.add.f32.msk $0xffff, v13  }
0x4c1: {  	s11 =	simm.s32 @!p1 $0x1000;
	[tilespmem:s12+$0x10B0] =	vst.add.f32.msk $0xffff, v11  }
0x4c2: {  	[tilespmem:s11+$0x10F0] =	vst.add.f32.msk $0xffff, v9  }
0x4c3: {  	[tilespmem:s12+$0x1090] =	vst.add.f32.msk $0xffff, v8  }
0x4c4: {  	[tilespmem:s12+$0x10A0] =	vst.add.f32.msk $0xffff, v7  }
0x4c5: {  	[tilespmem:s12+$0x1080] =	vst.add.f32.msk $0xffff, v6  }
0x4c6: {  	v7 =	vld [tilespmem:s7+$0x60]  }
0x4c7: {  	v63 =	vld [tilespmem:s7+$0x30]  }
0x4c8: {  	v10 =	vld [tilespmem:s7+$0x50]  }
0x4c9: {  	v11 =	vld [tilespmem:s7+$0x40]  }
0x4ca: {  	v5 =	vld [tilespmem:s7+$0x0]  }
0x4cb: {  	v6 =	vld [tilespmem:s7+$0x20]  }
0x4cc: {  	v8 =	vld [tilespmem:s7+$0x10]  }
0x4cd: {  	s0 =	sadd.s32 $0x1, s0;
	[tilespmem:s11+$0x10E0] =	vst.add.f32.msk $0xffff, v7  }
0x4ce: {  	p0 =	sne.s32 s0, s30;
	[tilespmem:s11+$0x10D0] =	vst.add.f32.msk $0xffff, v10  }
.Ltmp31:
0x4cf: {  	[tilespmem:s11+$0x10B0] =	vst.add.f32.msk $0xffff, v63;
	(pc) =	sbr.rel @p0 .LBB2_56-.Ltmp31, $4  }
0x4d0: {  	[tilespmem:s11+$0x10C0] =	vst.add.f32.msk $0xffff, v11  }
0x4d1: {  	[tilespmem:s11+$0x1080] =	vst.add.f32.msk $0xffff, v5  }
0x4d2: {  	[tilespmem:s11+$0x1090] =	vst.add.f32.msk $0xffff, v8  }
0x4d3: {  	s3 =	sadd.s32 $0x80, s3;
	s2 =	sadd.s32 $0x80, s2;
	[tilespmem:s11+$0x10A0] =	vst.add.f32.msk $0xffff, v6  }
.LBB2_61:
0x4d4: {  	s2 =	simm.s32 $0x0  }
0x4d5: {  	_ =	swait.ge [sflag:s17], $0x2000;
	v5 =	vmov s2  }
0x4d6: {  	[sflag:s17] =	ssyncset.done $0x0  }
0x4d7: {  	s0 =	simm.s32 $0x10C0;
	[sflag:s17] =	ssyncadd.s32 $0xFFFFE000  }
0x4d8: {  	v7 =	vld [tilespmem:s0+$0xFFFFFFC0]  }
0x4d9: {  	v10 =	vld [tilespmem:s0+$0x10]  }
0x4da: {  	v5 =	vld.idx.msk [tilespmem:v5+s23+$0x0], $0xffff  }
0x4db: {  	v12 =	vld [tilespmem:s0+$0xFFFFFFE0]  }
0x4dc: {  	v6 =	vld [tilespmem:s0+$0x30]  }
0x4dd: {  	v11 =	vld [tilespmem:s0+$0xFFFFFFF0]  }
0x4de: {  	v13 =	vld [tilespmem:s0+$0xFFFFFFD0]  }
0x4df: {  	v8 =	vld [tilespmem:s0+$0x20];
	v9 =	vmul.f32 v7, v5  }
0x4e0: {  	v7 =	vmul.f32 v12, v5;
	v12 =	vmul.f32 v10, v5;
	v10 =	vld [tilespmem:s0+$0x0];
	_ =	sdelay $0x1  }
0x4e1: {  	v14 =	vmul.f32 v6, v5  }
0x4e2: {  	s3 =	simm.s32 $0x24C0  }
0x4e3: {  	s6 =	simm.s32 $0x1;
	s7 =	simm.s32 $0x10C0;
	s2 =	simm.s32 $0x24C0;
	v6 =	vmul.f32 v13, v5;
	v11 =	vmul.f32 v11, v5;
	[tilespmem:s3+$0x30] =	vst v14  }
.LBB2_62:
0x4e4: {  	p0 =	sne.s32 s6, $0x1F;
	v10 =	vmul.f32 v10, v5;
	v5 =	vmul.f32 v8, v5;
	[tilespmem:s0+$0x30] =	vst v3;
	s3 =	sadd.s32 $0x80, s3;
	s7 =	sadd.s32 $0x80, s7  }
0x4e5: {  	s8 =	smov.u32 s6;
	s6 =	sadd.s32 $0x1, s6;
	[tilespmem:s2+$0x10] =	vst v12  }
0x4e6: {  	[tilespmem:s2+$0xFFFFFFC0] =	vst v9  }
0x4e7: {  	[tilespmem:s0+$0xFFFFFFC0] =	vst v3  }
0x4e8: {  	[tilespmem:s2+$0xFFFFFFF0] =	vst v11  }
0x4e9: {  	[tilespmem:s0+$0x10] =	vst v3  }
0x4ea: {  	[tilespmem:s2+$0xFFFFFFE0] =	vst v7  }
0x4eb: {  	[tilespmem:s0+$0xFFFFFFF0] =	vst v3  }
0x4ec: {  	[tilespmem:s2+$0x20] =	vst v5  }
0x4ed: {  	[tilespmem:s2+$0xFFFFFFD0] =	vst v6  }
0x4ee: {  	v5 =	vmov s8;
	[tilespmem:s2+$0x0] =	vst v10;
	s2 =	smov.u32 s3  }
0x4ef: {  	v6 =	vld [tilespmem:s7+$0x30];
	[tilespmem:s0+$0xFFFFFFE0] =	vst v3  }
0x4f0: {  	v11 =	vld [tilespmem:s7+$0xFFFFFFF0];
	[tilespmem:s0+$0x20] =	vst v3  }
0x4f1: {  	v7 =	vld [tilespmem:s7+$0xFFFFFFC0];
	[tilespmem:s0+$0xFFFFFFD0] =	vst v3  }
0x4f2: {  	v12 =	vld [tilespmem:s7+$0x10];
	[tilespmem:s0+$0x0] =	vst v3;
	s0 =	smov.u32 s7  }
0x4f3: {  	v5 =	vld.idx.msk [tilespmem:v5+s23+$0x0], $0xffff  }
0x4f4: {  	v8 =	vld [tilespmem:s7+$0x20]  }
0x4f5: {  	v13 =	vld [tilespmem:s7+$0xFFFFFFE0]  }
0x4f6: {  	v14 =	vld [tilespmem:s7+$0xFFFFFFD0]  }
.Ltmp32:
0x4f7: {  	v10 =	vld [tilespmem:s7+$0x0];
	(pc) =	sbr.rel @p0 .LBB2_62-.Ltmp32, $4  }
0x4f8: {  	_ = 	snop  }
0x4f9: {  	v9 =	vmul.f32 v7, v5;
	v15 =	vmul.f32 v6, v5  }
0x4fa: {  	v12 =	vmul.f32 v12, v5;
	v7 =	vmul.f32 v13, v5  }
0x4fb: {  	v11 =	vmul.f32 v11, v5;
	v6 =	vmul.f32 v14, v5;
	[tilespmem:s3+$0x30] =	vst v15  }
0x4fc: {  	[tilespmem:s0+$0x30] =	vst v3  }
0x4fd: {  	[tilespmem:s2+$0x10] =	vst v12  }
0x4fe: {  	[tilespmem:s2+$0xFFFFFFC0] =	vst v9  }
0x4ff: {  	[tilespmem:s2+$0xFFFFFFE0] =	vst v7  }
0x500: {  	[tilespmem:s0+$0xFFFFFFC0] =	vst v3  }
0x501: {  	[tilespmem:s2+$0xFFFFFFF0] =	vst v11  }
0x502: {  	[tilespmem:s0+$0x10] =	vst v3  }
0x503: {  	[tilespmem:s2+$0xFFFFFFD0] =	vst v6  }
0x504: {  	v8 =	vmul.f32 v8, v5;
	[tilespmem:s0+$0xFFFFFFE0] =	vst v3  }
0x505: {  	v5 =	vmul.f32 v10, v5;
	[tilespmem:s0+$0xFFFFFFF0] =	vst v3  }
0x506: {  	[tilespmem:s2+$0x20] =	vst v8  }
0x507: {  	[tilespmem:s2+$0x0] =	vst v5  }
0x508: {  	[tilespmem:s0+$0xFFFFFFD0] =	vst v3  }
0x509: {  	[tilespmem:s0+$0x20] =	vst v3  }
0x50a: {  	s29 =	rddreg [dreg:$0xa];
	s30 =	simm.s32 $0x3;
	[tilespmem:s0+$0x0] =	vst v3  }
0x50b: {  	[hbm4b:s29+s4] =	stream.linear.scatter [tilespmem:s20], [sflag:$0x3], $0x1000, $0x38;
	[tilespmem:$0x6580] =	vst v63  }
0x50c: {  	_ =	swait.ge [sflag:s30], $0x1000  }
0x50d: {  	s25 =	sadd.s32 $0x1, s25;
	s31 =	rddreg [dreg:$0xb]  }
0x50e: {  	p0 =	sne.s32 s25, s31  }
.Ltmp33:
0x50f: {  	_ = 	snop;
	(pc) =	sbr.rel @p0 .LBB2_1-.Ltmp33, $3  }
0x510: {  	_ =	sdelay $0x1  }
0x511: {  	[sflag:s30] =	ssyncset.done $0x0  }
0x512: {  	[sflag:s30] =	ssyncadd.s32 $0xFFFFF000  }
0x513: {  	_ =	sfence.sel $0x180000  }
0x514: {  	[bflag:$0x0] =	sbarrier.arrive $0xFFFF  }
0x515: {  	_ =	strace $0x90000047  }
0x516: {  	s0 =	stileid.u32;
	[bflag:$0x2] =	sbarrier.arrive $0xFFFF  }
0x517: {  	p0 =	sne.s32 s0, $0x0;
	s0 =	rddreg [dreg:$0x3]  }
0x518: {  	s0 =	sadd.s32 @!p0 $0x100000, s0  }
0x519: {  	[sflag:s0] =	ssyncadd.tile.s32 @!p0 $0x1;
	_ =	shalt  }
.Lfunc_end2:
_tile_overlayer_lowered:
.L_overlay_start_2:
0x51a: {  	(tag) =	ssettag $0x2  }
0x51b: {  	s0 =	rddreg [dreg:$0x0];
	s2 =	stileid.u32  }
0x51c: {  	s1 =	rddreg [dreg:$0x1];
	p0 =	sne.s32 s2, $0x0  }
0x51d: {  	s3 =	rddreg [dreg:$0x2];
	[bflag:$0x3] =	sbarrier.arrive $0xFFFF;
	s2 =	simm.s32 @!p0 $0x1C04  }
0x51e: {  	[timem:s3], [sflag:s2] =	dma.local @!p0 [hbm:s0], s1  }
0x51f: {  	s0 =	simm.s32 @!p0 $0x4  }
0x520: {  	_ =	swait.ge @!p0 [sflag:s0], s1  }
0x521: {  	s1 =	ssub.s32 @!p0 $0x0, s1;
	[sflag:s0] =	ssyncset.done @!p0 $0x0  }
0x522: {  	[sflag:s0] =	ssyncadd.s32 @!p0 s1  }
0x523: {  	[bflag:$0x3] =	sbarrier.arrive $0xFFFF  }
0x524: {  	_ =	shalt  }

</sc_bundles>
